<compile_context>
chip_gen: v7x
topology: tpu7x:2x2x1
jax: 0.10.2.dev20260603
libtpu: 0.0.44.dev20260713+nightly
codegen_flags: <defaults>
</compile_context>

<pallas_src>
import functools

import jax
import jax.numpy as jnp
import numpy as np
from jax import lax
from jax.experimental import pallas as pl
from jax.experimental.pallas import tpu as pltpu
from jax.experimental.pallas import tpu_sc as plsc

V = 4096
F = 128
S = 16
MU = 0.9
E = 32768

NC = 2
NS = 16
NW = NC * NS
EPW = E // NW
CH = 128
NCHUNK = EPW // CH

_MESH = plsc.VectorSubcoreMesh(core_axis_name="c", subcore_axis_name="s",
                               num_cores=NC, num_subcores=NS)


@functools.partial(
    pl.kernel,
    out_type=(
        jax.ShapeDtypeStruct((E, F), jnp.float32),
        jax.ShapeDtypeStruct((E, F), jnp.float32),
        jax.ShapeDtypeStruct((V,), jnp.float32),
        jax.ShapeDtypeStruct((E,), jnp.float32),
    ),
    mesh=_MESH,
    scratch_types=(
        pltpu.VMEM((EPW,), jnp.int32),
        pltpu.VMEM((EPW,), jnp.int32),
        pltpu.VMEM((2 * NCHUNK, CH), jnp.int32),
        pltpu.VMEM((2, CH, F), jnp.float32),
        pltpu.VMEM((2, CH, F), jnp.float32),
        pltpu.VMEM((CH,), jnp.float32),
        pltpu.VMEM((2, CH), jnp.float32),
        pltpu.VMEM_SHARED((V,), jnp.float32),
        pltpu.SemaphoreType.DMA,
        pltpu.SemaphoreType.DMA,
        pltpu.SemaphoreType.DMA,
        pltpu.SemaphoreType.DMA,
        pltpu.SemaphoreType.DMA,
        pltpu.SemaphoreType.DMA,
        pltpu.SemaphoreType.DMA,
        pltpu.SemaphoreType.DMA,
        pltpu.SemaphoreType.DMA,
    ),
)
def _k1_gather_count(emb_hbm, xn_hbm, xm_hbm, zeros1_hbm,
                     xnout_hbm, xmout_hbm, counts_hbm, cm_hbm,
                     idxn_v, idxm_v, idxall_v, rown_v, rowm_v,
                     ones1_v, cm_v, csh1,
                     semn0, semn1, semm0, semm1, semw0, semw1,
                     semh, semsc, semg):
    c = lax.axis_index("c")
    s = lax.axis_index("s")
    wid = s * NC + c
    wido = s * NC + (1 - c)
    base = wid * EPW
    baseo = wido * EPW
    semn = [semn0, semn1]
    semm = [semm0, semm1]
    semw = [semw0, semw1]

    @pl.when(s == 0)
    def _init():
        pltpu.sync_copy(zeros1_hbm, csh1)

    ones16 = jnp.ones((16,), jnp.float32)
    for i in range(CH // 16):
        ones1_v[pl.ds(i * 16, 16)] = ones16

    pltpu.sync_copy(xn_hbm.at[pl.ds(base, EPW)], idxn_v)
    pltpu.sync_copy(xm_hbm.at[pl.ds(base, EPW)], idxm_v)

    def start(ch):
        k = ch % 2
        gn = pltpu.async_copy(
            emb_hbm.at[idxn_v.at[pl.ds(ch * CH, CH)]], rown_v.at[k], semn[k])
        gm = pltpu.async_copy(
            emb_hbm.at[idxm_v.at[pl.ds(ch * CH, CH)]], rowm_v.at[k], semm[k])
        return gn, gm

    pend = start(0)

    hist_loads = []
    for j in range(NCHUNK):
        hist_loads.append(pltpu.async_copy(
            xn_hbm.at[pl.ds(base + j * CH, CH)], idxall_v.at[j], semh))
    for j in range(NCHUNK):
        hist_loads.append(pltpu.async_copy(
            xn_hbm.at[pl.ds(baseo + j * CH, CH)], idxall_v.at[NCHUNK + j],
            semh))
    for hl in hist_loads:
        hl.wait()
    plsc.subcore_barrier()

    scat = []
    for j in range(2 * NCHUNK):
        scat.append(pltpu.async_copy(
            ones1_v, csh1.at[idxall_v.at[j]], semsc, add=True))

    wpend = [None, None]
    for ch in range(NCHUNK):
        gn, gm = pend
        if ch + 1 < NCHUNK:
            kn = (ch + 1) % 2
            if wpend[kn] is not None:
                for w in wpend[kn]:
                    w.wait()
                wpend[kn] = None
            pend = start(ch + 1)
        gn.wait()
        gm.wait()
        k = ch % 2
        off = base + ch * CH
        wpend[k] = (
            pltpu.async_copy(rown_v.at[k], xnout_hbm.at[pl.ds(off, CH)],
                             semw[k]),
            pltpu.async_copy(rowm_v.at[k], xmout_hbm.at[pl.ds(off, CH)],
                             semw[k]),
        )
    for wp in wpend:
        if wp is not None:
            for w in wp:
                w.wait()
    for sc_copy in scat:
        sc_copy.wait()
    plsc.subcore_barrier()

    def cm_start(ch):
        k = ch % 2
        return pltpu.async_copy(
            csh1.at[idxm_v.at[pl.ds(ch * CH, CH)]], cm_v.at[k], semn[k])

    cpend = cm_start(0)
    for ch in range(NCHUNK):
        g = cpend
        if ch + 1 < NCHUNK:
            nxt = cm_start(ch + 1)
        g.wait()
        pltpu.sync_copy(cm_v.at[ch % 2],
                        cm_hbm.at[pl.ds(base + ch * CH, CH)])
        if ch + 1 < NCHUNK:
            cpend = nxt

    @pl.when((s == 0) & (c == 0))
    def _writeback():
        pltpu.sync_copy(csh1, counts_hbm)


@functools.partial(
    pl.kernel,
    out_type=jax.ShapeDtypeStruct((NC, V, F), jnp.float32),
    mesh=_MESH,
    scratch_types=(
        pltpu.VMEM((CH,), jnp.int32),
        pltpu.VMEM((CH,), jnp.int32),
        pltpu.VMEM((2, CH, F), jnp.float32),
        pltpu.VMEM_SHARED((V, F), jnp.float32),
        pltpu.SemaphoreType.DMA,
        pltpu.SemaphoreType.DMA,
    ),
)
def _k5_scatter_add(hn_hbm, xn_hbm, zeros_hbm, qpart_hbm,
                    idx_a, idx_b, vals_v, qsh, sem0, sem1):
    c = lax.axis_index("c")
    s = lax.axis_index("s")
    base = (s * NC + c) * EPW
    sems = [sem0, sem1]
    idxs = [idx_a, idx_b]

    @pl.when(s == 0)
    def _init():
        pltpu.sync_copy(zeros_hbm, qsh)

    plsc.subcore_barrier()

    def start(ch):
        k = ch % 2
        pltpu.sync_copy(xn_hbm.at[pl.ds(base + ch * CH, CH)], idxs[k])
        return pltpu.async_copy(
            hn_hbm.at[pl.ds(base + ch * CH, CH)], vals_v.at[k], sems[k])

    pend = start(0)
    for ch in range(NCHUNK):
        g = pend
        if ch + 1 < NCHUNK:
            nxt = start(ch + 1)
        g.wait()
        k = ch % 2
        pltpu.sync_copy(vals_v.at[k], qsh.at[idxs[k]], add=True)
        if ch + 1 < NCHUNK:
            pend = nxt

    plsc.subcore_barrier()

    @pl.when(s == 0)
    def _writeback():
        pltpu.sync_copy(qsh, qpart_hbm.at[c])


EB = 2048


def _k4_body(xn_ref, xm_ref, cm_ref, dg_ref, w1t_ref, w2t_ref, bxi_ref,
             wrt_ref, brou_ref, tsel_ref, gsel_ref, ones11_ref, hn_ref):
    xm = xm_ref[...]
    a = jnp.tanh(
        jnp.dot(xn_ref[...], w1t_ref[...], preferred_element_type=jnp.float32)
        + jnp.dot(xm, w2t_ref[...], preferred_element_type=jnp.float32)
        + bxi_ref[...])
    beta_m = jnp.tanh(
        jnp.dot(xm, wrt_ref[...], preferred_element_type=jnp.float32)
        + brou_ref[...])
    scale_row = cm_ref[...] * (MU / S) / dg_ref[...]
    scale_col = lax.dot_general(
        scale_row, ones11_ref[...], (((0,), (0,)), ((), ())),
        preferred_element_type=jnp.float32)
    ht = jnp.dot(beta_m, tsel_ref[...], preferred_element_type=jnp.float32)
    hn = jnp.dot(a * ht, gsel_ref[...], preferred_element_type=jnp.float32)
    hn_ref[...] = hn * scale_col


def _k6_body(emb_ref, q0_ref, q1_ref, cnt_ref, ones11_ref, wrt_ref, brou_ref,
             woet_ref, wost_ref, bout_ref, out_ref):
    emb = emb_ref[...]
    beta = jnp.tanh(
        jnp.dot(emb, wrt_ref[...], preferred_element_type=jnp.float32)
        + brou_ref[...])
    counts_col = lax.dot_general(
        cnt_ref[...], ones11_ref[...], (((0,), (0,)), ((), ())),
        preferred_element_type=jnp.float32)
    s2 = q0_ref[...][:, :S] + q1_ref[...][:, :S] + beta * counts_col
    logits = (
        jnp.dot(emb, woet_ref[...], preferred_element_type=jnp.float32)
        + jnp.dot(s2, wost_ref[...], preferred_element_type=jnp.float32)
        + bout_ref[...])
    z = logits - jnp.max(logits, axis=1, keepdims=True)
    ez = jnp.exp(z)
    out_ref[...] = ez / jnp.sum(ez, axis=1, keepdims=True)


def _selection_matrices():
    tsel = np.zeros((S, S * S), np.float32)
    gsel = np.zeros((S * S, F), np.float32)
    for i in range(S):
        for j in range(S):
            tsel[j, S * i + j] = 1.0
            gsel[S * i + j, i] = 1.0
    return jnp.asarray(tsel), jnp.asarray(gsel)


def kernel(X_Node, X_Neis, dg_list, emb, W_xi, b_xi, W_rou, b_rou, W_out,
           b_out):
    xn = X_Node.astype(jnp.int32)
    xm = X_Neis.astype(jnp.int32)
    emb = emb.astype(jnp.float32)

    zeros1 = jnp.zeros((V,), jnp.float32)
    zeros_vf = jnp.zeros((V, F), jnp.float32)
    ones11 = jnp.ones((1, 1), jnp.float32)

    xn_rows, xm_rows, counts, cm = _k1_gather_count(emb, xn, xm, zeros1)

    tsel, gsel = _selection_matrices()
    w1t = W_xi[:, :F].T
    w2t = W_xi[:, F:].T
    bxi2 = b_xi.reshape(1, S * S)
    w_rou_t = W_rou.T
    brou2 = b_rou.reshape(1, S)
    dg2 = dg_list.reshape(1, E).astype(jnp.float32)
    cm2 = cm.reshape(1, E)
    grid = E // EB
    hn = pl.pallas_call(
        _k4_body,
        grid=(grid,),
        in_specs=[
            pl.BlockSpec((EB, F), lambda i: (i, 0)),
            pl.BlockSpec((EB, F), lambda i: (i, 0)),
            pl.BlockSpec((1, EB), lambda i: (0, i)),
            pl.BlockSpec((1, EB), lambda i: (0, i)),
            pl.BlockSpec((F, S * S), lambda i: (0, 0)),
            pl.BlockSpec((F, S * S), lambda i: (0, 0)),
            pl.BlockSpec((1, S * S), lambda i: (0, 0)),
            pl.BlockSpec((F, S), lambda i: (0, 0)),
            pl.BlockSpec((1, S), lambda i: (0, 0)),
            pl.BlockSpec((S, S * S), lambda i: (0, 0)),
            pl.BlockSpec((S * S, F), lambda i: (0, 0)),
            pl.BlockSpec((1, 1), lambda i: (0, 0)),
        ],
        out_specs=pl.BlockSpec((EB, F), lambda i: (i, 0)),
        out_shape=jax.ShapeDtypeStruct((E, F), jnp.float32),
    )(xn_rows, xm_rows, cm2, dg2, w1t, w2t, bxi2, w_rou_t, brou2, tsel, gsel,
      ones11)

    qpart = _k5_scatter_add(hn, xn, zeros_vf)

    woet = W_out[:, :F].T
    wost = W_out[:, F:].T
    bout2 = b_out.reshape(1, 3)
    cnt2 = counts.reshape(1, V)
    out = pl.pallas_call(
        _k6_body,
        out_shape=jax.ShapeDtypeStruct((V, 3), jnp.float32),
    )(emb, qpart[0], qpart[1], cnt2, ones11, w_rou_t, brou2, woet, wost,
      bout2)
    return out

# --- scband reference (transcript-rebuilt; emitter-appended) ---
"""Pipeline reference for scband-ori-linear-gnn-6846177869862 (READ-ONLY COPY).

The authoritative reference and input builder live on the scoring server;
editing this copy changes nothing except your own understanding.
"""

import jax, jax.numpy as jnp
import numpy as np

NODE_NUM = 4096
FEAT_DIM = 128
STAT_DIM = 16
T = 2
MU = 0.9
E = 32768


def setup_inputs(seed: int = 0) -> dict:
    key = jax.random.key(seed)
    ks = jax.random.split(key, 12)
    X_Node = jax.random.randint(ks[0], (E,), 0, NODE_NUM)
    X_Neis = jax.random.randint(ks[1], (E,), 0, NODE_NUM)
    dg_list = jnp.ones((E,), dtype=jnp.float32)
    emb = jax.random.normal(ks[2], (NODE_NUM, FEAT_DIM), dtype=jnp.float32)
    lim_xi = 1.0 / np.sqrt(2 * FEAT_DIM)
    W_xi = jax.random.uniform(ks[3], (STAT_DIM * STAT_DIM, 2 * FEAT_DIM), minval=-lim_xi, maxval=lim_xi, dtype=jnp.float32)
    b_xi = jax.random.uniform(ks[4], (STAT_DIM * STAT_DIM,), minval=-lim_xi, maxval=lim_xi, dtype=jnp.float32)
    lim_rou = 1.0 / np.sqrt(FEAT_DIM)
    W_rou = jax.random.uniform(ks[5], (STAT_DIM, FEAT_DIM), minval=-lim_rou, maxval=lim_rou, dtype=jnp.float32)
    b_rou = jax.random.uniform(ks[6], (STAT_DIM,), minval=-lim_rou, maxval=lim_rou, dtype=jnp.float32)
    lim_out = 1.0 / np.sqrt(FEAT_DIM + STAT_DIM)
    W_out = jax.random.uniform(ks[7], (3, FEAT_DIM + STAT_DIM), minval=-lim_out, maxval=lim_out, dtype=jnp.float32)
    b_out = jax.random.uniform(ks[8], (3,), minval=-lim_out, maxval=lim_out, dtype=jnp.float32)
    return {"X_Node": X_Node, "X_Neis": X_Neis, "dg_list": dg_list, "emb": emb,
            "W_xi": W_xi, "b_xi": b_xi, "W_rou": W_rou, "b_rou": b_rou,
            "W_out": W_out, "b_out": b_out}


def reference(X_Node, X_Neis, dg_list, emb, W_xi, b_xi, W_rou, b_rou, W_out, b_out):
    # node_features embedding lookups
    node_embeds = jnp.take(emb, X_Node, axis=0)
    neis_embeds = jnp.take(emb, X_Neis, axis=0)
    X = jnp.concatenate([node_embeds, neis_embeds], axis=1)
    # Hw components (constant across T iterations, same math as recomputing)
    # Xi: tanh(Linear(2*ln -> s*s)) reshaped to [E, s, s]
    A = jnp.tanh(X @ W_xi.T + b_xi).reshape(-1, STAT_DIM, STAT_DIM)
    A = A * MU / STAT_DIM / dg_list[:, None, None]
    # Rou: tanh(Linear(ln -> s)) on first chunk of X (= node_embeds)
    b = jnp.tanh(node_embeds @ W_rou.T + b_rou)
    # AggrSum mask: mask[v, e] = (X_Node[e] == v), dense [V, E] one-hot matmul
    mask = (X_Node[None, :] == jnp.arange(NODE_NUM)[:, None]).astype(jnp.float32)
    node_states = jnp.zeros((NODE_NUM, STAT_DIM), dtype=jnp.float32)
    for _ in range(T):
        H = jnp.take(node_states, X_Neis, axis=0)          # index_select by neighbor
        H = jnp.squeeze(jnp.matmul(A, H[:, :, None]), -1) + b  # Hw
        node_states = mask @ H                              # AggrSum
    out = jnp.concatenate([emb, node_states], axis=1) @ W_out.T + b_out
    return jax.nn.softmax(out, axis=1)

if __name__ == "__main__":
    import jax
    _d = setup_inputs()
    print(jax.jit(kernel)(*tuple(_d.values())))

</pallas_src>

<mosaic_0001>
#map = affine_map<(d0, d1) -> (0, 0)>
#map1 = affine_map<(d0, d1) -> (0)>
module attributes {stable_mosaic.version = 14 : i64} {
  func.func @_k1_gather_count(%arg0: i32, %arg1: i32, %arg2: memref<4096x128xf32, #tpu.memory_space<hbm>>, %arg3: memref<32768xi32, #tpu.memory_space<hbm>>, %arg4: memref<32768xi32, #tpu.memory_space<hbm>>, %arg5: memref<4096xf32, #tpu.memory_space<hbm>>, %arg6: memref<32768x128xf32, #tpu.memory_space<hbm>>, %arg7: memref<32768x128xf32, #tpu.memory_space<hbm>>, %arg8: memref<4096xf32, #tpu.memory_space<hbm>>, %arg9: memref<32768xf32, #tpu.memory_space<hbm>>, %arg10: memref<1024xi32, #tpu.memory_space<vmem>>, %arg11: memref<1024xi32, #tpu.memory_space<vmem>>, %arg12: memref<16x128xi32, #tpu.memory_space<vmem>>, %arg13: memref<2x128x128xf32, #tpu.memory_space<vmem>>, %arg14: memref<2x128x128xf32, #tpu.memory_space<vmem>>, %arg15: memref<128xf32, #tpu.memory_space<vmem>>, %arg16: memref<2x128xf32, #tpu.memory_space<vmem>>, %arg17: memref<4096xf32, #tpu.memory_space<vmem_shared>>, %arg18: memref<!tpu.dma_semaphore, #tpu.memory_space<semaphore_mem>>, %arg19: memref<!tpu.dma_semaphore, #tpu.memory_space<semaphore_mem>>, %arg20: memref<!tpu.dma_semaphore, #tpu.memory_space<semaphore_mem>>, %arg21: memref<!tpu.dma_semaphore, #tpu.memory_space<semaphore_mem>>, %arg22: memref<!tpu.dma_semaphore, #tpu.memory_space<semaphore_mem>>, %arg23: memref<!tpu.dma_semaphore, #tpu.memory_space<semaphore_mem>>, %arg24: memref<!tpu.dma_semaphore, #tpu.memory_space<semaphore_mem>>, %arg25: memref<!tpu.dma_semaphore, #tpu.memory_space<semaphore_mem>>, %arg26: memref<!tpu.dma_semaphore, #tpu.memory_space<semaphore_mem>>) attributes {dimension_semantics = [#tpu.dimension_semantics<core_parallel>, #tpu.dimension_semantics<subcore_parallel>], iteration_bounds = array<i64: 2, 16>, scalar_prefetch = 0 : i64, scratch_operands = 17 : i64, tpu.core_type = #tpu.core_type<sc_vector_subcore>, window_params = [{transform_indices = #map}, {transform_indices = #map1}, {transform_indices = #map1}, {transform_indices = #map1}, {transform_indices = #map}, {transform_indices = #map}, {transform_indices = #map1}, {transform_indices = #map1}]} {
    %mul3A = arith.constant 2 : i32
    %mul3A_0 = arith.muli %arg1, %mul3A : i32
    %add3A = arith.addi %mul3A_0, %arg0 : i32
    %mul3A_1 = arith.constant 2 : i32
    %mul3A_2 = arith.muli %arg1, %mul3A_1 : i32
    %sub3A = arith.constant 1 : i32
    %sub3A_3 = arith.subi %sub3A, %arg0 : i32
    %add3A_4 = arith.addi %mul3A_2, %sub3A_3 : i32
    %mul3A_5 = arith.constant 1024 : i32
    %mul3A_6 = arith.muli %add3A, %mul3A_5 : i32
    %mul3A_7 = arith.constant 1024 : i32
    %mul3A_8 = arith.muli %add3A_4, %mul3A_7 : i32
    %eq3A = arith.constant 0 : i32
    %eq3A_9 = arith.cmpi eq, %arg1, %eq3A : i32
    %convert_element_type3A = arith.extui %eq3A_9 : i1 to i32
    %cond3A = arith.constant 0 : i32
    %cond3A_10 = arith.cmpi ne, %convert_element_type3A, %cond3A : i32
    scf.if %cond3A_10 {
      "tpu.region"() ({
        %run_scoped3A_1464 = tpu.sem_alloc : memref<!tpu.dma_semaphore, #tpu.memory_space<semaphore_mem>>
        tpu.enqueue_dma source(%arg5 : memref<4096xf32, #tpu.memory_space<hbm>>) target(%arg17 : memref<4096xf32, #tpu.memory_space<vmem_shared>>) target_semaphore(%run_scoped3A_1464 : memref<!tpu.dma_semaphore, #tpu.memory_space<semaphore_mem>>)
        tpu.wait_dma2 semaphore(%run_scoped3A_1464 : memref<!tpu.dma_semaphore, #tpu.memory_space<semaphore_mem>>) src(%arg5 : memref<4096xf32, #tpu.memory_space<hbm>>) dst(%arg17 : memref<4096xf32, #tpu.memory_space<vmem_shared>>)
        tpu.yield
      }) : () -> ()
    } else {
    }
    %broadcast_in_dim3A = arith.constant 1.000000e+00 : f32
    %broadcast_in_dim3A_11 = vector.broadcast %broadcast_in_dim3A : f32 to vector<16xf32>
    %swap3A = arith.constant 0 : index
    %swap3A_12 = tpu.vector_load %arg15[%swap3A] {strides = array<i32>} : memref<128xf32, #tpu.memory_space<vmem>>, vector<16xf32>,
    %swap3A_13 = vector.shape_cast %swap3A_12 : vector<16xf32> to vector<16xf32>
    %swap3A_14 = vector.shape_cast %broadcast_in_dim3A_11 : vector<16xf32> to vector<16xf32>
    tpu.vector_store %arg15[%swap3A], %swap3A_14 {strides = array<i32>} : memref<128xf32, #tpu.memory_space<vmem>>, vector<16xf32>,
    %swap3A_15 = arith.constant 16 : index
    %swap3A_16 = tpu.vector_load %arg15[%swap3A_15] {strides = array<i32>} : memref<128xf32, #tpu.memory_space<vmem>>, vector<16xf32>,
    %swap3A_17 = vector.shape_cast %swap3A_16 : vector<16xf32> to vector<16xf32>
    %swap3A_18 = vector.shape_cast %broadcast_in_dim3A_11 : vector<16xf32> to vector<16xf32>
    tpu.vector_store %arg15[%swap3A_15], %swap3A_18 {strides = array<i32>} : memref<128xf32, #tpu.memory_space<vmem>>, vector<16xf32>,
    %swap3A_19 = arith.constant 32 : index
    %swap3A_20 = tpu.vector_load %arg15[%swap3A_19] {strides = array<i32>} : memref<128xf32, #tpu.memory_space<vmem>>, vector<16xf32>,
    %swap3A_21 = vector.shape_cast %swap3A_20 : vector<16xf32> to vector<16xf32>
    %swap3A_22 = vector.shape_cast %broadcast_in_dim3A_11 : vector<16xf32> to vector<16xf32>
    tpu.vector_store %arg15[%swap3A_19], %swap3A_22 {strides = array<i32>} : memref<128xf32, #tpu.memory_space<vmem>>, vector<16xf32>,
    %swap3A_23 = arith.constant 48 : index
    %swap3A_24 = tpu.vector_load %arg15[%swap3A_23] {strides = array<i32>} : memref<128xf32, #tpu.memory_space<vmem>>, vector<16xf32>,
    %swap3A_25 = vector.shape_cast %swap3A_24 : vector<16xf32> to vector<16xf32>
    %swap3A_26 = vector.shape_cast %broadcast_in_dim3A_11 : vector<16xf32> to vector<16xf32>
    tpu.vector_store %arg15[%swap3A_23], %swap3A_26 {strides = array<i32>} : memref<128xf32, #tpu.memory_space<vmem>>, vector<16xf32>,
    %swap3A_27 = arith.constant 64 : index
    %swap3A_28 = tpu.vector_load %arg15[%swap3A_27] {strides = array<i32>} : memref<128xf32, #tpu.memory_space<vmem>>, vector<16xf32>,
    %swap3A_29 = vector.shape_cast %swap3A_28 : vector<16xf32> to vector<16xf32>
    %swap3A_30 = vector.shape_cast %broadcast_in_dim3A_11 : vector<16xf32> to vector<16xf32>
    tpu.vector_store %arg15[%swap3A_27], %swap3A_30 {strides = array<i32>} : memref<128xf32, #tpu.memory_space<vmem>>, vector<16xf32>,
    %swap3A_31 = arith.constant 80 : index
    %swap3A_32 = tpu.vector_load %arg15[%swap3A_31] {strides = array<i32>} : memref<128xf32, #tpu.memory_space<vmem>>, vector<16xf32>,
    %swap3A_33 = vector.shape_cast %swap3A_32 : vector<16xf32> to vector<16xf32>
    %swap3A_34 = vector.shape_cast %broadcast_in_dim3A_11 : vector<16xf32> to vector<16xf32>
    tpu.vector_store %arg15[%swap3A_31], %swap3A_34 {strides = array<i32>} : memref<128xf32, #tpu.memory_space<vmem>>, vector<16xf32>,
    %swap3A_35 = arith.constant 96 : index
    %swap3A_36 = tpu.vector_load %arg15[%swap3A_35] {strides = array<i32>} : memref<128xf32, #tpu.memory_space<vmem>>, vector<16xf32>,
    %swap3A_37 = vector.shape_cast %swap3A_36 : vector<16xf32> to vector<16xf32>
    %swap3A_38 = vector.shape_cast %broadcast_in_dim3A_11 : vector<16xf32> to vector<16xf32>
    tpu.vector_store %arg15[%swap3A_35], %swap3A_38 {strides = array<i32>} : memref<128xf32, #tpu.memory_space<vmem>>, vector<16xf32>,
    %swap3A_39 = arith.constant 112 : index
    %swap3A_40 = tpu.vector_load %arg15[%swap3A_39] {strides = array<i32>} : memref<128xf32, #tpu.memory_space<vmem>>, vector<16xf32>,
    %swap3A_41 = vector.shape_cast %swap3A_40 : vector<16xf32> to vector<16xf32>
    %swap3A_42 = vector.shape_cast %broadcast_in_dim3A_11 : vector<16xf32> to vector<16xf32>
    tpu.vector_store %arg15[%swap3A_39], %swap3A_42 {strides = array<i32>} : memref<128xf32, #tpu.memory_space<vmem>>, vector<16xf32>,
    "tpu.region"() ({
      %run_scoped3A_1464 = tpu.sem_alloc : memref<!tpu.dma_semaphore, #tpu.memory_space<semaphore_mem>>
      %dma_start3A_1465 = tpu.memref_slice %arg3[%mul3A_6] : memref<32768xi32, #tpu.memory_space<hbm>> -> memref<1024xi32, #tpu.memory_space<hbm>>
      %dma_start3A_1466 = tpu.memref_slice %arg3[%mul3A_6] : memref<32768xi32, #tpu.memory_space<hbm>> -> memref<1024xi32, #tpu.memory_space<hbm>>
      tpu.enqueue_dma source(%dma_start3A_1466 : memref<1024xi32, #tpu.memory_space<hbm>>) target(%arg10 : memref<1024xi32, #tpu.memory_space<vmem>>) target_semaphore(%run_scoped3A_1464 : memref<!tpu.dma_semaphore, #tpu.memory_space<semaphore_mem>>)
      %dma_wait3A_1467 = tpu.memref_slice %arg3[%mul3A_6] : memref<32768xi32, #tpu.memory_space<hbm>> -> memref<1024xi32, #tpu.memory_space<hbm>>
      %dma_wait3A_1468 = tpu.memref_slice %arg3[%mul3A_6] : memref<32768xi32, #tpu.memory_space<hbm>> -> memref<1024xi32, #tpu.memory_space<hbm>>
      tpu.wait_dma2 semaphore(%run_scoped3A_1464 : memref<!tpu.dma_semaphore, #tpu.memory_space<semaphore_mem>>) src(%dma_wait3A_1468 : memref<1024xi32, #tpu.memory_space<hbm>>) dst(%arg10 : memref<1024xi32, #tpu.memory_space<vmem>>)
      tpu.yield
    }) : () -> ()
    "tpu.region"() ({
      %run_scoped3A_1464 = tpu.sem_alloc : memref<!tpu.dma_semaphore, #tpu.memory_space<semaphore_mem>>
      %dma_start3A_1465 = tpu.memref_slice %arg4[%mul3A_6] : memref<32768xi32, #tpu.memory_space<hbm>> -> memref<1024xi32, #tpu.memory_space<hbm>>
      %dma_start3A_1466 = tpu.memref_slice %arg4[%mul3A_6] : memref<32768xi32, #tpu.memory_space<hbm>> -> memref<1024xi32, #tpu.memory_space<hbm>>
      tpu.enqueue_dma source(%dma_start3A_1466 : memref<1024xi32, #tpu.memory_space<hbm>>) target(%arg11 : memref<1024xi32, #tpu.memory_space<vmem>>) target_semaphore(%run_scoped3A_1464 : memref<!tpu.dma_semaphore, #tpu.memory_space<semaphore_mem>>)
      %dma_wait3A_1467 = tpu.memref_slice %arg4[%mul3A_6] : memref<32768xi32, #tpu.memory_space<hbm>> -> memref<1024xi32, #tpu.memory_space<hbm>>
      %dma_wait3A_1468 = tpu.memref_slice %arg4[%mul3A_6] : memref<32768xi32, #tpu.memory_space<hbm>> -> memref<1024xi32, #tpu.memory_space<hbm>>
      tpu.wait_dma2 semaphore(%run_scoped3A_1464 : memref<!tpu.dma_semaphore, #tpu.memory_space<semaphore_mem>>) src(%dma_wait3A_1468 : memref<1024xi32, #tpu.memory_space<hbm>>) dst(%arg11 : memref<1024xi32, #tpu.memory_space<vmem>>)
      tpu.yield
    }) : () -> ()
    %dma_start3A = arith.constant 0 : i32
    %dma_start3A_43 = arith.constant 0 : i32
    %dma_start3A_44 = arith.constant 0 : i32
    %dma_start3A_45 = tpu.memref_slice %arg13[%dma_start3A, %dma_start3A_43, %dma_start3A_44] : memref<2x128x128xf32, #tpu.memory_space<vmem>> -> memref<1x128x128xf32, #tpu.memory_space<vmem>>
    %dma_start3A_46 = tpu.memref_squeeze %dma_start3A_45 : memref<1x128x128xf32, #tpu.memory_space<vmem>> -> memref<128x128xf32, #tpu.memory_space<vmem>>
    %dma_start3A_47 = arith.constant 0 : i32
    %dma_start3A_48 = tpu.memref_slice %arg10[%dma_start3A_47] : memref<1024xi32, #tpu.memory_space<vmem>> -> memref<128xi32, #tpu.memory_space<vmem>>
    %dma_start3A_49 = arith.constant 0 : i32
    %dma_start3A_50 = arith.constant 0 : i32
    %dma_start3A_51 = tpu.memref_slice %arg2[%dma_start3A_49, %dma_start3A_50] : memref<4096x128xf32, #tpu.memory_space<hbm>> -> memref<4096x128xf32, #tpu.memory_space<hbm>>
    tpu.enqueue_indirect_dma source(%dma_start3A_51 : memref<4096x128xf32, #tpu.memory_space<hbm>>) target(%dma_start3A_46 : memref<128x128xf32, #tpu.memory_space<vmem>>) offsets(%dma_start3A_48 : memref<128xi32, #tpu.memory_space<vmem>>) semaphore(%arg18 : memref<!tpu.dma_semaphore, #tpu.memory_space<semaphore_mem>>)
    %dma_start3A_52 = arith.constant 0 : i32
    %dma_start3A_53 = arith.constant 0 : i32
    %dma_start3A_54 = arith.constant 0 : i32
    %dma_start3A_55 = tpu.memref_slice %arg14[%dma_start3A_52, %dma_start3A_53, %dma_start3A_54] : memref<2x128x128xf32, #tpu.memory_space<vmem>> -> memref<1x128x128xf32, #tpu.memory_space<vmem>>
    %dma_start3A_56 = tpu.memref_squeeze %dma_start3A_55 : memref<1x128x128xf32, #tpu.memory_space<vmem>> -> memref<128x128xf32, #tpu.memory_space<vmem>>
    %dma_start3A_57 = arith.constant 0 : i32
    %dma_start3A_58 = tpu.memref_slice %arg11[%dma_start3A_57] : memref<1024xi32, #tpu.memory_space<vmem>> -> memref<128xi32, #tpu.memory_space<vmem>>
    %dma_start3A_59 = arith.constant 0 : i32
    %dma_start3A_60 = arith.constant 0 : i32
    %dma_start3A_61 = tpu.memref_slice %arg2[%dma_start3A_59, %dma_start3A_60] : memref<4096x128xf32, #tpu.memory_space<hbm>> -> memref<4096x128xf32, #tpu.memory_space<hbm>>
    tpu.enqueue_indirect_dma source(%dma_start3A_61 : memref<4096x128xf32, #tpu.memory_space<hbm>>) target(%dma_start3A_56 : memref<128x128xf32, #tpu.memory_space<vmem>>) offsets(%dma_start3A_58 : memref<128xi32, #tpu.memory_space<vmem>>) semaphore(%arg20 : memref<!tpu.dma_semaphore, #tpu.memory_space<semaphore_mem>>)
    %add3A_62 = arith.constant 0 : i32
    %add3A_63 = arith.addi %mul3A_6, %add3A_62 : i32
    %dma_start3A_64 = arith.constant 0 : i32
    %dma_start3A_65 = arith.constant 0 : i32
    %dma_start3A_66 = tpu.memref_slice %arg12[%dma_start3A_64, %dma_start3A_65] : memref<16x128xi32, #tpu.memory_space<vmem>> -> memref<1x128xi32, #tpu.memory_space<vmem>>
    %dma_start3A_67 = tpu.memref_squeeze %dma_start3A_66 : memref<1x128xi32, #tpu.memory_space<vmem>> -> memref<128xi32, #tpu.memory_space<vmem>>
    %dma_start3A_68 = tpu.memref_slice %arg3[%add3A_63] : memref<32768xi32, #tpu.memory_space<hbm>> -> memref<128xi32, #tpu.memory_space<hbm>>
    %dma_start3A_69 = arith.constant 0 : i32
    %dma_start3A_70 = tpu.memref_slice %arg12[%dma_start3A_64, %dma_start3A_69] : memref<16x128xi32, #tpu.memory_space<vmem>> -> memref<1x128xi32, #tpu.memory_space<vmem>>
    %dma_start3A_71 = tpu.memref_squeeze %dma_start3A_70 : memref<1x128xi32, #tpu.memory_space<vmem>> -> memref<128xi32, #tpu.memory_space<vmem>>
    %dma_start3A_72 = tpu.memref_slice %arg3[%add3A_63] : memref<32768xi32, #tpu.memory_space<hbm>> -> memref<128xi32, #tpu.memory_space<hbm>>
    tpu.enqueue_dma source(%dma_start3A_72 : memref<128xi32, #tpu.memory_space<hbm>>) target(%dma_start3A_71 : memref<128xi32, #tpu.memory_space<vmem>>) target_semaphore(%arg24 : memref<!tpu.dma_semaphore, #tpu.memory_space<semaphore_mem>>)
    %add3A_73 = arith.constant 128 : i32
    %add3A_74 = arith.addi %mul3A_6, %add3A_73 : i32
    %dma_start3A_75 = arith.constant 1 : i32
    %dma_start3A_76 = arith.constant 0 : i32
    %dma_start3A_77 = tpu.memref_slice %arg12[%dma_start3A_75, %dma_start3A_76] : memref<16x128xi32, #tpu.memory_space<vmem>> -> memref<1x128xi32, #tpu.memory_space<vmem>>
    %dma_start3A_78 = tpu.memref_squeeze %dma_start3A_77 : memref<1x128xi32, #tpu.memory_space<vmem>> -> memref<128xi32, #tpu.memory_space<vmem>>
    %dma_start3A_79 = tpu.memref_slice %arg3[%add3A_74] : memref<32768xi32, #tpu.memory_space<hbm>> -> memref<128xi32, #tpu.memory_space<hbm>>
    %dma_start3A_80 = arith.constant 0 : i32
    %dma_start3A_81 = tpu.memref_slice %arg12[%dma_start3A_75, %dma_start3A_80] : memref<16x128xi32, #tpu.memory_space<vmem>> -> memref<1x128xi32, #tpu.memory_space<vmem>>
    %dma_start3A_82 = tpu.memref_squeeze %dma_start3A_81 : memref<1x128xi32, #tpu.memory_space<vmem>> -> memref<128xi32, #tpu.memory_space<vmem>>
    %dma_start3A_83 = tpu.memref_slice %arg3[%add3A_74] : memref<32768xi32, #tpu.memory_space<hbm>> -> memref<128xi32, #tpu.memory_space<hbm>>
    tpu.enqueue_dma source(%dma_start3A_83 : memref<128xi32, #tpu.memory_space<hbm>>) target(%dma_start3A_82 : memref<128xi32, #tpu.memory_space<vmem>>) target_semaphore(%arg24 : memref<!tpu.dma_semaphore, #tpu.memory_space<semaphore_mem>>)
    %add3A_84 = arith.constant 256 : i32
    %add3A_85 = arith.addi %mul3A_6, %add3A_84 : i32
    %dma_start3A_86 = arith.constant 2 : i32
    %dma_start3A_87 = arith.constant 0 : i32
    %dma_start3A_88 = tpu.memref_slice %arg12[%dma_start3A_86, %dma_start3A_87] : memref<16x128xi32, #tpu.memory_space<vmem>> -> memref<1x128xi32, #tpu.memory_space<vmem>>
    %dma_start3A_89 = tpu.memref_squeeze %dma_start3A_88 : memref<1x128xi32, #tpu.memory_space<vmem>> -> memref<128xi32, #tpu.memory_space<vmem>>
    %dma_start3A_90 = tpu.memref_slice %arg3[%add3A_85] : memref<32768xi32, #tpu.memory_space<hbm>> -> memref<128xi32, #tpu.memory_space<hbm>>
    %dma_start3A_91 = arith.constant 0 : i32
    %dma_start3A_92 = tpu.memref_slice %arg12[%dma_start3A_86, %dma_start3A_91] : memref<16x128xi32, #tpu.memory_space<vmem>> -> memref<1x128xi32, #tpu.memory_space<vmem>>
    %dma_start3A_93 = tpu.memref_squeeze %dma_start3A_92 : memref<1x128xi32, #tpu.memory_space<vmem>> -> memref<128xi32, #tpu.memory_space<vmem>>
    %dma_start3A_94 = tpu.memref_slice %arg3[%add3A_85] : memref<32768xi32, #tpu.memory_space<hbm>> -> memref<128xi32, #tpu.memory_space<hbm>>
    tpu.enqueue_dma source(%dma_start3A_94 : memref<128xi32, #tpu.memory_space<hbm>>) target(%dma_start3A_93 : memref<128xi32, #tpu.memory_space<vmem>>) target_semaphore(%arg24 : memref<!tpu.dma_semaphore, #tpu.memory_space<semaphore_mem>>)
    %add3A_95 = arith.constant 384 : i32
    %add3A_96 = arith.addi %mul3A_6, %add3A_95 : i32
    %dma_start3A_97 = arith.constant 3 : i32
    %dma_start3A_98 = arith.constant 0 : i32
    %dma_start3A_99 = tpu.memref_slice %arg12[%dma_start3A_97, %dma_start3A_98] : memref<16x128xi32, #tpu.memory_space<vmem>> -> memref<1x128xi32, #tpu.memory_space<vmem>>
    %dma_start3A_100 = tpu.memref_squeeze %dma_start3A_99 : memref<1x128xi32, #tpu.memory_space<vmem>> -> memref<128xi32, #tpu.memory_space<vmem>>
    %dma_start3A_101 = tpu.memref_slice %arg3[%add3A_96] : memref<32768xi32, #tpu.memory_space<hbm>> -> memref<128xi32, #tpu.memory_space<hbm>>
    %dma_start3A_102 = arith.constant 0 : i32
    %dma_start3A_103 = tpu.memref_slice %arg12[%dma_start3A_97, %dma_start3A_102] : memref<16x128xi32, #tpu.memory_space<vmem>> -> memref<1x128xi32, #tpu.memory_space<vmem>>
    %dma_start3A_104 = tpu.memref_squeeze %dma_start3A_103 : memref<1x128xi32, #tpu.memory_space<vmem>> -> memref<128xi32, #tpu.memory_space<vmem>>
    %dma_start3A_105 = tpu.memref_slice %arg3[%add3A_96] : memref<32768xi32, #tpu.memory_space<hbm>> -> memref<128xi32, #tpu.memory_space<hbm>>
    tpu.enqueue_dma source(%dma_start3A_105 : memref<128xi32, #tpu.memory_space<hbm>>) target(%dma_start3A_104 : memref<128xi32, #tpu.memory_space<vmem>>) target_semaphore(%arg24 : memref<!tpu.dma_semaphore, #tpu.memory_space<semaphore_mem>>)
    %add3A_106 = arith.constant 512 : i32
    %add3A_107 = arith.addi %mul3A_6, %add3A_106 : i32
    %dma_start3A_108 = arith.constant 4 : i32
    %dma_start3A_109 = arith.constant 0 : i32
    %dma_start3A_110 = tpu.memref_slice %arg12[%dma_start3A_108, %dma_start3A_109] : memref<16x128xi32, #tpu.memory_space<vmem>> -> memref<1x128xi32, #tpu.memory_space<vmem>>
    %dma_start3A_111 = tpu.memref_squeeze %dma_start3A_110 : memref<1x128xi32, #tpu.memory_space<vmem>> -> memref<128xi32, #tpu.memory_space<vmem>>
    %dma_start3A_112 = tpu.memref_slice %arg3[%add3A_107] : memref<32768xi32, #tpu.memory_space<hbm>> -> memref<128xi32, #tpu.memory_space<hbm>>
    %dma_start3A_113 = arith.constant 0 : i32
    %dma_start3A_114 = tpu.memref_slice %arg12[%dma_start3A_108, %dma_start3A_113] : memref<16x128xi32, #tpu.memory_space<vmem>> -> memref<1x128xi32, #tpu.memory_space<vmem>>
    %dma_start3A_115 = tpu.memref_squeeze %dma_start3A_114 : memref<1x128xi32, #tpu.memory_space<vmem>> -> memref<128xi32, #tpu.memory_space<vmem>>
    %dma_start3A_116 = tpu.memref_slice %arg3[%add3A_107] : memref<32768xi32, #tpu.memory_space<hbm>> -> memref<128xi32, #tpu.memory_space<hbm>>
    tpu.enqueue_dma source(%dma_start3A_116 : memref<128xi32, #tpu.memory_space<hbm>>) target(%dma_start3A_115 : memref<128xi32, #tpu.memory_space<vmem>>) target_semaphore(%arg24 : memref<!tpu.dma_semaphore, #tpu.memory_space<semaphore_mem>>)
    %add3A_117 = arith.constant 640 : i32
    %add3A_118 = arith.addi %mul3A_6, %add3A_117 : i32
    %dma_start3A_119 = arith.constant 5 : i32
    %dma_start3A_120 = arith.constant 0 : i32
    %dma_start3A_121 = tpu.memref_slice %arg12[%dma_start3A_119, %dma_start3A_120] : memref<16x128xi32, #tpu.memory_space<vmem>> -> memref<1x128xi32, #tpu.memory_space<vmem>>
    %dma_start3A_122 = tpu.memref_squeeze %dma_start3A_121 : memref<1x128xi32, #tpu.memory_space<vmem>> -> memref<128xi32, #tpu.memory_space<vmem>>
    %dma_start3A_123 = tpu.memref_slice %arg3[%add3A_118] : memref<32768xi32, #tpu.memory_space<hbm>> -> memref<128xi32, #tpu.memory_space<hbm>>
    %dma_start3A_124 = arith.constant 0 : i32
    %dma_start3A_125 = tpu.memref_slice %arg12[%dma_start3A_119, %dma_start3A_124] : memref<16x128xi32, #tpu.memory_space<vmem>> -> memref<1x128xi32, #tpu.memory_space<vmem>>
    %dma_start3A_126 = tpu.memref_squeeze %dma_start3A_125 : memref<1x128xi32, #tpu.memory_space<vmem>> -> memref<128xi32, #tpu.memory_space<vmem>>
    %dma_start3A_127 = tpu.memref_slice %arg3[%add3A_118] : memref<32768xi32, #tpu.memory_space<hbm>> -> memref<128xi32, #tpu.memory_space<hbm>>
    tpu.enqueue_dma source(%dma_start3A_127 : memref<128xi32, #tpu.memory_space<hbm>>) target(%dma_start3A_126 : memref<128xi32, #tpu.memory_space<vmem>>) target_semaphore(%arg24 : memref<!tpu.dma_semaphore, #tpu.memory_space<semaphore_mem>>)
    %add3A_128 = arith.constant 768 : i32
    %add3A_129 = arith.addi %mul3A_6, %add3A_128 : i32
    %dma_start3A_130 = arith.constant 6 : i32
    %dma_start3A_131 = arith.constant 0 : i32
    %dma_start3A_132 = tpu.memref_slice %arg12[%dma_start3A_130, %dma_start3A_131] : memref<16x128xi32, #tpu.memory_space<vmem>> -> memref<1x128xi32, #tpu.memory_space<vmem>>
    %dma_start3A_133 = tpu.memref_squeeze %dma_start3A_132 : memref<1x128xi32, #tpu.memory_space<vmem>> -> memref<128xi32, #tpu.memory_space<vmem>>
    %dma_start3A_134 = tpu.memref_slice %arg3[%add3A_129] : memref<32768xi32, #tpu.memory_space<hbm>> -> memref<128xi32, #tpu.memory_space<hbm>>
    %dma_start3A_135 = arith.constant 0 : i32
    %dma_start3A_136 = tpu.memref_slice %arg12[%dma_start3A_130, %dma_start3A_135] : memref<16x128xi32, #tpu.memory_space<vmem>> -> memref<1x128xi32, #tpu.memory_space<vmem>>
    %dma_start3A_137 = tpu.memref_squeeze %dma_start3A_136 : memref<1x128xi32, #tpu.memory_space<vmem>> -> memref<128xi32, #tpu.memory_space<vmem>>
    %dma_start3A_138 = tpu.memref_slice %arg3[%add3A_129] : memref<32768xi32, #tpu.memory_space<hbm>> -> memref<128xi32, #tpu.memory_space<hbm>>
    tpu.enqueue_dma source(%dma_start3A_138 : memref<128xi32, #tpu.memory_space<hbm>>) target(%dma_start3A_137 : memref<128xi32, #tpu.memory_space<vmem>>) target_semaphore(%arg24 : memref<!tpu.dma_semaphore, #tpu.memory_space<semaphore_mem>>)
    %add3A_139 = arith.constant 896 : i32
    %add3A_140 = arith.addi %mul3A_6, %add3A_139 : i32
    %dma_start3A_141 = arith.constant 7 : i32
    %dma_start3A_142 = arith.constant 0 : i32
    %dma_start3A_143 = tpu.memref_slice %arg12[%dma_start3A_141, %dma_start3A_142] : memref<16x128xi32, #tpu.memory_space<vmem>> -> memref<1x128xi32, #tpu.memory_space<vmem>>
    %dma_start3A_144 = tpu.memref_squeeze %dma_start3A_143 : memref<1x128xi32, #tpu.memory_space<vmem>> -> memref<128xi32, #tpu.memory_space<vmem>>
    %dma_start3A_145 = tpu.memref_slice %arg3[%add3A_140] : memref<32768xi32, #tpu.memory_space<hbm>> -> memref<128xi32, #tpu.memory_space<hbm>>
    %dma_start3A_146 = arith.constant 0 : i32
    %dma_start3A_147 = tpu.memref_slice %arg12[%dma_start3A_141, %dma_start3A_146] : memref<16x128xi32, #tpu.memory_space<vmem>> -> memref<1x128xi32, #tpu.memory_space<vmem>>
    %dma_start3A_148 = tpu.memref_squeeze %dma_start3A_147 : memref<1x128xi32, #tpu.memory_space<vmem>> -> memref<128xi32, #tpu.memory_space<vmem>>
    %dma_start3A_149 = tpu.memref_slice %arg3[%add3A_140] : memref<32768xi32, #tpu.memory_space<hbm>> -> memref<128xi32, #tpu.memory_space<hbm>>
    tpu.enqueue_dma source(%dma_start3A_149 : memref<128xi32, #tpu.memory_space<hbm>>) target(%dma_start3A_148 : memref<128xi32, #tpu.memory_space<vmem>>) target_semaphore(%arg24 : memref<!tpu.dma_semaphore, #tpu.memory_space<semaphore_mem>>)
    %add3A_150 = arith.constant 0 : i32
    %add3A_151 = arith.addi %mul3A_8, %add3A_150 : i32
    %dma_start3A_152 = arith.constant 8 : i32
    %dma_start3A_153 = arith.constant 0 : i32
    %dma_start3A_154 = tpu.memref_slice %arg12[%dma_start3A_152, %dma_start3A_153] : memref<16x128xi32, #tpu.memory_space<vmem>> -> memref<1x128xi32, #tpu.memory_space<vmem>>
    %dma_start3A_155 = tpu.memref_squeeze %dma_start3A_154 : memref<1x128xi32, #tpu.memory_space<vmem>> -> memref<128xi32, #tpu.memory_space<vmem>>
    %dma_start3A_156 = tpu.memref_slice %arg3[%add3A_151] : memref<32768xi32, #tpu.memory_space<hbm>> -> memref<128xi32, #tpu.memory_space<hbm>>
    %dma_start3A_157 = arith.constant 0 : i32
    %dma_start3A_158 = tpu.memref_slice %arg12[%dma_start3A_152, %dma_start3A_157] : memref<16x128xi32, #tpu.memory_space<vmem>> -> memref<1x128xi32, #tpu.memory_space<vmem>>
    %dma_start3A_159 = tpu.memref_squeeze %dma_start3A_158 : memref<1x128xi32, #tpu.memory_space<vmem>> -> memref<128xi32, #tpu.memory_space<vmem>>
    %dma_start3A_160 = tpu.memref_slice %arg3[%add3A_151] : memref<32768xi32, #tpu.memory_space<hbm>> -> memref<128xi32, #tpu.memory_space<hbm>>
    tpu.enqueue_dma source(%dma_start3A_160 : memref<128xi32, #tpu.memory_space<hbm>>) target(%dma_start3A_159 : memref<128xi32, #tpu.memory_space<vmem>>) target_semaphore(%arg24 : memref<!tpu.dma_semaphore, #tpu.memory_space<semaphore_mem>>)
    %add3A_161 = arith.constant 128 : i32
    %add3A_162 = arith.addi %mul3A_8, %add3A_161 : i32
    %dma_start3A_163 = arith.constant 9 : i32
    %dma_start3A_164 = arith.constant 0 : i32
    %dma_start3A_165 = tpu.memref_slice %arg12[%dma_start3A_163, %dma_start3A_164] : memref<16x128xi32, #tpu.memory_space<vmem>> -> memref<1x128xi32, #tpu.memory_space<vmem>>
    %dma_start3A_166 = tpu.memref_squeeze %dma_start3A_165 : memref<1x128xi32, #tpu.memory_space<vmem>> -> memref<128xi32, #tpu.memory_space<vmem>>
    %dma_start3A_167 = tpu.memref_slice %arg3[%add3A_162] : memref<32768xi32, #tpu.memory_space<hbm>> -> memref<128xi32, #tpu.memory_space<hbm>>
    %dma_start3A_168 = arith.constant 0 : i32
    %dma_start3A_169 = tpu.memref_slice %arg12[%dma_start3A_163, %dma_start3A_168] : memref<16x128xi32, #tpu.memory_space<vmem>> -> memref<1x128xi32, #tpu.memory_space<vmem>>
    %dma_start3A_170 = tpu.memref_squeeze %dma_start3A_169 : memref<1x128xi32, #tpu.memory_space<vmem>> -> memref<128xi32, #tpu.memory_space<vmem>>
    %dma_start3A_171 = tpu.memref_slice %arg3[%add3A_162] : memref<32768xi32, #tpu.memory_space<hbm>> -> memref<128xi32, #tpu.memory_space<hbm>>
    tpu.enqueue_dma source(%dma_start3A_171 : memref<128xi32, #tpu.memory_space<hbm>>) target(%dma_start3A_170 : memref<128xi32, #tpu.memory_space<vmem>>) target_semaphore(%arg24 : memref<!tpu.dma_semaphore, #tpu.memory_space<semaphore_mem>>)
    %add3A_172 = arith.constant 256 : i32
    %add3A_173 = arith.addi %mul3A_8, %add3A_172 : i32
    %dma_start3A_174 = arith.constant 10 : i32
    %dma_start3A_175 = arith.constant 0 : i32
    %dma_start3A_176 = tpu.memref_slice %arg12[%dma_start3A_174, %dma_start3A_175] : memref<16x128xi32, #tpu.memory_space<vmem>> -> memref<1x128xi32, #tpu.memory_space<vmem>>
    %dma_start3A_177 = tpu.memref_squeeze %dma_start3A_176 : memref<1x128xi32, #tpu.memory_space<vmem>> -> memref<128xi32, #tpu.memory_space<vmem>>
    %dma_start3A_178 = tpu.memref_slice %arg3[%add3A_173] : memref<32768xi32, #tpu.memory_space<hbm>> -> memref<128xi32, #tpu.memory_space<hbm>>
    %dma_start3A_179 = arith.constant 0 : i32
    %dma_start3A_180 = tpu.memref_slice %arg12[%dma_start3A_174, %dma_start3A_179] : memref<16x128xi32, #tpu.memory_space<vmem>> -> memref<1x128xi32, #tpu.memory_space<vmem>>
    %dma_start3A_181 = tpu.memref_squeeze %dma_start3A_180 : memref<1x128xi32, #tpu.memory_space<vmem>> -> memref<128xi32, #tpu.memory_space<vmem>>
    %dma_start3A_182 = tpu.memref_slice %arg3[%add3A_173] : memref<32768xi32, #tpu.memory_space<hbm>> -> memref<128xi32, #tpu.memory_space<hbm>>
    tpu.enqueue_dma source(%dma_start3A_182 : memref<128xi32, #tpu.memory_space<hbm>>) target(%dma_start3A_181 : memref<128xi32, #tpu.memory_space<vmem>>) target_semaphore(%arg24 : memref<!tpu.dma_semaphore, #tpu.memory_space<semaphore_mem>>)
    %add3A_183 = arith.constant 384 : i32
    %add3A_184 = arith.addi %mul3A_8, %add3A_183 : i32
    %dma_start3A_185 = arith.constant 11 : i32
    %dma_start3A_186 = arith.constant 0 : i32
    %dma_start3A_187 = tpu.memref_slice %arg12[%dma_start3A_185, %dma_start3A_186] : memref<16x128xi32, #tpu.memory_space<vmem>> -> memref<1x128xi32, #tpu.memory_space<vmem>>
    %dma_start3A_188 = tpu.memref_squeeze %dma_start3A_187 : memref<1x128xi32, #tpu.memory_space<vmem>> -> memref<128xi32, #tpu.memory_space<vmem>>
    %dma_start3A_189 = tpu.memref_slice %arg3[%add3A_184] : memref<32768xi32, #tpu.memory_space<hbm>> -> memref<128xi32, #tpu.memory_space<hbm>>
    %dma_start3A_190 = arith.constant 0 : i32
    %dma_start3A_191 = tpu.memref_slice %arg12[%dma_start3A_185, %dma_start3A_190] : memref<16x128xi32, #tpu.memory_space<vmem>> -> memref<1x128xi32, #tpu.memory_space<vmem>>
    %dma_start3A_192 = tpu.memref_squeeze %dma_start3A_191 : memref<1x128xi32, #tpu.memory_space<vmem>> -> memref<128xi32, #tpu.memory_space<vmem>>
    %dma_start3A_193 = tpu.memref_slice %arg3[%add3A_184] : memref<32768xi32, #tpu.memory_space<hbm>> -> memref<128xi32, #tpu.memory_space<hbm>>
    tpu.enqueue_dma source(%dma_start3A_193 : memref<128xi32, #tpu.memory_space<hbm>>) target(%dma_start3A_192 : memref<128xi32, #tpu.memory_space<vmem>>) target_semaphore(%arg24 : memref<!tpu.dma_semaphore, #tpu.memory_space<semaphore_mem>>)
    %add3A_194 = arith.constant 512 : i32
    %add3A_195 = arith.addi %mul3A_8, %add3A_194 : i32
    %dma_start3A_196 = arith.constant 12 : i32
    %dma_start3A_197 = arith.constant 0 : i32
    %dma_start3A_198 = tpu.memref_slice %arg12[%dma_start3A_196, %dma_start3A_197] : memref<16x128xi32, #tpu.memory_space<vmem>> -> memref<1x128xi32, #tpu.memory_space<vmem>>
    %dma_start3A_199 = tpu.memref_squeeze %dma_start3A_198 : memref<1x128xi32, #tpu.memory_space<vmem>> -> memref<128xi32, #tpu.memory_space<vmem>>
    %dma_start3A_200 = tpu.memref_slice %arg3[%add3A_195] : memref<32768xi32, #tpu.memory_space<hbm>> -> memref<128xi32, #tpu.memory_space<hbm>>
    %dma_start3A_201 = arith.constant 0 : i32
    %dma_start3A_202 = tpu.memref_slice %arg12[%dma_start3A_196, %dma_start3A_201] : memref<16x128xi32, #tpu.memory_space<vmem>> -> memref<1x128xi32, #tpu.memory_space<vmem>>
    %dma_start3A_203 = tpu.memref_squeeze %dma_start3A_202 : memref<1x128xi32, #tpu.memory_space<vmem>> -> memref<128xi32, #tpu.memory_space<vmem>>
    %dma_start3A_204 = tpu.memref_slice %arg3[%add3A_195] : memref<32768xi32, #tpu.memory_space<hbm>> -> memref<128xi32, #tpu.memory_space<hbm>>
    tpu.enqueue_dma source(%dma_start3A_204 : memref<128xi32, #tpu.memory_space<hbm>>) target(%dma_start3A_203 : memref<128xi32, #tpu.memory_space<vmem>>) target_semaphore(%arg24 : memref<!tpu.dma_semaphore, #tpu.memory_space<semaphore_mem>>)
    %add3A_205 = arith.constant 640 : i32
    %add3A_206 = arith.addi %mul3A_8, %add3A_205 : i32
    %dma_start3A_207 = arith.constant 13 : i32
    %dma_start3A_208 = arith.constant 0 : i32
    %dma_start3A_209 = tpu.memref_slice %arg12[%dma_start3A_207, %dma_start3A_208] : memref<16x128xi32, #tpu.memory_space<vmem>> -> memref<1x128xi32, #tpu.memory_space<vmem>>
    %dma_start3A_210 = tpu.memref_squeeze %dma_start3A_209 : memref<1x128xi32, #tpu.memory_space<vmem>> -> memref<128xi32, #tpu.memory_space<vmem>>
    %dma_start3A_211 = tpu.memref_slice %arg3[%add3A_206] : memref<32768xi32, #tpu.memory_space<hbm>> -> memref<128xi32, #tpu.memory_space<hbm>>
    %dma_start3A_212 = arith.constant 0 : i32
    %dma_start3A_213 = tpu.memref_slice %arg12[%dma_start3A_207, %dma_start3A_212] : memref<16x128xi32, #tpu.memory_space<vmem>> -> memref<1x128xi32, #tpu.memory_space<vmem>>
    %dma_start3A_214 = tpu.memref_squeeze %dma_start3A_213 : memref<1x128xi32, #tpu.memory_space<vmem>> -> memref<128xi32, #tpu.memory_space<vmem>>
    %dma_start3A_215 = tpu.memref_slice %arg3[%add3A_206] : memref<32768xi32, #tpu.memory_space<hbm>> -> memref<128xi32, #tpu.memory_space<hbm>>
    tpu.enqueue_dma source(%dma_start3A_215 : memref<128xi32, #tpu.memory_space<hbm>>) target(%dma_start3A_214 : memref<128xi32, #tpu.memory_space<vmem>>) target_semaphore(%arg24 : memref<!tpu.dma_semaphore, #tpu.memory_space<semaphore_mem>>)
    %add3A_216 = arith.constant 768 : i32
    %add3A_217 = arith.addi %mul3A_8, %add3A_216 : i32
    %dma_start3A_218 = arith.constant 14 : i32
    %dma_start3A_219 = arith.constant 0 : i32
    %dma_start3A_220 = tpu.memref_slice %arg12[%dma_start3A_218, %dma_start3A_219] : memref<16x128xi32, #tpu.memory_space<vmem>> -> memref<1x128xi32, #tpu.memory_space<vmem>>
    %dma_start3A_221 = tpu.memref_squeeze %dma_start3A_220 : memref<1x128xi32, #tpu.memory_space<vmem>> -> memref<128xi32, #tpu.memory_space<vmem>>
    %dma_start3A_222 = tpu.memref_slice %arg3[%add3A_217] : memref<32768xi32, #tpu.memory_space<hbm>> -> memref<128xi32, #tpu.memory_space<hbm>>
    %dma_start3A_223 = arith.constant 0 : i32
    %dma_start3A_224 = tpu.memref_slice %arg12[%dma_start3A_218, %dma_start3A_223] : memref<16x128xi32, #tpu.memory_space<vmem>> -> memref<1x128xi32, #tpu.memory_space<vmem>>
    %dma_start3A_225 = tpu.memref_squeeze %dma_start3A_224 : memref<1x128xi32, #tpu.memory_space<vmem>> -> memref<128xi32, #tpu.memory_space<vmem>>
    %dma_start3A_226 = tpu.memref_slice %arg3[%add3A_217] : memref<32768xi32, #tpu.memory_space<hbm>> -> memref<128xi32, #tpu.memory_space<hbm>>
    tpu.enqueue_dma source(%dma_start3A_226 : memref<128xi32, #tpu.memory_space<hbm>>) target(%dma_start3A_225 : memref<128xi32, #tpu.memory_space<vmem>>) target_semaphore(%arg24 : memref<!tpu.dma_semaphore, #tpu.memory_space<semaphore_mem>>)
    %add3A_227 = arith.constant 896 : i32
    %add3A_228 = arith.addi %mul3A_8, %add3A_227 : i32
    %dma_start3A_229 = arith.constant 15 : i32
    %dma_start3A_230 = arith.constant 0 : i32
    %dma_start3A_231 = tpu.memref_slice %arg12[%dma_start3A_229, %dma_start3A_230] : memref<16x128xi32, #tpu.memory_space<vmem>> -> memref<1x128xi32, #tpu.memory_space<vmem>>
    %dma_start3A_232 = tpu.memref_squeeze %dma_start3A_231 : memref<1x128xi32, #tpu.memory_space<vmem>> -> memref<128xi32, #tpu.memory_space<vmem>>
    %dma_start3A_233 = tpu.memref_slice %arg3[%add3A_228] : memref<32768xi32, #tpu.memory_space<hbm>> -> memref<128xi32, #tpu.memory_space<hbm>>
    %dma_start3A_234 = arith.constant 0 : i32
    %dma_start3A_235 = tpu.memref_slice %arg12[%dma_start3A_229, %dma_start3A_234] : memref<16x128xi32, #tpu.memory_space<vmem>> -> memref<1x128xi32, #tpu.memory_space<vmem>>
    %dma_start3A_236 = tpu.memref_squeeze %dma_start3A_235 : memref<1x128xi32, #tpu.memory_space<vmem>> -> memref<128xi32, #tpu.memory_space<vmem>>
    %dma_start3A_237 = tpu.memref_slice %arg3[%add3A_228] : memref<32768xi32, #tpu.memory_space<hbm>> -> memref<128xi32, #tpu.memory_space<hbm>>
    tpu.enqueue_dma source(%dma_start3A_237 : memref<128xi32, #tpu.memory_space<hbm>>) target(%dma_start3A_236 : memref<128xi32, #tpu.memory_space<vmem>>) target_semaphore(%arg24 : memref<!tpu.dma_semaphore, #tpu.memory_space<semaphore_mem>>)
    %dma_wait3A = arith.constant 0 : i32
    %dma_wait3A_238 = arith.constant 0 : i32
    %dma_wait3A_239 = tpu.memref_slice %arg12[%dma_wait3A, %dma_wait3A_238] : memref<16x128xi32, #tpu.memory_space<vmem>> -> memref<1x128xi32, #tpu.memory_space<vmem>>
    %dma_wait3A_240 = tpu.memref_squeeze %dma_wait3A_239 : memref<1x128xi32, #tpu.memory_space<vmem>> -> memref<128xi32, #tpu.memory_space<vmem>>
    %dma_wait3A_241 = tpu.memref_slice %arg3[%add3A_63] : memref<32768xi32, #tpu.memory_space<hbm>> -> memref<128xi32, #tpu.memory_space<hbm>>
    %dma_wait3A_242 = arith.constant 0 : i32
    %dma_wait3A_243 = tpu.memref_slice %arg12[%dma_wait3A, %dma_wait3A_242] : memref<16x128xi32, #tpu.memory_space<vmem>> -> memref<1x128xi32, #tpu.memory_space<vmem>>
    %dma_wait3A_244 = tpu.memref_squeeze %dma_wait3A_243 : memref<1x128xi32, #tpu.memory_space<vmem>> -> memref<128xi32, #tpu.memory_space<vmem>>
    %dma_wait3A_245 = tpu.memref_slice %arg3[%add3A_63] : memref<32768xi32, #tpu.memory_space<hbm>> -> memref<128xi32, #tpu.memory_space<hbm>>
    tpu.wait_dma2 semaphore(%arg24 : memref<!tpu.dma_semaphore, #tpu.memory_space<semaphore_mem>>) src(%dma_wait3A_245 : memref<128xi32, #tpu.memory_space<hbm>>) dst(%dma_wait3A_244 : memref<128xi32, #tpu.memory_space<vmem>>)
    %dma_wait3A_246 = arith.constant 1 : i32
    %dma_wait3A_247 = arith.constant 0 : i32
    %dma_wait3A_248 = tpu.memref_slice %arg12[%dma_wait3A_246, %dma_wait3A_247] : memref<16x128xi32, #tpu.memory_space<vmem>> -> memref<1x128xi32, #tpu.memory_space<vmem>>
    %dma_wait3A_249 = tpu.memref_squeeze %dma_wait3A_248 : memref<1x128xi32, #tpu.memory_space<vmem>> -> memref<128xi32, #tpu.memory_space<vmem>>
    %dma_wait3A_250 = tpu.memref_slice %arg3[%add3A_74] : memref<32768xi32, #tpu.memory_space<hbm>> -> memref<128xi32, #tpu.memory_space<hbm>>
    %dma_wait3A_251 = arith.constant 0 : i32
    %dma_wait3A_252 = tpu.memref_slice %arg12[%dma_wait3A_246, %dma_wait3A_251] : memref<16x128xi32, #tpu.memory_space<vmem>> -> memref<1x128xi32, #tpu.memory_space<vmem>>
    %dma_wait3A_253 = tpu.memref_squeeze %dma_wait3A_252 : memref<1x128xi32, #tpu.memory_space<vmem>> -> memref<128xi32, #tpu.memory_space<vmem>>
    %dma_wait3A_254 = tpu.memref_slice %arg3[%add3A_74] : memref<32768xi32, #tpu.memory_space<hbm>> -> memref<128xi32, #tpu.memory_space<hbm>>
    tpu.wait_dma2 semaphore(%arg24 : memref<!tpu.dma_semaphore, #tpu.memory_space<semaphore_mem>>) src(%dma_wait3A_254 : memref<128xi32, #tpu.memory_space<hbm>>) dst(%dma_wait3A_253 : memref<128xi32, #tpu.memory_space<vmem>>)
    %dma_wait3A_255 = arith.constant 2 : i32
    %dma_wait3A_256 = arith.constant 0 : i32
    %dma_wait3A_257 = tpu.memref_slice %arg12[%dma_wait3A_255, %dma_wait3A_256] : memref<16x128xi32, #tpu.memory_space<vmem>> -> memref<1x128xi32, #tpu.memory_space<vmem>>
    %dma_wait3A_258 = tpu.memref_squeeze %dma_wait3A_257 : memref<1x128xi32, #tpu.memory_space<vmem>> -> memref<128xi32, #tpu.memory_space<vmem>>
    %dma_wait3A_259 = tpu.memref_slice %arg3[%add3A_85] : memref<32768xi32, #tpu.memory_space<hbm>> -> memref<128xi32, #tpu.memory_space<hbm>>
    %dma_wait3A_260 = arith.constant 0 : i32
    %dma_wait3A_261 = tpu.memref_slice %arg12[%dma_wait3A_255, %dma_wait3A_260] : memref<16x128xi32, #tpu.memory_space<vmem>> -> memref<1x128xi32, #tpu.memory_space<vmem>>
    %dma_wait3A_262 = tpu.memref_squeeze %dma_wait3A_261 : memref<1x128xi32, #tpu.memory_space<vmem>> -> memref<128xi32, #tpu.memory_space<vmem>>
    %dma_wait3A_263 = tpu.memref_slice %arg3[%add3A_85] : memref<32768xi32, #tpu.memory_space<hbm>> -> memref<128xi32, #tpu.memory_space<hbm>>
    tpu.wait_dma2 semaphore(%arg24 : memref<!tpu.dma_semaphore, #tpu.memory_space<semaphore_mem>>) src(%dma_wait3A_263 : memref<128xi32, #tpu.memory_space<hbm>>) dst(%dma_wait3A_262 : memref<128xi32, #tpu.memory_space<vmem>>)
    %dma_wait3A_264 = arith.constant 3 : i32
    %dma_wait3A_265 = arith.constant 0 : i32
    %dma_wait3A_266 = tpu.memref_slice %arg12[%dma_wait3A_264, %dma_wait3A_265] : memref<16x128xi32, #tpu.memory_space<vmem>> -> memref<1x128xi32, #tpu.memory_space<vmem>>
    %dma_wait3A_267 = tpu.memref_squeeze %dma_wait3A_266 : memref<1x128xi32, #tpu.memory_space<vmem>> -> memref<128xi32, #tpu.memory_space<vmem>>
    %dma_wait3A_268 = tpu.memref_slice %arg3[%add3A_96] : memref<32768xi32, #tpu.memory_space<hbm>> -> memref<128xi32, #tpu.memory_space<hbm>>
    %dma_wait3A_269 = arith.constant 0 : i32
    %dma_wait3A_270 = tpu.memref_slice %arg12[%dma_wait3A_264, %dma_wait3A_269] : memref<16x128xi32, #tpu.memory_space<vmem>> -> memref<1x128xi32, #tpu.memory_space<vmem>>
    %dma_wait3A_271 = tpu.memref_squeeze %dma_wait3A_270 : memref<1x128xi32, #tpu.memory_space<vmem>> -> memref<128xi32, #tpu.memory_space<vmem>>
    %dma_wait3A_272 = tpu.memref_slice %arg3[%add3A_96] : memref<32768xi32, #tpu.memory_space<hbm>> -> memref<128xi32, #tpu.memory_space<hbm>>
    tpu.wait_dma2 semaphore(%arg24 : memref<!tpu.dma_semaphore, #tpu.memory_space<semaphore_mem>>) src(%dma_wait3A_272 : memref<128xi32, #tpu.memory_space<hbm>>) dst(%dma_wait3A_271 : memref<128xi32, #tpu.memory_space<vmem>>)
    %dma_wait3A_273 = arith.constant 4 : i32
    %dma_wait3A_274 = arith.constant 0 : i32
    %dma_wait3A_275 = tpu.memref_slice %arg12[%dma_wait3A_273, %dma_wait3A_274] : memref<16x128xi32, #tpu.memory_space<vmem>> -> memref<1x128xi32, #tpu.memory_space<vmem>>
    %dma_wait3A_276 = tpu.memref_squeeze %dma_wait3A_275 : memref<1x128xi32, #tpu.memory_space<vmem>> -> memref<128xi32, #tpu.memory_space<vmem>>
    %dma_wait3A_277 = tpu.memref_slice %arg3[%add3A_107] : memref<32768xi32, #tpu.memory_space<hbm>> -> memref<128xi32, #tpu.memory_space<hbm>>
    %dma_wait3A_278 = arith.constant 0 : i32
    %dma_wait3A_279 = tpu.memref_slice %arg12[%dma_wait3A_273, %dma_wait3A_278] : memref<16x128xi32, #tpu.memory_space<vmem>> -> memref<1x128xi32, #tpu.memory_space<vmem>>
    %dma_wait3A_280 = tpu.memref_squeeze %dma_wait3A_279 : memref<1x128xi32, #tpu.memory_space<vmem>> -> memref<128xi32, #tpu.memory_space<vmem>>
    %dma_wait3A_281 = tpu.memref_slice %arg3[%add3A_107] : memref<32768xi32, #tpu.memory_space<hbm>> -> memref<128xi32, #tpu.memory_space<hbm>>
    tpu.wait_dma2 semaphore(%arg24 : memref<!tpu.dma_semaphore, #tpu.memory_space<semaphore_mem>>) src(%dma_wait3A_281 : memref<128xi32, #tpu.memory_space<hbm>>) dst(%dma_wait3A_280 : memref<128xi32, #tpu.memory_space<vmem>>)
    %dma_wait3A_282 = arith.constant 5 : i32
    %dma_wait3A_283 = arith.constant 0 : i32
    %dma_wait3A_284 = tpu.memref_slice %arg12[%dma_wait3A_282, %dma_wait3A_283] : memref<16x128xi32, #tpu.memory_space<vmem>> -> memref<1x128xi32, #tpu.memory_space<vmem>>
    %dma_wait3A_285 = tpu.memref_squeeze %dma_wait3A_284 : memref<1x128xi32, #tpu.memory_space<vmem>> -> memref<128xi32, #tpu.memory_space<vmem>>
    %dma_wait3A_286 = tpu.memref_slice %arg3[%add3A_118] : memref<32768xi32, #tpu.memory_space<hbm>> -> memref<128xi32, #tpu.memory_space<hbm>>
    %dma_wait3A_287 = arith.constant 0 : i32
    %dma_wait3A_288 = tpu.memref_slice %arg12[%dma_wait3A_282, %dma_wait3A_287] : memref<16x128xi32, #tpu.memory_space<vmem>> -> memref<1x128xi32, #tpu.memory_space<vmem>>
    %dma_wait3A_289 = tpu.memref_squeeze %dma_wait3A_288 : memref<1x128xi32, #tpu.memory_space<vmem>> -> memref<128xi32, #tpu.memory_space<vmem>>
    %dma_wait3A_290 = tpu.memref_slice %arg3[%add3A_118] : memref<32768xi32, #tpu.memory_space<hbm>> -> memref<128xi32, #tpu.memory_space<hbm>>
    tpu.wait_dma2 semaphore(%arg24 : memref<!tpu.dma_semaphore, #tpu.memory_space<semaphore_mem>>) src(%dma_wait3A_290 : memref<128xi32, #tpu.memory_space<hbm>>) dst(%dma_wait3A_289 : memref<128xi32, #tpu.memory_space<vmem>>)
    %dma_wait3A_291 = arith.constant 6 : i32
    %dma_wait3A_292 = arith.constant 0 : i32
    %dma_wait3A_293 = tpu.memref_slice %arg12[%dma_wait3A_291, %dma_wait3A_292] : memref<16x128xi32, #tpu.memory_space<vmem>> -> memref<1x128xi32, #tpu.memory_space<vmem>>
    %dma_wait3A_294 = tpu.memref_squeeze %dma_wait3A_293 : memref<1x128xi32, #tpu.memory_space<vmem>> -> memref<128xi32, #tpu.memory_space<vmem>>
    %dma_wait3A_295 = tpu.memref_slice %arg3[%add3A_129] : memref<32768xi32, #tpu.memory_space<hbm>> -> memref<128xi32, #tpu.memory_space<hbm>>
    %dma_wait3A_296 = arith.constant 0 : i32
    %dma_wait3A_297 = tpu.memref_slice %arg12[%dma_wait3A_291, %dma_wait3A_296] : memref<16x128xi32, #tpu.memory_space<vmem>> -> memref<1x128xi32, #tpu.memory_space<vmem>>
    %dma_wait3A_298 = tpu.memref_squeeze %dma_wait3A_297 : memref<1x128xi32, #tpu.memory_space<vmem>> -> memref<128xi32, #tpu.memory_space<vmem>>
    %dma_wait3A_299 = tpu.memref_slice %arg3[%add3A_129] : memref<32768xi32, #tpu.memory_space<hbm>> -> memref<128xi32, #tpu.memory_space<hbm>>
    tpu.wait_dma2 semaphore(%arg24 : memref<!tpu.dma_semaphore, #tpu.memory_space<semaphore_mem>>) src(%dma_wait3A_299 : memref<128xi32, #tpu.memory_space<hbm>>) dst(%dma_wait3A_298 : memref<128xi32, #tpu.memory_space<vmem>>)
    %dma_wait3A_300 = arith.constant 7 : i32
    %dma_wait3A_301 = arith.constant 0 : i32
    %dma_wait3A_302 = tpu.memref_slice %arg12[%dma_wait3A_300, %dma_wait3A_301] : memref<16x128xi32, #tpu.memory_space<vmem>> -> memref<1x128xi32, #tpu.memory_space<vmem>>
    %dma_wait3A_303 = tpu.memref_squeeze %dma_wait3A_302 : memref<1x128xi32, #tpu.memory_space<vmem>> -> memref<128xi32, #tpu.memory_space<vmem>>
    %dma_wait3A_304 = tpu.memref_slice %arg3[%add3A_140] : memref<32768xi32, #tpu.memory_space<hbm>> -> memref<128xi32, #tpu.memory_space<hbm>>
    %dma_wait3A_305 = arith.constant 0 : i32
    %dma_wait3A_306 = tpu.memref_slice %arg12[%dma_wait3A_300, %dma_wait3A_305] : memref<16x128xi32, #tpu.memory_space<vmem>> -> memref<1x128xi32, #tpu.memory_space<vmem>>
    %dma_wait3A_307 = tpu.memref_squeeze %dma_wait3A_306 : memref<1x128xi32, #tpu.memory_space<vmem>> -> memref<128xi32, #tpu.memory_space<vmem>>
    %dma_wait3A_308 = tpu.memref_slice %arg3[%add3A_140] : memref<32768xi32, #tpu.memory_space<hbm>> -> memref<128xi32, #tpu.memory_space<hbm>>
    tpu.wait_dma2 semaphore(%arg24 : memref<!tpu.dma_semaphore, #tpu.memory_space<semaphore_mem>>) src(%dma_wait3A_308 : memref<128xi32, #tpu.memory_space<hbm>>) dst(%dma_wait3A_307 : memref<128xi32, #tpu.memory_space<vmem>>)
    %dma_wait3A_309 = arith.constant 8 : i32
    %dma_wait3A_310 = arith.constant 0 : i32
    %dma_wait3A_311 = tpu.memref_slice %arg12[%dma_wait3A_309, %dma_wait3A_310] : memref<16x128xi32, #tpu.memory_space<vmem>> -> memref<1x128xi32, #tpu.memory_space<vmem>>
    %dma_wait3A_312 = tpu.memref_squeeze %dma_wait3A_311 : memref<1x128xi32, #tpu.memory_space<vmem>> -> memref<128xi32, #tpu.memory_space<vmem>>
    %dma_wait3A_313 = tpu.memref_slice %arg3[%add3A_151] : memref<32768xi32, #tpu.memory_space<hbm>> -> memref<128xi32, #tpu.memory_space<hbm>>
    %dma_wait3A_314 = arith.constant 0 : i32
    %dma_wait3A_315 = tpu.memref_slice %arg12[%dma_wait3A_309, %dma_wait3A_314] : memref<16x128xi32, #tpu.memory_space<vmem>> -> memref<1x128xi32, #tpu.memory_space<vmem>>
    %dma_wait3A_316 = tpu.memref_squeeze %dma_wait3A_315 : memref<1x128xi32, #tpu.memory_space<vmem>> -> memref<128xi32, #tpu.memory_space<vmem>>
    %dma_wait3A_317 = tpu.memref_slice %arg3[%add3A_151] : memref<32768xi32, #tpu.memory_space<hbm>> -> memref<128xi32, #tpu.memory_space<hbm>>
    tpu.wait_dma2 semaphore(%arg24 : memref<!tpu.dma_semaphore, #tpu.memory_space<semaphore_mem>>) src(%dma_wait3A_317 : memref<128xi32, #tpu.memory_space<hbm>>) dst(%dma_wait3A_316 : memref<128xi32, #tpu.memory_space<vmem>>)
    %dma_wait3A_318 = arith.constant 9 : i32
    %dma_wait3A_319 = arith.constant 0 : i32
    %dma_wait3A_320 = tpu.memref_slice %arg12[%dma_wait3A_318, %dma_wait3A_319] : memref<16x128xi32, #tpu.memory_space<vmem>> -> memref<1x128xi32, #tpu.memory_space<vmem>>
    %dma_wait3A_321 = tpu.memref_squeeze %dma_wait3A_320 : memref<1x128xi32, #tpu.memory_space<vmem>> -> memref<128xi32, #tpu.memory_space<vmem>>
    %dma_wait3A_322 = tpu.memref_slice %arg3[%add3A_162] : memref<32768xi32, #tpu.memory_space<hbm>> -> memref<128xi32, #tpu.memory_space<hbm>>
    %dma_wait3A_323 = arith.constant 0 : i32
    %dma_wait3A_324 = tpu.memref_slice %arg12[%dma_wait3A_318, %dma_wait3A_323] : memref<16x128xi32, #tpu.memory_space<vmem>> -> memref<1x128xi32, #tpu.memory_space<vmem>>
    %dma_wait3A_325 = tpu.memref_squeeze %dma_wait3A_324 : memref<1x128xi32, #tpu.memory_space<vmem>> -> memref<128xi32, #tpu.memory_space<vmem>>
    %dma_wait3A_326 = tpu.memref_slice %arg3[%add3A_162] : memref<32768xi32, #tpu.memory_space<hbm>> -> memref<128xi32, #tpu.memory_space<hbm>>
    tpu.wait_dma2 semaphore(%arg24 : memref<!tpu.dma_semaphore, #tpu.memory_space<semaphore_mem>>) src(%dma_wait3A_326 : memref<128xi32, #tpu.memory_space<hbm>>) dst(%dma_wait3A_325 : memref<128xi32, #tpu.memory_space<vmem>>)
    %dma_wait3A_327 = arith.constant 10 : i32
    %dma_wait3A_328 = arith.constant 0 : i32
    %dma_wait3A_329 = tpu.memref_slice %arg12[%dma_wait3A_327, %dma_wait3A_328] : memref<16x128xi32, #tpu.memory_space<vmem>> -> memref<1x128xi32, #tpu.memory_space<vmem>>
    %dma_wait3A_330 = tpu.memref_squeeze %dma_wait3A_329 : memref<1x128xi32, #tpu.memory_space<vmem>> -> memref<128xi32, #tpu.memory_space<vmem>>
    %dma_wait3A_331 = tpu.memref_slice %arg3[%add3A_173] : memref<32768xi32, #tpu.memory_space<hbm>> -> memref<128xi32, #tpu.memory_space<hbm>>
    %dma_wait3A_332 = arith.constant 0 : i32
    %dma_wait3A_333 = tpu.memref_slice %arg12[%dma_wait3A_327, %dma_wait3A_332] : memref<16x128xi32, #tpu.memory_space<vmem>> -> memref<1x128xi32, #tpu.memory_space<vmem>>
    %dma_wait3A_334 = tpu.memref_squeeze %dma_wait3A_333 : memref<1x128xi32, #tpu.memory_space<vmem>> -> memref<128xi32, #tpu.memory_space<vmem>>
    %dma_wait3A_335 = tpu.memref_slice %arg3[%add3A_173] : memref<32768xi32, #tpu.memory_space<hbm>> -> memref<128xi32, #tpu.memory_space<hbm>>
    tpu.wait_dma2 semaphore(%arg24 : memref<!tpu.dma_semaphore, #tpu.memory_space<semaphore_mem>>) src(%dma_wait3A_335 : memref<128xi32, #tpu.memory_space<hbm>>) dst(%dma_wait3A_334 : memref<128xi32, #tpu.memory_space<vmem>>)
    %dma_wait3A_336 = arith.constant 11 : i32
    %dma_wait3A_337 = arith.constant 0 : i32
    %dma_wait3A_338 = tpu.memref_slice %arg12[%dma_wait3A_336, %dma_wait3A_337] : memref<16x128xi32, #tpu.memory_space<vmem>> -> memref<1x128xi32, #tpu.memory_space<vmem>>
    %dma_wait3A_339 = tpu.memref_squeeze %dma_wait3A_338 : memref<1x128xi32, #tpu.memory_space<vmem>> -> memref<128xi32, #tpu.memory_space<vmem>>
    %dma_wait3A_340 = tpu.memref_slice %arg3[%add3A_184] : memref<32768xi32, #tpu.memory_space<hbm>> -> memref<128xi32, #tpu.memory_space<hbm>>
    %dma_wait3A_341 = arith.constant 0 : i32
    %dma_wait3A_342 = tpu.memref_slice %arg12[%dma_wait3A_336, %dma_wait3A_341] : memref<16x128xi32, #tpu.memory_space<vmem>> -> memref<1x128xi32, #tpu.memory_space<vmem>>
    %dma_wait3A_343 = tpu.memref_squeeze %dma_wait3A_342 : memref<1x128xi32, #tpu.memory_space<vmem>> -> memref<128xi32, #tpu.memory_space<vmem>>
    %dma_wait3A_344 = tpu.memref_slice %arg3[%add3A_184] : memref<32768xi32, #tpu.memory_space<hbm>> -> memref<128xi32, #tpu.memory_space<hbm>>
    tpu.wait_dma2 semaphore(%arg24 : memref<!tpu.dma_semaphore, #tpu.memory_space<semaphore_mem>>) src(%dma_wait3A_344 : memref<128xi32, #tpu.memory_space<hbm>>) dst(%dma_wait3A_343 : memref<128xi32, #tpu.memory_space<vmem>>)
    %dma_wait3A_345 = arith.constant 12 : i32
    %dma_wait3A_346 = arith.constant 0 : i32
    %dma_wait3A_347 = tpu.memref_slice %arg12[%dma_wait3A_345, %dma_wait3A_346] : memref<16x128xi32, #tpu.memory_space<vmem>> -> memref<1x128xi32, #tpu.memory_space<vmem>>
    %dma_wait3A_348 = tpu.memref_squeeze %dma_wait3A_347 : memref<1x128xi32, #tpu.memory_space<vmem>> -> memref<128xi32, #tpu.memory_space<vmem>>
    %dma_wait3A_349 = tpu.memref_slice %arg3[%add3A_195] : memref<32768xi32, #tpu.memory_space<hbm>> -> memref<128xi32, #tpu.memory_space<hbm>>
    %dma_wait3A_350 = arith.constant 0 : i32
    %dma_wait3A_351 = tpu.memref_slice %arg12[%dma_wait3A_345, %dma_wait3A_350] : memref<16x128xi32, #tpu.memory_space<vmem>> -> memref<1x128xi32, #tpu.memory_space<vmem>>
    %dma_wait3A_352 = tpu.memref_squeeze %dma_wait3A_351 : memref<1x128xi32, #tpu.memory_space<vmem>> -> memref<128xi32, #tpu.memory_space<vmem>>
    %dma_wait3A_353 = tpu.memref_slice %arg3[%add3A_195] : memref<32768xi32, #tpu.memory_space<hbm>> -> memref<128xi32, #tpu.memory_space<hbm>>
    tpu.wait_dma2 semaphore(%arg24 : memref<!tpu.dma_semaphore, #tpu.memory_space<semaphore_mem>>) src(%dma_wait3A_353 : memref<128xi32, #tpu.memory_space<hbm>>) dst(%dma_wait3A_352 : memref<128xi32, #tpu.memory_space<vmem>>)
    %dma_wait3A_354 = arith.constant 13 : i32
    %dma_wait3A_355 = arith.constant 0 : i32
    %dma_wait3A_356 = tpu.memref_slice %arg12[%dma_wait3A_354, %dma_wait3A_355] : memref<16x128xi32, #tpu.memory_space<vmem>> -> memref<1x128xi32, #tpu.memory_space<vmem>>
    %dma_wait3A_357 = tpu.memref_squeeze %dma_wait3A_356 : memref<1x128xi32, #tpu.memory_space<vmem>> -> memref<128xi32, #tpu.memory_space<vmem>>
    %dma_wait3A_358 = tpu.memref_slice %arg3[%add3A_206] : memref<32768xi32, #tpu.memory_space<hbm>> -> memref<128xi32, #tpu.memory_space<hbm>>
    %dma_wait3A_359 = arith.constant 0 : i32
    %dma_wait3A_360 = tpu.memref_slice %arg12[%dma_wait3A_354, %dma_wait3A_359] : memref<16x128xi32, #tpu.memory_space<vmem>> -> memref<1x128xi32, #tpu.memory_space<vmem>>
    %dma_wait3A_361 = tpu.memref_squeeze %dma_wait3A_360 : memref<1x128xi32, #tpu.memory_space<vmem>> -> memref<128xi32, #tpu.memory_space<vmem>>
    %dma_wait3A_362 = tpu.memref_slice %arg3[%add3A_206] : memref<32768xi32, #tpu.memory_space<hbm>> -> memref<128xi32, #tpu.memory_space<hbm>>
    tpu.wait_dma2 semaphore(%arg24 : memref<!tpu.dma_semaphore, #tpu.memory_space<semaphore_mem>>) src(%dma_wait3A_362 : memref<128xi32, #tpu.memory_space<hbm>>) dst(%dma_wait3A_361 : memref<128xi32, #tpu.memory_space<vmem>>)
    %dma_wait3A_363 = arith.constant 14 : i32
    %dma_wait3A_364 = arith.constant 0 : i32
    %dma_wait3A_365 = tpu.memref_slice %arg12[%dma_wait3A_363, %dma_wait3A_364] : memref<16x128xi32, #tpu.memory_space<vmem>> -> memref<1x128xi32, #tpu.memory_space<vmem>>
    %dma_wait3A_366 = tpu.memref_squeeze %dma_wait3A_365 : memref<1x128xi32, #tpu.memory_space<vmem>> -> memref<128xi32, #tpu.memory_space<vmem>>
    %dma_wait3A_367 = tpu.memref_slice %arg3[%add3A_217] : memref<32768xi32, #tpu.memory_space<hbm>> -> memref<128xi32, #tpu.memory_space<hbm>>
    %dma_wait3A_368 = arith.constant 0 : i32
    %dma_wait3A_369 = tpu.memref_slice %arg12[%dma_wait3A_363, %dma_wait3A_368] : memref<16x128xi32, #tpu.memory_space<vmem>> -> memref<1x128xi32, #tpu.memory_space<vmem>>
    %dma_wait3A_370 = tpu.memref_squeeze %dma_wait3A_369 : memref<1x128xi32, #tpu.memory_space<vmem>> -> memref<128xi32, #tpu.memory_space<vmem>>
    %dma_wait3A_371 = tpu.memref_slice %arg3[%add3A_217] : memref<32768xi32, #tpu.memory_space<hbm>> -> memref<128xi32, #tpu.memory_space<hbm>>
    tpu.wait_dma2 semaphore(%arg24 : memref<!tpu.dma_semaphore, #tpu.memory_space<semaphore_mem>>) src(%dma_wait3A_371 : memref<128xi32, #tpu.memory_space<hbm>>) dst(%dma_wait3A_370 : memref<128xi32, #tpu.memory_space<vmem>>)
    %dma_wait3A_372 = arith.constant 15 : i32
    %dma_wait3A_373 = arith.constant 0 : i32
    %dma_wait3A_374 = tpu.memref_slice %arg12[%dma_wait3A_372, %dma_wait3A_373] : memref<16x128xi32, #tpu.memory_space<vmem>> -> memref<1x128xi32, #tpu.memory_space<vmem>>
    %dma_wait3A_375 = tpu.memref_squeeze %dma_wait3A_374 : memref<1x128xi32, #tpu.memory_space<vmem>> -> memref<128xi32, #tpu.memory_space<vmem>>
    %dma_wait3A_376 = tpu.memref_slice %arg3[%add3A_228] : memref<32768xi32, #tpu.memory_space<hbm>> -> memref<128xi32, #tpu.memory_space<hbm>>
    %dma_wait3A_377 = arith.constant 0 : i32
    %dma_wait3A_378 = tpu.memref_slice %arg12[%dma_wait3A_372, %dma_wait3A_377] : memref<16x128xi32, #tpu.memory_space<vmem>> -> memref<1x128xi32, #tpu.memory_space<vmem>>
    %dma_wait3A_379 = tpu.memref_squeeze %dma_wait3A_378 : memref<1x128xi32, #tpu.memory_space<vmem>> -> memref<128xi32, #tpu.memory_space<vmem>>
    %dma_wait3A_380 = tpu.memref_slice %arg3[%add3A_228] : memref<32768xi32, #tpu.memory_space<hbm>> -> memref<128xi32, #tpu.memory_space<hbm>>
    tpu.wait_dma2 semaphore(%arg24 : memref<!tpu.dma_semaphore, #tpu.memory_space<semaphore_mem>>) src(%dma_wait3A_380 : memref<128xi32, #tpu.memory_space<hbm>>) dst(%dma_wait3A_379 : memref<128xi32, #tpu.memory_space<vmem>>)
    %barrier3A = arith.constant 0 : index
    tpu.barrier barrier_id(%barrier3A)
    %dma_start3A_381 = arith.constant 0 : i32
    %dma_start3A_382 = arith.constant 0 : i32
    %dma_start3A_383 = tpu.memref_slice %arg12[%dma_start3A_381, %dma_start3A_382] : memref<16x128xi32, #tpu.memory_space<vmem>> -> memref<1x128xi32, #tpu.memory_space<vmem>>
    %dma_start3A_384 = tpu.memref_squeeze %dma_start3A_383 : memref<1x128xi32, #tpu.memory_space<vmem>> -> memref<128xi32, #tpu.memory_space<vmem>>
    %dma_start3A_385 = arith.constant 0 : i32
    %dma_start3A_386 = tpu.memref_slice %arg17[%dma_start3A_385] : memref<4096xf32, #tpu.memory_space<vmem_shared>> -> memref<4096xf32, #tpu.memory_space<vmem_shared>>
    tpu.enqueue_indirect_dma source(%arg15 : memref<128xf32, #tpu.memory_space<vmem>>) target(%dma_start3A_386 : memref<4096xf32, #tpu.memory_space<vmem_shared>>) offsets(%dma_start3A_384 : memref<128xi32, #tpu.memory_space<vmem>>) semaphore(%arg25 : memref<!tpu.dma_semaphore, #tpu.memory_space<semaphore_mem>>) {add = true}
    %dma_start3A_387 = arith.constant 1 : i32
    %dma_start3A_388 = arith.constant 0 : i32
    %dma_start3A_389 = tpu.memref_slice %arg12[%dma_start3A_387, %dma_start3A_388] : memref<16x128xi32, #tpu.memory_space<vmem>> -> memref<1x128xi32, #tpu.memory_space<vmem>>
    %dma_start3A_390 = tpu.memref_squeeze %dma_start3A_389 : memref<1x128xi32, #tpu.memory_space<vmem>> -> memref<128xi32, #tpu.memory_space<vmem>>
    %dma_start3A_391 = arith.constant 0 : i32
    %dma_start3A_392 = tpu.memref_slice %arg17[%dma_start3A_391] : memref<4096xf32, #tpu.memory_space<vmem_shared>> -> memref<4096xf32, #tpu.memory_space<vmem_shared>>
    tpu.enqueue_indirect_dma source(%arg15 : memref<128xf32, #tpu.memory_space<vmem>>) target(%dma_start3A_392 : memref<4096xf32, #tpu.memory_space<vmem_shared>>) offsets(%dma_start3A_390 : memref<128xi32, #tpu.memory_space<vmem>>) semaphore(%arg25 : memref<!tpu.dma_semaphore, #tpu.memory_space<semaphore_mem>>) {add = true}
    %dma_start3A_393 = arith.constant 2 : i32
    %dma_start3A_394 = arith.constant 0 : i32
    %dma_start3A_395 = tpu.memref_slice %arg12[%dma_start3A_393, %dma_start3A_394] : memref<16x128xi32, #tpu.memory_space<vmem>> -> memref<1x128xi32, #tpu.memory_space<vmem>>
    %dma_start3A_396 = tpu.memref_squeeze %dma_start3A_395 : memref<1x128xi32, #tpu.memory_space<vmem>> -> memref<128xi32, #tpu.memory_space<vmem>>
    %dma_start3A_397 = arith.constant 0 : i32
    %dma_start3A_398 = tpu.memref_slice %arg17[%dma_start3A_397] : memref<4096xf32, #tpu.memory_space<vmem_shared>> -> memref<4096xf32, #tpu.memory_space<vmem_shared>>
    tpu.enqueue_indirect_dma source(%arg15 : memref<128xf32, #tpu.memory_space<vmem>>) target(%dma_start3A_398 : memref<4096xf32, #tpu.memory_space<vmem_shared>>) offsets(%dma_start3A_396 : memref<128xi32, #tpu.memory_space<vmem>>) semaphore(%arg25 : memref<!tpu.dma_semaphore, #tpu.memory_space<semaphore_mem>>) {add = true}
    %dma_start3A_399 = arith.constant 3 : i32
    %dma_start3A_400 = arith.constant 0 : i32
    %dma_start3A_401 = tpu.memref_slice %arg12[%dma_start3A_399, %dma_start3A_400] : memref<16x128xi32, #tpu.memory_space<vmem>> -> memref<1x128xi32, #tpu.memory_space<vmem>>
    %dma_start3A_402 = tpu.memref_squeeze %dma_start3A_401 : memref<1x128xi32, #tpu.memory_space<vmem>> -> memref<128xi32, #tpu.memory_space<vmem>>
    %dma_start3A_403 = arith.constant 0 : i32
    %dma_start3A_404 = tpu.memref_slice %arg17[%dma_start3A_403] : memref<4096xf32, #tpu.memory_space<vmem_shared>> -> memref<4096xf32, #tpu.memory_space<vmem_shared>>
    tpu.enqueue_indirect_dma source(%arg15 : memref<128xf32, #tpu.memory_space<vmem>>) target(%dma_start3A_404 : memref<4096xf32, #tpu.memory_space<vmem_shared>>) offsets(%dma_start3A_402 : memref<128xi32, #tpu.memory_space<vmem>>) semaphore(%arg25 : memref<!tpu.dma_semaphore, #tpu.memory_space<semaphore_mem>>) {add = true}
    %dma_start3A_405 = arith.constant 4 : i32
    %dma_start3A_406 = arith.constant 0 : i32
    %dma_start3A_407 = tpu.memref_slice %arg12[%dma_start3A_405, %dma_start3A_406] : memref<16x128xi32, #tpu.memory_space<vmem>> -> memref<1x128xi32, #tpu.memory_space<vmem>>
    %dma_start3A_408 = tpu.memref_squeeze %dma_start3A_407 : memref<1x128xi32, #tpu.memory_space<vmem>> -> memref<128xi32, #tpu.memory_space<vmem>>
    %dma_start3A_409 = arith.constant 0 : i32
    %dma_start3A_410 = tpu.memref_slice %arg17[%dma_start3A_409] : memref<4096xf32, #tpu.memory_space<vmem_shared>> -> memref<4096xf32, #tpu.memory_space<vmem_shared>>
    tpu.enqueue_indirect_dma source(%arg15 : memref<128xf32, #tpu.memory_space<vmem>>) target(%dma_start3A_410 : memref<4096xf32, #tpu.memory_space<vmem_shared>>) offsets(%dma_start3A_408 : memref<128xi32, #tpu.memory_space<vmem>>) semaphore(%arg25 : memref<!tpu.dma_semaphore, #tpu.memory_space<semaphore_mem>>) {add = true}
    %dma_start3A_411 = arith.constant 5 : i32
    %dma_start3A_412 = arith.constant 0 : i32
    %dma_start3A_413 = tpu.memref_slice %arg12[%dma_start3A_411, %dma_start3A_412] : memref<16x128xi32, #tpu.memory_space<vmem>> -> memref<1x128xi32, #tpu.memory_space<vmem>>
    %dma_start3A_414 = tpu.memref_squeeze %dma_start3A_413 : memref<1x128xi32, #tpu.memory_space<vmem>> -> memref<128xi32, #tpu.memory_space<vmem>>
    %dma_start3A_415 = arith.constant 0 : i32
    %dma_start3A_416 = tpu.memref_slice %arg17[%dma_start3A_415] : memref<4096xf32, #tpu.memory_space<vmem_shared>> -> memref<4096xf32, #tpu.memory_space<vmem_shared>>
    tpu.enqueue_indirect_dma source(%arg15 : memref<128xf32, #tpu.memory_space<vmem>>) target(%dma_start3A_416 : memref<4096xf32, #tpu.memory_space<vmem_shared>>) offsets(%dma_start3A_414 : memref<128xi32, #tpu.memory_space<vmem>>) semaphore(%arg25 : memref<!tpu.dma_semaphore, #tpu.memory_space<semaphore_mem>>) {add = true}
    %dma_start3A_417 = arith.constant 6 : i32
    %dma_start3A_418 = arith.constant 0 : i32
    %dma_start3A_419 = tpu.memref_slice %arg12[%dma_start3A_417, %dma_start3A_418] : memref<16x128xi32, #tpu.memory_space<vmem>> -> memref<1x128xi32, #tpu.memory_space<vmem>>
    %dma_start3A_420 = tpu.memref_squeeze %dma_start3A_419 : memref<1x128xi32, #tpu.memory_space<vmem>> -> memref<128xi32, #tpu.memory_space<vmem>>
    %dma_start3A_421 = arith.constant 0 : i32
    %dma_start3A_422 = tpu.memref_slice %arg17[%dma_start3A_421] : memref<4096xf32, #tpu.memory_space<vmem_shared>> -> memref<4096xf32, #tpu.memory_space<vmem_shared>>
    tpu.enqueue_indirect_dma source(%arg15 : memref<128xf32, #tpu.memory_space<vmem>>) target(%dma_start3A_422 : memref<4096xf32, #tpu.memory_space<vmem_shared>>) offsets(%dma_start3A_420 : memref<128xi32, #tpu.memory_space<vmem>>) semaphore(%arg25 : memref<!tpu.dma_semaphore, #tpu.memory_space<semaphore_mem>>) {add = true}
    %dma_start3A_423 = arith.constant 7 : i32
    %dma_start3A_424 = arith.constant 0 : i32
    %dma_start3A_425 = tpu.memref_slice %arg12[%dma_start3A_423, %dma_start3A_424] : memref<16x128xi32, #tpu.memory_space<vmem>> -> memref<1x128xi32, #tpu.memory_space<vmem>>
    %dma_start3A_426 = tpu.memref_squeeze %dma_start3A_425 : memref<1x128xi32, #tpu.memory_space<vmem>> -> memref<128xi32, #tpu.memory_space<vmem>>
    %dma_start3A_427 = arith.constant 0 : i32
    %dma_start3A_428 = tpu.memref_slice %arg17[%dma_start3A_427] : memref<4096xf32, #tpu.memory_space<vmem_shared>> -> memref<4096xf32, #tpu.memory_space<vmem_shared>>
    tpu.enqueue_indirect_dma source(%arg15 : memref<128xf32, #tpu.memory_space<vmem>>) target(%dma_start3A_428 : memref<4096xf32, #tpu.memory_space<vmem_shared>>) offsets(%dma_start3A_426 : memref<128xi32, #tpu.memory_space<vmem>>) semaphore(%arg25 : memref<!tpu.dma_semaphore, #tpu.memory_space<semaphore_mem>>) {add = true}
    %dma_start3A_429 = arith.constant 8 : i32
    %dma_start3A_430 = arith.constant 0 : i32
    %dma_start3A_431 = tpu.memref_slice %arg12[%dma_start3A_429, %dma_start3A_430] : memref<16x128xi32, #tpu.memory_space<vmem>> -> memref<1x128xi32, #tpu.memory_space<vmem>>
    %dma_start3A_432 = tpu.memref_squeeze %dma_start3A_431 : memref<1x128xi32, #tpu.memory_space<vmem>> -> memref<128xi32, #tpu.memory_space<vmem>>
    %dma_start3A_433 = arith.constant 0 : i32
    %dma_start3A_434 = tpu.memref_slice %arg17[%dma_start3A_433] : memref<4096xf32, #tpu.memory_space<vmem_shared>> -> memref<4096xf32, #tpu.memory_space<vmem_shared>>
    tpu.enqueue_indirect_dma source(%arg15 : memref<128xf32, #tpu.memory_space<vmem>>) target(%dma_start3A_434 : memref<4096xf32, #tpu.memory_space<vmem_shared>>) offsets(%dma_start3A_432 : memref<128xi32, #tpu.memory_space<vmem>>) semaphore(%arg25 : memref<!tpu.dma_semaphore, #tpu.memory_space<semaphore_mem>>) {add = true}
    %dma_start3A_435 = arith.constant 9 : i32
    %dma_start3A_436 = arith.constant 0 : i32
    %dma_start3A_437 = tpu.memref_slice %arg12[%dma_start3A_435, %dma_start3A_436] : memref<16x128xi32, #tpu.memory_space<vmem>> -> memref<1x128xi32, #tpu.memory_space<vmem>>
    %dma_start3A_438 = tpu.memref_squeeze %dma_start3A_437 : memref<1x128xi32, #tpu.memory_space<vmem>> -> memref<128xi32, #tpu.memory_space<vmem>>
    %dma_start3A_439 = arith.constant 0 : i32
    %dma_start3A_440 = tpu.memref_slice %arg17[%dma_start3A_439] : memref<4096xf32, #tpu.memory_space<vmem_shared>> -> memref<4096xf32, #tpu.memory_space<vmem_shared>>
    tpu.enqueue_indirect_dma source(%arg15 : memref<128xf32, #tpu.memory_space<vmem>>) target(%dma_start3A_440 : memref<4096xf32, #tpu.memory_space<vmem_shared>>) offsets(%dma_start3A_438 : memref<128xi32, #tpu.memory_space<vmem>>) semaphore(%arg25 : memref<!tpu.dma_semaphore, #tpu.memory_space<semaphore_mem>>) {add = true}
    %dma_start3A_441 = arith.constant 10 : i32
    %dma_start3A_442 = arith.constant 0 : i32
    %dma_start3A_443 = tpu.memref_slice %arg12[%dma_start3A_441, %dma_start3A_442] : memref<16x128xi32, #tpu.memory_space<vmem>> -> memref<1x128xi32, #tpu.memory_space<vmem>>
    %dma_start3A_444 = tpu.memref_squeeze %dma_start3A_443 : memref<1x128xi32, #tpu.memory_space<vmem>> -> memref<128xi32, #tpu.memory_space<vmem>>
    %dma_start3A_445 = arith.constant 0 : i32
    %dma_start3A_446 = tpu.memref_slice %arg17[%dma_start3A_445] : memref<4096xf32, #tpu.memory_space<vmem_shared>> -> memref<4096xf32, #tpu.memory_space<vmem_shared>>
    tpu.enqueue_indirect_dma source(%arg15 : memref<128xf32, #tpu.memory_space<vmem>>) target(%dma_start3A_446 : memref<4096xf32, #tpu.memory_space<vmem_shared>>) offsets(%dma_start3A_444 : memref<128xi32, #tpu.memory_space<vmem>>) semaphore(%arg25 : memref<!tpu.dma_semaphore, #tpu.memory_space<semaphore_mem>>) {add = true}
    %dma_start3A_447 = arith.constant 11 : i32
    %dma_start3A_448 = arith.constant 0 : i32
    %dma_start3A_449 = tpu.memref_slice %arg12[%dma_start3A_447, %dma_start3A_448] : memref<16x128xi32, #tpu.memory_space<vmem>> -> memref<1x128xi32, #tpu.memory_space<vmem>>
    %dma_start3A_450 = tpu.memref_squeeze %dma_start3A_449 : memref<1x128xi32, #tpu.memory_space<vmem>> -> memref<128xi32, #tpu.memory_space<vmem>>
    %dma_start3A_451 = arith.constant 0 : i32
    %dma_start3A_452 = tpu.memref_slice %arg17[%dma_start3A_451] : memref<4096xf32, #tpu.memory_space<vmem_shared>> -> memref<4096xf32, #tpu.memory_space<vmem_shared>>
    tpu.enqueue_indirect_dma source(%arg15 : memref<128xf32, #tpu.memory_space<vmem>>) target(%dma_start3A_452 : memref<4096xf32, #tpu.memory_space<vmem_shared>>) offsets(%dma_start3A_450 : memref<128xi32, #tpu.memory_space<vmem>>) semaphore(%arg25 : memref<!tpu.dma_semaphore, #tpu.memory_space<semaphore_mem>>) {add = true}
    %dma_start3A_453 = arith.constant 12 : i32
    %dma_start3A_454 = arith.constant 0 : i32
    %dma_start3A_455 = tpu.memref_slice %arg12[%dma_start3A_453, %dma_start3A_454] : memref<16x128xi32, #tpu.memory_space<vmem>> -> memref<1x128xi32, #tpu.memory_space<vmem>>
    %dma_start3A_456 = tpu.memref_squeeze %dma_start3A_455 : memref<1x128xi32, #tpu.memory_space<vmem>> -> memref<128xi32, #tpu.memory_space<vmem>>
    %dma_start3A_457 = arith.constant 0 : i32
    %dma_start3A_458 = tpu.memref_slice %arg17[%dma_start3A_457] : memref<4096xf32, #tpu.memory_space<vmem_shared>> -> memref<4096xf32, #tpu.memory_space<vmem_shared>>
    tpu.enqueue_indirect_dma source(%arg15 : memref<128xf32, #tpu.memory_space<vmem>>) target(%dma_start3A_458 : memref<4096xf32, #tpu.memory_space<vmem_shared>>) offsets(%dma_start3A_456 : memref<128xi32, #tpu.memory_space<vmem>>) semaphore(%arg25 : memref<!tpu.dma_semaphore, #tpu.memory_space<semaphore_mem>>) {add = true}
    %dma_start3A_459 = arith.constant 13 : i32
    %dma_start3A_460 = arith.constant 0 : i32
    %dma_start3A_461 = tpu.memref_slice %arg12[%dma_start3A_459, %dma_start3A_460] : memref<16x128xi32, #tpu.memory_space<vmem>> -> memref<1x128xi32, #tpu.memory_space<vmem>>
    %dma_start3A_462 = tpu.memref_squeeze %dma_start3A_461 : memref<1x128xi32, #tpu.memory_space<vmem>> -> memref<128xi32, #tpu.memory_space<vmem>>
    %dma_start3A_463 = arith.constant 0 : i32
    %dma_start3A_464 = tpu.memref_slice %arg17[%dma_start3A_463] : memref<4096xf32, #tpu.memory_space<vmem_shared>> -> memref<4096xf32, #tpu.memory_space<vmem_shared>>
    tpu.enqueue_indirect_dma source(%arg15 : memref<128xf32, #tpu.memory_space<vmem>>) target(%dma_start3A_464 : memref<4096xf32, #tpu.memory_space<vmem_shared>>) offsets(%dma_start3A_462 : memref<128xi32, #tpu.memory_space<vmem>>) semaphore(%arg25 : memref<!tpu.dma_semaphore, #tpu.memory_space<semaphore_mem>>) {add = true}
    %dma_start3A_465 = arith.constant 14 : i32
    %dma_start3A_466 = arith.constant 0 : i32
    %dma_start3A_467 = tpu.memref_slice %arg12[%dma_start3A_465, %dma_start3A_466] : memref<16x128xi32, #tpu.memory_space<vmem>> -> memref<1x128xi32, #tpu.memory_space<vmem>>
    %dma_start3A_468 = tpu.memref_squeeze %dma_start3A_467 : memref<1x128xi32, #tpu.memory_space<vmem>> -> memref<128xi32, #tpu.memory_space<vmem>>
    %dma_start3A_469 = arith.constant 0 : i32
    %dma_start3A_470 = tpu.memref_slice %arg17[%dma_start3A_469] : memref<4096xf32, #tpu.memory_space<vmem_shared>> -> memref<4096xf32, #tpu.memory_space<vmem_shared>>
    tpu.enqueue_indirect_dma source(%arg15 : memref<128xf32, #tpu.memory_space<vmem>>) target(%dma_start3A_470 : memref<4096xf32, #tpu.memory_space<vmem_shared>>) offsets(%dma_start3A_468 : memref<128xi32, #tpu.memory_space<vmem>>) semaphore(%arg25 : memref<!tpu.dma_semaphore, #tpu.memory_space<semaphore_mem>>) {add = true}
    %dma_start3A_471 = arith.constant 15 : i32
    %dma_start3A_472 = arith.constant 0 : i32
    %dma_start3A_473 = tpu.memref_slice %arg12[%dma_start3A_471, %dma_start3A_472] : memref<16x128xi32, #tpu.memory_space<vmem>> -> memref<1x128xi32, #tpu.memory_space<vmem>>
    %dma_start3A_474 = tpu.memref_squeeze %dma_start3A_473 : memref<1x128xi32, #tpu.memory_space<vmem>> -> memref<128xi32, #tpu.memory_space<vmem>>
    %dma_start3A_475 = arith.constant 0 : i32
    %dma_start3A_476 = tpu.memref_slice %arg17[%dma_start3A_475] : memref<4096xf32, #tpu.memory_space<vmem_shared>> -> memref<4096xf32, #tpu.memory_space<vmem_shared>>
    tpu.enqueue_indirect_dma source(%arg15 : memref<128xf32, #tpu.memory_space<vmem>>) target(%dma_start3A_476 : memref<4096xf32, #tpu.memory_space<vmem_shared>>) offsets(%dma_start3A_474 : memref<128xi32, #tpu.memory_space<vmem>>) semaphore(%arg25 : memref<!tpu.dma_semaphore, #tpu.memory_space<semaphore_mem>>) {add = true}
    %dma_start3A_477 = arith.constant 1 : i32
    %dma_start3A_478 = arith.constant 0 : i32
    %dma_start3A_479 = arith.constant 0 : i32
    %dma_start3A_480 = tpu.memref_slice %arg13[%dma_start3A_477, %dma_start3A_478, %dma_start3A_479] : memref<2x128x128xf32, #tpu.memory_space<vmem>> -> memref<1x128x128xf32, #tpu.memory_space<vmem>>
    %dma_start3A_481 = tpu.memref_squeeze %dma_start3A_480 : memref<1x128x128xf32, #tpu.memory_space<vmem>> -> memref<128x128xf32, #tpu.memory_space<vmem>>
    %dma_start3A_482 = arith.constant 128 : i32
    %dma_start3A_483 = tpu.memref_slice %arg10[%dma_start3A_482] : memref<1024xi32, #tpu.memory_space<vmem>> -> memref<128xi32, #tpu.memory_space<vmem>>
    %dma_start3A_484 = arith.constant 0 : i32
    %dma_start3A_485 = arith.constant 0 : i32
    %dma_start3A_486 = tpu.memref_slice %arg2[%dma_start3A_484, %dma_start3A_485] : memref<4096x128xf32, #tpu.memory_space<hbm>> -> memref<4096x128xf32, #tpu.memory_space<hbm>>
    tpu.enqueue_indirect_dma source(%dma_start3A_486 : memref<4096x128xf32, #tpu.memory_space<hbm>>) target(%dma_start3A_481 : memref<128x128xf32, #tpu.memory_space<vmem>>) offsets(%dma_start3A_483 : memref<128xi32, #tpu.memory_space<vmem>>) semaphore(%arg19 : memref<!tpu.dma_semaphore, #tpu.memory_space<semaphore_mem>>)
    %dma_start3A_487 = arith.constant 1 : i32
    %dma_start3A_488 = arith.constant 0 : i32
    %dma_start3A_489 = arith.constant 0 : i32
    %dma_start3A_490 = tpu.memref_slice %arg14[%dma_start3A_487, %dma_start3A_488, %dma_start3A_489] : memref<2x128x128xf32, #tpu.memory_space<vmem>> -> memref<1x128x128xf32, #tpu.memory_space<vmem>>
    %dma_start3A_491 = tpu.memref_squeeze %dma_start3A_490 : memref<1x128x128xf32, #tpu.memory_space<vmem>> -> memref<128x128xf32, #tpu.memory_space<vmem>>
    %dma_start3A_492 = arith.constant 128 : i32
    %dma_start3A_493 = tpu.memref_slice %arg11[%dma_start3A_492] : memref<1024xi32, #tpu.memory_space<vmem>> -> memref<128xi32, #tpu.memory_space<vmem>>
    %dma_start3A_494 = arith.constant 0 : i32
    %dma_start3A_495 = arith.constant 0 : i32
    %dma_start3A_496 = tpu.memref_slice %arg2[%dma_start3A_494, %dma_start3A_495] : memref<4096x128xf32, #tpu.memory_space<hbm>> -> memref<4096x128xf32, #tpu.memory_space<hbm>>
    tpu.enqueue_indirect_dma source(%dma_start3A_496 : memref<4096x128xf32, #tpu.memory_space<hbm>>) target(%dma_start3A_491 : memref<128x128xf32, #tpu.memory_space<vmem>>) offsets(%dma_start3A_493 : memref<128xi32, #tpu.memory_space<vmem>>) semaphore(%arg21 : memref<!tpu.dma_semaphore, #tpu.memory_space<semaphore_mem>>)
    %dma_wait3A_497 = arith.constant 0 : i32
    %dma_wait3A_498 = arith.constant 0 : i32
    %dma_wait3A_499 = arith.constant 0 : i32
    %dma_wait3A_500 = tpu.memref_slice %arg13[%dma_wait3A_497, %dma_wait3A_498, %dma_wait3A_499] : memref<2x128x128xf32, #tpu.memory_space<vmem>> -> memref<1x128x128xf32, #tpu.memory_space<vmem>>
    %dma_wait3A_501 = tpu.memref_squeeze %dma_wait3A_500 : memref<1x128x128xf32, #tpu.memory_space<vmem>> -> memref<128x128xf32, #tpu.memory_space<vmem>>
    %dma_wait3A_502 = arith.constant 0 : i32
    %dma_wait3A_503 = tpu.memref_slice %arg10[%dma_wait3A_502] : memref<1024xi32, #tpu.memory_space<vmem>> -> memref<128xi32, #tpu.memory_space<vmem>>
    %dma_wait3A_504 = arith.constant 0 : i32
    %dma_wait3A_505 = arith.constant 0 : i32
    %dma_wait3A_506 = tpu.memref_slice %arg2[%dma_wait3A_504, %dma_wait3A_505] : memref<4096x128xf32, #tpu.memory_space<hbm>> -> memref<4096x128xf32, #tpu.memory_space<hbm>>
    tpu.wait_indirect_dma semaphore(%arg18 : memref<!tpu.dma_semaphore, #tpu.memory_space<semaphore_mem>>) src(%dma_wait3A_506 : memref<4096x128xf32, #tpu.memory_space<hbm>>) dst(%dma_wait3A_501 : memref<128x128xf32, #tpu.memory_space<vmem>>)
    %dma_wait3A_507 = arith.constant 0 : i32
    %dma_wait3A_508 = arith.constant 0 : i32
    %dma_wait3A_509 = arith.constant 0 : i32
    %dma_wait3A_510 = tpu.memref_slice %arg14[%dma_wait3A_507, %dma_wait3A_508, %dma_wait3A_509] : memref<2x128x128xf32, #tpu.memory_space<vmem>> -> memref<1x128x128xf32, #tpu.memory_space<vmem>>
    %dma_wait3A_511 = tpu.memref_squeeze %dma_wait3A_510 : memref<1x128x128xf32, #tpu.memory_space<vmem>> -> memref<128x128xf32, #tpu.memory_space<vmem>>
    %dma_wait3A_512 = arith.constant 0 : i32
    %dma_wait3A_513 = tpu.memref_slice %arg11[%dma_wait3A_512] : memref<1024xi32, #tpu.memory_space<vmem>> -> memref<128xi32, #tpu.memory_space<vmem>>
    %dma_wait3A_514 = arith.constant 0 : i32
    %dma_wait3A_515 = arith.constant 0 : i32
    %dma_wait3A_516 = tpu.memref_slice %arg2[%dma_wait3A_514, %dma_wait3A_515] : memref<4096x128xf32, #tpu.memory_space<hbm>> -> memref<4096x128xf32, #tpu.memory_space<hbm>>
    tpu.wait_indirect_dma semaphore(%arg20 : memref<!tpu.dma_semaphore, #tpu.memory_space<semaphore_mem>>) src(%dma_wait3A_516 : memref<4096x128xf32, #tpu.memory_space<hbm>>) dst(%dma_wait3A_511 : memref<128x128xf32, #tpu.memory_space<vmem>>)
    %add3A_517 = arith.constant 0 : i32
    %add3A_518 = arith.addi %mul3A_6, %add3A_517 : i32
    %dma_start3A_519 = arith.constant 0 : i32
    %dma_start3A_520 = arith.constant 0 : i32
    %dma_start3A_521 = arith.constant 0 : i32
    %dma_start3A_522 = tpu.memref_slice %arg13[%dma_start3A_519, %dma_start3A_520, %dma_start3A_521] : memref<2x128x128xf32, #tpu.memory_space<vmem>> -> memref<1x128x128xf32, #tpu.memory_space<vmem>>
    %dma_start3A_523 = tpu.memref_squeeze %dma_start3A_522 : memref<1x128x128xf32, #tpu.memory_space<vmem>> -> memref<128x128xf32, #tpu.memory_space<vmem>>
    %dma_start3A_524 = arith.constant 0 : i32
    %dma_start3A_525 = tpu.memref_slice %arg6[%add3A_518, %dma_start3A_524] : memref<32768x128xf32, #tpu.memory_space<hbm>> -> memref<128x128xf32, #tpu.memory_space<hbm>>
    %dma_start3A_526 = arith.constant 0 : i32
    %dma_start3A_527 = tpu.memref_slice %arg6[%add3A_518, %dma_start3A_526] : memref<32768x128xf32, #tpu.memory_space<hbm>> -> memref<128x128xf32, #tpu.memory_space<hbm>>
    %dma_start3A_528 = arith.constant 0 : i32
    %dma_start3A_529 = arith.constant 0 : i32
    %dma_start3A_530 = tpu.memref_slice %arg13[%dma_start3A_519, %dma_start3A_528, %dma_start3A_529] : memref<2x128x128xf32, #tpu.memory_space<vmem>> -> memref<1x128x128xf32, #tpu.memory_space<vmem>>
    %dma_start3A_531 = tpu.memref_squeeze %dma_start3A_530 : memref<1x128x128xf32, #tpu.memory_space<vmem>> -> memref<128x128xf32, #tpu.memory_space<vmem>>
    tpu.enqueue_dma source(%dma_start3A_531 : memref<128x128xf32, #tpu.memory_space<vmem>>) target(%dma_start3A_527 : memref<128x128xf32, #tpu.memory_space<hbm>>) target_semaphore(%arg22 : memref<!tpu.dma_semaphore, #tpu.memory_space<semaphore_mem>>)
    %dma_start3A_532 = arith.constant 0 : i32
    %dma_start3A_533 = arith.constant 0 : i32
    %dma_start3A_534 = arith.constant 0 : i32
    %dma_start3A_535 = tpu.memref_slice %arg14[%dma_start3A_532, %dma_start3A_533, %dma_start3A_534] : memref<2x128x128xf32, #tpu.memory_space<vmem>> -> memref<1x128x128xf32, #tpu.memory_space<vmem>>
    %dma_start3A_536 = tpu.memref_squeeze %dma_start3A_535 : memref<1x128x128xf32, #tpu.memory_space<vmem>> -> memref<128x128xf32, #tpu.memory_space<vmem>>
    %dma_start3A_537 = arith.constant 0 : i32
    %dma_start3A_538 = tpu.memref_slice %arg7[%add3A_518, %dma_start3A_537] : memref<32768x128xf32, #tpu.memory_space<hbm>> -> memref<128x128xf32, #tpu.memory_space<hbm>>
    %dma_start3A_539 = arith.constant 0 : i32
    %dma_start3A_540 = tpu.memref_slice %arg7[%add3A_518, %dma_start3A_539] : memref<32768x128xf32, #tpu.memory_space<hbm>> -> memref<128x128xf32, #tpu.memory_space<hbm>>
    %dma_start3A_541 = arith.constant 0 : i32
    %dma_start3A_542 = arith.constant 0 : i32
    %dma_start3A_543 = tpu.memref_slice %arg14[%dma_start3A_532, %dma_start3A_541, %dma_start3A_542] : memref<2x128x128xf32, #tpu.memory_space<vmem>> -> memref<1x128x128xf32, #tpu.memory_space<vmem>>
    %dma_start3A_544 = tpu.memref_squeeze %dma_start3A_543 : memref<1x128x128xf32, #tpu.memory_space<vmem>> -> memref<128x128xf32, #tpu.memory_space<vmem>>
    tpu.enqueue_dma source(%dma_start3A_544 : memref<128x128xf32, #tpu.memory_space<vmem>>) target(%dma_start3A_540 : memref<128x128xf32, #tpu.memory_space<hbm>>) target_semaphore(%arg22 : memref<!tpu.dma_semaphore, #tpu.memory_space<semaphore_mem>>)
    %dma_wait3A_545 = arith.constant 0 : i32
    %dma_wait3A_546 = arith.constant 0 : i32
    %dma_wait3A_547 = arith.constant 0 : i32
    %dma_wait3A_548 = tpu.memref_slice %arg13[%dma_wait3A_545, %dma_wait3A_546, %dma_wait3A_547] : memref<2x128x128xf32, #tpu.memory_space<vmem>> -> memref<1x128x128xf32, #tpu.memory_space<vmem>>
    %dma_wait3A_549 = tpu.memref_squeeze %dma_wait3A_548 : memref<1x128x128xf32, #tpu.memory_space<vmem>> -> memref<128x128xf32, #tpu.memory_space<vmem>>
    %dma_wait3A_550 = arith.constant 0 : i32
    %dma_wait3A_551 = tpu.memref_slice %arg6[%add3A_518, %dma_wait3A_550] : memref<32768x128xf32, #tpu.memory_space<hbm>> -> memref<128x128xf32, #tpu.memory_space<hbm>>
    %dma_wait3A_552 = arith.constant 0 : i32
    %dma_wait3A_553 = tpu.memref_slice %arg6[%add3A_518, %dma_wait3A_552] : memref<32768x128xf32, #tpu.memory_space<hbm>> -> memref<128x128xf32, #tpu.memory_space<hbm>>
    %dma_wait3A_554 = arith.constant 0 : i32
    %dma_wait3A_555 = arith.constant 0 : i32
    %dma_wait3A_556 = tpu.memref_slice %arg13[%dma_wait3A_545, %dma_wait3A_554, %dma_wait3A_555] : memref<2x128x128xf32, #tpu.memory_space<vmem>> -> memref<1x128x128xf32, #tpu.memory_space<vmem>>
    %dma_wait3A_557 = tpu.memref_squeeze %dma_wait3A_556 : memref<1x128x128xf32, #tpu.memory_space<vmem>> -> memref<128x128xf32, #tpu.memory_space<vmem>>
    tpu.wait_dma2 semaphore(%arg22 : memref<!tpu.dma_semaphore, #tpu.memory_space<semaphore_mem>>) src(%dma_wait3A_557 : memref<128x128xf32, #tpu.memory_space<vmem>>) dst(%dma_wait3A_553 : memref<128x128xf32, #tpu.memory_space<hbm>>)
    %dma_wait3A_558 = arith.constant 0 : i32
    %dma_wait3A_559 = arith.constant 0 : i32
    %dma_wait3A_560 = arith.constant 0 : i32
    %dma_wait3A_561 = tpu.memref_slice %arg14[%dma_wait3A_558, %dma_wait3A_559, %dma_wait3A_560] : memref<2x128x128xf32, #tpu.memory_space<vmem>> -> memref<1x128x128xf32, #tpu.memory_space<vmem>>
    %dma_wait3A_562 = tpu.memref_squeeze %dma_wait3A_561 : memref<1x128x128xf32, #tpu.memory_space<vmem>> -> memref<128x128xf32, #tpu.memory_space<vmem>>
    %dma_wait3A_563 = arith.constant 0 : i32
    %dma_wait3A_564 = tpu.memref_slice %arg7[%add3A_518, %dma_wait3A_563] : memref<32768x128xf32, #tpu.memory_space<hbm>> -> memref<128x128xf32, #tpu.memory_space<hbm>>
    %dma_wait3A_565 = arith.constant 0 : i32
    %dma_wait3A_566 = tpu.memref_slice %arg7[%add3A_518, %dma_wait3A_565] : memref<32768x128xf32, #tpu.memory_space<hbm>> -> memref<128x128xf32, #tpu.memory_space<hbm>>
    %dma_wait3A_567 = arith.constant 0 : i32
    %dma_wait3A_568 = arith.constant 0 : i32
    %dma_wait3A_569 = tpu.memref_slice %arg14[%dma_wait3A_558, %dma_wait3A_567, %dma_wait3A_568] : memref<2x128x128xf32, #tpu.memory_space<vmem>> -> memref<1x128x128xf32, #tpu.memory_space<vmem>>
    %dma_wait3A_570 = tpu.memref_squeeze %dma_wait3A_569 : memref<1x128x128xf32, #tpu.memory_space<vmem>> -> memref<128x128xf32, #tpu.memory_space<vmem>>
    tpu.wait_dma2 semaphore(%arg22 : memref<!tpu.dma_semaphore, #tpu.memory_space<semaphore_mem>>) src(%dma_wait3A_570 : memref<128x128xf32, #tpu.memory_space<vmem>>) dst(%dma_wait3A_566 : memref<128x128xf32, #tpu.memory_space<hbm>>)
    %dma_start3A_571 = arith.constant 0 : i32
    %dma_start3A_572 = arith.constant 0 : i32
    %dma_start3A_573 = arith.constant 0 : i32
    %dma_start3A_574 = tpu.memref_slice %arg13[%dma_start3A_571, %dma_start3A_572, %dma_start3A_573] : memref<2x128x128xf32, #tpu.memory_space<vmem>> -> memref<1x128x128xf32, #tpu.memory_space<vmem>>
    %dma_start3A_575 = tpu.memref_squeeze %dma_start3A_574 : memref<1x128x128xf32, #tpu.memory_space<vmem>> -> memref<128x128xf32, #tpu.memory_space<vmem>>
    %dma_start3A_576 = arith.constant 256 : i32
    %dma_start3A_577 = tpu.memref_slice %arg10[%dma_start3A_576] : memref<1024xi32, #tpu.memory_space<vmem>> -> memref<128xi32, #tpu.memory_space<vmem>>
    %dma_start3A_578 = arith.constant 0 : i32
    %dma_start3A_579 = arith.constant 0 : i32
    %dma_start3A_580 = tpu.memref_slice %arg2[%dma_start3A_578, %dma_start3A_579] : memref<4096x128xf32, #tpu.memory_space<hbm>> -> memref<4096x128xf32, #tpu.memory_space<hbm>>
    tpu.enqueue_indirect_dma source(%dma_start3A_580 : memref<4096x128xf32, #tpu.memory_space<hbm>>) target(%dma_start3A_575 : memref<128x128xf32, #tpu.memory_space<vmem>>) offsets(%dma_start3A_577 : memref<128xi32, #tpu.memory_space<vmem>>) semaphore(%arg18 : memref<!tpu.dma_semaphore, #tpu.memory_space<semaphore_mem>>)
    %dma_start3A_581 = arith.constant 0 : i32
    %dma_start3A_582 = arith.constant 0 : i32
    %dma_start3A_583 = arith.constant 0 : i32
    %dma_start3A_584 = tpu.memref_slice %arg14[%dma_start3A_581, %dma_start3A_582, %dma_start3A_583] : memref<2x128x128xf32, #tpu.memory_space<vmem>> -> memref<1x128x128xf32, #tpu.memory_space<vmem>>
    %dma_start3A_585 = tpu.memref_squeeze %dma_start3A_584 : memref<1x128x128xf32, #tpu.memory_space<vmem>> -> memref<128x128xf32, #tpu.memory_space<vmem>>
    %dma_start3A_586 = arith.constant 256 : i32
    %dma_start3A_587 = tpu.memref_slice %arg11[%dma_start3A_586] : memref<1024xi32, #tpu.memory_space<vmem>> -> memref<128xi32, #tpu.memory_space<vmem>>
    %dma_start3A_588 = arith.constant 0 : i32
    %dma_start3A_589 = arith.constant 0 : i32
    %dma_start3A_590 = tpu.memref_slice %arg2[%dma_start3A_588, %dma_start3A_589] : memref<4096x128xf32, #tpu.memory_space<hbm>> -> memref<4096x128xf32, #tpu.memory_space<hbm>>
    tpu.enqueue_indirect_dma source(%dma_start3A_590 : memref<4096x128xf32, #tpu.memory_space<hbm>>) target(%dma_start3A_585 : memref<128x128xf32, #tpu.memory_space<vmem>>) offsets(%dma_start3A_587 : memref<128xi32, #tpu.memory_space<vmem>>) semaphore(%arg20 : memref<!tpu.dma_semaphore, #tpu.memory_space<semaphore_mem>>)
    %dma_wait3A_591 = arith.constant 1 : i32
    %dma_wait3A_592 = arith.constant 0 : i32
    %dma_wait3A_593 = arith.constant 0 : i32
    %dma_wait3A_594 = tpu.memref_slice %arg13[%dma_wait3A_591, %dma_wait3A_592, %dma_wait3A_593] : memref<2x128x128xf32, #tpu.memory_space<vmem>> -> memref<1x128x128xf32, #tpu.memory_space<vmem>>
    %dma_wait3A_595 = tpu.memref_squeeze %dma_wait3A_594 : memref<1x128x128xf32, #tpu.memory_space<vmem>> -> memref<128x128xf32, #tpu.memory_space<vmem>>
    %dma_wait3A_596 = arith.constant 128 : i32
    %dma_wait3A_597 = tpu.memref_slice %arg10[%dma_wait3A_596] : memref<1024xi32, #tpu.memory_space<vmem>> -> memref<128xi32, #tpu.memory_space<vmem>>
    %dma_wait3A_598 = arith.constant 0 : i32
    %dma_wait3A_599 = arith.constant 0 : i32
    %dma_wait3A_600 = tpu.memref_slice %arg2[%dma_wait3A_598, %dma_wait3A_599] : memref<4096x128xf32, #tpu.memory_space<hbm>> -> memref<4096x128xf32, #tpu.memory_space<hbm>>
    tpu.wait_indirect_dma semaphore(%arg19 : memref<!tpu.dma_semaphore, #tpu.memory_space<semaphore_mem>>) src(%dma_wait3A_600 : memref<4096x128xf32, #tpu.memory_space<hbm>>) dst(%dma_wait3A_595 : memref<128x128xf32, #tpu.memory_space<vmem>>)
    %dma_wait3A_601 = arith.constant 1 : i32
    %dma_wait3A_602 = arith.constant 0 : i32
    %dma_wait3A_603 = arith.constant 0 : i32
    %dma_wait3A_604 = tpu.memref_slice %arg14[%dma_wait3A_601, %dma_wait3A_602, %dma_wait3A_603] : memref<2x128x128xf32, #tpu.memory_space<vmem>> -> memref<1x128x128xf32, #tpu.memory_space<vmem>>
    %dma_wait3A_605 = tpu.memref_squeeze %dma_wait3A_604 : memref<1x128x128xf32, #tpu.memory_space<vmem>> -> memref<128x128xf32, #tpu.memory_space<vmem>>
    %dma_wait3A_606 = arith.constant 128 : i32
    %dma_wait3A_607 = tpu.memref_slice %arg11[%dma_wait3A_606] : memref<1024xi32, #tpu.memory_space<vmem>> -> memref<128xi32, #tpu.memory_space<vmem>>
    %dma_wait3A_608 = arith.constant 0 : i32
    %dma_wait3A_609 = arith.constant 0 : i32
    %dma_wait3A_610 = tpu.memref_slice %arg2[%dma_wait3A_608, %dma_wait3A_609] : memref<4096x128xf32, #tpu.memory_space<hbm>> -> memref<4096x128xf32, #tpu.memory_space<hbm>>
    tpu.wait_indirect_dma semaphore(%arg21 : memref<!tpu.dma_semaphore, #tpu.memory_space<semaphore_mem>>) src(%dma_wait3A_610 : memref<4096x128xf32, #tpu.memory_space<hbm>>) dst(%dma_wait3A_605 : memref<128x128xf32, #tpu.memory_space<vmem>>)
    %add3A_611 = arith.constant 128 : i32
    %add3A_612 = arith.addi %mul3A_6, %add3A_611 : i32
    %dma_start3A_613 = arith.constant 1 : i32
    %dma_start3A_614 = arith.constant 0 : i32
    %dma_start3A_615 = arith.constant 0 : i32
    %dma_start3A_616 = tpu.memref_slice %arg13[%dma_start3A_613, %dma_start3A_614, %dma_start3A_615] : memref<2x128x128xf32, #tpu.memory_space<vmem>> -> memref<1x128x128xf32, #tpu.memory_space<vmem>>
    %dma_start3A_617 = tpu.memref_squeeze %dma_start3A_616 : memref<1x128x128xf32, #tpu.memory_space<vmem>> -> memref<128x128xf32, #tpu.memory_space<vmem>>
    %dma_start3A_618 = arith.constant 0 : i32
    %dma_start3A_619 = tpu.memref_slice %arg6[%add3A_612, %dma_start3A_618] : memref<32768x128xf32, #tpu.memory_space<hbm>> -> memref<128x128xf32, #tpu.memory_space<hbm>>
    %dma_start3A_620 = arith.constant 0 : i32
    %dma_start3A_621 = tpu.memref_slice %arg6[%add3A_612, %dma_start3A_620] : memref<32768x128xf32, #tpu.memory_space<hbm>> -> memref<128x128xf32, #tpu.memory_space<hbm>>
    %dma_start3A_622 = arith.constant 0 : i32
    %dma_start3A_623 = arith.constant 0 : i32
    %dma_start3A_624 = tpu.memref_slice %arg13[%dma_start3A_613, %dma_start3A_622, %dma_start3A_623] : memref<2x128x128xf32, #tpu.memory_space<vmem>> -> memref<1x128x128xf32, #tpu.memory_space<vmem>>
    %dma_start3A_625 = tpu.memref_squeeze %dma_start3A_624 : memref<1x128x128xf32, #tpu.memory_space<vmem>> -> memref<128x128xf32, #tpu.memory_space<vmem>>
    tpu.enqueue_dma source(%dma_start3A_625 : memref<128x128xf32, #tpu.memory_space<vmem>>) target(%dma_start3A_621 : memref<128x128xf32, #tpu.memory_space<hbm>>) target_semaphore(%arg23 : memref<!tpu.dma_semaphore, #tpu.memory_space<semaphore_mem>>)
    %dma_start3A_626 = arith.constant 1 : i32
    %dma_start3A_627 = arith.constant 0 : i32
    %dma_start3A_628 = arith.constant 0 : i32
    %dma_start3A_629 = tpu.memref_slice %arg14[%dma_start3A_626, %dma_start3A_627, %dma_start3A_628] : memref<2x128x128xf32, #tpu.memory_space<vmem>> -> memref<1x128x128xf32, #tpu.memory_space<vmem>>
    %dma_start3A_630 = tpu.memref_squeeze %dma_start3A_629 : memref<1x128x128xf32, #tpu.memory_space<vmem>> -> memref<128x128xf32, #tpu.memory_space<vmem>>
    %dma_start3A_631 = arith.constant 0 : i32
    %dma_start3A_632 = tpu.memref_slice %arg7[%add3A_612, %dma_start3A_631] : memref<32768x128xf32, #tpu.memory_space<hbm>> -> memref<128x128xf32, #tpu.memory_space<hbm>>
    %dma_start3A_633 = arith.constant 0 : i32
    %dma_start3A_634 = tpu.memref_slice %arg7[%add3A_612, %dma_start3A_633] : memref<32768x128xf32, #tpu.memory_space<hbm>> -> memref<128x128xf32, #tpu.memory_space<hbm>>
    %dma_start3A_635 = arith.constant 0 : i32
    %dma_start3A_636 = arith.constant 0 : i32
    %dma_start3A_637 = tpu.memref_slice %arg14[%dma_start3A_626, %dma_start3A_635, %dma_start3A_636] : memref<2x128x128xf32, #tpu.memory_space<vmem>> -> memref<1x128x128xf32, #tpu.memory_space<vmem>>
    %dma_start3A_638 = tpu.memref_squeeze %dma_start3A_637 : memref<1x128x128xf32, #tpu.memory_space<vmem>> -> memref<128x128xf32, #tpu.memory_space<vmem>>
    tpu.enqueue_dma source(%dma_start3A_638 : memref<128x128xf32, #tpu.memory_space<vmem>>) target(%dma_start3A_634 : memref<128x128xf32, #tpu.memory_space<hbm>>) target_semaphore(%arg23 : memref<!tpu.dma_semaphore, #tpu.memory_space<semaphore_mem>>)
    %dma_wait3A_639 = arith.constant 1 : i32
    %dma_wait3A_640 = arith.constant 0 : i32
    %dma_wait3A_641 = arith.constant 0 : i32
    %dma_wait3A_642 = tpu.memref_slice %arg13[%dma_wait3A_639, %dma_wait3A_640, %dma_wait3A_641] : memref<2x128x128xf32, #tpu.memory_space<vmem>> -> memref<1x128x128xf32, #tpu.memory_space<vmem>>
    %dma_wait3A_643 = tpu.memref_squeeze %dma_wait3A_642 : memref<1x128x128xf32, #tpu.memory_space<vmem>> -> memref<128x128xf32, #tpu.memory_space<vmem>>
    %dma_wait3A_644 = arith.constant 0 : i32
    %dma_wait3A_645 = tpu.memref_slice %arg6[%add3A_612, %dma_wait3A_644] : memref<32768x128xf32, #tpu.memory_space<hbm>> -> memref<128x128xf32, #tpu.memory_space<hbm>>
    %dma_wait3A_646 = arith.constant 0 : i32
    %dma_wait3A_647 = tpu.memref_slice %arg6[%add3A_612, %dma_wait3A_646] : memref<32768x128xf32, #tpu.memory_space<hbm>> -> memref<128x128xf32, #tpu.memory_space<hbm>>
    %dma_wait3A_648 = arith.constant 0 : i32
    %dma_wait3A_649 = arith.constant 0 : i32
    %dma_wait3A_650 = tpu.memref_slice %arg13[%dma_wait3A_639, %dma_wait3A_648, %dma_wait3A_649] : memref<2x128x128xf32, #tpu.memory_space<vmem>> -> memref<1x128x128xf32, #tpu.memory_space<vmem>>
    %dma_wait3A_651 = tpu.memref_squeeze %dma_wait3A_650 : memref<1x128x128xf32, #tpu.memory_space<vmem>> -> memref<128x128xf32, #tpu.memory_space<vmem>>
    tpu.wait_dma2 semaphore(%arg23 : memref<!tpu.dma_semaphore, #tpu.memory_space<semaphore_mem>>) src(%dma_wait3A_651 : memref<128x128xf32, #tpu.memory_space<vmem>>) dst(%dma_wait3A_647 : memref<128x128xf32, #tpu.memory_space<hbm>>)
    %dma_wait3A_652 = arith.constant 1 : i32
    %dma_wait3A_653 = arith.constant 0 : i32
    %dma_wait3A_654 = arith.constant 0 : i32
    %dma_wait3A_655 = tpu.memref_slice %arg14[%dma_wait3A_652, %dma_wait3A_653, %dma_wait3A_654] : memref<2x128x128xf32, #tpu.memory_space<vmem>> -> memref<1x128x128xf32, #tpu.memory_space<vmem>>
    %dma_wait3A_656 = tpu.memref_squeeze %dma_wait3A_655 : memref<1x128x128xf32, #tpu.memory_space<vmem>> -> memref<128x128xf32, #tpu.memory_space<vmem>>
    %dma_wait3A_657 = arith.constant 0 : i32
    %dma_wait3A_658 = tpu.memref_slice %arg7[%add3A_612, %dma_wait3A_657] : memref<32768x128xf32, #tpu.memory_space<hbm>> -> memref<128x128xf32, #tpu.memory_space<hbm>>
    %dma_wait3A_659 = arith.constant 0 : i32
    %dma_wait3A_660 = tpu.memref_slice %arg7[%add3A_612, %dma_wait3A_659] : memref<32768x128xf32, #tpu.memory_space<hbm>> -> memref<128x128xf32, #tpu.memory_space<hbm>>
    %dma_wait3A_661 = arith.constant 0 : i32
    %dma_wait3A_662 = arith.constant 0 : i32
    %dma_wait3A_663 = tpu.memref_slice %arg14[%dma_wait3A_652, %dma_wait3A_661, %dma_wait3A_662] : memref<2x128x128xf32, #tpu.memory_space<vmem>> -> memref<1x128x128xf32, #tpu.memory_space<vmem>>
    %dma_wait3A_664 = tpu.memref_squeeze %dma_wait3A_663 : memref<1x128x128xf32, #tpu.memory_space<vmem>> -> memref<128x128xf32, #tpu.memory_space<vmem>>
    tpu.wait_dma2 semaphore(%arg23 : memref<!tpu.dma_semaphore, #tpu.memory_space<semaphore_mem>>) src(%dma_wait3A_664 : memref<128x128xf32, #tpu.memory_space<vmem>>) dst(%dma_wait3A_660 : memref<128x128xf32, #tpu.memory_space<hbm>>)
    %dma_start3A_665 = arith.constant 1 : i32
    %dma_start3A_666 = arith.constant 0 : i32
    %dma_start3A_667 = arith.constant 0 : i32
    %dma_start3A_668 = tpu.memref_slice %arg13[%dma_start3A_665, %dma_start3A_666, %dma_start3A_667] : memref<2x128x128xf32, #tpu.memory_space<vmem>> -> memref<1x128x128xf32, #tpu.memory_space<vmem>>
    %dma_start3A_669 = tpu.memref_squeeze %dma_start3A_668 : memref<1x128x128xf32, #tpu.memory_space<vmem>> -> memref<128x128xf32, #tpu.memory_space<vmem>>
    %dma_start3A_670 = arith.constant 384 : i32
    %dma_start3A_671 = tpu.memref_slice %arg10[%dma_start3A_670] : memref<1024xi32, #tpu.memory_space<vmem>> -> memref<128xi32, #tpu.memory_space<vmem>>
    %dma_start3A_672 = arith.constant 0 : i32
    %dma_start3A_673 = arith.constant 0 : i32
    %dma_start3A_674 = tpu.memref_slice %arg2[%dma_start3A_672, %dma_start3A_673] : memref<4096x128xf32, #tpu.memory_space<hbm>> -> memref<4096x128xf32, #tpu.memory_space<hbm>>
    tpu.enqueue_indirect_dma source(%dma_start3A_674 : memref<4096x128xf32, #tpu.memory_space<hbm>>) target(%dma_start3A_669 : memref<128x128xf32, #tpu.memory_space<vmem>>) offsets(%dma_start3A_671 : memref<128xi32, #tpu.memory_space<vmem>>) semaphore(%arg19 : memref<!tpu.dma_semaphore, #tpu.memory_space<semaphore_mem>>)
    %dma_start3A_675 = arith.constant 1 : i32
    %dma_start3A_676 = arith.constant 0 : i32
    %dma_start3A_677 = arith.constant 0 : i32
    %dma_start3A_678 = tpu.memref_slice %arg14[%dma_start3A_675, %dma_start3A_676, %dma_start3A_677] : memref<2x128x128xf32, #tpu.memory_space<vmem>> -> memref<1x128x128xf32, #tpu.memory_space<vmem>>
    %dma_start3A_679 = tpu.memref_squeeze %dma_start3A_678 : memref<1x128x128xf32, #tpu.memory_space<vmem>> -> memref<128x128xf32, #tpu.memory_space<vmem>>
    %dma_start3A_680 = arith.constant 384 : i32
    %dma_start3A_681 = tpu.memref_slice %arg11[%dma_start3A_680] : memref<1024xi32, #tpu.memory_space<vmem>> -> memref<128xi32, #tpu.memory_space<vmem>>
    %dma_start3A_682 = arith.constant 0 : i32
    %dma_start3A_683 = arith.constant 0 : i32
    %dma_start3A_684 = tpu.memref_slice %arg2[%dma_start3A_682, %dma_start3A_683] : memref<4096x128xf32, #tpu.memory_space<hbm>> -> memref<4096x128xf32, #tpu.memory_space<hbm>>
    tpu.enqueue_indirect_dma source(%dma_start3A_684 : memref<4096x128xf32, #tpu.memory_space<hbm>>) target(%dma_start3A_679 : memref<128x128xf32, #tpu.memory_space<vmem>>) offsets(%dma_start3A_681 : memref<128xi32, #tpu.memory_space<vmem>>) semaphore(%arg21 : memref<!tpu.dma_semaphore, #tpu.memory_space<semaphore_mem>>)
    %dma_wait3A_685 = arith.constant 0 : i32
    %dma_wait3A_686 = arith.constant 0 : i32
    %dma_wait3A_687 = arith.constant 0 : i32
    %dma_wait3A_688 = tpu.memref_slice %arg13[%dma_wait3A_685, %dma_wait3A_686, %dma_wait3A_687] : memref<2x128x128xf32, #tpu.memory_space<vmem>> -> memref<1x128x128xf32, #tpu.memory_space<vmem>>
    %dma_wait3A_689 = tpu.memref_squeeze %dma_wait3A_688 : memref<1x128x128xf32, #tpu.memory_space<vmem>> -> memref<128x128xf32, #tpu.memory_space<vmem>>
    %dma_wait3A_690 = arith.constant 256 : i32
    %dma_wait3A_691 = tpu.memref_slice %arg10[%dma_wait3A_690] : memref<1024xi32, #tpu.memory_space<vmem>> -> memref<128xi32, #tpu.memory_space<vmem>>
    %dma_wait3A_692 = arith.constant 0 : i32
    %dma_wait3A_693 = arith.constant 0 : i32
    %dma_wait3A_694 = tpu.memref_slice %arg2[%dma_wait3A_692, %dma_wait3A_693] : memref<4096x128xf32, #tpu.memory_space<hbm>> -> memref<4096x128xf32, #tpu.memory_space<hbm>>
    tpu.wait_indirect_dma semaphore(%arg18 : memref<!tpu.dma_semaphore, #tpu.memory_space<semaphore_mem>>) src(%dma_wait3A_694 : memref<4096x128xf32, #tpu.memory_space<hbm>>) dst(%dma_wait3A_689 : memref<128x128xf32, #tpu.memory_space<vmem>>)
    %dma_wait3A_695 = arith.constant 0 : i32
    %dma_wait3A_696 = arith.constant 0 : i32
    %dma_wait3A_697 = arith.constant 0 : i32
    %dma_wait3A_698 = tpu.memref_slice %arg14[%dma_wait3A_695, %dma_wait3A_696, %dma_wait3A_697] : memref<2x128x128xf32, #tpu.memory_space<vmem>> -> memref<1x128x128xf32, #tpu.memory_space<vmem>>
    %dma_wait3A_699 = tpu.memref_squeeze %dma_wait3A_698 : memref<1x128x128xf32, #tpu.memory_space<vmem>> -> memref<128x128xf32, #tpu.memory_space<vmem>>
    %dma_wait3A_700 = arith.constant 256 : i32
    %dma_wait3A_701 = tpu.memref_slice %arg11[%dma_wait3A_700] : memref<1024xi32, #tpu.memory_space<vmem>> -> memref<128xi32, #tpu.memory_space<vmem>>
    %dma_wait3A_702 = arith.constant 0 : i32
    %dma_wait3A_703 = arith.constant 0 : i32
    %dma_wait3A_704 = tpu.memref_slice %arg2[%dma_wait3A_702, %dma_wait3A_703] : memref<4096x128xf32, #tpu.memory_space<hbm>> -> memref<4096x128xf32, #tpu.memory_space<hbm>>
    tpu.wait_indirect_dma semaphore(%arg20 : memref<!tpu.dma_semaphore, #tpu.memory_space<semaphore_mem>>) src(%dma_wait3A_704 : memref<4096x128xf32, #tpu.memory_space<hbm>>) dst(%dma_wait3A_699 : memref<128x128xf32, #tpu.memory_space<vmem>>)
    %add3A_705 = arith.constant 256 : i32
    %add3A_706 = arith.addi %mul3A_6, %add3A_705 : i32
    %dma_start3A_707 = arith.constant 0 : i32
    %dma_start3A_708 = arith.constant 0 : i32
    %dma_start3A_709 = arith.constant 0 : i32
    %dma_start3A_710 = tpu.memref_slice %arg13[%dma_start3A_707, %dma_start3A_708, %dma_start3A_709] : memref<2x128x128xf32, #tpu.memory_space<vmem>> -> memref<1x128x128xf32, #tpu.memory_space<vmem>>
    %dma_start3A_711 = tpu.memref_squeeze %dma_start3A_710 : memref<1x128x128xf32, #tpu.memory_space<vmem>> -> memref<128x128xf32, #tpu.memory_space<vmem>>
    %dma_start3A_712 = arith.constant 0 : i32
    %dma_start3A_713 = tpu.memref_slice %arg6[%add3A_706, %dma_start3A_712] : memref<32768x128xf32, #tpu.memory_space<hbm>> -> memref<128x128xf32, #tpu.memory_space<hbm>>
    %dma_start3A_714 = arith.constant 0 : i32
    %dma_start3A_715 = tpu.memref_slice %arg6[%add3A_706, %dma_start3A_714] : memref<32768x128xf32, #tpu.memory_space<hbm>> -> memref<128x128xf32, #tpu.memory_space<hbm>>
    %dma_start3A_716 = arith.constant 0 : i32
    %dma_start3A_717 = arith.constant 0 : i32
    %dma_start3A_718 = tpu.memref_slice %arg13[%dma_start3A_707, %dma_start3A_716, %dma_start3A_717] : memref<2x128x128xf32, #tpu.memory_space<vmem>> -> memref<1x128x128xf32, #tpu.memory_space<vmem>>
    %dma_start3A_719 = tpu.memref_squeeze %dma_start3A_718 : memref<1x128x128xf32, #tpu.memory_space<vmem>> -> memref<128x128xf32, #tpu.memory_space<vmem>>
    tpu.enqueue_dma source(%dma_start3A_719 : memref<128x128xf32, #tpu.memory_space<vmem>>) target(%dma_start3A_715 : memref<128x128xf32, #tpu.memory_space<hbm>>) target_semaphore(%arg22 : memref<!tpu.dma_semaphore, #tpu.memory_space<semaphore_mem>>)
    %dma_start3A_720 = arith.constant 0 : i32
    %dma_start3A_721 = arith.constant 0 : i32
    %dma_start3A_722 = arith.constant 0 : i32
    %dma_start3A_723 = tpu.memref_slice %arg14[%dma_start3A_720, %dma_start3A_721, %dma_start3A_722] : memref<2x128x128xf32, #tpu.memory_space<vmem>> -> memref<1x128x128xf32, #tpu.memory_space<vmem>>
    %dma_start3A_724 = tpu.memref_squeeze %dma_start3A_723 : memref<1x128x128xf32, #tpu.memory_space<vmem>> -> memref<128x128xf32, #tpu.memory_space<vmem>>
    %dma_start3A_725 = arith.constant 0 : i32
    %dma_start3A_726 = tpu.memref_slice %arg7[%add3A_706, %dma_start3A_725] : memref<32768x128xf32, #tpu.memory_space<hbm>> -> memref<128x128xf32, #tpu.memory_space<hbm>>
    %dma_start3A_727 = arith.constant 0 : i32
    %dma_start3A_728 = tpu.memref_slice %arg7[%add3A_706, %dma_start3A_727] : memref<32768x128xf32, #tpu.memory_space<hbm>> -> memref<128x128xf32, #tpu.memory_space<hbm>>
    %dma_start3A_729 = arith.constant 0 : i32
    %dma_start3A_730 = arith.constant 0 : i32
    %dma_start3A_731 = tpu.memref_slice %arg14[%dma_start3A_720, %dma_start3A_729, %dma_start3A_730] : memref<2x128x128xf32, #tpu.memory_space<vmem>> -> memref<1x128x128xf32, #tpu.memory_space<vmem>>
    %dma_start3A_732 = tpu.memref_squeeze %dma_start3A_731 : memref<1x128x128xf32, #tpu.memory_space<vmem>> -> memref<128x128xf32, #tpu.memory_space<vmem>>
    tpu.enqueue_dma source(%dma_start3A_732 : memref<128x128xf32, #tpu.memory_space<vmem>>) target(%dma_start3A_728 : memref<128x128xf32, #tpu.memory_space<hbm>>) target_semaphore(%arg22 : memref<!tpu.dma_semaphore, #tpu.memory_space<semaphore_mem>>)
    %dma_wait3A_733 = arith.constant 0 : i32
    %dma_wait3A_734 = arith.constant 0 : i32
    %dma_wait3A_735 = arith.constant 0 : i32
    %dma_wait3A_736 = tpu.memref_slice %arg13[%dma_wait3A_733, %dma_wait3A_734, %dma_wait3A_735] : memref<2x128x128xf32, #tpu.memory_space<vmem>> -> memref<1x128x128xf32, #tpu.memory_space<vmem>>
    %dma_wait3A_737 = tpu.memref_squeeze %dma_wait3A_736 : memref<1x128x128xf32, #tpu.memory_space<vmem>> -> memref<128x128xf32, #tpu.memory_space<vmem>>
    %dma_wait3A_738 = arith.constant 0 : i32
    %dma_wait3A_739 = tpu.memref_slice %arg6[%add3A_706, %dma_wait3A_738] : memref<32768x128xf32, #tpu.memory_space<hbm>> -> memref<128x128xf32, #tpu.memory_space<hbm>>
    %dma_wait3A_740 = arith.constant 0 : i32
    %dma_wait3A_741 = tpu.memref_slice %arg6[%add3A_706, %dma_wait3A_740] : memref<32768x128xf32, #tpu.memory_space<hbm>> -> memref<128x128xf32, #tpu.memory_space<hbm>>
    %dma_wait3A_742 = arith.constant 0 : i32
    %dma_wait3A_743 = arith.constant 0 : i32
    %dma_wait3A_744 = tpu.memref_slice %arg13[%dma_wait3A_733, %dma_wait3A_742, %dma_wait3A_743] : memref<2x128x128xf32, #tpu.memory_space<vmem>> -> memref<1x128x128xf32, #tpu.memory_space<vmem>>
    %dma_wait3A_745 = tpu.memref_squeeze %dma_wait3A_744 : memref<1x128x128xf32, #tpu.memory_space<vmem>> -> memref<128x128xf32, #tpu.memory_space<vmem>>
    tpu.wait_dma2 semaphore(%arg22 : memref<!tpu.dma_semaphore, #tpu.memory_space<semaphore_mem>>) src(%dma_wait3A_745 : memref<128x128xf32, #tpu.memory_space<vmem>>) dst(%dma_wait3A_741 : memref<128x128xf32, #tpu.memory_space<hbm>>)
    %dma_wait3A_746 = arith.constant 0 : i32
    %dma_wait3A_747 = arith.constant 0 : i32
    %dma_wait3A_748 = arith.constant 0 : i32
    %dma_wait3A_749 = tpu.memref_slice %arg14[%dma_wait3A_746, %dma_wait3A_747, %dma_wait3A_748] : memref<2x128x128xf32, #tpu.memory_space<vmem>> -> memref<1x128x128xf32, #tpu.memory_space<vmem>>
    %dma_wait3A_750 = tpu.memref_squeeze %dma_wait3A_749 : memref<1x128x128xf32, #tpu.memory_space<vmem>> -> memref<128x128xf32, #tpu.memory_space<vmem>>
    %dma_wait3A_751 = arith.constant 0 : i32
    %dma_wait3A_752 = tpu.memref_slice %arg7[%add3A_706, %dma_wait3A_751] : memref<32768x128xf32, #tpu.memory_space<hbm>> -> memref<128x128xf32, #tpu.memory_space<hbm>>
    %dma_wait3A_753 = arith.constant 0 : i32
    %dma_wait3A_754 = tpu.memref_slice %arg7[%add3A_706, %dma_wait3A_753] : memref<32768x128xf32, #tpu.memory_space<hbm>> -> memref<128x128xf32, #tpu.memory_space<hbm>>
    %dma_wait3A_755 = arith.constant 0 : i32
    %dma_wait3A_756 = arith.constant 0 : i32
    %dma_wait3A_757 = tpu.memref_slice %arg14[%dma_wait3A_746, %dma_wait3A_755, %dma_wait3A_756] : memref<2x128x128xf32, #tpu.memory_space<vmem>> -> memref<1x128x128xf32, #tpu.memory_space<vmem>>
    %dma_wait3A_758 = tpu.memref_squeeze %dma_wait3A_757 : memref<1x128x128xf32, #tpu.memory_space<vmem>> -> memref<128x128xf32, #tpu.memory_space<vmem>>
    tpu.wait_dma2 semaphore(%arg22 : memref<!tpu.dma_semaphore, #tpu.memory_space<semaphore_mem>>) src(%dma_wait3A_758 : memref<128x128xf32, #tpu.memory_space<vmem>>) dst(%dma_wait3A_754 : memref<128x128xf32, #tpu.memory_space<hbm>>)
    %dma_start3A_759 = arith.constant 0 : i32
    %dma_start3A_760 = arith.constant 0 : i32
    %dma_start3A_761 = arith.constant 0 : i32
    %dma_start3A_762 = tpu.memref_slice %arg13[%dma_start3A_759, %dma_start3A_760, %dma_start3A_761] : memref<2x128x128xf32, #tpu.memory_space<vmem>> -> memref<1x128x128xf32, #tpu.memory_space<vmem>>
    %dma_start3A_763 = tpu.memref_squeeze %dma_start3A_762 : memref<1x128x128xf32, #tpu.memory_space<vmem>> -> memref<128x128xf32, #tpu.memory_space<vmem>>
    %dma_start3A_764 = arith.constant 512 : i32
    %dma_start3A_765 = tpu.memref_slice %arg10[%dma_start3A_764] : memref<1024xi32, #tpu.memory_space<vmem>> -> memref<128xi32, #tpu.memory_space<vmem>>
    %dma_start3A_766 = arith.constant 0 : i32
    %dma_start3A_767 = arith.constant 0 : i32
    %dma_start3A_768 = tpu.memref_slice %arg2[%dma_start3A_766, %dma_start3A_767] : memref<4096x128xf32, #tpu.memory_space<hbm>> -> memref<4096x128xf32, #tpu.memory_space<hbm>>
    tpu.enqueue_indirect_dma source(%dma_start3A_768 : memref<4096x128xf32, #tpu.memory_space<hbm>>) target(%dma_start3A_763 : memref<128x128xf32, #tpu.memory_space<vmem>>) offsets(%dma_start3A_765 : memref<128xi32, #tpu.memory_space<vmem>>) semaphore(%arg18 : memref<!tpu.dma_semaphore, #tpu.memory_space<semaphore_mem>>)
    %dma_start3A_769 = arith.constant 0 : i32
    %dma_start3A_770 = arith.constant 0 : i32
    %dma_start3A_771 = arith.constant 0 : i32
    %dma_start3A_772 = tpu.memref_slice %arg14[%dma_start3A_769, %dma_start3A_770, %dma_start3A_771] : memref<2x128x128xf32, #tpu.memory_space<vmem>> -> memref<1x128x128xf32, #tpu.memory_space<vmem>>
    %dma_start3A_773 = tpu.memref_squeeze %dma_start3A_772 : memref<1x128x128xf32, #tpu.memory_space<vmem>> -> memref<128x128xf32, #tpu.memory_space<vmem>>
    %dma_start3A_774 = arith.constant 512 : i32
    %dma_start3A_775 = tpu.memref_slice %arg11[%dma_start3A_774] : memref<1024xi32, #tpu.memory_space<vmem>> -> memref<128xi32, #tpu.memory_space<vmem>>
    %dma_start3A_776 = arith.constant 0 : i32
    %dma_start3A_777 = arith.constant 0 : i32
    %dma_start3A_778 = tpu.memref_slice %arg2[%dma_start3A_776, %dma_start3A_777] : memref<4096x128xf32, #tpu.memory_space<hbm>> -> memref<4096x128xf32, #tpu.memory_space<hbm>>
    tpu.enqueue_indirect_dma source(%dma_start3A_778 : memref<4096x128xf32, #tpu.memory_space<hbm>>) target(%dma_start3A_773 : memref<128x128xf32, #tpu.memory_space<vmem>>) offsets(%dma_start3A_775 : memref<128xi32, #tpu.memory_space<vmem>>) semaphore(%arg20 : memref<!tpu.dma_semaphore, #tpu.memory_space<semaphore_mem>>)
    %dma_wait3A_779 = arith.constant 1 : i32
    %dma_wait3A_780 = arith.constant 0 : i32
    %dma_wait3A_781 = arith.constant 0 : i32
    %dma_wait3A_782 = tpu.memref_slice %arg13[%dma_wait3A_779, %dma_wait3A_780, %dma_wait3A_781] : memref<2x128x128xf32, #tpu.memory_space<vmem>> -> memref<1x128x128xf32, #tpu.memory_space<vmem>>
    %dma_wait3A_783 = tpu.memref_squeeze %dma_wait3A_782 : memref<1x128x128xf32, #tpu.memory_space<vmem>> -> memref<128x128xf32, #tpu.memory_space<vmem>>
    %dma_wait3A_784 = arith.constant 384 : i32
    %dma_wait3A_785 = tpu.memref_slice %arg10[%dma_wait3A_784] : memref<1024xi32, #tpu.memory_space<vmem>> -> memref<128xi32, #tpu.memory_space<vmem>>
    %dma_wait3A_786 = arith.constant 0 : i32
    %dma_wait3A_787 = arith.constant 0 : i32
    %dma_wait3A_788 = tpu.memref_slice %arg2[%dma_wait3A_786, %dma_wait3A_787] : memref<4096x128xf32, #tpu.memory_space<hbm>> -> memref<4096x128xf32, #tpu.memory_space<hbm>>
    tpu.wait_indirect_dma semaphore(%arg19 : memref<!tpu.dma_semaphore, #tpu.memory_space<semaphore_mem>>) src(%dma_wait3A_788 : memref<4096x128xf32, #tpu.memory_space<hbm>>) dst(%dma_wait3A_783 : memref<128x128xf32, #tpu.memory_space<vmem>>)
    %dma_wait3A_789 = arith.constant 1 : i32
    %dma_wait3A_790 = arith.constant 0 : i32
    %dma_wait3A_791 = arith.constant 0 : i32
    %dma_wait3A_792 = tpu.memref_slice %arg14[%dma_wait3A_789, %dma_wait3A_790, %dma_wait3A_791] : memref<2x128x128xf32, #tpu.memory_space<vmem>> -> memref<1x128x128xf32, #tpu.memory_space<vmem>>
    %dma_wait3A_793 = tpu.memref_squeeze %dma_wait3A_792 : memref<1x128x128xf32, #tpu.memory_space<vmem>> -> memref<128x128xf32, #tpu.memory_space<vmem>>
    %dma_wait3A_794 = arith.constant 384 : i32
    %dma_wait3A_795 = tpu.memref_slice %arg11[%dma_wait3A_794] : memref<1024xi32, #tpu.memory_space<vmem>> -> memref<128xi32, #tpu.memory_space<vmem>>
    %dma_wait3A_796 = arith.constant 0 : i32
    %dma_wait3A_797 = arith.constant 0 : i32
    %dma_wait3A_798 = tpu.memref_slice %arg2[%dma_wait3A_796, %dma_wait3A_797] : memref<4096x128xf32, #tpu.memory_space<hbm>> -> memref<4096x128xf32, #tpu.memory_space<hbm>>
    tpu.wait_indirect_dma semaphore(%arg21 : memref<!tpu.dma_semaphore, #tpu.memory_space<semaphore_mem>>) src(%dma_wait3A_798 : memref<4096x128xf32, #tpu.memory_space<hbm>>) dst(%dma_wait3A_793 : memref<128x128xf32, #tpu.memory_space<vmem>>)
    %add3A_799 = arith.constant 384 : i32
    %add3A_800 = arith.addi %mul3A_6, %add3A_799 : i32
    %dma_start3A_801 = arith.constant 1 : i32
    %dma_start3A_802 = arith.constant 0 : i32
    %dma_start3A_803 = arith.constant 0 : i32
    %dma_start3A_804 = tpu.memref_slice %arg13[%dma_start3A_801, %dma_start3A_802, %dma_start3A_803] : memref<2x128x128xf32, #tpu.memory_space<vmem>> -> memref<1x128x128xf32, #tpu.memory_space<vmem>>
    %dma_start3A_805 = tpu.memref_squeeze %dma_start3A_804 : memref<1x128x128xf32, #tpu.memory_space<vmem>> -> memref<128x128xf32, #tpu.memory_space<vmem>>
    %dma_start3A_806 = arith.constant 0 : i32
    %dma_start3A_807 = tpu.memref_slice %arg6[%add3A_800, %dma_start3A_806] : memref<32768x128xf32, #tpu.memory_space<hbm>> -> memref<128x128xf32, #tpu.memory_space<hbm>>
    %dma_start3A_808 = arith.constant 0 : i32
    %dma_start3A_809 = tpu.memref_slice %arg6[%add3A_800, %dma_start3A_808] : memref<32768x128xf32, #tpu.memory_space<hbm>> -> memref<128x128xf32, #tpu.memory_space<hbm>>
    %dma_start3A_810 = arith.constant 0 : i32
    %dma_start3A_811 = arith.constant 0 : i32
    %dma_start3A_812 = tpu.memref_slice %arg13[%dma_start3A_801, %dma_start3A_810, %dma_start3A_811] : memref<2x128x128xf32, #tpu.memory_space<vmem>> -> memref<1x128x128xf32, #tpu.memory_space<vmem>>
    %dma_start3A_813 = tpu.memref_squeeze %dma_start3A_812 : memref<1x128x128xf32, #tpu.memory_space<vmem>> -> memref<128x128xf32, #tpu.memory_space<vmem>>
    tpu.enqueue_dma source(%dma_start3A_813 : memref<128x128xf32, #tpu.memory_space<vmem>>) target(%dma_start3A_809 : memref<128x128xf32, #tpu.memory_space<hbm>>) target_semaphore(%arg23 : memref<!tpu.dma_semaphore, #tpu.memory_space<semaphore_mem>>)
    %dma_start3A_814 = arith.constant 1 : i32
    %dma_start3A_815 = arith.constant 0 : i32
    %dma_start3A_816 = arith.constant 0 : i32
    %dma_start3A_817 = tpu.memref_slice %arg14[%dma_start3A_814, %dma_start3A_815, %dma_start3A_816] : memref<2x128x128xf32, #tpu.memory_space<vmem>> -> memref<1x128x128xf32, #tpu.memory_space<vmem>>
    %dma_start3A_818 = tpu.memref_squeeze %dma_start3A_817 : memref<1x128x128xf32, #tpu.memory_space<vmem>> -> memref<128x128xf32, #tpu.memory_space<vmem>>
    %dma_start3A_819 = arith.constant 0 : i32
    %dma_start3A_820 = tpu.memref_slice %arg7[%add3A_800, %dma_start3A_819] : memref<32768x128xf32, #tpu.memory_space<hbm>> -> memref<128x128xf32, #tpu.memory_space<hbm>>
    %dma_start3A_821 = arith.constant 0 : i32
    %dma_start3A_822 = tpu.memref_slice %arg7[%add3A_800, %dma_start3A_821] : memref<32768x128xf32, #tpu.memory_space<hbm>> -> memref<128x128xf32, #tpu.memory_space<hbm>>
    %dma_start3A_823 = arith.constant 0 : i32
    %dma_start3A_824 = arith.constant 0 : i32
    %dma_start3A_825 = tpu.memref_slice %arg14[%dma_start3A_814, %dma_start3A_823, %dma_start3A_824] : memref<2x128x128xf32, #tpu.memory_space<vmem>> -> memref<1x128x128xf32, #tpu.memory_space<vmem>>
    %dma_start3A_826 = tpu.memref_squeeze %dma_start3A_825 : memref<1x128x128xf32, #tpu.memory_space<vmem>> -> memref<128x128xf32, #tpu.memory_space<vmem>>
    tpu.enqueue_dma source(%dma_start3A_826 : memref<128x128xf32, #tpu.memory_space<vmem>>) target(%dma_start3A_822 : memref<128x128xf32, #tpu.memory_space<hbm>>) target_semaphore(%arg23 : memref<!tpu.dma_semaphore, #tpu.memory_space<semaphore_mem>>)
    %dma_wait3A_827 = arith.constant 1 : i32
    %dma_wait3A_828 = arith.constant 0 : i32
    %dma_wait3A_829 = arith.constant 0 : i32
    %dma_wait3A_830 = tpu.memref_slice %arg13[%dma_wait3A_827, %dma_wait3A_828, %dma_wait3A_829] : memref<2x128x128xf32, #tpu.memory_space<vmem>> -> memref<1x128x128xf32, #tpu.memory_space<vmem>>
    %dma_wait3A_831 = tpu.memref_squeeze %dma_wait3A_830 : memref<1x128x128xf32, #tpu.memory_space<vmem>> -> memref<128x128xf32, #tpu.memory_space<vmem>>
    %dma_wait3A_832 = arith.constant 0 : i32
    %dma_wait3A_833 = tpu.memref_slice %arg6[%add3A_800, %dma_wait3A_832] : memref<32768x128xf32, #tpu.memory_space<hbm>> -> memref<128x128xf32, #tpu.memory_space<hbm>>
    %dma_wait3A_834 = arith.constant 0 : i32
    %dma_wait3A_835 = tpu.memref_slice %arg6[%add3A_800, %dma_wait3A_834] : memref<32768x128xf32, #tpu.memory_space<hbm>> -> memref<128x128xf32, #tpu.memory_space<hbm>>
    %dma_wait3A_836 = arith.constant 0 : i32
    %dma_wait3A_837 = arith.constant 0 : i32
    %dma_wait3A_838 = tpu.memref_slice %arg13[%dma_wait3A_827, %dma_wait3A_836, %dma_wait3A_837] : memref<2x128x128xf32, #tpu.memory_space<vmem>> -> memref<1x128x128xf32, #tpu.memory_space<vmem>>
    %dma_wait3A_839 = tpu.memref_squeeze %dma_wait3A_838 : memref<1x128x128xf32, #tpu.memory_space<vmem>> -> memref<128x128xf32, #tpu.memory_space<vmem>>
    tpu.wait_dma2 semaphore(%arg23 : memref<!tpu.dma_semaphore, #tpu.memory_space<semaphore_mem>>) src(%dma_wait3A_839 : memref<128x128xf32, #tpu.memory_space<vmem>>) dst(%dma_wait3A_835 : memref<128x128xf32, #tpu.memory_space<hbm>>)
    %dma_wait3A_840 = arith.constant 1 : i32
    %dma_wait3A_841 = arith.constant 0 : i32
    %dma_wait3A_842 = arith.constant 0 : i32
    %dma_wait3A_843 = tpu.memref_slice %arg14[%dma_wait3A_840, %dma_wait3A_841, %dma_wait3A_842] : memref<2x128x128xf32, #tpu.memory_space<vmem>> -> memref<1x128x128xf32, #tpu.memory_space<vmem>>
    %dma_wait3A_844 = tpu.memref_squeeze %dma_wait3A_843 : memref<1x128x128xf32, #tpu.memory_space<vmem>> -> memref<128x128xf32, #tpu.memory_space<vmem>>
    %dma_wait3A_845 = arith.constant 0 : i32
    %dma_wait3A_846 = tpu.memref_slice %arg7[%add3A_800, %dma_wait3A_845] : memref<32768x128xf32, #tpu.memory_space<hbm>> -> memref<128x128xf32, #tpu.memory_space<hbm>>
    %dma_wait3A_847 = arith.constant 0 : i32
    %dma_wait3A_848 = tpu.memref_slice %arg7[%add3A_800, %dma_wait3A_847] : memref<32768x128xf32, #tpu.memory_space<hbm>> -> memref<128x128xf32, #tpu.memory_space<hbm>>
    %dma_wait3A_849 = arith.constant 0 : i32
    %dma_wait3A_850 = arith.constant 0 : i32
    %dma_wait3A_851 = tpu.memref_slice %arg14[%dma_wait3A_840, %dma_wait3A_849, %dma_wait3A_850] : memref<2x128x128xf32, #tpu.memory_space<vmem>> -> memref<1x128x128xf32, #tpu.memory_space<vmem>>
    %dma_wait3A_852 = tpu.memref_squeeze %dma_wait3A_851 : memref<1x128x128xf32, #tpu.memory_space<vmem>> -> memref<128x128xf32, #tpu.memory_space<vmem>>
    tpu.wait_dma2 semaphore(%arg23 : memref<!tpu.dma_semaphore, #tpu.memory_space<semaphore_mem>>) src(%dma_wait3A_852 : memref<128x128xf32, #tpu.memory_space<vmem>>) dst(%dma_wait3A_848 : memref<128x128xf32, #tpu.memory_space<hbm>>)
    %dma_start3A_853 = arith.constant 1 : i32
    %dma_start3A_854 = arith.constant 0 : i32
    %dma_start3A_855 = arith.constant 0 : i32
    %dma_start3A_856 = tpu.memref_slice %arg13[%dma_start3A_853, %dma_start3A_854, %dma_start3A_855] : memref<2x128x128xf32, #tpu.memory_space<vmem>> -> memref<1x128x128xf32, #tpu.memory_space<vmem>>
    %dma_start3A_857 = tpu.memref_squeeze %dma_start3A_856 : memref<1x128x128xf32, #tpu.memory_space<vmem>> -> memref<128x128xf32, #tpu.memory_space<vmem>>
    %dma_start3A_858 = arith.constant 640 : i32
    %dma_start3A_859 = tpu.memref_slice %arg10[%dma_start3A_858] : memref<1024xi32, #tpu.memory_space<vmem>> -> memref<128xi32, #tpu.memory_space<vmem>>
    %dma_start3A_860 = arith.constant 0 : i32
    %dma_start3A_861 = arith.constant 0 : i32
    %dma_start3A_862 = tpu.memref_slice %arg2[%dma_start3A_860, %dma_start3A_861] : memref<4096x128xf32, #tpu.memory_space<hbm>> -> memref<4096x128xf32, #tpu.memory_space<hbm>>
    tpu.enqueue_indirect_dma source(%dma_start3A_862 : memref<4096x128xf32, #tpu.memory_space<hbm>>) target(%dma_start3A_857 : memref<128x128xf32, #tpu.memory_space<vmem>>) offsets(%dma_start3A_859 : memref<128xi32, #tpu.memory_space<vmem>>) semaphore(%arg19 : memref<!tpu.dma_semaphore, #tpu.memory_space<semaphore_mem>>)
    %dma_start3A_863 = arith.constant 1 : i32
    %dma_start3A_864 = arith.constant 0 : i32
    %dma_start3A_865 = arith.constant 0 : i32
    %dma_start3A_866 = tpu.memref_slice %arg14[%dma_start3A_863, %dma_start3A_864, %dma_start3A_865] : memref<2x128x128xf32, #tpu.memory_space<vmem>> -> memref<1x128x128xf32, #tpu.memory_space<vmem>>
    %dma_start3A_867 = tpu.memref_squeeze %dma_start3A_866 : memref<1x128x128xf32, #tpu.memory_space<vmem>> -> memref<128x128xf32, #tpu.memory_space<vmem>>
    %dma_start3A_868 = arith.constant 640 : i32
    %dma_start3A_869 = tpu.memref_slice %arg11[%dma_start3A_868] : memref<1024xi32, #tpu.memory_space<vmem>> -> memref<128xi32, #tpu.memory_space<vmem>>
    %dma_start3A_870 = arith.constant 0 : i32
    %dma_start3A_871 = arith.constant 0 : i32
    %dma_start3A_872 = tpu.memref_slice %arg2[%dma_start3A_870, %dma_start3A_871] : memref<4096x128xf32, #tpu.memory_space<hbm>> -> memref<4096x128xf32, #tpu.memory_space<hbm>>
    tpu.enqueue_indirect_dma source(%dma_start3A_872 : memref<4096x128xf32, #tpu.memory_space<hbm>>) target(%dma_start3A_867 : memref<128x128xf32, #tpu.memory_space<vmem>>) offsets(%dma_start3A_869 : memref<128xi32, #tpu.memory_space<vmem>>) semaphore(%arg21 : memref<!tpu.dma_semaphore, #tpu.memory_space<semaphore_mem>>)
    %dma_wait3A_873 = arith.constant 0 : i32
    %dma_wait3A_874 = arith.constant 0 : i32
    %dma_wait3A_875 = arith.constant 0 : i32
    %dma_wait3A_876 = tpu.memref_slice %arg13[%dma_wait3A_873, %dma_wait3A_874, %dma_wait3A_875] : memref<2x128x128xf32, #tpu.memory_space<vmem>> -> memref<1x128x128xf32, #tpu.memory_space<vmem>>
    %dma_wait3A_877 = tpu.memref_squeeze %dma_wait3A_876 : memref<1x128x128xf32, #tpu.memory_space<vmem>> -> memref<128x128xf32, #tpu.memory_space<vmem>>
    %dma_wait3A_878 = arith.constant 512 : i32
    %dma_wait3A_879 = tpu.memref_slice %arg10[%dma_wait3A_878] : memref<1024xi32, #tpu.memory_space<vmem>> -> memref<128xi32, #tpu.memory_space<vmem>>
    %dma_wait3A_880 = arith.constant 0 : i32
    %dma_wait3A_881 = arith.constant 0 : i32
    %dma_wait3A_882 = tpu.memref_slice %arg2[%dma_wait3A_880, %dma_wait3A_881] : memref<4096x128xf32, #tpu.memory_space<hbm>> -> memref<4096x128xf32, #tpu.memory_space<hbm>>
    tpu.wait_indirect_dma semaphore(%arg18 : memref<!tpu.dma_semaphore, #tpu.memory_space<semaphore_mem>>) src(%dma_wait3A_882 : memref<4096x128xf32, #tpu.memory_space<hbm>>) dst(%dma_wait3A_877 : memref<128x128xf32, #tpu.memory_space<vmem>>)
    %dma_wait3A_883 = arith.constant 0 : i32
    %dma_wait3A_884 = arith.constant 0 : i32
    %dma_wait3A_885 = arith.constant 0 : i32
    %dma_wait3A_886 = tpu.memref_slice %arg14[%dma_wait3A_883, %dma_wait3A_884, %dma_wait3A_885] : memref<2x128x128xf32, #tpu.memory_space<vmem>> -> memref<1x128x128xf32, #tpu.memory_space<vmem>>
    %dma_wait3A_887 = tpu.memref_squeeze %dma_wait3A_886 : memref<1x128x128xf32, #tpu.memory_space<vmem>> -> memref<128x128xf32, #tpu.memory_space<vmem>>
    %dma_wait3A_888 = arith.constant 512 : i32
    %dma_wait3A_889 = tpu.memref_slice %arg11[%dma_wait3A_888] : memref<1024xi32, #tpu.memory_space<vmem>> -> memref<128xi32, #tpu.memory_space<vmem>>
    %dma_wait3A_890 = arith.constant 0 : i32
    %dma_wait3A_891 = arith.constant 0 : i32
    %dma_wait3A_892 = tpu.memref_slice %arg2[%dma_wait3A_890, %dma_wait3A_891] : memref<4096x128xf32, #tpu.memory_space<hbm>> -> memref<4096x128xf32, #tpu.memory_space<hbm>>
    tpu.wait_indirect_dma semaphore(%arg20 : memref<!tpu.dma_semaphore, #tpu.memory_space<semaphore_mem>>) src(%dma_wait3A_892 : memref<4096x128xf32, #tpu.memory_space<hbm>>) dst(%dma_wait3A_887 : memref<128x128xf32, #tpu.memory_space<vmem>>)
    %add3A_893 = arith.constant 512 : i32
    %add3A_894 = arith.addi %mul3A_6, %add3A_893 : i32
    %dma_start3A_895 = arith.constant 0 : i32
    %dma_start3A_896 = arith.constant 0 : i32
    %dma_start3A_897 = arith.constant 0 : i32
    %dma_start3A_898 = tpu.memref_slice %arg13[%dma_start3A_895, %dma_start3A_896, %dma_start3A_897] : memref<2x128x128xf32, #tpu.memory_space<vmem>> -> memref<1x128x128xf32, #tpu.memory_space<vmem>>
    %dma_start3A_899 = tpu.memref_squeeze %dma_start3A_898 : memref<1x128x128xf32, #tpu.memory_space<vmem>> -> memref<128x128xf32, #tpu.memory_space<vmem>>
    %dma_start3A_900 = arith.constant 0 : i32
    %dma_start3A_901 = tpu.memref_slice %arg6[%add3A_894, %dma_start3A_900] : memref<32768x128xf32, #tpu.memory_space<hbm>> -> memref<128x128xf32, #tpu.memory_space<hbm>>
    %dma_start3A_902 = arith.constant 0 : i32
    %dma_start3A_903 = tpu.memref_slice %arg6[%add3A_894, %dma_start3A_902] : memref<32768x128xf32, #tpu.memory_space<hbm>> -> memref<128x128xf32, #tpu.memory_space<hbm>>
    %dma_start3A_904 = arith.constant 0 : i32
    %dma_start3A_905 = arith.constant 0 : i32
    %dma_start3A_906 = tpu.memref_slice %arg13[%dma_start3A_895, %dma_start3A_904, %dma_start3A_905] : memref<2x128x128xf32, #tpu.memory_space<vmem>> -> memref<1x128x128xf32, #tpu.memory_space<vmem>>
    %dma_start3A_907 = tpu.memref_squeeze %dma_start3A_906 : memref<1x128x128xf32, #tpu.memory_space<vmem>> -> memref<128x128xf32, #tpu.memory_space<vmem>>
    tpu.enqueue_dma source(%dma_start3A_907 : memref<128x128xf32, #tpu.memory_space<vmem>>) target(%dma_start3A_903 : memref<128x128xf32, #tpu.memory_space<hbm>>) target_semaphore(%arg22 : memref<!tpu.dma_semaphore, #tpu.memory_space<semaphore_mem>>)
    %dma_start3A_908 = arith.constant 0 : i32
    %dma_start3A_909 = arith.constant 0 : i32
    %dma_start3A_910 = arith.constant 0 : i32
    %dma_start3A_911 = tpu.memref_slice %arg14[%dma_start3A_908, %dma_start3A_909, %dma_start3A_910] : memref<2x128x128xf32, #tpu.memory_space<vmem>> -> memref<1x128x128xf32, #tpu.memory_space<vmem>>
    %dma_start3A_912 = tpu.memref_squeeze %dma_start3A_911 : memref<1x128x128xf32, #tpu.memory_space<vmem>> -> memref<128x128xf32, #tpu.memory_space<vmem>>
    %dma_start3A_913 = arith.constant 0 : i32
    %dma_start3A_914 = tpu.memref_slice %arg7[%add3A_894, %dma_start3A_913] : memref<32768x128xf32, #tpu.memory_space<hbm>> -> memref<128x128xf32, #tpu.memory_space<hbm>>
    %dma_start3A_915 = arith.constant 0 : i32
    %dma_start3A_916 = tpu.memref_slice %arg7[%add3A_894, %dma_start3A_915] : memref<32768x128xf32, #tpu.memory_space<hbm>> -> memref<128x128xf32, #tpu.memory_space<hbm>>
    %dma_start3A_917 = arith.constant 0 : i32
    %dma_start3A_918 = arith.constant 0 : i32
    %dma_start3A_919 = tpu.memref_slice %arg14[%dma_start3A_908, %dma_start3A_917, %dma_start3A_918] : memref<2x128x128xf32, #tpu.memory_space<vmem>> -> memref<1x128x128xf32, #tpu.memory_space<vmem>>
    %dma_start3A_920 = tpu.memref_squeeze %dma_start3A_919 : memref<1x128x128xf32, #tpu.memory_space<vmem>> -> memref<128x128xf32, #tpu.memory_space<vmem>>
    tpu.enqueue_dma source(%dma_start3A_920 : memref<128x128xf32, #tpu.memory_space<vmem>>) target(%dma_start3A_916 : memref<128x128xf32, #tpu.memory_space<hbm>>) target_semaphore(%arg22 : memref<!tpu.dma_semaphore, #tpu.memory_space<semaphore_mem>>)
    %dma_wait3A_921 = arith.constant 0 : i32
    %dma_wait3A_922 = arith.constant 0 : i32
    %dma_wait3A_923 = arith.constant 0 : i32
    %dma_wait3A_924 = tpu.memref_slice %arg13[%dma_wait3A_921, %dma_wait3A_922, %dma_wait3A_923] : memref<2x128x128xf32, #tpu.memory_space<vmem>> -> memref<1x128x128xf32, #tpu.memory_space<vmem>>
    %dma_wait3A_925 = tpu.memref_squeeze %dma_wait3A_924 : memref<1x128x128xf32, #tpu.memory_space<vmem>> -> memref<128x128xf32, #tpu.memory_space<vmem>>
    %dma_wait3A_926 = arith.constant 0 : i32
    %dma_wait3A_927 = tpu.memref_slice %arg6[%add3A_894, %dma_wait3A_926] : memref<32768x128xf32, #tpu.memory_space<hbm>> -> memref<128x128xf32, #tpu.memory_space<hbm>>
    %dma_wait3A_928 = arith.constant 0 : i32
    %dma_wait3A_929 = tpu.memref_slice %arg6[%add3A_894, %dma_wait3A_928] : memref<32768x128xf32, #tpu.memory_space<hbm>> -> memref<128x128xf32, #tpu.memory_space<hbm>>
    %dma_wait3A_930 = arith.constant 0 : i32
    %dma_wait3A_931 = arith.constant 0 : i32
    %dma_wait3A_932 = tpu.memref_slice %arg13[%dma_wait3A_921, %dma_wait3A_930, %dma_wait3A_931] : memref<2x128x128xf32, #tpu.memory_space<vmem>> -> memref<1x128x128xf32, #tpu.memory_space<vmem>>
    %dma_wait3A_933 = tpu.memref_squeeze %dma_wait3A_932 : memref<1x128x128xf32, #tpu.memory_space<vmem>> -> memref<128x128xf32, #tpu.memory_space<vmem>>
    tpu.wait_dma2 semaphore(%arg22 : memref<!tpu.dma_semaphore, #tpu.memory_space<semaphore_mem>>) src(%dma_wait3A_933 : memref<128x128xf32, #tpu.memory_space<vmem>>) dst(%dma_wait3A_929 : memref<128x128xf32, #tpu.memory_space<hbm>>)
    %dma_wait3A_934 = arith.constant 0 : i32
    %dma_wait3A_935 = arith.constant 0 : i32
    %dma_wait3A_936 = arith.constant 0 : i32
    %dma_wait3A_937 = tpu.memref_slice %arg14[%dma_wait3A_934, %dma_wait3A_935, %dma_wait3A_936] : memref<2x128x128xf32, #tpu.memory_space<vmem>> -> memref<1x128x128xf32, #tpu.memory_space<vmem>>
    %dma_wait3A_938 = tpu.memref_squeeze %dma_wait3A_937 : memref<1x128x128xf32, #tpu.memory_space<vmem>> -> memref<128x128xf32, #tpu.memory_space<vmem>>
    %dma_wait3A_939 = arith.constant 0 : i32
    %dma_wait3A_940 = tpu.memref_slice %arg7[%add3A_894, %dma_wait3A_939] : memref<32768x128xf32, #tpu.memory_space<hbm>> -> memref<128x128xf32, #tpu.memory_space<hbm>>
    %dma_wait3A_941 = arith.constant 0 : i32
    %dma_wait3A_942 = tpu.memref_slice %arg7[%add3A_894, %dma_wait3A_941] : memref<32768x128xf32, #tpu.memory_space<hbm>> -> memref<128x128xf32, #tpu.memory_space<hbm>>
    %dma_wait3A_943 = arith.constant 0 : i32
    %dma_wait3A_944 = arith.constant 0 : i32
    %dma_wait3A_945 = tpu.memref_slice %arg14[%dma_wait3A_934, %dma_wait3A_943, %dma_wait3A_944] : memref<2x128x128xf32, #tpu.memory_space<vmem>> -> memref<1x128x128xf32, #tpu.memory_space<vmem>>
    %dma_wait3A_946 = tpu.memref_squeeze %dma_wait3A_945 : memref<1x128x128xf32, #tpu.memory_space<vmem>> -> memref<128x128xf32, #tpu.memory_space<vmem>>
    tpu.wait_dma2 semaphore(%arg22 : memref<!tpu.dma_semaphore, #tpu.memory_space<semaphore_mem>>) src(%dma_wait3A_946 : memref<128x128xf32, #tpu.memory_space<vmem>>) dst(%dma_wait3A_942 : memref<128x128xf32, #tpu.memory_space<hbm>>)
    %dma_start3A_947 = arith.constant 0 : i32
    %dma_start3A_948 = arith.constant 0 : i32
    %dma_start3A_949 = arith.constant 0 : i32
    %dma_start3A_950 = tpu.memref_slice %arg13[%dma_start3A_947, %dma_start3A_948, %dma_start3A_949] : memref<2x128x128xf32, #tpu.memory_space<vmem>> -> memref<1x128x128xf32, #tpu.memory_space<vmem>>
    %dma_start3A_951 = tpu.memref_squeeze %dma_start3A_950 : memref<1x128x128xf32, #tpu.memory_space<vmem>> -> memref<128x128xf32, #tpu.memory_space<vmem>>
    %dma_start3A_952 = arith.constant 768 : i32
    %dma_start3A_953 = tpu.memref_slice %arg10[%dma_start3A_952] : memref<1024xi32, #tpu.memory_space<vmem>> -> memref<128xi32, #tpu.memory_space<vmem>>
    %dma_start3A_954 = arith.constant 0 : i32
    %dma_start3A_955 = arith.constant 0 : i32
    %dma_start3A_956 = tpu.memref_slice %arg2[%dma_start3A_954, %dma_start3A_955] : memref<4096x128xf32, #tpu.memory_space<hbm>> -> memref<4096x128xf32, #tpu.memory_space<hbm>>
    tpu.enqueue_indirect_dma source(%dma_start3A_956 : memref<4096x128xf32, #tpu.memory_space<hbm>>) target(%dma_start3A_951 : memref<128x128xf32, #tpu.memory_space<vmem>>) offsets(%dma_start3A_953 : memref<128xi32, #tpu.memory_space<vmem>>) semaphore(%arg18 : memref<!tpu.dma_semaphore, #tpu.memory_space<semaphore_mem>>)
    %dma_start3A_957 = arith.constant 0 : i32
    %dma_start3A_958 = arith.constant 0 : i32
    %dma_start3A_959 = arith.constant 0 : i32
    %dma_start3A_960 = tpu.memref_slice %arg14[%dma_start3A_957, %dma_start3A_958, %dma_start3A_959] : memref<2x128x128xf32, #tpu.memory_space<vmem>> -> memref<1x128x128xf32, #tpu.memory_space<vmem>>
    %dma_start3A_961 = tpu.memref_squeeze %dma_start3A_960 : memref<1x128x128xf32, #tpu.memory_space<vmem>> -> memref<128x128xf32, #tpu.memory_space<vmem>>
    %dma_start3A_962 = arith.constant 768 : i32
    %dma_start3A_963 = tpu.memref_slice %arg11[%dma_start3A_962] : memref<1024xi32, #tpu.memory_space<vmem>> -> memref<128xi32, #tpu.memory_space<vmem>>
    %dma_start3A_964 = arith.constant 0 : i32
    %dma_start3A_965 = arith.constant 0 : i32
    %dma_start3A_966 = tpu.memref_slice %arg2[%dma_start3A_964, %dma_start3A_965] : memref<4096x128xf32, #tpu.memory_space<hbm>> -> memref<4096x128xf32, #tpu.memory_space<hbm>>
    tpu.enqueue_indirect_dma source(%dma_start3A_966 : memref<4096x128xf32, #tpu.memory_space<hbm>>) target(%dma_start3A_961 : memref<128x128xf32, #tpu.memory_space<vmem>>) offsets(%dma_start3A_963 : memref<128xi32, #tpu.memory_space<vmem>>) semaphore(%arg20 : memref<!tpu.dma_semaphore, #tpu.memory_space<semaphore_mem>>)
    %dma_wait3A_967 = arith.constant 1 : i32
    %dma_wait3A_968 = arith.constant 0 : i32
    %dma_wait3A_969 = arith.constant 0 : i32
    %dma_wait3A_970 = tpu.memref_slice %arg13[%dma_wait3A_967, %dma_wait3A_968, %dma_wait3A_969] : memref<2x128x128xf32, #tpu.memory_space<vmem>> -> memref<1x128x128xf32, #tpu.memory_space<vmem>>
    %dma_wait3A_971 = tpu.memref_squeeze %dma_wait3A_970 : memref<1x128x128xf32, #tpu.memory_space<vmem>> -> memref<128x128xf32, #tpu.memory_space<vmem>>
    %dma_wait3A_972 = arith.constant 640 : i32
    %dma_wait3A_973 = tpu.memref_slice %arg10[%dma_wait3A_972] : memref<1024xi32, #tpu.memory_space<vmem>> -> memref<128xi32, #tpu.memory_space<vmem>>
    %dma_wait3A_974 = arith.constant 0 : i32
    %dma_wait3A_975 = arith.constant 0 : i32
    %dma_wait3A_976 = tpu.memref_slice %arg2[%dma_wait3A_974, %dma_wait3A_975] : memref<4096x128xf32, #tpu.memory_space<hbm>> -> memref<4096x128xf32, #tpu.memory_space<hbm>>
    tpu.wait_indirect_dma semaphore(%arg19 : memref<!tpu.dma_semaphore, #tpu.memory_space<semaphore_mem>>) src(%dma_wait3A_976 : memref<4096x128xf32, #tpu.memory_space<hbm>>) dst(%dma_wait3A_971 : memref<128x128xf32, #tpu.memory_space<vmem>>)
    %dma_wait3A_977 = arith.constant 1 : i32
    %dma_wait3A_978 = arith.constant 0 : i32
    %dma_wait3A_979 = arith.constant 0 : i32
    %dma_wait3A_980 = tpu.memref_slice %arg14[%dma_wait3A_977, %dma_wait3A_978, %dma_wait3A_979] : memref<2x128x128xf32, #tpu.memory_space<vmem>> -> memref<1x128x128xf32, #tpu.memory_space<vmem>>
    %dma_wait3A_981 = tpu.memref_squeeze %dma_wait3A_980 : memref<1x128x128xf32, #tpu.memory_space<vmem>> -> memref<128x128xf32, #tpu.memory_space<vmem>>
    %dma_wait3A_982 = arith.constant 640 : i32
    %dma_wait3A_983 = tpu.memref_slice %arg11[%dma_wait3A_982] : memref<1024xi32, #tpu.memory_space<vmem>> -> memref<128xi32, #tpu.memory_space<vmem>>
    %dma_wait3A_984 = arith.constant 0 : i32
    %dma_wait3A_985 = arith.constant 0 : i32
    %dma_wait3A_986 = tpu.memref_slice %arg2[%dma_wait3A_984, %dma_wait3A_985] : memref<4096x128xf32, #tpu.memory_space<hbm>> -> memref<4096x128xf32, #tpu.memory_space<hbm>>
    tpu.wait_indirect_dma semaphore(%arg21 : memref<!tpu.dma_semaphore, #tpu.memory_space<semaphore_mem>>) src(%dma_wait3A_986 : memref<4096x128xf32, #tpu.memory_space<hbm>>) dst(%dma_wait3A_981 : memref<128x128xf32, #tpu.memory_space<vmem>>)
    %add3A_987 = arith.constant 640 : i32
    %add3A_988 = arith.addi %mul3A_6, %add3A_987 : i32
    %dma_start3A_989 = arith.constant 1 : i32
    %dma_start3A_990 = arith.constant 0 : i32
    %dma_start3A_991 = arith.constant 0 : i32
    %dma_start3A_992 = tpu.memref_slice %arg13[%dma_start3A_989, %dma_start3A_990, %dma_start3A_991] : memref<2x128x128xf32, #tpu.memory_space<vmem>> -> memref<1x128x128xf32, #tpu.memory_space<vmem>>
    %dma_start3A_993 = tpu.memref_squeeze %dma_start3A_992 : memref<1x128x128xf32, #tpu.memory_space<vmem>> -> memref<128x128xf32, #tpu.memory_space<vmem>>
    %dma_start3A_994 = arith.constant 0 : i32
    %dma_start3A_995 = tpu.memref_slice %arg6[%add3A_988, %dma_start3A_994] : memref<32768x128xf32, #tpu.memory_space<hbm>> -> memref<128x128xf32, #tpu.memory_space<hbm>>
    %dma_start3A_996 = arith.constant 0 : i32
    %dma_start3A_997 = tpu.memref_slice %arg6[%add3A_988, %dma_start3A_996] : memref<32768x128xf32, #tpu.memory_space<hbm>> -> memref<128x128xf32, #tpu.memory_space<hbm>>
    %dma_start3A_998 = arith.constant 0 : i32
    %dma_start3A_999 = arith.constant 0 : i32
    %dma_start3A_1000 = tpu.memref_slice %arg13[%dma_start3A_989, %dma_start3A_998, %dma_start3A_999] : memref<2x128x128xf32, #tpu.memory_space<vmem>> -> memref<1x128x128xf32, #tpu.memory_space<vmem>>
    %dma_start3A_1001 = tpu.memref_squeeze %dma_start3A_1000 : memref<1x128x128xf32, #tpu.memory_space<vmem>> -> memref<128x128xf32, #tpu.memory_space<vmem>>
    tpu.enqueue_dma source(%dma_start3A_1001 : memref<128x128xf32, #tpu.memory_space<vmem>>) target(%dma_start3A_997 : memref<128x128xf32, #tpu.memory_space<hbm>>) target_semaphore(%arg23 : memref<!tpu.dma_semaphore, #tpu.memory_space<semaphore_mem>>)
    %dma_start3A_1002 = arith.constant 1 : i32
    %dma_start3A_1003 = arith.constant 0 : i32
    %dma_start3A_1004 = arith.constant 0 : i32
    %dma_start3A_1005 = tpu.memref_slice %arg14[%dma_start3A_1002, %dma_start3A_1003, %dma_start3A_1004] : memref<2x128x128xf32, #tpu.memory_space<vmem>> -> memref<1x128x128xf32, #tpu.memory_space<vmem>>
    %dma_start3A_1006 = tpu.memref_squeeze %dma_start3A_1005 : memref<1x128x128xf32, #tpu.memory_space<vmem>> -> memref<128x128xf32, #tpu.memory_space<vmem>>
    %dma_start3A_1007 = arith.constant 0 : i32
    %dma_start3A_1008 = tpu.memref_slice %arg7[%add3A_988, %dma_start3A_1007] : memref<32768x128xf32, #tpu.memory_space<hbm>> -> memref<128x128xf32, #tpu.memory_space<hbm>>
    %dma_start3A_1009 = arith.constant 0 : i32
    %dma_start3A_1010 = tpu.memref_slice %arg7[%add3A_988, %dma_start3A_1009] : memref<32768x128xf32, #tpu.memory_space<hbm>> -> memref<128x128xf32, #tpu.memory_space<hbm>>
    %dma_start3A_1011 = arith.constant 0 : i32
    %dma_start3A_1012 = arith.constant 0 : i32
    %dma_start3A_1013 = tpu.memref_slice %arg14[%dma_start3A_1002, %dma_start3A_1011, %dma_start3A_1012] : memref<2x128x128xf32, #tpu.memory_space<vmem>> -> memref<1x128x128xf32, #tpu.memory_space<vmem>>
    %dma_start3A_1014 = tpu.memref_squeeze %dma_start3A_1013 : memref<1x128x128xf32, #tpu.memory_space<vmem>> -> memref<128x128xf32, #tpu.memory_space<vmem>>
    tpu.enqueue_dma source(%dma_start3A_1014 : memref<128x128xf32, #tpu.memory_space<vmem>>) target(%dma_start3A_1010 : memref<128x128xf32, #tpu.memory_space<hbm>>) target_semaphore(%arg23 : memref<!tpu.dma_semaphore, #tpu.memory_space<semaphore_mem>>)
    %dma_wait3A_1015 = arith.constant 1 : i32
    %dma_wait3A_1016 = arith.constant 0 : i32
    %dma_wait3A_1017 = arith.constant 0 : i32
    %dma_wait3A_1018 = tpu.memref_slice %arg13[%dma_wait3A_1015, %dma_wait3A_1016, %dma_wait3A_1017] : memref<2x128x128xf32, #tpu.memory_space<vmem>> -> memref<1x128x128xf32, #tpu.memory_space<vmem>>
    %dma_wait3A_1019 = tpu.memref_squeeze %dma_wait3A_1018 : memref<1x128x128xf32, #tpu.memory_space<vmem>> -> memref<128x128xf32, #tpu.memory_space<vmem>>
    %dma_wait3A_1020 = arith.constant 0 : i32
    %dma_wait3A_1021 = tpu.memref_slice %arg6[%add3A_988, %dma_wait3A_1020] : memref<32768x128xf32, #tpu.memory_space<hbm>> -> memref<128x128xf32, #tpu.memory_space<hbm>>
    %dma_wait3A_1022 = arith.constant 0 : i32
    %dma_wait3A_1023 = tpu.memref_slice %arg6[%add3A_988, %dma_wait3A_1022] : memref<32768x128xf32, #tpu.memory_space<hbm>> -> memref<128x128xf32, #tpu.memory_space<hbm>>
    %dma_wait3A_1024 = arith.constant 0 : i32
    %dma_wait3A_1025 = arith.constant 0 : i32
    %dma_wait3A_1026 = tpu.memref_slice %arg13[%dma_wait3A_1015, %dma_wait3A_1024, %dma_wait3A_1025] : memref<2x128x128xf32, #tpu.memory_space<vmem>> -> memref<1x128x128xf32, #tpu.memory_space<vmem>>
    %dma_wait3A_1027 = tpu.memref_squeeze %dma_wait3A_1026 : memref<1x128x128xf32, #tpu.memory_space<vmem>> -> memref<128x128xf32, #tpu.memory_space<vmem>>
    tpu.wait_dma2 semaphore(%arg23 : memref<!tpu.dma_semaphore, #tpu.memory_space<semaphore_mem>>) src(%dma_wait3A_1027 : memref<128x128xf32, #tpu.memory_space<vmem>>) dst(%dma_wait3A_1023 : memref<128x128xf32, #tpu.memory_space<hbm>>)
    %dma_wait3A_1028 = arith.constant 1 : i32
    %dma_wait3A_1029 = arith.constant 0 : i32
    %dma_wait3A_1030 = arith.constant 0 : i32
    %dma_wait3A_1031 = tpu.memref_slice %arg14[%dma_wait3A_1028, %dma_wait3A_1029, %dma_wait3A_1030] : memref<2x128x128xf32, #tpu.memory_space<vmem>> -> memref<1x128x128xf32, #tpu.memory_space<vmem>>
    %dma_wait3A_1032 = tpu.memref_squeeze %dma_wait3A_1031 : memref<1x128x128xf32, #tpu.memory_space<vmem>> -> memref<128x128xf32, #tpu.memory_space<vmem>>
    %dma_wait3A_1033 = arith.constant 0 : i32
    %dma_wait3A_1034 = tpu.memref_slice %arg7[%add3A_988, %dma_wait3A_1033] : memref<32768x128xf32, #tpu.memory_space<hbm>> -> memref<128x128xf32, #tpu.memory_space<hbm>>
    %dma_wait3A_1035 = arith.constant 0 : i32
    %dma_wait3A_1036 = tpu.memref_slice %arg7[%add3A_988, %dma_wait3A_1035] : memref<32768x128xf32, #tpu.memory_space<hbm>> -> memref<128x128xf32, #tpu.memory_space<hbm>>
    %dma_wait3A_1037 = arith.constant 0 : i32
    %dma_wait3A_1038 = arith.constant 0 : i32
    %dma_wait3A_1039 = tpu.memref_slice %arg14[%dma_wait3A_1028, %dma_wait3A_1037, %dma_wait3A_1038] : memref<2x128x128xf32, #tpu.memory_space<vmem>> -> memref<1x128x128xf32, #tpu.memory_space<vmem>>
    %dma_wait3A_1040 = tpu.memref_squeeze %dma_wait3A_1039 : memref<1x128x128xf32, #tpu.memory_space<vmem>> -> memref<128x128xf32, #tpu.memory_space<vmem>>
    tpu.wait_dma2 semaphore(%arg23 : memref<!tpu.dma_semaphore, #tpu.memory_space<semaphore_mem>>) src(%dma_wait3A_1040 : memref<128x128xf32, #tpu.memory_space<vmem>>) dst(%dma_wait3A_1036 : memref<128x128xf32, #tpu.memory_space<hbm>>)
    %dma_start3A_1041 = arith.constant 1 : i32
    %dma_start3A_1042 = arith.constant 0 : i32
    %dma_start3A_1043 = arith.constant 0 : i32
    %dma_start3A_1044 = tpu.memref_slice %arg13[%dma_start3A_1041, %dma_start3A_1042, %dma_start3A_1043] : memref<2x128x128xf32, #tpu.memory_space<vmem>> -> memref<1x128x128xf32, #tpu.memory_space<vmem>>
    %dma_start3A_1045 = tpu.memref_squeeze %dma_start3A_1044 : memref<1x128x128xf32, #tpu.memory_space<vmem>> -> memref<128x128xf32, #tpu.memory_space<vmem>>
    %dma_start3A_1046 = arith.constant 896 : i32
    %dma_start3A_1047 = tpu.memref_slice %arg10[%dma_start3A_1046] : memref<1024xi32, #tpu.memory_space<vmem>> -> memref<128xi32, #tpu.memory_space<vmem>>
    %dma_start3A_1048 = arith.constant 0 : i32
    %dma_start3A_1049 = arith.constant 0 : i32
    %dma_start3A_1050 = tpu.memref_slice %arg2[%dma_start3A_1048, %dma_start3A_1049] : memref<4096x128xf32, #tpu.memory_space<hbm>> -> memref<4096x128xf32, #tpu.memory_space<hbm>>
    tpu.enqueue_indirect_dma source(%dma_start3A_1050 : memref<4096x128xf32, #tpu.memory_space<hbm>>) target(%dma_start3A_1045 : memref<128x128xf32, #tpu.memory_space<vmem>>) offsets(%dma_start3A_1047 : memref<128xi32, #tpu.memory_space<vmem>>) semaphore(%arg19 : memref<!tpu.dma_semaphore, #tpu.memory_space<semaphore_mem>>)
    %dma_start3A_1051 = arith.constant 1 : i32
    %dma_start3A_1052 = arith.constant 0 : i32
    %dma_start3A_1053 = arith.constant 0 : i32
    %dma_start3A_1054 = tpu.memref_slice %arg14[%dma_start3A_1051, %dma_start3A_1052, %dma_start3A_1053] : memref<2x128x128xf32, #tpu.memory_space<vmem>> -> memref<1x128x128xf32, #tpu.memory_space<vmem>>
    %dma_start3A_1055 = tpu.memref_squeeze %dma_start3A_1054 : memref<1x128x128xf32, #tpu.memory_space<vmem>> -> memref<128x128xf32, #tpu.memory_space<vmem>>
    %dma_start3A_1056 = arith.constant 896 : i32
    %dma_start3A_1057 = tpu.memref_slice %arg11[%dma_start3A_1056] : memref<1024xi32, #tpu.memory_space<vmem>> -> memref<128xi32, #tpu.memory_space<vmem>>
    %dma_start3A_1058 = arith.constant 0 : i32
    %dma_start3A_1059 = arith.constant 0 : i32
    %dma_start3A_1060 = tpu.memref_slice %arg2[%dma_start3A_1058, %dma_start3A_1059] : memref<4096x128xf32, #tpu.memory_space<hbm>> -> memref<4096x128xf32, #tpu.memory_space<hbm>>
    tpu.enqueue_indirect_dma source(%dma_start3A_1060 : memref<4096x128xf32, #tpu.memory_space<hbm>>) target(%dma_start3A_1055 : memref<128x128xf32, #tpu.memory_space<vmem>>) offsets(%dma_start3A_1057 : memref<128xi32, #tpu.memory_space<vmem>>) semaphore(%arg21 : memref<!tpu.dma_semaphore, #tpu.memory_space<semaphore_mem>>)
    %dma_wait3A_1061 = arith.constant 0 : i32
    %dma_wait3A_1062 = arith.constant 0 : i32
    %dma_wait3A_1063 = arith.constant 0 : i32
    %dma_wait3A_1064 = tpu.memref_slice %arg13[%dma_wait3A_1061, %dma_wait3A_1062, %dma_wait3A_1063] : memref<2x128x128xf32, #tpu.memory_space<vmem>> -> memref<1x128x128xf32, #tpu.memory_space<vmem>>
    %dma_wait3A_1065 = tpu.memref_squeeze %dma_wait3A_1064 : memref<1x128x128xf32, #tpu.memory_space<vmem>> -> memref<128x128xf32, #tpu.memory_space<vmem>>
    %dma_wait3A_1066 = arith.constant 768 : i32
    %dma_wait3A_1067 = tpu.memref_slice %arg10[%dma_wait3A_1066] : memref<1024xi32, #tpu.memory_space<vmem>> -> memref<128xi32, #tpu.memory_space<vmem>>
    %dma_wait3A_1068 = arith.constant 0 : i32
    %dma_wait3A_1069 = arith.constant 0 : i32
    %dma_wait3A_1070 = tpu.memref_slice %arg2[%dma_wait3A_1068, %dma_wait3A_1069] : memref<4096x128xf32, #tpu.memory_space<hbm>> -> memref<4096x128xf32, #tpu.memory_space<hbm>>
    tpu.wait_indirect_dma semaphore(%arg18 : memref<!tpu.dma_semaphore, #tpu.memory_space<semaphore_mem>>) src(%dma_wait3A_1070 : memref<4096x128xf32, #tpu.memory_space<hbm>>) dst(%dma_wait3A_1065 : memref<128x128xf32, #tpu.memory_space<vmem>>)
    %dma_wait3A_1071 = arith.constant 0 : i32
    %dma_wait3A_1072 = arith.constant 0 : i32
    %dma_wait3A_1073 = arith.constant 0 : i32
    %dma_wait3A_1074 = tpu.memref_slice %arg14[%dma_wait3A_1071, %dma_wait3A_1072, %dma_wait3A_1073] : memref<2x128x128xf32, #tpu.memory_space<vmem>> -> memref<1x128x128xf32, #tpu.memory_space<vmem>>
    %dma_wait3A_1075 = tpu.memref_squeeze %dma_wait3A_1074 : memref<1x128x128xf32, #tpu.memory_space<vmem>> -> memref<128x128xf32, #tpu.memory_space<vmem>>
    %dma_wait3A_1076 = arith.constant 768 : i32
    %dma_wait3A_1077 = tpu.memref_slice %arg11[%dma_wait3A_1076] : memref<1024xi32, #tpu.memory_space<vmem>> -> memref<128xi32, #tpu.memory_space<vmem>>
    %dma_wait3A_1078 = arith.constant 0 : i32
    %dma_wait3A_1079 = arith.constant 0 : i32
    %dma_wait3A_1080 = tpu.memref_slice %arg2[%dma_wait3A_1078, %dma_wait3A_1079] : memref<4096x128xf32, #tpu.memory_space<hbm>> -> memref<4096x128xf32, #tpu.memory_space<hbm>>
    tpu.wait_indirect_dma semaphore(%arg20 : memref<!tpu.dma_semaphore, #tpu.memory_space<semaphore_mem>>) src(%dma_wait3A_1080 : memref<4096x128xf32, #tpu.memory_space<hbm>>) dst(%dma_wait3A_1075 : memref<128x128xf32, #tpu.memory_space<vmem>>)
    %add3A_1081 = arith.constant 768 : i32
    %add3A_1082 = arith.addi %mul3A_6, %add3A_1081 : i32
    %dma_start3A_1083 = arith.constant 0 : i32
    %dma_start3A_1084 = arith.constant 0 : i32
    %dma_start3A_1085 = arith.constant 0 : i32
    %dma_start3A_1086 = tpu.memref_slice %arg13[%dma_start3A_1083, %dma_start3A_1084, %dma_start3A_1085] : memref<2x128x128xf32, #tpu.memory_space<vmem>> -> memref<1x128x128xf32, #tpu.memory_space<vmem>>
    %dma_start3A_1087 = tpu.memref_squeeze %dma_start3A_1086 : memref<1x128x128xf32, #tpu.memory_space<vmem>> -> memref<128x128xf32, #tpu.memory_space<vmem>>
    %dma_start3A_1088 = arith.constant 0 : i32
    %dma_start3A_1089 = tpu.memref_slice %arg6[%add3A_1082, %dma_start3A_1088] : memref<32768x128xf32, #tpu.memory_space<hbm>> -> memref<128x128xf32, #tpu.memory_space<hbm>>
    %dma_start3A_1090 = arith.constant 0 : i32
    %dma_start3A_1091 = tpu.memref_slice %arg6[%add3A_1082, %dma_start3A_1090] : memref<32768x128xf32, #tpu.memory_space<hbm>> -> memref<128x128xf32, #tpu.memory_space<hbm>>
    %dma_start3A_1092 = arith.constant 0 : i32
    %dma_start3A_1093 = arith.constant 0 : i32
    %dma_start3A_1094 = tpu.memref_slice %arg13[%dma_start3A_1083, %dma_start3A_1092, %dma_start3A_1093] : memref<2x128x128xf32, #tpu.memory_space<vmem>> -> memref<1x128x128xf32, #tpu.memory_space<vmem>>
    %dma_start3A_1095 = tpu.memref_squeeze %dma_start3A_1094 : memref<1x128x128xf32, #tpu.memory_space<vmem>> -> memref<128x128xf32, #tpu.memory_space<vmem>>
    tpu.enqueue_dma source(%dma_start3A_1095 : memref<128x128xf32, #tpu.memory_space<vmem>>) target(%dma_start3A_1091 : memref<128x128xf32, #tpu.memory_space<hbm>>) target_semaphore(%arg22 : memref<!tpu.dma_semaphore, #tpu.memory_space<semaphore_mem>>)
    %dma_start3A_1096 = arith.constant 0 : i32
    %dma_start3A_1097 = arith.constant 0 : i32
    %dma_start3A_1098 = arith.constant 0 : i32
    %dma_start3A_1099 = tpu.memref_slice %arg14[%dma_start3A_1096, %dma_start3A_1097, %dma_start3A_1098] : memref<2x128x128xf32, #tpu.memory_space<vmem>> -> memref<1x128x128xf32, #tpu.memory_space<vmem>>
    %dma_start3A_1100 = tpu.memref_squeeze %dma_start3A_1099 : memref<1x128x128xf32, #tpu.memory_space<vmem>> -> memref<128x128xf32, #tpu.memory_space<vmem>>
    %dma_start3A_1101 = arith.constant 0 : i32
    %dma_start3A_1102 = tpu.memref_slice %arg7[%add3A_1082, %dma_start3A_1101] : memref<32768x128xf32, #tpu.memory_space<hbm>> -> memref<128x128xf32, #tpu.memory_space<hbm>>
    %dma_start3A_1103 = arith.constant 0 : i32
    %dma_start3A_1104 = tpu.memref_slice %arg7[%add3A_1082, %dma_start3A_1103] : memref<32768x128xf32, #tpu.memory_space<hbm>> -> memref<128x128xf32, #tpu.memory_space<hbm>>
    %dma_start3A_1105 = arith.constant 0 : i32
    %dma_start3A_1106 = arith.constant 0 : i32
    %dma_start3A_1107 = tpu.memref_slice %arg14[%dma_start3A_1096, %dma_start3A_1105, %dma_start3A_1106] : memref<2x128x128xf32, #tpu.memory_space<vmem>> -> memref<1x128x128xf32, #tpu.memory_space<vmem>>
    %dma_start3A_1108 = tpu.memref_squeeze %dma_start3A_1107 : memref<1x128x128xf32, #tpu.memory_space<vmem>> -> memref<128x128xf32, #tpu.memory_space<vmem>>
    tpu.enqueue_dma source(%dma_start3A_1108 : memref<128x128xf32, #tpu.memory_space<vmem>>) target(%dma_start3A_1104 : memref<128x128xf32, #tpu.memory_space<hbm>>) target_semaphore(%arg22 : memref<!tpu.dma_semaphore, #tpu.memory_space<semaphore_mem>>)
    %dma_wait3A_1109 = arith.constant 1 : i32
    %dma_wait3A_1110 = arith.constant 0 : i32
    %dma_wait3A_1111 = arith.constant 0 : i32
    %dma_wait3A_1112 = tpu.memref_slice %arg13[%dma_wait3A_1109, %dma_wait3A_1110, %dma_wait3A_1111] : memref<2x128x128xf32, #tpu.memory_space<vmem>> -> memref<1x128x128xf32, #tpu.memory_space<vmem>>
    %dma_wait3A_1113 = tpu.memref_squeeze %dma_wait3A_1112 : memref<1x128x128xf32, #tpu.memory_space<vmem>> -> memref<128x128xf32, #tpu.memory_space<vmem>>
    %dma_wait3A_1114 = arith.constant 896 : i32
    %dma_wait3A_1115 = tpu.memref_slice %arg10[%dma_wait3A_1114] : memref<1024xi32, #tpu.memory_space<vmem>> -> memref<128xi32, #tpu.memory_space<vmem>>
    %dma_wait3A_1116 = arith.constant 0 : i32
    %dma_wait3A_1117 = arith.constant 0 : i32
    %dma_wait3A_1118 = tpu.memref_slice %arg2[%dma_wait3A_1116, %dma_wait3A_1117] : memref<4096x128xf32, #tpu.memory_space<hbm>> -> memref<4096x128xf32, #tpu.memory_space<hbm>>
    tpu.wait_indirect_dma semaphore(%arg19 : memref<!tpu.dma_semaphore, #tpu.memory_space<semaphore_mem>>) src(%dma_wait3A_1118 : memref<4096x128xf32, #tpu.memory_space<hbm>>) dst(%dma_wait3A_1113 : memref<128x128xf32, #tpu.memory_space<vmem>>)
    %dma_wait3A_1119 = arith.constant 1 : i32
    %dma_wait3A_1120 = arith.constant 0 : i32
    %dma_wait3A_1121 = arith.constant 0 : i32
    %dma_wait3A_1122 = tpu.memref_slice %arg14[%dma_wait3A_1119, %dma_wait3A_1120, %dma_wait3A_1121] : memref<2x128x128xf32, #tpu.memory_space<vmem>> -> memref<1x128x128xf32, #tpu.memory_space<vmem>>
    %dma_wait3A_1123 = tpu.memref_squeeze %dma_wait3A_1122 : memref<1x128x128xf32, #tpu.memory_space<vmem>> -> memref<128x128xf32, #tpu.memory_space<vmem>>
    %dma_wait3A_1124 = arith.constant 896 : i32
    %dma_wait3A_1125 = tpu.memref_slice %arg11[%dma_wait3A_1124] : memref<1024xi32, #tpu.memory_space<vmem>> -> memref<128xi32, #tpu.memory_space<vmem>>
    %dma_wait3A_1126 = arith.constant 0 : i32
    %dma_wait3A_1127 = arith.constant 0 : i32
    %dma_wait3A_1128 = tpu.memref_slice %arg2[%dma_wait3A_1126, %dma_wait3A_1127] : memref<4096x128xf32, #tpu.memory_space<hbm>> -> memref<4096x128xf32, #tpu.memory_space<hbm>>
    tpu.wait_indirect_dma semaphore(%arg21 : memref<!tpu.dma_semaphore, #tpu.memory_space<semaphore_mem>>) src(%dma_wait3A_1128 : memref<4096x128xf32, #tpu.memory_space<hbm>>) dst(%dma_wait3A_1123 : memref<128x128xf32, #tpu.memory_space<vmem>>)
    %add3A_1129 = arith.constant 896 : i32
    %add3A_1130 = arith.addi %mul3A_6, %add3A_1129 : i32
    %dma_start3A_1131 = arith.constant 1 : i32
    %dma_start3A_1132 = arith.constant 0 : i32
    %dma_start3A_1133 = arith.constant 0 : i32
    %dma_start3A_1134 = tpu.memref_slice %arg13[%dma_start3A_1131, %dma_start3A_1132, %dma_start3A_1133] : memref<2x128x128xf32, #tpu.memory_space<vmem>> -> memref<1x128x128xf32, #tpu.memory_space<vmem>>
    %dma_start3A_1135 = tpu.memref_squeeze %dma_start3A_1134 : memref<1x128x128xf32, #tpu.memory_space<vmem>> -> memref<128x128xf32, #tpu.memory_space<vmem>>
    %dma_start3A_1136 = arith.constant 0 : i32
    %dma_start3A_1137 = tpu.memref_slice %arg6[%add3A_1130, %dma_start3A_1136] : memref<32768x128xf32, #tpu.memory_space<hbm>> -> memref<128x128xf32, #tpu.memory_space<hbm>>
    %dma_start3A_1138 = arith.constant 0 : i32
    %dma_start3A_1139 = tpu.memref_slice %arg6[%add3A_1130, %dma_start3A_1138] : memref<32768x128xf32, #tpu.memory_space<hbm>> -> memref<128x128xf32, #tpu.memory_space<hbm>>
    %dma_start3A_1140 = arith.constant 0 : i32
    %dma_start3A_1141 = arith.constant 0 : i32
    %dma_start3A_1142 = tpu.memref_slice %arg13[%dma_start3A_1131, %dma_start3A_1140, %dma_start3A_1141] : memref<2x128x128xf32, #tpu.memory_space<vmem>> -> memref<1x128x128xf32, #tpu.memory_space<vmem>>
    %dma_start3A_1143 = tpu.memref_squeeze %dma_start3A_1142 : memref<1x128x128xf32, #tpu.memory_space<vmem>> -> memref<128x128xf32, #tpu.memory_space<vmem>>
    tpu.enqueue_dma source(%dma_start3A_1143 : memref<128x128xf32, #tpu.memory_space<vmem>>) target(%dma_start3A_1139 : memref<128x128xf32, #tpu.memory_space<hbm>>) target_semaphore(%arg23 : memref<!tpu.dma_semaphore, #tpu.memory_space<semaphore_mem>>)
    %dma_start3A_1144 = arith.constant 1 : i32
    %dma_start3A_1145 = arith.constant 0 : i32
    %dma_start3A_1146 = arith.constant 0 : i32
    %dma_start3A_1147 = tpu.memref_slice %arg14[%dma_start3A_1144, %dma_start3A_1145, %dma_start3A_1146] : memref<2x128x128xf32, #tpu.memory_space<vmem>> -> memref<1x128x128xf32, #tpu.memory_space<vmem>>
    %dma_start3A_1148 = tpu.memref_squeeze %dma_start3A_1147 : memref<1x128x128xf32, #tpu.memory_space<vmem>> -> memref<128x128xf32, #tpu.memory_space<vmem>>
    %dma_start3A_1149 = arith.constant 0 : i32
    %dma_start3A_1150 = tpu.memref_slice %arg7[%add3A_1130, %dma_start3A_1149] : memref<32768x128xf32, #tpu.memory_space<hbm>> -> memref<128x128xf32, #tpu.memory_space<hbm>>
    %dma_start3A_1151 = arith.constant 0 : i32
    %dma_start3A_1152 = tpu.memref_slice %arg7[%add3A_1130, %dma_start3A_1151] : memref<32768x128xf32, #tpu.memory_space<hbm>> -> memref<128x128xf32, #tpu.memory_space<hbm>>
    %dma_start3A_1153 = arith.constant 0 : i32
    %dma_start3A_1154 = arith.constant 0 : i32
    %dma_start3A_1155 = tpu.memref_slice %arg14[%dma_start3A_1144, %dma_start3A_1153, %dma_start3A_1154] : memref<2x128x128xf32, #tpu.memory_space<vmem>> -> memref<1x128x128xf32, #tpu.memory_space<vmem>>
    %dma_start3A_1156 = tpu.memref_squeeze %dma_start3A_1155 : memref<1x128x128xf32, #tpu.memory_space<vmem>> -> memref<128x128xf32, #tpu.memory_space<vmem>>
    tpu.enqueue_dma source(%dma_start3A_1156 : memref<128x128xf32, #tpu.memory_space<vmem>>) target(%dma_start3A_1152 : memref<128x128xf32, #tpu.memory_space<hbm>>) target_semaphore(%arg23 : memref<!tpu.dma_semaphore, #tpu.memory_space<semaphore_mem>>)
    %dma_wait3A_1157 = arith.constant 0 : i32
    %dma_wait3A_1158 = arith.constant 0 : i32
    %dma_wait3A_1159 = arith.constant 0 : i32
    %dma_wait3A_1160 = tpu.memref_slice %arg13[%dma_wait3A_1157, %dma_wait3A_1158, %dma_wait3A_1159] : memref<2x128x128xf32, #tpu.memory_space<vmem>> -> memref<1x128x128xf32, #tpu.memory_space<vmem>>
    %dma_wait3A_1161 = tpu.memref_squeeze %dma_wait3A_1160 : memref<1x128x128xf32, #tpu.memory_space<vmem>> -> memref<128x128xf32, #tpu.memory_space<vmem>>
    %dma_wait3A_1162 = arith.constant 0 : i32
    %dma_wait3A_1163 = tpu.memref_slice %arg6[%add3A_1082, %dma_wait3A_1162] : memref<32768x128xf32, #tpu.memory_space<hbm>> -> memref<128x128xf32, #tpu.memory_space<hbm>>
    %dma_wait3A_1164 = arith.constant 0 : i32
    %dma_wait3A_1165 = tpu.memref_slice %arg6[%add3A_1082, %dma_wait3A_1164] : memref<32768x128xf32, #tpu.memory_space<hbm>> -> memref<128x128xf32, #tpu.memory_space<hbm>>
    %dma_wait3A_1166 = arith.constant 0 : i32
    %dma_wait3A_1167 = arith.constant 0 : i32
    %dma_wait3A_1168 = tpu.memref_slice %arg13[%dma_wait3A_1157, %dma_wait3A_1166, %dma_wait3A_1167] : memref<2x128x128xf32, #tpu.memory_space<vmem>> -> memref<1x128x128xf32, #tpu.memory_space<vmem>>
    %dma_wait3A_1169 = tpu.memref_squeeze %dma_wait3A_1168 : memref<1x128x128xf32, #tpu.memory_space<vmem>> -> memref<128x128xf32, #tpu.memory_space<vmem>>
    tpu.wait_dma2 semaphore(%arg22 : memref<!tpu.dma_semaphore, #tpu.memory_space<semaphore_mem>>) src(%dma_wait3A_1169 : memref<128x128xf32, #tpu.memory_space<vmem>>) dst(%dma_wait3A_1165 : memref<128x128xf32, #tpu.memory_space<hbm>>)
    %dma_wait3A_1170 = arith.constant 0 : i32
    %dma_wait3A_1171 = arith.constant 0 : i32
    %dma_wait3A_1172 = arith.constant 0 : i32
    %dma_wait3A_1173 = tpu.memref_slice %arg14[%dma_wait3A_1170, %dma_wait3A_1171, %dma_wait3A_1172] : memref<2x128x128xf32, #tpu.memory_space<vmem>> -> memref<1x128x128xf32, #tpu.memory_space<vmem>>
    %dma_wait3A_1174 = tpu.memref_squeeze %dma_wait3A_1173 : memref<1x128x128xf32, #tpu.memory_space<vmem>> -> memref<128x128xf32, #tpu.memory_space<vmem>>
    %dma_wait3A_1175 = arith.constant 0 : i32
    %dma_wait3A_1176 = tpu.memref_slice %arg7[%add3A_1082, %dma_wait3A_1175] : memref<32768x128xf32, #tpu.memory_space<hbm>> -> memref<128x128xf32, #tpu.memory_space<hbm>>
    %dma_wait3A_1177 = arith.constant 0 : i32
    %dma_wait3A_1178 = tpu.memref_slice %arg7[%add3A_1082, %dma_wait3A_1177] : memref<32768x128xf32, #tpu.memory_space<hbm>> -> memref<128x128xf32, #tpu.memory_space<hbm>>
    %dma_wait3A_1179 = arith.constant 0 : i32
    %dma_wait3A_1180 = arith.constant 0 : i32
    %dma_wait3A_1181 = tpu.memref_slice %arg14[%dma_wait3A_1170, %dma_wait3A_1179, %dma_wait3A_1180] : memref<2x128x128xf32, #tpu.memory_space<vmem>> -> memref<1x128x128xf32, #tpu.memory_space<vmem>>
    %dma_wait3A_1182 = tpu.memref_squeeze %dma_wait3A_1181 : memref<1x128x128xf32, #tpu.memory_space<vmem>> -> memref<128x128xf32, #tpu.memory_space<vmem>>
    tpu.wait_dma2 semaphore(%arg22 : memref<!tpu.dma_semaphore, #tpu.memory_space<semaphore_mem>>) src(%dma_wait3A_1182 : memref<128x128xf32, #tpu.memory_space<vmem>>) dst(%dma_wait3A_1178 : memref<128x128xf32, #tpu.memory_space<hbm>>)
    %dma_wait3A_1183 = arith.constant 1 : i32
    %dma_wait3A_1184 = arith.constant 0 : i32
    %dma_wait3A_1185 = arith.constant 0 : i32
    %dma_wait3A_1186 = tpu.memref_slice %arg13[%dma_wait3A_1183, %dma_wait3A_1184, %dma_wait3A_1185] : memref<2x128x128xf32, #tpu.memory_space<vmem>> -> memref<1x128x128xf32, #tpu.memory_space<vmem>>
    %dma_wait3A_1187 = tpu.memref_squeeze %dma_wait3A_1186 : memref<1x128x128xf32, #tpu.memory_space<vmem>> -> memref<128x128xf32, #tpu.memory_space<vmem>>
    %dma_wait3A_1188 = arith.constant 0 : i32
    %dma_wait3A_1189 = tpu.memref_slice %arg6[%add3A_1130, %dma_wait3A_1188] : memref<32768x128xf32, #tpu.memory_space<hbm>> -> memref<128x128xf32, #tpu.memory_space<hbm>>
    %dma_wait3A_1190 = arith.constant 0 : i32
    %dma_wait3A_1191 = tpu.memref_slice %arg6[%add3A_1130, %dma_wait3A_1190] : memref<32768x128xf32, #tpu.memory_space<hbm>> -> memref<128x128xf32, #tpu.memory_space<hbm>>
    %dma_wait3A_1192 = arith.constant 0 : i32
    %dma_wait3A_1193 = arith.constant 0 : i32
    %dma_wait3A_1194 = tpu.memref_slice %arg13[%dma_wait3A_1183, %dma_wait3A_1192, %dma_wait3A_1193] : memref<2x128x128xf32, #tpu.memory_space<vmem>> -> memref<1x128x128xf32, #tpu.memory_space<vmem>>
    %dma_wait3A_1195 = tpu.memref_squeeze %dma_wait3A_1194 : memref<1x128x128xf32, #tpu.memory_space<vmem>> -> memref<128x128xf32, #tpu.memory_space<vmem>>
    tpu.wait_dma2 semaphore(%arg23 : memref<!tpu.dma_semaphore, #tpu.memory_space<semaphore_mem>>) src(%dma_wait3A_1195 : memref<128x128xf32, #tpu.memory_space<vmem>>) dst(%dma_wait3A_1191 : memref<128x128xf32, #tpu.memory_space<hbm>>)
    %dma_wait3A_1196 = arith.constant 1 : i32
    %dma_wait3A_1197 = arith.constant 0 : i32
    %dma_wait3A_1198 = arith.constant 0 : i32
    %dma_wait3A_1199 = tpu.memref_slice %arg14[%dma_wait3A_1196, %dma_wait3A_1197, %dma_wait3A_1198] : memref<2x128x128xf32, #tpu.memory_space<vmem>> -> memref<1x128x128xf32, #tpu.memory_space<vmem>>
    %dma_wait3A_1200 = tpu.memref_squeeze %dma_wait3A_1199 : memref<1x128x128xf32, #tpu.memory_space<vmem>> -> memref<128x128xf32, #tpu.memory_space<vmem>>
    %dma_wait3A_1201 = arith.constant 0 : i32
    %dma_wait3A_1202 = tpu.memref_slice %arg7[%add3A_1130, %dma_wait3A_1201] : memref<32768x128xf32, #tpu.memory_space<hbm>> -> memref<128x128xf32, #tpu.memory_space<hbm>>
    %dma_wait3A_1203 = arith.constant 0 : i32
    %dma_wait3A_1204 = tpu.memref_slice %arg7[%add3A_1130, %dma_wait3A_1203] : memref<32768x128xf32, #tpu.memory_space<hbm>> -> memref<128x128xf32, #tpu.memory_space<hbm>>
    %dma_wait3A_1205 = arith.constant 0 : i32
    %dma_wait3A_1206 = arith.constant 0 : i32
    %dma_wait3A_1207 = tpu.memref_slice %arg14[%dma_wait3A_1196, %dma_wait3A_1205, %dma_wait3A_1206] : memref<2x128x128xf32, #tpu.memory_space<vmem>> -> memref<1x128x128xf32, #tpu.memory_space<vmem>>
    %dma_wait3A_1208 = tpu.memref_squeeze %dma_wait3A_1207 : memref<1x128x128xf32, #tpu.memory_space<vmem>> -> memref<128x128xf32, #tpu.memory_space<vmem>>
    tpu.wait_dma2 semaphore(%arg23 : memref<!tpu.dma_semaphore, #tpu.memory_space<semaphore_mem>>) src(%dma_wait3A_1208 : memref<128x128xf32, #tpu.memory_space<vmem>>) dst(%dma_wait3A_1204 : memref<128x128xf32, #tpu.memory_space<hbm>>)
    %dma_wait3A_1209 = arith.constant 0 : i32
    %dma_wait3A_1210 = arith.constant 0 : i32
    %dma_wait3A_1211 = tpu.memref_slice %arg12[%dma_wait3A_1209, %dma_wait3A_1210] : memref<16x128xi32, #tpu.memory_space<vmem>> -> memref<1x128xi32, #tpu.memory_space<vmem>>
    %dma_wait3A_1212 = tpu.memref_squeeze %dma_wait3A_1211 : memref<1x128xi32, #tpu.memory_space<vmem>> -> memref<128xi32, #tpu.memory_space<vmem>>
    %dma_wait3A_1213 = arith.constant 0 : i32
    %dma_wait3A_1214 = tpu.memref_slice %arg17[%dma_wait3A_1213] : memref<4096xf32, #tpu.memory_space<vmem_shared>> -> memref<4096xf32, #tpu.memory_space<vmem_shared>>
    tpu.wait_indirect_dma semaphore(%arg25 : memref<!tpu.dma_semaphore, #tpu.memory_space<semaphore_mem>>) src(%arg15 : memref<128xf32, #tpu.memory_space<vmem>>) dst(%dma_wait3A_1214 : memref<4096xf32, #tpu.memory_space<vmem_shared>>)
    %dma_wait3A_1215 = arith.constant 1 : i32
    %dma_wait3A_1216 = arith.constant 0 : i32
    %dma_wait3A_1217 = tpu.memref_slice %arg12[%dma_wait3A_1215, %dma_wait3A_1216] : memref<16x128xi32, #tpu.memory_space<vmem>> -> memref<1x128xi32, #tpu.memory_space<vmem>>
    %dma_wait3A_1218 = tpu.memref_squeeze %dma_wait3A_1217 : memref<1x128xi32, #tpu.memory_space<vmem>> -> memref<128xi32, #tpu.memory_space<vmem>>
    %dma_wait3A_1219 = arith.constant 0 : i32
    %dma_wait3A_1220 = tpu.memref_slice %arg17[%dma_wait3A_1219] : memref<4096xf32, #tpu.memory_space<vmem_shared>> -> memref<4096xf32, #tpu.memory_space<vmem_shared>>
    tpu.wait_indirect_dma semaphore(%arg25 : memref<!tpu.dma_semaphore, #tpu.memory_space<semaphore_mem>>) src(%arg15 : memref<128xf32, #tpu.memory_space<vmem>>) dst(%dma_wait3A_1220 : memref<4096xf32, #tpu.memory_space<vmem_shared>>)
    %dma_wait3A_1221 = arith.constant 2 : i32
    %dma_wait3A_1222 = arith.constant 0 : i32
    %dma_wait3A_1223 = tpu.memref_slice %arg12[%dma_wait3A_1221, %dma_wait3A_1222] : memref<16x128xi32, #tpu.memory_space<vmem>> -> memref<1x128xi32, #tpu.memory_space<vmem>>
    %dma_wait3A_1224 = tpu.memref_squeeze %dma_wait3A_1223 : memref<1x128xi32, #tpu.memory_space<vmem>> -> memref<128xi32, #tpu.memory_space<vmem>>
    %dma_wait3A_1225 = arith.constant 0 : i32
    %dma_wait3A_1226 = tpu.memref_slice %arg17[%dma_wait3A_1225] : memref<4096xf32, #tpu.memory_space<vmem_shared>> -> memref<4096xf32, #tpu.memory_space<vmem_shared>>
    tpu.wait_indirect_dma semaphore(%arg25 : memref<!tpu.dma_semaphore, #tpu.memory_space<semaphore_mem>>) src(%arg15 : memref<128xf32, #tpu.memory_space<vmem>>) dst(%dma_wait3A_1226 : memref<4096xf32, #tpu.memory_space<vmem_shared>>)
    %dma_wait3A_1227 = arith.constant 3 : i32
    %dma_wait3A_1228 = arith.constant 0 : i32
    %dma_wait3A_1229 = tpu.memref_slice %arg12[%dma_wait3A_1227, %dma_wait3A_1228] : memref<16x128xi32, #tpu.memory_space<vmem>> -> memref<1x128xi32, #tpu.memory_space<vmem>>
    %dma_wait3A_1230 = tpu.memref_squeeze %dma_wait3A_1229 : memref<1x128xi32, #tpu.memory_space<vmem>> -> memref<128xi32, #tpu.memory_space<vmem>>
    %dma_wait3A_1231 = arith.constant 0 : i32
    %dma_wait3A_1232 = tpu.memref_slice %arg17[%dma_wait3A_1231] : memref<4096xf32, #tpu.memory_space<vmem_shared>> -> memref<4096xf32, #tpu.memory_space<vmem_shared>>
    tpu.wait_indirect_dma semaphore(%arg25 : memref<!tpu.dma_semaphore, #tpu.memory_space<semaphore_mem>>) src(%arg15 : memref<128xf32, #tpu.memory_space<vmem>>) dst(%dma_wait3A_1232 : memref<4096xf32, #tpu.memory_space<vmem_shared>>)
    %dma_wait3A_1233 = arith.constant 4 : i32
    %dma_wait3A_1234 = arith.constant 0 : i32
    %dma_wait3A_1235 = tpu.memref_slice %arg12[%dma_wait3A_1233, %dma_wait3A_1234] : memref<16x128xi32, #tpu.memory_space<vmem>> -> memref<1x128xi32, #tpu.memory_space<vmem>>
    %dma_wait3A_1236 = tpu.memref_squeeze %dma_wait3A_1235 : memref<1x128xi32, #tpu.memory_space<vmem>> -> memref<128xi32, #tpu.memory_space<vmem>>
    %dma_wait3A_1237 = arith.constant 0 : i32
    %dma_wait3A_1238 = tpu.memref_slice %arg17[%dma_wait3A_1237] : memref<4096xf32, #tpu.memory_space<vmem_shared>> -> memref<4096xf32, #tpu.memory_space<vmem_shared>>
    tpu.wait_indirect_dma semaphore(%arg25 : memref<!tpu.dma_semaphore, #tpu.memory_space<semaphore_mem>>) src(%arg15 : memref<128xf32, #tpu.memory_space<vmem>>) dst(%dma_wait3A_1238 : memref<4096xf32, #tpu.memory_space<vmem_shared>>)
    %dma_wait3A_1239 = arith.constant 5 : i32
    %dma_wait3A_1240 = arith.constant 0 : i32
    %dma_wait3A_1241 = tpu.memref_slice %arg12[%dma_wait3A_1239, %dma_wait3A_1240] : memref<16x128xi32, #tpu.memory_space<vmem>> -> memref<1x128xi32, #tpu.memory_space<vmem>>
    %dma_wait3A_1242 = tpu.memref_squeeze %dma_wait3A_1241 : memref<1x128xi32, #tpu.memory_space<vmem>> -> memref<128xi32, #tpu.memory_space<vmem>>
    %dma_wait3A_1243 = arith.constant 0 : i32
    %dma_wait3A_1244 = tpu.memref_slice %arg17[%dma_wait3A_1243] : memref<4096xf32, #tpu.memory_space<vmem_shared>> -> memref<4096xf32, #tpu.memory_space<vmem_shared>>
    tpu.wait_indirect_dma semaphore(%arg25 : memref<!tpu.dma_semaphore, #tpu.memory_space<semaphore_mem>>) src(%arg15 : memref<128xf32, #tpu.memory_space<vmem>>) dst(%dma_wait3A_1244 : memref<4096xf32, #tpu.memory_space<vmem_shared>>)
    %dma_wait3A_1245 = arith.constant 6 : i32
    %dma_wait3A_1246 = arith.constant 0 : i32
    %dma_wait3A_1247 = tpu.memref_slice %arg12[%dma_wait3A_1245, %dma_wait3A_1246] : memref<16x128xi32, #tpu.memory_space<vmem>> -> memref<1x128xi32, #tpu.memory_space<vmem>>
    %dma_wait3A_1248 = tpu.memref_squeeze %dma_wait3A_1247 : memref<1x128xi32, #tpu.memory_space<vmem>> -> memref<128xi32, #tpu.memory_space<vmem>>
    %dma_wait3A_1249 = arith.constant 0 : i32
    %dma_wait3A_1250 = tpu.memref_slice %arg17[%dma_wait3A_1249] : memref<4096xf32, #tpu.memory_space<vmem_shared>> -> memref<4096xf32, #tpu.memory_space<vmem_shared>>
    tpu.wait_indirect_dma semaphore(%arg25 : memref<!tpu.dma_semaphore, #tpu.memory_space<semaphore_mem>>) src(%arg15 : memref<128xf32, #tpu.memory_space<vmem>>) dst(%dma_wait3A_1250 : memref<4096xf32, #tpu.memory_space<vmem_shared>>)
    %dma_wait3A_1251 = arith.constant 7 : i32
    %dma_wait3A_1252 = arith.constant 0 : i32
    %dma_wait3A_1253 = tpu.memref_slice %arg12[%dma_wait3A_1251, %dma_wait3A_1252] : memref<16x128xi32, #tpu.memory_space<vmem>> -> memref<1x128xi32, #tpu.memory_space<vmem>>
    %dma_wait3A_1254 = tpu.memref_squeeze %dma_wait3A_1253 : memref<1x128xi32, #tpu.memory_space<vmem>> -> memref<128xi32, #tpu.memory_space<vmem>>
    %dma_wait3A_1255 = arith.constant 0 : i32
    %dma_wait3A_1256 = tpu.memref_slice %arg17[%dma_wait3A_1255] : memref<4096xf32, #tpu.memory_space<vmem_shared>> -> memref<4096xf32, #tpu.memory_space<vmem_shared>>
    tpu.wait_indirect_dma semaphore(%arg25 : memref<!tpu.dma_semaphore, #tpu.memory_space<semaphore_mem>>) src(%arg15 : memref<128xf32, #tpu.memory_space<vmem>>) dst(%dma_wait3A_1256 : memref<4096xf32, #tpu.memory_space<vmem_shared>>)
    %dma_wait3A_1257 = arith.constant 8 : i32
    %dma_wait3A_1258 = arith.constant 0 : i32
    %dma_wait3A_1259 = tpu.memref_slice %arg12[%dma_wait3A_1257, %dma_wait3A_1258] : memref<16x128xi32, #tpu.memory_space<vmem>> -> memref<1x128xi32, #tpu.memory_space<vmem>>
    %dma_wait3A_1260 = tpu.memref_squeeze %dma_wait3A_1259 : memref<1x128xi32, #tpu.memory_space<vmem>> -> memref<128xi32, #tpu.memory_space<vmem>>
    %dma_wait3A_1261 = arith.constant 0 : i32
    %dma_wait3A_1262 = tpu.memref_slice %arg17[%dma_wait3A_1261] : memref<4096xf32, #tpu.memory_space<vmem_shared>> -> memref<4096xf32, #tpu.memory_space<vmem_shared>>
    tpu.wait_indirect_dma semaphore(%arg25 : memref<!tpu.dma_semaphore, #tpu.memory_space<semaphore_mem>>) src(%arg15 : memref<128xf32, #tpu.memory_space<vmem>>) dst(%dma_wait3A_1262 : memref<4096xf32, #tpu.memory_space<vmem_shared>>)
    %dma_wait3A_1263 = arith.constant 9 : i32
    %dma_wait3A_1264 = arith.constant 0 : i32
    %dma_wait3A_1265 = tpu.memref_slice %arg12[%dma_wait3A_1263, %dma_wait3A_1264] : memref<16x128xi32, #tpu.memory_space<vmem>> -> memref<1x128xi32, #tpu.memory_space<vmem>>
    %dma_wait3A_1266 = tpu.memref_squeeze %dma_wait3A_1265 : memref<1x128xi32, #tpu.memory_space<vmem>> -> memref<128xi32, #tpu.memory_space<vmem>>
    %dma_wait3A_1267 = arith.constant 0 : i32
    %dma_wait3A_1268 = tpu.memref_slice %arg17[%dma_wait3A_1267] : memref<4096xf32, #tpu.memory_space<vmem_shared>> -> memref<4096xf32, #tpu.memory_space<vmem_shared>>
    tpu.wait_indirect_dma semaphore(%arg25 : memref<!tpu.dma_semaphore, #tpu.memory_space<semaphore_mem>>) src(%arg15 : memref<128xf32, #tpu.memory_space<vmem>>) dst(%dma_wait3A_1268 : memref<4096xf32, #tpu.memory_space<vmem_shared>>)
    %dma_wait3A_1269 = arith.constant 10 : i32
    %dma_wait3A_1270 = arith.constant 0 : i32
    %dma_wait3A_1271 = tpu.memref_slice %arg12[%dma_wait3A_1269, %dma_wait3A_1270] : memref<16x128xi32, #tpu.memory_space<vmem>> -> memref<1x128xi32, #tpu.memory_space<vmem>>
    %dma_wait3A_1272 = tpu.memref_squeeze %dma_wait3A_1271 : memref<1x128xi32, #tpu.memory_space<vmem>> -> memref<128xi32, #tpu.memory_space<vmem>>
    %dma_wait3A_1273 = arith.constant 0 : i32
    %dma_wait3A_1274 = tpu.memref_slice %arg17[%dma_wait3A_1273] : memref<4096xf32, #tpu.memory_space<vmem_shared>> -> memref<4096xf32, #tpu.memory_space<vmem_shared>>
    tpu.wait_indirect_dma semaphore(%arg25 : memref<!tpu.dma_semaphore, #tpu.memory_space<semaphore_mem>>) src(%arg15 : memref<128xf32, #tpu.memory_space<vmem>>) dst(%dma_wait3A_1274 : memref<4096xf32, #tpu.memory_space<vmem_shared>>)
    %dma_wait3A_1275 = arith.constant 11 : i32
    %dma_wait3A_1276 = arith.constant 0 : i32
    %dma_wait3A_1277 = tpu.memref_slice %arg12[%dma_wait3A_1275, %dma_wait3A_1276] : memref<16x128xi32, #tpu.memory_space<vmem>> -> memref<1x128xi32, #tpu.memory_space<vmem>>
    %dma_wait3A_1278 = tpu.memref_squeeze %dma_wait3A_1277 : memref<1x128xi32, #tpu.memory_space<vmem>> -> memref<128xi32, #tpu.memory_space<vmem>>
    %dma_wait3A_1279 = arith.constant 0 : i32
    %dma_wait3A_1280 = tpu.memref_slice %arg17[%dma_wait3A_1279] : memref<4096xf32, #tpu.memory_space<vmem_shared>> -> memref<4096xf32, #tpu.memory_space<vmem_shared>>
    tpu.wait_indirect_dma semaphore(%arg25 : memref<!tpu.dma_semaphore, #tpu.memory_space<semaphore_mem>>) src(%arg15 : memref<128xf32, #tpu.memory_space<vmem>>) dst(%dma_wait3A_1280 : memref<4096xf32, #tpu.memory_space<vmem_shared>>)
    %dma_wait3A_1281 = arith.constant 12 : i32
    %dma_wait3A_1282 = arith.constant 0 : i32
    %dma_wait3A_1283 = tpu.memref_slice %arg12[%dma_wait3A_1281, %dma_wait3A_1282] : memref<16x128xi32, #tpu.memory_space<vmem>> -> memref<1x128xi32, #tpu.memory_space<vmem>>
    %dma_wait3A_1284 = tpu.memref_squeeze %dma_wait3A_1283 : memref<1x128xi32, #tpu.memory_space<vmem>> -> memref<128xi32, #tpu.memory_space<vmem>>
    %dma_wait3A_1285 = arith.constant 0 : i32
    %dma_wait3A_1286 = tpu.memref_slice %arg17[%dma_wait3A_1285] : memref<4096xf32, #tpu.memory_space<vmem_shared>> -> memref<4096xf32, #tpu.memory_space<vmem_shared>>
    tpu.wait_indirect_dma semaphore(%arg25 : memref<!tpu.dma_semaphore, #tpu.memory_space<semaphore_mem>>) src(%arg15 : memref<128xf32, #tpu.memory_space<vmem>>) dst(%dma_wait3A_1286 : memref<4096xf32, #tpu.memory_space<vmem_shared>>)
    %dma_wait3A_1287 = arith.constant 13 : i32
    %dma_wait3A_1288 = arith.constant 0 : i32
    %dma_wait3A_1289 = tpu.memref_slice %arg12[%dma_wait3A_1287, %dma_wait3A_1288] : memref<16x128xi32, #tpu.memory_space<vmem>> -> memref<1x128xi32, #tpu.memory_space<vmem>>
    %dma_wait3A_1290 = tpu.memref_squeeze %dma_wait3A_1289 : memref<1x128xi32, #tpu.memory_space<vmem>> -> memref<128xi32, #tpu.memory_space<vmem>>
    %dma_wait3A_1291 = arith.constant 0 : i32
    %dma_wait3A_1292 = tpu.memref_slice %arg17[%dma_wait3A_1291] : memref<4096xf32, #tpu.memory_space<vmem_shared>> -> memref<4096xf32, #tpu.memory_space<vmem_shared>>
    tpu.wait_indirect_dma semaphore(%arg25 : memref<!tpu.dma_semaphore, #tpu.memory_space<semaphore_mem>>) src(%arg15 : memref<128xf32, #tpu.memory_space<vmem>>) dst(%dma_wait3A_1292 : memref<4096xf32, #tpu.memory_space<vmem_shared>>)
    %dma_wait3A_1293 = arith.constant 14 : i32
    %dma_wait3A_1294 = arith.constant 0 : i32
    %dma_wait3A_1295 = tpu.memref_slice %arg12[%dma_wait3A_1293, %dma_wait3A_1294] : memref<16x128xi32, #tpu.memory_space<vmem>> -> memref<1x128xi32, #tpu.memory_space<vmem>>
    %dma_wait3A_1296 = tpu.memref_squeeze %dma_wait3A_1295 : memref<1x128xi32, #tpu.memory_space<vmem>> -> memref<128xi32, #tpu.memory_space<vmem>>
    %dma_wait3A_1297 = arith.constant 0 : i32
    %dma_wait3A_1298 = tpu.memref_slice %arg17[%dma_wait3A_1297] : memref<4096xf32, #tpu.memory_space<vmem_shared>> -> memref<4096xf32, #tpu.memory_space<vmem_shared>>
    tpu.wait_indirect_dma semaphore(%arg25 : memref<!tpu.dma_semaphore, #tpu.memory_space<semaphore_mem>>) src(%arg15 : memref<128xf32, #tpu.memory_space<vmem>>) dst(%dma_wait3A_1298 : memref<4096xf32, #tpu.memory_space<vmem_shared>>)
    %dma_wait3A_1299 = arith.constant 15 : i32
    %dma_wait3A_1300 = arith.constant 0 : i32
    %dma_wait3A_1301 = tpu.memref_slice %arg12[%dma_wait3A_1299, %dma_wait3A_1300] : memref<16x128xi32, #tpu.memory_space<vmem>> -> memref<1x128xi32, #tpu.memory_space<vmem>>
    %dma_wait3A_1302 = tpu.memref_squeeze %dma_wait3A_1301 : memref<1x128xi32, #tpu.memory_space<vmem>> -> memref<128xi32, #tpu.memory_space<vmem>>
    %dma_wait3A_1303 = arith.constant 0 : i32
    %dma_wait3A_1304 = tpu.memref_slice %arg17[%dma_wait3A_1303] : memref<4096xf32, #tpu.memory_space<vmem_shared>> -> memref<4096xf32, #tpu.memory_space<vmem_shared>>
    tpu.wait_indirect_dma semaphore(%arg25 : memref<!tpu.dma_semaphore, #tpu.memory_space<semaphore_mem>>) src(%arg15 : memref<128xf32, #tpu.memory_space<vmem>>) dst(%dma_wait3A_1304 : memref<4096xf32, #tpu.memory_space<vmem_shared>>)
    %barrier3A_1305 = arith.constant 0 : index
    tpu.barrier barrier_id(%barrier3A_1305)
    %dma_start3A_1306 = arith.constant 0 : i32
    %dma_start3A_1307 = arith.constant 0 : i32
    %dma_start3A_1308 = tpu.memref_slice %arg16[%dma_start3A_1306, %dma_start3A_1307] : memref<2x128xf32, #tpu.memory_space<vmem>> -> memref<1x128xf32, #tpu.memory_space<vmem>>
    %dma_start3A_1309 = tpu.memref_squeeze %dma_start3A_1308 : memref<1x128xf32, #tpu.memory_space<vmem>> -> memref<128xf32, #tpu.memory_space<vmem>>
    %dma_start3A_1310 = arith.constant 0 : i32
    %dma_start3A_1311 = tpu.memref_slice %arg11[%dma_start3A_1310] : memref<1024xi32, #tpu.memory_space<vmem>> -> memref<128xi32, #tpu.memory_space<vmem>>
    %dma_start3A_1312 = arith.constant 0 : i32
    %dma_start3A_1313 = tpu.memref_slice %arg17[%dma_start3A_1312] : memref<4096xf32, #tpu.memory_space<vmem_shared>> -> memref<4096xf32, #tpu.memory_space<vmem_shared>>
    tpu.enqueue_indirect_dma source(%dma_start3A_1313 : memref<4096xf32, #tpu.memory_space<vmem_shared>>) target(%dma_start3A_1309 : memref<128xf32, #tpu.memory_space<vmem>>) offsets(%dma_start3A_1311 : memref<128xi32, #tpu.memory_space<vmem>>) semaphore(%arg18 : memref<!tpu.dma_semaphore, #tpu.memory_space<semaphore_mem>>)
    %dma_start3A_1314 = arith.constant 1 : i32
    %dma_start3A_1315 = arith.constant 0 : i32
    %dma_start3A_1316 = tpu.memref_slice %arg16[%dma_start3A_1314, %dma_start3A_1315] : memref<2x128xf32, #tpu.memory_space<vmem>> -> memref<1x128xf32, #tpu.memory_space<vmem>>
    %dma_start3A_1317 = tpu.memref_squeeze %dma_start3A_1316 : memref<1x128xf32, #tpu.memory_space<vmem>> -> memref<128xf32, #tpu.memory_space<vmem>>
    %dma_start3A_1318 = arith.constant 128 : i32
    %dma_start3A_1319 = tpu.memref_slice %arg11[%dma_start3A_1318] : memref<1024xi32, #tpu.memory_space<vmem>> -> memref<128xi32, #tpu.memory_space<vmem>>
    %dma_start3A_1320 = arith.constant 0 : i32
    %dma_start3A_1321 = tpu.memref_slice %arg17[%dma_start3A_1320] : memref<4096xf32, #tpu.memory_space<vmem_shared>> -> memref<4096xf32, #tpu.memory_space<vmem_shared>>
    tpu.enqueue_indirect_dma source(%dma_start3A_1321 : memref<4096xf32, #tpu.memory_space<vmem_shared>>) target(%dma_start3A_1317 : memref<128xf32, #tpu.memory_space<vmem>>) offsets(%dma_start3A_1319 : memref<128xi32, #tpu.memory_space<vmem>>) semaphore(%arg19 : memref<!tpu.dma_semaphore, #tpu.memory_space<semaphore_mem>>)
    %dma_wait3A_1322 = arith.constant 0 : i32
    %dma_wait3A_1323 = arith.constant 0 : i32
    %dma_wait3A_1324 = tpu.memref_slice %arg16[%dma_wait3A_1322, %dma_wait3A_1323] : memref<2x128xf32, #tpu.memory_space<vmem>> -> memref<1x128xf32, #tpu.memory_space<vmem>>
    %dma_wait3A_1325 = tpu.memref_squeeze %dma_wait3A_1324 : memref<1x128xf32, #tpu.memory_space<vmem>> -> memref<128xf32, #tpu.memory_space<vmem>>
    %dma_wait3A_1326 = arith.constant 0 : i32
    %dma_wait3A_1327 = tpu.memref_slice %arg11[%dma_wait3A_1326] : memref<1024xi32, #tpu.memory_space<vmem>> -> memref<128xi32, #tpu.memory_space<vmem>>
    %dma_wait3A_1328 = arith.constant 0 : i32
    %dma_wait3A_1329 = tpu.memref_slice %arg17[%dma_wait3A_1328] : memref<4096xf32, #tpu.memory_space<vmem_shared>> -> memref<4096xf32, #tpu.memory_space<vmem_shared>>
    tpu.wait_indirect_dma semaphore(%arg18 : memref<!tpu.dma_semaphore, #tpu.memory_space<semaphore_mem>>) src(%dma_wait3A_1329 : memref<4096xf32, #tpu.memory_space<vmem_shared>>) dst(%dma_wait3A_1325 : memref<128xf32, #tpu.memory_space<vmem>>)
    %add3A_1330 = arith.constant 0 : i32
    %add3A_1331 = arith.addi %mul3A_6, %add3A_1330 : i32
    %run_scoped3A = arith.constant 0 : i32
    "tpu.region"() ({
      %run_scoped3A_1464 = tpu.sem_alloc : memref<!tpu.dma_semaphore, #tpu.memory_space<semaphore_mem>>
      %dma_start3A_1465 = arith.constant 0 : i32
      %dma_start3A_1466 = tpu.memref_slice %arg16[%run_scoped3A, %dma_start3A_1465] : memref<2x128xf32, #tpu.memory_space<vmem>> -> memref<1x128xf32, #tpu.memory_space<vmem>>
      %dma_start3A_1467 = tpu.memref_squeeze %dma_start3A_1466 : memref<1x128xf32, #tpu.memory_space<vmem>> -> memref<128xf32, #tpu.memory_space<vmem>>
      %dma_start3A_1468 = tpu.memref_slice %arg9[%add3A_1331] : memref<32768xf32, #tpu.memory_space<hbm>> -> memref<128xf32, #tpu.memory_space<hbm>>
      %dma_start3A_1469 = tpu.memref_slice %arg9[%add3A_1331] : memref<32768xf32, #tpu.memory_space<hbm>> -> memref<128xf32, #tpu.memory_space<hbm>>
      %dma_start3A_1470 = arith.constant 0 : i32
      %dma_start3A_1471 = tpu.memref_slice %arg16[%run_scoped3A, %dma_start3A_1470] : memref<2x128xf32, #tpu.memory_space<vmem>> -> memref<1x128xf32, #tpu.memory_space<vmem>>
      %dma_start3A_1472 = tpu.memref_squeeze %dma_start3A_1471 : memref<1x128xf32, #tpu.memory_space<vmem>> -> memref<128xf32, #tpu.memory_space<vmem>>
      tpu.enqueue_dma source(%dma_start3A_1472 : memref<128xf32, #tpu.memory_space<vmem>>) target(%dma_start3A_1469 : memref<128xf32, #tpu.memory_space<hbm>>) target_semaphore(%run_scoped3A_1464 : memref<!tpu.dma_semaphore, #tpu.memory_space<semaphore_mem>>)
      %dma_wait3A_1473 = arith.constant 0 : i32
      %dma_wait3A_1474 = tpu.memref_slice %arg16[%run_scoped3A, %dma_wait3A_1473] : memref<2x128xf32, #tpu.memory_space<vmem>> -> memref<1x128xf32, #tpu.memory_space<vmem>>
      %dma_wait3A_1475 = tpu.memref_squeeze %dma_wait3A_1474 : memref<1x128xf32, #tpu.memory_space<vmem>> -> memref<128xf32, #tpu.memory_space<vmem>>
      %dma_wait3A_1476 = tpu.memref_slice %arg9[%add3A_1331] : memref<32768xf32, #tpu.memory_space<hbm>> -> memref<128xf32, #tpu.memory_space<hbm>>
      %dma_wait3A_1477 = tpu.memref_slice %arg9[%add3A_1331] : memref<32768xf32, #tpu.memory_space<hbm>> -> memref<128xf32, #tpu.memory_space<hbm>>
      %dma_wait3A_1478 = arith.constant 0 : i32
      %dma_wait3A_1479 = tpu.memref_slice %arg16[%run_scoped3A, %dma_wait3A_1478] : memref<2x128xf32, #tpu.memory_space<vmem>> -> memref<1x128xf32, #tpu.memory_space<vmem>>
      %dma_wait3A_1480 = tpu.memref_squeeze %dma_wait3A_1479 : memref<1x128xf32, #tpu.memory_space<vmem>> -> memref<128xf32, #tpu.memory_space<vmem>>
      tpu.wait_dma2 semaphore(%run_scoped3A_1464 : memref<!tpu.dma_semaphore, #tpu.memory_space<semaphore_mem>>) src(%dma_wait3A_1480 : memref<128xf32, #tpu.memory_space<vmem>>) dst(%dma_wait3A_1477 : memref<128xf32, #tpu.memory_space<hbm>>)
      tpu.yield
    }) : () -> ()
    %dma_start3A_1332 = arith.constant 0 : i32
    %dma_start3A_1333 = arith.constant 0 : i32
    %dma_start3A_1334 = tpu.memref_slice %arg16[%dma_start3A_1332, %dma_start3A_1333] : memref<2x128xf32, #tpu.memory_space<vmem>> -> memref<1x128xf32, #tpu.memory_space<vmem>>
    %dma_start3A_1335 = tpu.memref_squeeze %dma_start3A_1334 : memref<1x128xf32, #tpu.memory_space<vmem>> -> memref<128xf32, #tpu.memory_space<vmem>>
    %dma_start3A_1336 = arith.constant 256 : i32
    %dma_start3A_1337 = tpu.memref_slice %arg11[%dma_start3A_1336] : memref<1024xi32, #tpu.memory_space<vmem>> -> memref<128xi32, #tpu.memory_space<vmem>>
    %dma_start3A_1338 = arith.constant 0 : i32
    %dma_start3A_1339 = tpu.memref_slice %arg17[%dma_start3A_1338] : memref<4096xf32, #tpu.memory_space<vmem_shared>> -> memref<4096xf32, #tpu.memory_space<vmem_shared>>
    tpu.enqueue_indirect_dma source(%dma_start3A_1339 : memref<4096xf32, #tpu.memory_space<vmem_shared>>) target(%dma_start3A_1335 : memref<128xf32, #tpu.memory_space<vmem>>) offsets(%dma_start3A_1337 : memref<128xi32, #tpu.memory_space<vmem>>) semaphore(%arg18 : memref<!tpu.dma_semaphore, #tpu.memory_space<semaphore_mem>>)
    %dma_wait3A_1340 = arith.constant 1 : i32
    %dma_wait3A_1341 = arith.constant 0 : i32
    %dma_wait3A_1342 = tpu.memref_slice %arg16[%dma_wait3A_1340, %dma_wait3A_1341] : memref<2x128xf32, #tpu.memory_space<vmem>> -> memref<1x128xf32, #tpu.memory_space<vmem>>
    %dma_wait3A_1343 = tpu.memref_squeeze %dma_wait3A_1342 : memref<1x128xf32, #tpu.memory_space<vmem>> -> memref<128xf32, #tpu.memory_space<vmem>>
    %dma_wait3A_1344 = arith.constant 128 : i32
    %dma_wait3A_1345 = tpu.memref_slice %arg11[%dma_wait3A_1344] : memref<1024xi32, #tpu.memory_space<vmem>> -> memref<128xi32, #tpu.memory_space<vmem>>
    %dma_wait3A_1346 = arith.constant 0 : i32
    %dma_wait3A_1347 = tpu.memref_slice %arg17[%dma_wait3A_1346] : memref<4096xf32, #tpu.memory_space<vmem_shared>> -> memref<4096xf32, #tpu.memory_space<vmem_shared>>
    tpu.wait_indirect_dma semaphore(%arg19 : memref<!tpu.dma_semaphore, #tpu.memory_space<semaphore_mem>>) src(%dma_wait3A_1347 : memref<4096xf32, #tpu.memory_space<vmem_shared>>) dst(%dma_wait3A_1343 : memref<128xf32, #tpu.memory_space<vmem>>)
    %add3A_1348 = arith.constant 128 : i32
    %add3A_1349 = arith.addi %mul3A_6, %add3A_1348 : i32
    %run_scoped3A_1350 = arith.constant 1 : i32
    "tpu.region"() ({
      %run_scoped3A_1464 = tpu.sem_alloc : memref<!tpu.dma_semaphore, #tpu.memory_space<semaphore_mem>>
      %dma_start3A_1465 = arith.constant 0 : i32
      %dma_start3A_1466 = tpu.memref_slice %arg16[%run_scoped3A_1350, %dma_start3A_1465] : memref<2x128xf32, #tpu.memory_space<vmem>> -> memref<1x128xf32, #tpu.memory_space<vmem>>
      %dma_start3A_1467 = tpu.memref_squeeze %dma_start3A_1466 : memref<1x128xf32, #tpu.memory_space<vmem>> -> memref<128xf32, #tpu.memory_space<vmem>>
      %dma_start3A_1468 = tpu.memref_slice %arg9[%add3A_1349] : memref<32768xf32, #tpu.memory_space<hbm>> -> memref<128xf32, #tpu.memory_space<hbm>>
      %dma_start3A_1469 = tpu.memref_slice %arg9[%add3A_1349] : memref<32768xf32, #tpu.memory_space<hbm>> -> memref<128xf32, #tpu.memory_space<hbm>>
      %dma_start3A_1470 = arith.constant 0 : i32
      %dma_start3A_1471 = tpu.memref_slice %arg16[%run_scoped3A_1350, %dma_start3A_1470] : memref<2x128xf32, #tpu.memory_space<vmem>> -> memref<1x128xf32, #tpu.memory_space<vmem>>
      %dma_start3A_1472 = tpu.memref_squeeze %dma_start3A_1471 : memref<1x128xf32, #tpu.memory_space<vmem>> -> memref<128xf32, #tpu.memory_space<vmem>>
      tpu.enqueue_dma source(%dma_start3A_1472 : memref<128xf32, #tpu.memory_space<vmem>>) target(%dma_start3A_1469 : memref<128xf32, #tpu.memory_space<hbm>>) target_semaphore(%run_scoped3A_1464 : memref<!tpu.dma_semaphore, #tpu.memory_space<semaphore_mem>>)
      %dma_wait3A_1473 = arith.constant 0 : i32
      %dma_wait3A_1474 = tpu.memref_slice %arg16[%run_scoped3A_1350, %dma_wait3A_1473] : memref<2x128xf32, #tpu.memory_space<vmem>> -> memref<1x128xf32, #tpu.memory_space<vmem>>
      %dma_wait3A_1475 = tpu.memref_squeeze %dma_wait3A_1474 : memref<1x128xf32, #tpu.memory_space<vmem>> -> memref<128xf32, #tpu.memory_space<vmem>>
      %dma_wait3A_1476 = tpu.memref_slice %arg9[%add3A_1349] : memref<32768xf32, #tpu.memory_space<hbm>> -> memref<128xf32, #tpu.memory_space<hbm>>
      %dma_wait3A_1477 = tpu.memref_slice %arg9[%add3A_1349] : memref<32768xf32, #tpu.memory_space<hbm>> -> memref<128xf32, #tpu.memory_space<hbm>>
      %dma_wait3A_1478 = arith.constant 0 : i32
      %dma_wait3A_1479 = tpu.memref_slice %arg16[%run_scoped3A_1350, %dma_wait3A_1478] : memref<2x128xf32, #tpu.memory_space<vmem>> -> memref<1x128xf32, #tpu.memory_space<vmem>>
      %dma_wait3A_1480 = tpu.memref_squeeze %dma_wait3A_1479 : memref<1x128xf32, #tpu.memory_space<vmem>> -> memref<128xf32, #tpu.memory_space<vmem>>
      tpu.wait_dma2 semaphore(%run_scoped3A_1464 : memref<!tpu.dma_semaphore, #tpu.memory_space<semaphore_mem>>) src(%dma_wait3A_1480 : memref<128xf32, #tpu.memory_space<vmem>>) dst(%dma_wait3A_1477 : memref<128xf32, #tpu.memory_space<hbm>>)
      tpu.yield
    }) : () -> ()
    %dma_start3A_1351 = arith.constant 1 : i32
    %dma_start3A_1352 = arith.constant 0 : i32
    %dma_start3A_1353 = tpu.memref_slice %arg16[%dma_start3A_1351, %dma_start3A_1352] : memref<2x128xf32, #tpu.memory_space<vmem>> -> memref<1x128xf32, #tpu.memory_space<vmem>>
    %dma_start3A_1354 = tpu.memref_squeeze %dma_start3A_1353 : memref<1x128xf32, #tpu.memory_space<vmem>> -> memref<128xf32, #tpu.memory_space<vmem>>
    %dma_start3A_1355 = arith.constant 384 : i32
    %dma_start3A_1356 = tpu.memref_slice %arg11[%dma_start3A_1355] : memref<1024xi32, #tpu.memory_space<vmem>> -> memref<128xi32, #tpu.memory_space<vmem>>
    %dma_start3A_1357 = arith.constant 0 : i32
    %dma_start3A_1358 = tpu.memref_slice %arg17[%dma_start3A_1357] : memref<4096xf32, #tpu.memory_space<vmem_shared>> -> memref<4096xf32, #tpu.memory_space<vmem_shared>>
    tpu.enqueue_indirect_dma source(%dma_start3A_1358 : memref<4096xf32, #tpu.memory_space<vmem_shared>>) target(%dma_start3A_1354 : memref<128xf32, #tpu.memory_space<vmem>>) offsets(%dma_start3A_1356 : memref<128xi32, #tpu.memory_space<vmem>>) semaphore(%arg19 : memref<!tpu.dma_semaphore, #tpu.memory_space<semaphore_mem>>)
    %dma_wait3A_1359 = arith.constant 0 : i32
    %dma_wait3A_1360 = arith.constant 0 : i32
    %dma_wait3A_1361 = tpu.memref_slice %arg16[%dma_wait3A_1359, %dma_wait3A_1360] : memref<2x128xf32, #tpu.memory_space<vmem>> -> memref<1x128xf32, #tpu.memory_space<vmem>>
    %dma_wait3A_1362 = tpu.memref_squeeze %dma_wait3A_1361 : memref<1x128xf32, #tpu.memory_space<vmem>> -> memref<128xf32, #tpu.memory_space<vmem>>
    %dma_wait3A_1363 = arith.constant 256 : i32
    %dma_wait3A_1364 = tpu.memref_slice %arg11[%dma_wait3A_1363] : memref<1024xi32, #tpu.memory_space<vmem>> -> memref<128xi32, #tpu.memory_space<vmem>>
    %dma_wait3A_1365 = arith.constant 0 : i32
    %dma_wait3A_1366 = tpu.memref_slice %arg17[%dma_wait3A_1365] : memref<4096xf32, #tpu.memory_space<vmem_shared>> -> memref<4096xf32, #tpu.memory_space<vmem_shared>>
    tpu.wait_indirect_dma semaphore(%arg18 : memref<!tpu.dma_semaphore, #tpu.memory_space<semaphore_mem>>) src(%dma_wait3A_1366 : memref<4096xf32, #tpu.memory_space<vmem_shared>>) dst(%dma_wait3A_1362 : memref<128xf32, #tpu.memory_space<vmem>>)
    %add3A_1367 = arith.constant 256 : i32
    %add3A_1368 = arith.addi %mul3A_6, %add3A_1367 : i32
    %run_scoped3A_1369 = arith.constant 0 : i32
    "tpu.region"() ({
      %run_scoped3A_1464 = tpu.sem_alloc : memref<!tpu.dma_semaphore, #tpu.memory_space<semaphore_mem>>
      %dma_start3A_1465 = arith.constant 0 : i32
      %dma_start3A_1466 = tpu.memref_slice %arg16[%run_scoped3A_1369, %dma_start3A_1465] : memref<2x128xf32, #tpu.memory_space<vmem>> -> memref<1x128xf32, #tpu.memory_space<vmem>>
      %dma_start3A_1467 = tpu.memref_squeeze %dma_start3A_1466 : memref<1x128xf32, #tpu.memory_space<vmem>> -> memref<128xf32, #tpu.memory_space<vmem>>
      %dma_start3A_1468 = tpu.memref_slice %arg9[%add3A_1368] : memref<32768xf32, #tpu.memory_space<hbm>> -> memref<128xf32, #tpu.memory_space<hbm>>
      %dma_start3A_1469 = tpu.memref_slice %arg9[%add3A_1368] : memref<32768xf32, #tpu.memory_space<hbm>> -> memref<128xf32, #tpu.memory_space<hbm>>
      %dma_start3A_1470 = arith.constant 0 : i32
      %dma_start3A_1471 = tpu.memref_slice %arg16[%run_scoped3A_1369, %dma_start3A_1470] : memref<2x128xf32, #tpu.memory_space<vmem>> -> memref<1x128xf32, #tpu.memory_space<vmem>>
      %dma_start3A_1472 = tpu.memref_squeeze %dma_start3A_1471 : memref<1x128xf32, #tpu.memory_space<vmem>> -> memref<128xf32, #tpu.memory_space<vmem>>
      tpu.enqueue_dma source(%dma_start3A_1472 : memref<128xf32, #tpu.memory_space<vmem>>) target(%dma_start3A_1469 : memref<128xf32, #tpu.memory_space<hbm>>) target_semaphore(%run_scoped3A_1464 : memref<!tpu.dma_semaphore, #tpu.memory_space<semaphore_mem>>)
      %dma_wait3A_1473 = arith.constant 0 : i32
      %dma_wait3A_1474 = tpu.memref_slice %arg16[%run_scoped3A_1369, %dma_wait3A_1473] : memref<2x128xf32, #tpu.memory_space<vmem>> -> memref<1x128xf32, #tpu.memory_space<vmem>>
      %dma_wait3A_1475 = tpu.memref_squeeze %dma_wait3A_1474 : memref<1x128xf32, #tpu.memory_space<vmem>> -> memref<128xf32, #tpu.memory_space<vmem>>
      %dma_wait3A_1476 = tpu.memref_slice %arg9[%add3A_1368] : memref<32768xf32, #tpu.memory_space<hbm>> -> memref<128xf32, #tpu.memory_space<hbm>>
      %dma_wait3A_1477 = tpu.memref_slice %arg9[%add3A_1368] : memref<32768xf32, #tpu.memory_space<hbm>> -> memref<128xf32, #tpu.memory_space<hbm>>
      %dma_wait3A_1478 = arith.constant 0 : i32
      %dma_wait3A_1479 = tpu.memref_slice %arg16[%run_scoped3A_1369, %dma_wait3A_1478] : memref<2x128xf32, #tpu.memory_space<vmem>> -> memref<1x128xf32, #tpu.memory_space<vmem>>
      %dma_wait3A_1480 = tpu.memref_squeeze %dma_wait3A_1479 : memref<1x128xf32, #tpu.memory_space<vmem>> -> memref<128xf32, #tpu.memory_space<vmem>>
      tpu.wait_dma2 semaphore(%run_scoped3A_1464 : memref<!tpu.dma_semaphore, #tpu.memory_space<semaphore_mem>>) src(%dma_wait3A_1480 : memref<128xf32, #tpu.memory_space<vmem>>) dst(%dma_wait3A_1477 : memref<128xf32, #tpu.memory_space<hbm>>)
      tpu.yield
    }) : () -> ()
    %dma_start3A_1370 = arith.constant 0 : i32
    %dma_start3A_1371 = arith.constant 0 : i32
    %dma_start3A_1372 = tpu.memref_slice %arg16[%dma_start3A_1370, %dma_start3A_1371] : memref<2x128xf32, #tpu.memory_space<vmem>> -> memref<1x128xf32, #tpu.memory_space<vmem>>
    %dma_start3A_1373 = tpu.memref_squeeze %dma_start3A_1372 : memref<1x128xf32, #tpu.memory_space<vmem>> -> memref<128xf32, #tpu.memory_space<vmem>>
    %dma_start3A_1374 = arith.constant 512 : i32
    %dma_start3A_1375 = tpu.memref_slice %arg11[%dma_start3A_1374] : memref<1024xi32, #tpu.memory_space<vmem>> -> memref<128xi32, #tpu.memory_space<vmem>>
    %dma_start3A_1376 = arith.constant 0 : i32
    %dma_start3A_1377 = tpu.memref_slice %arg17[%dma_start3A_1376] : memref<4096xf32, #tpu.memory_space<vmem_shared>> -> memref<4096xf32, #tpu.memory_space<vmem_shared>>
    tpu.enqueue_indirect_dma source(%dma_start3A_1377 : memref<4096xf32, #tpu.memory_space<vmem_shared>>) target(%dma_start3A_1373 : memref<128xf32, #tpu.memory_space<vmem>>) offsets(%dma_start3A_1375 : memref<128xi32, #tpu.memory_space<vmem>>) semaphore(%arg18 : memref<!tpu.dma_semaphore, #tpu.memory_space<semaphore_mem>>)
    %dma_wait3A_1378 = arith.constant 1 : i32
    %dma_wait3A_1379 = arith.constant 0 : i32
    %dma_wait3A_1380 = tpu.memref_slice %arg16[%dma_wait3A_1378, %dma_wait3A_1379] : memref<2x128xf32, #tpu.memory_space<vmem>> -> memref<1x128xf32, #tpu.memory_space<vmem>>
    %dma_wait3A_1381 = tpu.memref_squeeze %dma_wait3A_1380 : memref<1x128xf32, #tpu.memory_space<vmem>> -> memref<128xf32, #tpu.memory_space<vmem>>
    %dma_wait3A_1382 = arith.constant 384 : i32
    %dma_wait3A_1383 = tpu.memref_slice %arg11[%dma_wait3A_1382] : memref<1024xi32, #tpu.memory_space<vmem>> -> memref<128xi32, #tpu.memory_space<vmem>>
    %dma_wait3A_1384 = arith.constant 0 : i32
    %dma_wait3A_1385 = tpu.memref_slice %arg17[%dma_wait3A_1384] : memref<4096xf32, #tpu.memory_space<vmem_shared>> -> memref<4096xf32, #tpu.memory_space<vmem_shared>>
    tpu.wait_indirect_dma semaphore(%arg19 : memref<!tpu.dma_semaphore, #tpu.memory_space<semaphore_mem>>) src(%dma_wait3A_1385 : memref<4096xf32, #tpu.memory_space<vmem_shared>>) dst(%dma_wait3A_1381 : memref<128xf32, #tpu.memory_space<vmem>>)
    %add3A_1386 = arith.constant 384 : i32
    %add3A_1387 = arith.addi %mul3A_6, %add3A_1386 : i32
    %run_scoped3A_1388 = arith.constant 1 : i32
    "tpu.region"() ({
      %run_scoped3A_1464 = tpu.sem_alloc : memref<!tpu.dma_semaphore, #tpu.memory_space<semaphore_mem>>
      %dma_start3A_1465 = arith.constant 0 : i32
      %dma_start3A_1466 = tpu.memref_slice %arg16[%run_scoped3A_1388, %dma_start3A_1465] : memref<2x128xf32, #tpu.memory_space<vmem>> -> memref<1x128xf32, #tpu.memory_space<vmem>>
      %dma_start3A_1467 = tpu.memref_squeeze %dma_start3A_1466 : memref<1x128xf32, #tpu.memory_space<vmem>> -> memref<128xf32, #tpu.memory_space<vmem>>
      %dma_start3A_1468 = tpu.memref_slice %arg9[%add3A_1387] : memref<32768xf32, #tpu.memory_space<hbm>> -> memref<128xf32, #tpu.memory_space<hbm>>
      %dma_start3A_1469 = tpu.memref_slice %arg9[%add3A_1387] : memref<32768xf32, #tpu.memory_space<hbm>> -> memref<128xf32, #tpu.memory_space<hbm>>
      %dma_start3A_1470 = arith.constant 0 : i32
      %dma_start3A_1471 = tpu.memref_slice %arg16[%run_scoped3A_1388, %dma_start3A_1470] : memref<2x128xf32, #tpu.memory_space<vmem>> -> memref<1x128xf32, #tpu.memory_space<vmem>>
      %dma_start3A_1472 = tpu.memref_squeeze %dma_start3A_1471 : memref<1x128xf32, #tpu.memory_space<vmem>> -> memref<128xf32, #tpu.memory_space<vmem>>
      tpu.enqueue_dma source(%dma_start3A_1472 : memref<128xf32, #tpu.memory_space<vmem>>) target(%dma_start3A_1469 : memref<128xf32, #tpu.memory_space<hbm>>) target_semaphore(%run_scoped3A_1464 : memref<!tpu.dma_semaphore, #tpu.memory_space<semaphore_mem>>)
      %dma_wait3A_1473 = arith.constant 0 : i32
      %dma_wait3A_1474 = tpu.memref_slice %arg16[%run_scoped3A_1388, %dma_wait3A_1473] : memref<2x128xf32, #tpu.memory_space<vmem>> -> memref<1x128xf32, #tpu.memory_space<vmem>>
      %dma_wait3A_1475 = tpu.memref_squeeze %dma_wait3A_1474 : memref<1x128xf32, #tpu.memory_space<vmem>> -> memref<128xf32, #tpu.memory_space<vmem>>
      %dma_wait3A_1476 = tpu.memref_slice %arg9[%add3A_1387] : memref<32768xf32, #tpu.memory_space<hbm>> -> memref<128xf32, #tpu.memory_space<hbm>>
      %dma_wait3A_1477 = tpu.memref_slice %arg9[%add3A_1387] : memref<32768xf32, #tpu.memory_space<hbm>> -> memref<128xf32, #tpu.memory_space<hbm>>
      %dma_wait3A_1478 = arith.constant 0 : i32
      %dma_wait3A_1479 = tpu.memref_slice %arg16[%run_scoped3A_1388, %dma_wait3A_1478] : memref<2x128xf32, #tpu.memory_space<vmem>> -> memref<1x128xf32, #tpu.memory_space<vmem>>
      %dma_wait3A_1480 = tpu.memref_squeeze %dma_wait3A_1479 : memref<1x128xf32, #tpu.memory_space<vmem>> -> memref<128xf32, #tpu.memory_space<vmem>>
      tpu.wait_dma2 semaphore(%run_scoped3A_1464 : memref<!tpu.dma_semaphore, #tpu.memory_space<semaphore_mem>>) src(%dma_wait3A_1480 : memref<128xf32, #tpu.memory_space<vmem>>) dst(%dma_wait3A_1477 : memref<128xf32, #tpu.memory_space<hbm>>)
      tpu.yield
    }) : () -> ()
    %dma_start3A_1389 = arith.constant 1 : i32
    %dma_start3A_1390 = arith.constant 0 : i32
    %dma_start3A_1391 = tpu.memref_slice %arg16[%dma_start3A_1389, %dma_start3A_1390] : memref<2x128xf32, #tpu.memory_space<vmem>> -> memref<1x128xf32, #tpu.memory_space<vmem>>
    %dma_start3A_1392 = tpu.memref_squeeze %dma_start3A_1391 : memref<1x128xf32, #tpu.memory_space<vmem>> -> memref<128xf32, #tpu.memory_space<vmem>>
    %dma_start3A_1393 = arith.constant 640 : i32
    %dma_start3A_1394 = tpu.memref_slice %arg11[%dma_start3A_1393] : memref<1024xi32, #tpu.memory_space<vmem>> -> memref<128xi32, #tpu.memory_space<vmem>>
    %dma_start3A_1395 = arith.constant 0 : i32
    %dma_start3A_1396 = tpu.memref_slice %arg17[%dma_start3A_1395] : memref<4096xf32, #tpu.memory_space<vmem_shared>> -> memref<4096xf32, #tpu.memory_space<vmem_shared>>
    tpu.enqueue_indirect_dma source(%dma_start3A_1396 : memref<4096xf32, #tpu.memory_space<vmem_shared>>) target(%dma_start3A_1392 : memref<128xf32, #tpu.memory_space<vmem>>) offsets(%dma_start3A_1394 : memref<128xi32, #tpu.memory_space<vmem>>) semaphore(%arg19 : memref<!tpu.dma_semaphore, #tpu.memory_space<semaphore_mem>>)
    %dma_wait3A_1397 = arith.constant 0 : i32
    %dma_wait3A_1398 = arith.constant 0 : i32
    %dma_wait3A_1399 = tpu.memref_slice %arg16[%dma_wait3A_1397, %dma_wait3A_1398] : memref<2x128xf32, #tpu.memory_space<vmem>> -> memref<1x128xf32, #tpu.memory_space<vmem>>
    %dma_wait3A_1400 = tpu.memref_squeeze %dma_wait3A_1399 : memref<1x128xf32, #tpu.memory_space<vmem>> -> memref<128xf32, #tpu.memory_space<vmem>>
    %dma_wait3A_1401 = arith.constant 512 : i32
    %dma_wait3A_1402 = tpu.memref_slice %arg11[%dma_wait3A_1401] : memref<1024xi32, #tpu.memory_space<vmem>> -> memref<128xi32, #tpu.memory_space<vmem>>
    %dma_wait3A_1403 = arith.constant 0 : i32
    %dma_wait3A_1404 = tpu.memref_slice %arg17[%dma_wait3A_1403] : memref<4096xf32, #tpu.memory_space<vmem_shared>> -> memref<4096xf32, #tpu.memory_space<vmem_shared>>
    tpu.wait_indirect_dma semaphore(%arg18 : memref<!tpu.dma_semaphore, #tpu.memory_space<semaphore_mem>>) src(%dma_wait3A_1404 : memref<4096xf32, #tpu.memory_space<vmem_shared>>) dst(%dma_wait3A_1400 : memref<128xf32, #tpu.memory_space<vmem>>)
    %add3A_1405 = arith.constant 512 : i32
    %add3A_1406 = arith.addi %mul3A_6, %add3A_1405 : i32
    %run_scoped3A_1407 = arith.constant 0 : i32
    "tpu.region"() ({
      %run_scoped3A_1464 = tpu.sem_alloc : memref<!tpu.dma_semaphore, #tpu.memory_space<semaphore_mem>>
      %dma_start3A_1465 = arith.constant 0 : i32
      %dma_start3A_1466 = tpu.memref_slice %arg16[%run_scoped3A_1407, %dma_start3A_1465] : memref<2x128xf32, #tpu.memory_space<vmem>> -> memref<1x128xf32, #tpu.memory_space<vmem>>
      %dma_start3A_1467 = tpu.memref_squeeze %dma_start3A_1466 : memref<1x128xf32, #tpu.memory_space<vmem>> -> memref<128xf32, #tpu.memory_space<vmem>>
      %dma_start3A_1468 = tpu.memref_slice %arg9[%add3A_1406] : memref<32768xf32, #tpu.memory_space<hbm>> -> memref<128xf32, #tpu.memory_space<hbm>>
      %dma_start3A_1469 = tpu.memref_slice %arg9[%add3A_1406] : memref<32768xf32, #tpu.memory_space<hbm>> -> memref<128xf32, #tpu.memory_space<hbm>>
      %dma_start3A_1470 = arith.constant 0 : i32
      %dma_start3A_1471 = tpu.memref_slice %arg16[%run_scoped3A_1407, %dma_start3A_1470] : memref<2x128xf32, #tpu.memory_space<vmem>> -> memref<1x128xf32, #tpu.memory_space<vmem>>
      %dma_start3A_1472 = tpu.memref_squeeze %dma_start3A_1471 : memref<1x128xf32, #tpu.memory_space<vmem>> -> memref<128xf32, #tpu.memory_space<vmem>>
      tpu.enqueue_dma source(%dma_start3A_1472 : memref<128xf32, #tpu.memory_space<vmem>>) target(%dma_start3A_1469 : memref<128xf32, #tpu.memory_space<hbm>>) target_semaphore(%run_scoped3A_1464 : memref<!tpu.dma_semaphore, #tpu.memory_space<semaphore_mem>>)
      %dma_wait3A_1473 = arith.constant 0 : i32
      %dma_wait3A_1474 = tpu.memref_slice %arg16[%run_scoped3A_1407, %dma_wait3A_1473] : memref<2x128xf32, #tpu.memory_space<vmem>> -> memref<1x128xf32, #tpu.memory_space<vmem>>
      %dma_wait3A_1475 = tpu.memref_squeeze %dma_wait3A_1474 : memref<1x128xf32, #tpu.memory_space<vmem>> -> memref<128xf32, #tpu.memory_space<vmem>>
      %dma_wait3A_1476 = tpu.memref_slice %arg9[%add3A_1406] : memref<32768xf32, #tpu.memory_space<hbm>> -> memref<128xf32, #tpu.memory_space<hbm>>
      %dma_wait3A_1477 = tpu.memref_slice %arg9[%add3A_1406] : memref<32768xf32, #tpu.memory_space<hbm>> -> memref<128xf32, #tpu.memory_space<hbm>>
      %dma_wait3A_1478 = arith.constant 0 : i32
      %dma_wait3A_1479 = tpu.memref_slice %arg16[%run_scoped3A_1407, %dma_wait3A_1478] : memref<2x128xf32, #tpu.memory_space<vmem>> -> memref<1x128xf32, #tpu.memory_space<vmem>>
      %dma_wait3A_1480 = tpu.memref_squeeze %dma_wait3A_1479 : memref<1x128xf32, #tpu.memory_space<vmem>> -> memref<128xf32, #tpu.memory_space<vmem>>
      tpu.wait_dma2 semaphore(%run_scoped3A_1464 : memref<!tpu.dma_semaphore, #tpu.memory_space<semaphore_mem>>) src(%dma_wait3A_1480 : memref<128xf32, #tpu.memory_space<vmem>>) dst(%dma_wait3A_1477 : memref<128xf32, #tpu.memory_space<hbm>>)
      tpu.yield
    }) : () -> ()
    %dma_start3A_1408 = arith.constant 0 : i32
    %dma_start3A_1409 = arith.constant 0 : i32
    %dma_start3A_1410 = tpu.memref_slice %arg16[%dma_start3A_1408, %dma_start3A_1409] : memref<2x128xf32, #tpu.memory_space<vmem>> -> memref<1x128xf32, #tpu.memory_space<vmem>>
    %dma_start3A_1411 = tpu.memref_squeeze %dma_start3A_1410 : memref<1x128xf32, #tpu.memory_space<vmem>> -> memref<128xf32, #tpu.memory_space<vmem>>
    %dma_start3A_1412 = arith.constant 768 : i32
    %dma_start3A_1413 = tpu.memref_slice %arg11[%dma_start3A_1412] : memref<1024xi32, #tpu.memory_space<vmem>> -> memref<128xi32, #tpu.memory_space<vmem>>
    %dma_start3A_1414 = arith.constant 0 : i32
    %dma_start3A_1415 = tpu.memref_slice %arg17[%dma_start3A_1414] : memref<4096xf32, #tpu.memory_space<vmem_shared>> -> memref<4096xf32, #tpu.memory_space<vmem_shared>>
    tpu.enqueue_indirect_dma source(%dma_start3A_1415 : memref<4096xf32, #tpu.memory_space<vmem_shared>>) target(%dma_start3A_1411 : memref<128xf32, #tpu.memory_space<vmem>>) offsets(%dma_start3A_1413 : memref<128xi32, #tpu.memory_space<vmem>>) semaphore(%arg18 : memref<!tpu.dma_semaphore, #tpu.memory_space<semaphore_mem>>)
    %dma_wait3A_1416 = arith.constant 1 : i32
    %dma_wait3A_1417 = arith.constant 0 : i32
    %dma_wait3A_1418 = tpu.memref_slice %arg16[%dma_wait3A_1416, %dma_wait3A_1417] : memref<2x128xf32, #tpu.memory_space<vmem>> -> memref<1x128xf32, #tpu.memory_space<vmem>>
    %dma_wait3A_1419 = tpu.memref_squeeze %dma_wait3A_1418 : memref<1x128xf32, #tpu.memory_space<vmem>> -> memref<128xf32, #tpu.memory_space<vmem>>
    %dma_wait3A_1420 = arith.constant 640 : i32
    %dma_wait3A_1421 = tpu.memref_slice %arg11[%dma_wait3A_1420] : memref<1024xi32, #tpu.memory_space<vmem>> -> memref<128xi32, #tpu.memory_space<vmem>>
    %dma_wait3A_1422 = arith.constant 0 : i32
    %dma_wait3A_1423 = tpu.memref_slice %arg17[%dma_wait3A_1422] : memref<4096xf32, #tpu.memory_space<vmem_shared>> -> memref<4096xf32, #tpu.memory_space<vmem_shared>>
    tpu.wait_indirect_dma semaphore(%arg19 : memref<!tpu.dma_semaphore, #tpu.memory_space<semaphore_mem>>) src(%dma_wait3A_1423 : memref<4096xf32, #tpu.memory_space<vmem_shared>>) dst(%dma_wait3A_1419 : memref<128xf32, #tpu.memory_space<vmem>>)
    %add3A_1424 = arith.constant 640 : i32
    %add3A_1425 = arith.addi %mul3A_6, %add3A_1424 : i32
    %run_scoped3A_1426 = arith.constant 1 : i32
    "tpu.region"() ({
      %run_scoped3A_1464 = tpu.sem_alloc : memref<!tpu.dma_semaphore, #tpu.memory_space<semaphore_mem>>
      %dma_start3A_1465 = arith.constant 0 : i32
      %dma_start3A_1466 = tpu.memref_slice %arg16[%run_scoped3A_1426, %dma_start3A_1465] : memref<2x128xf32, #tpu.memory_space<vmem>> -> memref<1x128xf32, #tpu.memory_space<vmem>>
      %dma_start3A_1467 = tpu.memref_squeeze %dma_start3A_1466 : memref<1x128xf32, #tpu.memory_space<vmem>> -> memref<128xf32, #tpu.memory_space<vmem>>
      %dma_start3A_1468 = tpu.memref_slice %arg9[%add3A_1425] : memref<32768xf32, #tpu.memory_space<hbm>> -> memref<128xf32, #tpu.memory_space<hbm>>
      %dma_start3A_1469 = tpu.memref_slice %arg9[%add3A_1425] : memref<32768xf32, #tpu.memory_space<hbm>> -> memref<128xf32, #tpu.memory_space<hbm>>
      %dma_start3A_1470 = arith.constant 0 : i32
      %dma_start3A_1471 = tpu.memref_slice %arg16[%run_scoped3A_1426, %dma_start3A_1470] : memref<2x128xf32, #tpu.memory_space<vmem>> -> memref<1x128xf32, #tpu.memory_space<vmem>>
      %dma_start3A_1472 = tpu.memref_squeeze %dma_start3A_1471 : memref<1x128xf32, #tpu.memory_space<vmem>> -> memref<128xf32, #tpu.memory_space<vmem>>
      tpu.enqueue_dma source(%dma_start3A_1472 : memref<128xf32, #tpu.memory_space<vmem>>) target(%dma_start3A_1469 : memref<128xf32, #tpu.memory_space<hbm>>) target_semaphore(%run_scoped3A_1464 : memref<!tpu.dma_semaphore, #tpu.memory_space<semaphore_mem>>)
      %dma_wait3A_1473 = arith.constant 0 : i32
      %dma_wait3A_1474 = tpu.memref_slice %arg16[%run_scoped3A_1426, %dma_wait3A_1473] : memref<2x128xf32, #tpu.memory_space<vmem>> -> memref<1x128xf32, #tpu.memory_space<vmem>>
      %dma_wait3A_1475 = tpu.memref_squeeze %dma_wait3A_1474 : memref<1x128xf32, #tpu.memory_space<vmem>> -> memref<128xf32, #tpu.memory_space<vmem>>
      %dma_wait3A_1476 = tpu.memref_slice %arg9[%add3A_1425] : memref<32768xf32, #tpu.memory_space<hbm>> -> memref<128xf32, #tpu.memory_space<hbm>>
      %dma_wait3A_1477 = tpu.memref_slice %arg9[%add3A_1425] : memref<32768xf32, #tpu.memory_space<hbm>> -> memref<128xf32, #tpu.memory_space<hbm>>
      %dma_wait3A_1478 = arith.constant 0 : i32
      %dma_wait3A_1479 = tpu.memref_slice %arg16[%run_scoped3A_1426, %dma_wait3A_1478] : memref<2x128xf32, #tpu.memory_space<vmem>> -> memref<1x128xf32, #tpu.memory_space<vmem>>
      %dma_wait3A_1480 = tpu.memref_squeeze %dma_wait3A_1479 : memref<1x128xf32, #tpu.memory_space<vmem>> -> memref<128xf32, #tpu.memory_space<vmem>>
      tpu.wait_dma2 semaphore(%run_scoped3A_1464 : memref<!tpu.dma_semaphore, #tpu.memory_space<semaphore_mem>>) src(%dma_wait3A_1480 : memref<128xf32, #tpu.memory_space<vmem>>) dst(%dma_wait3A_1477 : memref<128xf32, #tpu.memory_space<hbm>>)
      tpu.yield
    }) : () -> ()
    %dma_start3A_1427 = arith.constant 1 : i32
    %dma_start3A_1428 = arith.constant 0 : i32
    %dma_start3A_1429 = tpu.memref_slice %arg16[%dma_start3A_1427, %dma_start3A_1428] : memref<2x128xf32, #tpu.memory_space<vmem>> -> memref<1x128xf32, #tpu.memory_space<vmem>>
    %dma_start3A_1430 = tpu.memref_squeeze %dma_start3A_1429 : memref<1x128xf32, #tpu.memory_space<vmem>> -> memref<128xf32, #tpu.memory_space<vmem>>
    %dma_start3A_1431 = arith.constant 896 : i32
    %dma_start3A_1432 = tpu.memref_slice %arg11[%dma_start3A_1431] : memref<1024xi32, #tpu.memory_space<vmem>> -> memref<128xi32, #tpu.memory_space<vmem>>
    %dma_start3A_1433 = arith.constant 0 : i32
    %dma_start3A_1434 = tpu.memref_slice %arg17[%dma_start3A_1433] : memref<4096xf32, #tpu.memory_space<vmem_shared>> -> memref<4096xf32, #tpu.memory_space<vmem_shared>>
    tpu.enqueue_indirect_dma source(%dma_start3A_1434 : memref<4096xf32, #tpu.memory_space<vmem_shared>>) target(%dma_start3A_1430 : memref<128xf32, #tpu.memory_space<vmem>>) offsets(%dma_start3A_1432 : memref<128xi32, #tpu.memory_space<vmem>>) semaphore(%arg19 : memref<!tpu.dma_semaphore, #tpu.memory_space<semaphore_mem>>)
    %dma_wait3A_1435 = arith.constant 0 : i32
    %dma_wait3A_1436 = arith.constant 0 : i32
    %dma_wait3A_1437 = tpu.memref_slice %arg16[%dma_wait3A_1435, %dma_wait3A_1436] : memref<2x128xf32, #tpu.memory_space<vmem>> -> memref<1x128xf32, #tpu.memory_space<vmem>>
    %dma_wait3A_1438 = tpu.memref_squeeze %dma_wait3A_1437 : memref<1x128xf32, #tpu.memory_space<vmem>> -> memref<128xf32, #tpu.memory_space<vmem>>
    %dma_wait3A_1439 = arith.constant 768 : i32
    %dma_wait3A_1440 = tpu.memref_slice %arg11[%dma_wait3A_1439] : memref<1024xi32, #tpu.memory_space<vmem>> -> memref<128xi32, #tpu.memory_space<vmem>>
    %dma_wait3A_1441 = arith.constant 0 : i32
    %dma_wait3A_1442 = tpu.memref_slice %arg17[%dma_wait3A_1441] : memref<4096xf32, #tpu.memory_space<vmem_shared>> -> memref<4096xf32, #tpu.memory_space<vmem_shared>>
    tpu.wait_indirect_dma semaphore(%arg18 : memref<!tpu.dma_semaphore, #tpu.memory_space<semaphore_mem>>) src(%dma_wait3A_1442 : memref<4096xf32, #tpu.memory_space<vmem_shared>>) dst(%dma_wait3A_1438 : memref<128xf32, #tpu.memory_space<vmem>>)
    %add3A_1443 = arith.constant 768 : i32
    %add3A_1444 = arith.addi %mul3A_6, %add3A_1443 : i32
    %run_scoped3A_1445 = arith.constant 0 : i32
    "tpu.region"() ({
      %run_scoped3A_1464 = tpu.sem_alloc : memref<!tpu.dma_semaphore, #tpu.memory_space<semaphore_mem>>
      %dma_start3A_1465 = arith.constant 0 : i32
      %dma_start3A_1466 = tpu.memref_slice %arg16[%run_scoped3A_1445, %dma_start3A_1465] : memref<2x128xf32, #tpu.memory_space<vmem>> -> memref<1x128xf32, #tpu.memory_space<vmem>>
      %dma_start3A_1467 = tpu.memref_squeeze %dma_start3A_1466 : memref<1x128xf32, #tpu.memory_space<vmem>> -> memref<128xf32, #tpu.memory_space<vmem>>
      %dma_start3A_1468 = tpu.memref_slice %arg9[%add3A_1444] : memref<32768xf32, #tpu.memory_space<hbm>> -> memref<128xf32, #tpu.memory_space<hbm>>
      %dma_start3A_1469 = tpu.memref_slice %arg9[%add3A_1444] : memref<32768xf32, #tpu.memory_space<hbm>> -> memref<128xf32, #tpu.memory_space<hbm>>
      %dma_start3A_1470 = arith.constant 0 : i32
      %dma_start3A_1471 = tpu.memref_slice %arg16[%run_scoped3A_1445, %dma_start3A_1470] : memref<2x128xf32, #tpu.memory_space<vmem>> -> memref<1x128xf32, #tpu.memory_space<vmem>>
      %dma_start3A_1472 = tpu.memref_squeeze %dma_start3A_1471 : memref<1x128xf32, #tpu.memory_space<vmem>> -> memref<128xf32, #tpu.memory_space<vmem>>
      tpu.enqueue_dma source(%dma_start3A_1472 : memref<128xf32, #tpu.memory_space<vmem>>) target(%dma_start3A_1469 : memref<128xf32, #tpu.memory_space<hbm>>) target_semaphore(%run_scoped3A_1464 : memref<!tpu.dma_semaphore, #tpu.memory_space<semaphore_mem>>)
      %dma_wait3A_1473 = arith.constant 0 : i32
      %dma_wait3A_1474 = tpu.memref_slice %arg16[%run_scoped3A_1445, %dma_wait3A_1473] : memref<2x128xf32, #tpu.memory_space<vmem>> -> memref<1x128xf32, #tpu.memory_space<vmem>>
      %dma_wait3A_1475 = tpu.memref_squeeze %dma_wait3A_1474 : memref<1x128xf32, #tpu.memory_space<vmem>> -> memref<128xf32, #tpu.memory_space<vmem>>
      %dma_wait3A_1476 = tpu.memref_slice %arg9[%add3A_1444] : memref<32768xf32, #tpu.memory_space<hbm>> -> memref<128xf32, #tpu.memory_space<hbm>>
      %dma_wait3A_1477 = tpu.memref_slice %arg9[%add3A_1444] : memref<32768xf32, #tpu.memory_space<hbm>> -> memref<128xf32, #tpu.memory_space<hbm>>
      %dma_wait3A_1478 = arith.constant 0 : i32
      %dma_wait3A_1479 = tpu.memref_slice %arg16[%run_scoped3A_1445, %dma_wait3A_1478] : memref<2x128xf32, #tpu.memory_space<vmem>> -> memref<1x128xf32, #tpu.memory_space<vmem>>
      %dma_wait3A_1480 = tpu.memref_squeeze %dma_wait3A_1479 : memref<1x128xf32, #tpu.memory_space<vmem>> -> memref<128xf32, #tpu.memory_space<vmem>>
      tpu.wait_dma2 semaphore(%run_scoped3A_1464 : memref<!tpu.dma_semaphore, #tpu.memory_space<semaphore_mem>>) src(%dma_wait3A_1480 : memref<128xf32, #tpu.memory_space<vmem>>) dst(%dma_wait3A_1477 : memref<128xf32, #tpu.memory_space<hbm>>)
      tpu.yield
    }) : () -> ()
    %dma_wait3A_1446 = arith.constant 1 : i32
    %dma_wait3A_1447 = arith.constant 0 : i32
    %dma_wait3A_1448 = tpu.memref_slice %arg16[%dma_wait3A_1446, %dma_wait3A_1447] : memref<2x128xf32, #tpu.memory_space<vmem>> -> memref<1x128xf32, #tpu.memory_space<vmem>>
    %dma_wait3A_1449 = tpu.memref_squeeze %dma_wait3A_1448 : memref<1x128xf32, #tpu.memory_space<vmem>> -> memref<128xf32, #tpu.memory_space<vmem>>
    %dma_wait3A_1450 = arith.constant 896 : i32
    %dma_wait3A_1451 = tpu.memref_slice %arg11[%dma_wait3A_1450] : memref<1024xi32, #tpu.memory_space<vmem>> -> memref<128xi32, #tpu.memory_space<vmem>>
    %dma_wait3A_1452 = arith.constant 0 : i32
    %dma_wait3A_1453 = tpu.memref_slice %arg17[%dma_wait3A_1452] : memref<4096xf32, #tpu.memory_space<vmem_shared>> -> memref<4096xf32, #tpu.memory_space<vmem_shared>>
    tpu.wait_indirect_dma semaphore(%arg19 : memref<!tpu.dma_semaphore, #tpu.memory_space<semaphore_mem>>) src(%dma_wait3A_1453 : memref<4096xf32, #tpu.memory_space<vmem_shared>>) dst(%dma_wait3A_1449 : memref<128xf32, #tpu.memory_space<vmem>>)
    %add3A_1454 = arith.constant 896 : i32
    %add3A_1455 = arith.addi %mul3A_6, %add3A_1454 : i32
    %run_scoped3A_1456 = arith.constant 1 : i32
    "tpu.region"() ({
      %run_scoped3A_1464 = tpu.sem_alloc : memref<!tpu.dma_semaphore, #tpu.memory_space<semaphore_mem>>
      %dma_start3A_1465 = arith.constant 0 : i32
      %dma_start3A_1466 = tpu.memref_slice %arg16[%run_scoped3A_1456, %dma_start3A_1465] : memref<2x128xf32, #tpu.memory_space<vmem>> -> memref<1x128xf32, #tpu.memory_space<vmem>>
      %dma_start3A_1467 = tpu.memref_squeeze %dma_start3A_1466 : memref<1x128xf32, #tpu.memory_space<vmem>> -> memref<128xf32, #tpu.memory_space<vmem>>
      %dma_start3A_1468 = tpu.memref_slice %arg9[%add3A_1455] : memref<32768xf32, #tpu.memory_space<hbm>> -> memref<128xf32, #tpu.memory_space<hbm>>
      %dma_start3A_1469 = tpu.memref_slice %arg9[%add3A_1455] : memref<32768xf32, #tpu.memory_space<hbm>> -> memref<128xf32, #tpu.memory_space<hbm>>
      %dma_start3A_1470 = arith.constant 0 : i32
      %dma_start3A_1471 = tpu.memref_slice %arg16[%run_scoped3A_1456, %dma_start3A_1470] : memref<2x128xf32, #tpu.memory_space<vmem>> -> memref<1x128xf32, #tpu.memory_space<vmem>>
      %dma_start3A_1472 = tpu.memref_squeeze %dma_start3A_1471 : memref<1x128xf32, #tpu.memory_space<vmem>> -> memref<128xf32, #tpu.memory_space<vmem>>
      tpu.enqueue_dma source(%dma_start3A_1472 : memref<128xf32, #tpu.memory_space<vmem>>) target(%dma_start3A_1469 : memref<128xf32, #tpu.memory_space<hbm>>) target_semaphore(%run_scoped3A_1464 : memref<!tpu.dma_semaphore, #tpu.memory_space<semaphore_mem>>)
      %dma_wait3A_1473 = arith.constant 0 : i32
      %dma_wait3A_1474 = tpu.memref_slice %arg16[%run_scoped3A_1456, %dma_wait3A_1473] : memref<2x128xf32, #tpu.memory_space<vmem>> -> memref<1x128xf32, #tpu.memory_space<vmem>>
      %dma_wait3A_1475 = tpu.memref_squeeze %dma_wait3A_1474 : memref<1x128xf32, #tpu.memory_space<vmem>> -> memref<128xf32, #tpu.memory_space<vmem>>
      %dma_wait3A_1476 = tpu.memref_slice %arg9[%add3A_1455] : memref<32768xf32, #tpu.memory_space<hbm>> -> memref<128xf32, #tpu.memory_space<hbm>>
      %dma_wait3A_1477 = tpu.memref_slice %arg9[%add3A_1455] : memref<32768xf32, #tpu.memory_space<hbm>> -> memref<128xf32, #tpu.memory_space<hbm>>
      %dma_wait3A_1478 = arith.constant 0 : i32
      %dma_wait3A_1479 = tpu.memref_slice %arg16[%run_scoped3A_1456, %dma_wait3A_1478] : memref<2x128xf32, #tpu.memory_space<vmem>> -> memref<1x128xf32, #tpu.memory_space<vmem>>
      %dma_wait3A_1480 = tpu.memref_squeeze %dma_wait3A_1479 : memref<1x128xf32, #tpu.memory_space<vmem>> -> memref<128xf32, #tpu.memory_space<vmem>>
      tpu.wait_dma2 semaphore(%run_scoped3A_1464 : memref<!tpu.dma_semaphore, #tpu.memory_space<semaphore_mem>>) src(%dma_wait3A_1480 : memref<128xf32, #tpu.memory_space<vmem>>) dst(%dma_wait3A_1477 : memref<128xf32, #tpu.memory_space<hbm>>)
      tpu.yield
    }) : () -> ()
    %eq3A_1457 = arith.constant 0 : i32
    %eq3A_1458 = arith.cmpi eq, %arg1, %eq3A_1457 : i32
    %eq3A_1459 = arith.constant 0 : i32
    %eq3A_1460 = arith.cmpi eq, %arg0, %eq3A_1459 : i32
    %and3A = arith.andi %eq3A_1458, %eq3A_1460 : i1
    %convert_element_type3A_1461 = arith.extui %and3A : i1 to i32
    %cond3A_1462 = arith.constant 0 : i32
    %cond3A_1463 = arith.cmpi ne, %convert_element_type3A_1461, %cond3A_1462 : i32
    scf.if %cond3A_1463 {
      "tpu.region"() ({
        %run_scoped3A_1464 = tpu.sem_alloc : memref<!tpu.dma_semaphore, #tpu.memory_space<semaphore_mem>>
        tpu.enqueue_dma source(%arg17 : memref<4096xf32, #tpu.memory_space<vmem_shared>>) target(%arg8 : memref<4096xf32, #tpu.memory_space<hbm>>) target_semaphore(%run_scoped3A_1464 : memref<!tpu.dma_semaphore, #tpu.memory_space<semaphore_mem>>)
        tpu.wait_dma2 semaphore(%run_scoped3A_1464 : memref<!tpu.dma_semaphore, #tpu.memory_space<semaphore_mem>>) src(%arg17 : memref<4096xf32, #tpu.memory_space<vmem_shared>>) dst(%arg8 : memref<4096xf32, #tpu.memory_space<hbm>>)
        tpu.yield
      }) : () -> ()
    } else {
    }
    return
  }
}

#map = affine_map<(d0, d1) -> (0, 0)>
#map1 = affine_map<(d0, d1) -> (0)>
#map2 = affine_map<(d0, d1) -> (0, 0, 0)>
module attributes {stable_mosaic.version = 14 : i64} {
  func.func @_k5_scatter_add(%arg0: i32, %arg1: i32, %arg2: memref<32768x128xf32, #tpu.memory_space<hbm>>, %arg3: memref<32768xi32, #tpu.memory_space<hbm>>, %arg4: memref<4096x128xf32, #tpu.memory_space<hbm>>, %arg5: memref<2x4096x128xf32, #tpu.memory_space<hbm>>, %arg6: memref<128xi32, #tpu.memory_space<vmem>>, %arg7: memref<128xi32, #tpu.memory_space<vmem>>, %arg8: memref<2x128x128xf32, #tpu.memory_space<vmem>>, %arg9: memref<4096x128xf32, #tpu.memory_space<vmem_shared>>, %arg10: memref<!tpu.dma_semaphore, #tpu.memory_space<semaphore_mem>>, %arg11: memref<!tpu.dma_semaphore, #tpu.memory_space<semaphore_mem>>) attributes {dimension_semantics = [#tpu.dimension_semantics<core_parallel>, #tpu.dimension_semantics<subcore_parallel>], iteration_bounds = array<i64: 2, 16>, scalar_prefetch = 0 : i64, scratch_operands = 6 : i64, tpu.core_type = #tpu.core_type<sc_vector_subcore>, window_params = [{transform_indices = #map}, {transform_indices = #map1}, {transform_indices = #map}, {transform_indices = #map2}]} {
    %mul3A = arith.constant 2 : i32
    %mul3A_0 = arith.muli %arg1, %mul3A : i32
    %add3A = arith.addi %mul3A_0, %arg0 : i32
    %mul3A_1 = arith.constant 1024 : i32
    %mul3A_2 = arith.muli %add3A, %mul3A_1 : i32
    %eq3A = arith.constant 0 : i32
    %eq3A_3 = arith.cmpi eq, %arg1, %eq3A : i32
    %convert_element_type3A = arith.extui %eq3A_3 : i1 to i32
    %cond3A = arith.constant 0 : i32
    %cond3A_4 = arith.cmpi ne, %convert_element_type3A, %cond3A : i32
    scf.if %cond3A_4 {
      "tpu.region"() ({
        %run_scoped3A_256 = tpu.sem_alloc : memref<!tpu.dma_semaphore, #tpu.memory_space<semaphore_mem>>
        tpu.enqueue_dma source(%arg4 : memref<4096x128xf32, #tpu.memory_space<hbm>>) target(%arg9 : memref<4096x128xf32, #tpu.memory_space<vmem_shared>>) target_semaphore(%run_scoped3A_256 : memref<!tpu.dma_semaphore, #tpu.memory_space<semaphore_mem>>)
        tpu.wait_dma2 semaphore(%run_scoped3A_256 : memref<!tpu.dma_semaphore, #tpu.memory_space<semaphore_mem>>) src(%arg4 : memref<4096x128xf32, #tpu.memory_space<hbm>>) dst(%arg9 : memref<4096x128xf32, #tpu.memory_space<vmem_shared>>)
        tpu.yield
      }) : () -> ()
    } else {
    }
    %barrier3A = arith.constant 0 : index
    tpu.barrier barrier_id(%barrier3A)
    %add3A_5 = arith.constant 0 : i32
    %add3A_6 = arith.addi %mul3A_2, %add3A_5 : i32
    "tpu.region"() ({
      %run_scoped3A_256 = tpu.sem_alloc : memref<!tpu.dma_semaphore, #tpu.memory_space<semaphore_mem>>
      %dma_start3A_257 = tpu.memref_slice %arg3[%add3A_6] : memref<32768xi32, #tpu.memory_space<hbm>> -> memref<128xi32, #tpu.memory_space<hbm>>
      %dma_start3A_258 = tpu.memref_slice %arg3[%add3A_6] : memref<32768xi32, #tpu.memory_space<hbm>> -> memref<128xi32, #tpu.memory_space<hbm>>
      tpu.enqueue_dma source(%dma_start3A_258 : memref<128xi32, #tpu.memory_space<hbm>>) target(%arg6 : memref<128xi32, #tpu.memory_space<vmem>>) target_semaphore(%run_scoped3A_256 : memref<!tpu.dma_semaphore, #tpu.memory_space<semaphore_mem>>)
      %dma_wait3A_259 = tpu.memref_slice %arg3[%add3A_6] : memref<32768xi32, #tpu.memory_space<hbm>> -> memref<128xi32, #tpu.memory_space<hbm>>
      %dma_wait3A_260 = tpu.memref_slice %arg3[%add3A_6] : memref<32768xi32, #tpu.memory_space<hbm>> -> memref<128xi32, #tpu.memory_space<hbm>>
      tpu.wait_dma2 semaphore(%run_scoped3A_256 : memref<!tpu.dma_semaphore, #tpu.memory_space<semaphore_mem>>) src(%dma_wait3A_260 : memref<128xi32, #tpu.memory_space<hbm>>) dst(%arg6 : memref<128xi32, #tpu.memory_space<vmem>>)
      tpu.yield
    }) : () -> ()
    %add3A_7 = arith.constant 0 : i32
    %add3A_8 = arith.addi %mul3A_2, %add3A_7 : i32
    %dma_start3A = arith.constant 0 : i32
    %dma_start3A_9 = arith.constant 0 : i32
    %dma_start3A_10 = arith.constant 0 : i32
    %dma_start3A_11 = tpu.memref_slice %arg8[%dma_start3A, %dma_start3A_9, %dma_start3A_10] : memref<2x128x128xf32, #tpu.memory_space<vmem>> -> memref<1x128x128xf32, #tpu.memory_space<vmem>>
    %dma_start3A_12 = tpu.memref_squeeze %dma_start3A_11 : memref<1x128x128xf32, #tpu.memory_space<vmem>> -> memref<128x128xf32, #tpu.memory_space<vmem>>
    %dma_start3A_13 = arith.constant 0 : i32
    %dma_start3A_14 = tpu.memref_slice %arg2[%add3A_8, %dma_start3A_13] : memref<32768x128xf32, #tpu.memory_space<hbm>> -> memref<128x128xf32, #tpu.memory_space<hbm>>
    %dma_start3A_15 = arith.constant 0 : i32
    %dma_start3A_16 = arith.constant 0 : i32
    %dma_start3A_17 = tpu.memref_slice %arg8[%dma_start3A, %dma_start3A_15, %dma_start3A_16] : memref<2x128x128xf32, #tpu.memory_space<vmem>> -> memref<1x128x128xf32, #tpu.memory_space<vmem>>
    %dma_start3A_18 = tpu.memref_squeeze %dma_start3A_17 : memref<1x128x128xf32, #tpu.memory_space<vmem>> -> memref<128x128xf32, #tpu.memory_space<vmem>>
    %dma_start3A_19 = arith.constant 0 : i32
    %dma_start3A_20 = tpu.memref_slice %arg2[%add3A_8, %dma_start3A_19] : memref<32768x128xf32, #tpu.memory_space<hbm>> -> memref<128x128xf32, #tpu.memory_space<hbm>>
    tpu.enqueue_dma source(%dma_start3A_20 : memref<128x128xf32, #tpu.memory_space<hbm>>) target(%dma_start3A_18 : memref<128x128xf32, #tpu.memory_space<vmem>>) target_semaphore(%arg10 : memref<!tpu.dma_semaphore, #tpu.memory_space<semaphore_mem>>)
    %add3A_21 = arith.constant 128 : i32
    %add3A_22 = arith.addi %mul3A_2, %add3A_21 : i32
    "tpu.region"() ({
      %run_scoped3A_256 = tpu.sem_alloc : memref<!tpu.dma_semaphore, #tpu.memory_space<semaphore_mem>>
      %dma_start3A_257 = tpu.memref_slice %arg3[%add3A_22] : memref<32768xi32, #tpu.memory_space<hbm>> -> memref<128xi32, #tpu.memory_space<hbm>>
      %dma_start3A_258 = tpu.memref_slice %arg3[%add3A_22] : memref<32768xi32, #tpu.memory_space<hbm>> -> memref<128xi32, #tpu.memory_space<hbm>>
      tpu.enqueue_dma source(%dma_start3A_258 : memref<128xi32, #tpu.memory_space<hbm>>) target(%arg7 : memref<128xi32, #tpu.memory_space<vmem>>) target_semaphore(%run_scoped3A_256 : memref<!tpu.dma_semaphore, #tpu.memory_space<semaphore_mem>>)
      %dma_wait3A_259 = tpu.memref_slice %arg3[%add3A_22] : memref<32768xi32, #tpu.memory_space<hbm>> -> memref<128xi32, #tpu.memory_space<hbm>>
      %dma_wait3A_260 = tpu.memref_slice %arg3[%add3A_22] : memref<32768xi32, #tpu.memory_space<hbm>> -> memref<128xi32, #tpu.memory_space<hbm>>
      tpu.wait_dma2 semaphore(%run_scoped3A_256 : memref<!tpu.dma_semaphore, #tpu.memory_space<semaphore_mem>>) src(%dma_wait3A_260 : memref<128xi32, #tpu.memory_space<hbm>>) dst(%arg7 : memref<128xi32, #tpu.memory_space<vmem>>)
      tpu.yield
    }) : () -> ()
    %add3A_23 = arith.constant 128 : i32
    %add3A_24 = arith.addi %mul3A_2, %add3A_23 : i32
    %dma_start3A_25 = arith.constant 1 : i32
    %dma_start3A_26 = arith.constant 0 : i32
    %dma_start3A_27 = arith.constant 0 : i32
    %dma_start3A_28 = tpu.memref_slice %arg8[%dma_start3A_25, %dma_start3A_26, %dma_start3A_27] : memref<2x128x128xf32, #tpu.memory_space<vmem>> -> memref<1x128x128xf32, #tpu.memory_space<vmem>>
    %dma_start3A_29 = tpu.memref_squeeze %dma_start3A_28 : memref<1x128x128xf32, #tpu.memory_space<vmem>> -> memref<128x128xf32, #tpu.memory_space<vmem>>
    %dma_start3A_30 = arith.constant 0 : i32
    %dma_start3A_31 = tpu.memref_slice %arg2[%add3A_24, %dma_start3A_30] : memref<32768x128xf32, #tpu.memory_space<hbm>> -> memref<128x128xf32, #tpu.memory_space<hbm>>
    %dma_start3A_32 = arith.constant 0 : i32
    %dma_start3A_33 = arith.constant 0 : i32
    %dma_start3A_34 = tpu.memref_slice %arg8[%dma_start3A_25, %dma_start3A_32, %dma_start3A_33] : memref<2x128x128xf32, #tpu.memory_space<vmem>> -> memref<1x128x128xf32, #tpu.memory_space<vmem>>
    %dma_start3A_35 = tpu.memref_squeeze %dma_start3A_34 : memref<1x128x128xf32, #tpu.memory_space<vmem>> -> memref<128x128xf32, #tpu.memory_space<vmem>>
    %dma_start3A_36 = arith.constant 0 : i32
    %dma_start3A_37 = tpu.memref_slice %arg2[%add3A_24, %dma_start3A_36] : memref<32768x128xf32, #tpu.memory_space<hbm>> -> memref<128x128xf32, #tpu.memory_space<hbm>>
    tpu.enqueue_dma source(%dma_start3A_37 : memref<128x128xf32, #tpu.memory_space<hbm>>) target(%dma_start3A_35 : memref<128x128xf32, #tpu.memory_space<vmem>>) target_semaphore(%arg11 : memref<!tpu.dma_semaphore, #tpu.memory_space<semaphore_mem>>)
    %dma_wait3A = arith.constant 0 : i32
    %dma_wait3A_38 = arith.constant 0 : i32
    %dma_wait3A_39 = arith.constant 0 : i32
    %dma_wait3A_40 = tpu.memref_slice %arg8[%dma_wait3A, %dma_wait3A_38, %dma_wait3A_39] : memref<2x128x128xf32, #tpu.memory_space<vmem>> -> memref<1x128x128xf32, #tpu.memory_space<vmem>>
    %dma_wait3A_41 = tpu.memref_squeeze %dma_wait3A_40 : memref<1x128x128xf32, #tpu.memory_space<vmem>> -> memref<128x128xf32, #tpu.memory_space<vmem>>
    %dma_wait3A_42 = arith.constant 0 : i32
    %dma_wait3A_43 = tpu.memref_slice %arg2[%add3A_8, %dma_wait3A_42] : memref<32768x128xf32, #tpu.memory_space<hbm>> -> memref<128x128xf32, #tpu.memory_space<hbm>>
    %dma_wait3A_44 = arith.constant 0 : i32
    %dma_wait3A_45 = arith.constant 0 : i32
    %dma_wait3A_46 = tpu.memref_slice %arg8[%dma_wait3A, %dma_wait3A_44, %dma_wait3A_45] : memref<2x128x128xf32, #tpu.memory_space<vmem>> -> memref<1x128x128xf32, #tpu.memory_space<vmem>>
    %dma_wait3A_47 = tpu.memref_squeeze %dma_wait3A_46 : memref<1x128x128xf32, #tpu.memory_space<vmem>> -> memref<128x128xf32, #tpu.memory_space<vmem>>
    %dma_wait3A_48 = arith.constant 0 : i32
    %dma_wait3A_49 = tpu.memref_slice %arg2[%add3A_8, %dma_wait3A_48] : memref<32768x128xf32, #tpu.memory_space<hbm>> -> memref<128x128xf32, #tpu.memory_space<hbm>>
    tpu.wait_dma2 semaphore(%arg10 : memref<!tpu.dma_semaphore, #tpu.memory_space<semaphore_mem>>) src(%dma_wait3A_49 : memref<128x128xf32, #tpu.memory_space<hbm>>) dst(%dma_wait3A_47 : memref<128x128xf32, #tpu.memory_space<vmem>>)
    %run_scoped3A = arith.constant 0 : i32
    "tpu.region"() ({
      %run_scoped3A_256 = tpu.sem_alloc : memref<!tpu.dma_semaphore, #tpu.memory_space<semaphore_mem>>
      %dma_start3A_257 = arith.constant 0 : i32
      %dma_start3A_258 = arith.constant 0 : i32
      %dma_start3A_259 = tpu.memref_slice %arg8[%run_scoped3A, %dma_start3A_257, %dma_start3A_258] : memref<2x128x128xf32, #tpu.memory_space<vmem>> -> memref<1x128x128xf32, #tpu.memory_space<vmem>>
      %dma_start3A_260 = tpu.memref_squeeze %dma_start3A_259 : memref<1x128x128xf32, #tpu.memory_space<vmem>> -> memref<128x128xf32, #tpu.memory_space<vmem>>
      %dma_start3A_261 = arith.constant 0 : i32
      %dma_start3A_262 = arith.constant 0 : i32
      %dma_start3A_263 = tpu.memref_slice %arg9[%dma_start3A_261, %dma_start3A_262] : memref<4096x128xf32, #tpu.memory_space<vmem_shared>> -> memref<4096x128xf32, #tpu.memory_space<vmem_shared>>
      tpu.enqueue_indirect_dma source(%dma_start3A_260 : memref<128x128xf32, #tpu.memory_space<vmem>>) target(%dma_start3A_263 : memref<4096x128xf32, #tpu.memory_space<vmem_shared>>) offsets(%arg6 : memref<128xi32, #tpu.memory_space<vmem>>) semaphore(%run_scoped3A_256 : memref<!tpu.dma_semaphore, #tpu.memory_space<semaphore_mem>>) {add = true}
      %dma_wait3A_264 = arith.constant 0 : i32
      %dma_wait3A_265 = arith.constant 0 : i32
      %dma_wait3A_266 = tpu.memref_slice %arg8[%run_scoped3A, %dma_wait3A_264, %dma_wait3A_265] : memref<2x128x128xf32, #tpu.memory_space<vmem>> -> memref<1x128x128xf32, #tpu.memory_space<vmem>>
      %dma_wait3A_267 = tpu.memref_squeeze %dma_wait3A_266 : memref<1x128x128xf32, #tpu.memory_space<vmem>> -> memref<128x128xf32, #tpu.memory_space<vmem>>
      %dma_wait3A_268 = arith.constant 0 : i32
      %dma_wait3A_269 = arith.constant 0 : i32
      %dma_wait3A_270 = tpu.memref_slice %arg9[%dma_wait3A_268, %dma_wait3A_269] : memref<4096x128xf32, #tpu.memory_space<vmem_shared>> -> memref<4096x128xf32, #tpu.memory_space<vmem_shared>>
      tpu.wait_indirect_dma semaphore(%run_scoped3A_256 : memref<!tpu.dma_semaphore, #tpu.memory_space<semaphore_mem>>) src(%dma_wait3A_267 : memref<128x128xf32, #tpu.memory_space<vmem>>) dst(%dma_wait3A_270 : memref<4096x128xf32, #tpu.memory_space<vmem_shared>>)
      tpu.yield
    }) : () -> ()
    %add3A_50 = arith.constant 256 : i32
    %add3A_51 = arith.addi %mul3A_2, %add3A_50 : i32
    "tpu.region"() ({
      %run_scoped3A_256 = tpu.sem_alloc : memref<!tpu.dma_semaphore, #tpu.memory_space<semaphore_mem>>
      %dma_start3A_257 = tpu.memref_slice %arg3[%add3A_51] : memref<32768xi32, #tpu.memory_space<hbm>> -> memref<128xi32, #tpu.memory_space<hbm>>
      %dma_start3A_258 = tpu.memref_slice %arg3[%add3A_51] : memref<32768xi32, #tpu.memory_space<hbm>> -> memref<128xi32, #tpu.memory_space<hbm>>
      tpu.enqueue_dma source(%dma_start3A_258 : memref<128xi32, #tpu.memory_space<hbm>>) target(%arg6 : memref<128xi32, #tpu.memory_space<vmem>>) target_semaphore(%run_scoped3A_256 : memref<!tpu.dma_semaphore, #tpu.memory_space<semaphore_mem>>)
      %dma_wait3A_259 = tpu.memref_slice %arg3[%add3A_51] : memref<32768xi32, #tpu.memory_space<hbm>> -> memref<128xi32, #tpu.memory_space<hbm>>
      %dma_wait3A_260 = tpu.memref_slice %arg3[%add3A_51] : memref<32768xi32, #tpu.memory_space<hbm>> -> memref<128xi32, #tpu.memory_space<hbm>>
      tpu.wait_dma2 semaphore(%run_scoped3A_256 : memref<!tpu.dma_semaphore, #tpu.memory_space<semaphore_mem>>) src(%dma_wait3A_260 : memref<128xi32, #tpu.memory_space<hbm>>) dst(%arg6 : memref<128xi32, #tpu.memory_space<vmem>>)
      tpu.yield
    }) : () -> ()
    %add3A_52 = arith.constant 256 : i32
    %add3A_53 = arith.addi %mul3A_2, %add3A_52 : i32
    %dma_start3A_54 = arith.constant 0 : i32
    %dma_start3A_55 = arith.constant 0 : i32
    %dma_start3A_56 = arith.constant 0 : i32
    %dma_start3A_57 = tpu.memref_slice %arg8[%dma_start3A_54, %dma_start3A_55, %dma_start3A_56] : memref<2x128x128xf32, #tpu.memory_space<vmem>> -> memref<1x128x128xf32, #tpu.memory_space<vmem>>
    %dma_start3A_58 = tpu.memref_squeeze %dma_start3A_57 : memref<1x128x128xf32, #tpu.memory_space<vmem>> -> memref<128x128xf32, #tpu.memory_space<vmem>>
    %dma_start3A_59 = arith.constant 0 : i32
    %dma_start3A_60 = tpu.memref_slice %arg2[%add3A_53, %dma_start3A_59] : memref<32768x128xf32, #tpu.memory_space<hbm>> -> memref<128x128xf32, #tpu.memory_space<hbm>>
    %dma_start3A_61 = arith.constant 0 : i32
    %dma_start3A_62 = arith.constant 0 : i32
    %dma_start3A_63 = tpu.memref_slice %arg8[%dma_start3A_54, %dma_start3A_61, %dma_start3A_62] : memref<2x128x128xf32, #tpu.memory_space<vmem>> -> memref<1x128x128xf32, #tpu.memory_space<vmem>>
    %dma_start3A_64 = tpu.memref_squeeze %dma_start3A_63 : memref<1x128x128xf32, #tpu.memory_space<vmem>> -> memref<128x128xf32, #tpu.memory_space<vmem>>
    %dma_start3A_65 = arith.constant 0 : i32
    %dma_start3A_66 = tpu.memref_slice %arg2[%add3A_53, %dma_start3A_65] : memref<32768x128xf32, #tpu.memory_space<hbm>> -> memref<128x128xf32, #tpu.memory_space<hbm>>
    tpu.enqueue_dma source(%dma_start3A_66 : memref<128x128xf32, #tpu.memory_space<hbm>>) target(%dma_start3A_64 : memref<128x128xf32, #tpu.memory_space<vmem>>) target_semaphore(%arg10 : memref<!tpu.dma_semaphore, #tpu.memory_space<semaphore_mem>>)
    %dma_wait3A_67 = arith.constant 1 : i32
    %dma_wait3A_68 = arith.constant 0 : i32
    %dma_wait3A_69 = arith.constant 0 : i32
    %dma_wait3A_70 = tpu.memref_slice %arg8[%dma_wait3A_67, %dma_wait3A_68, %dma_wait3A_69] : memref<2x128x128xf32, #tpu.memory_space<vmem>> -> memref<1x128x128xf32, #tpu.memory_space<vmem>>
    %dma_wait3A_71 = tpu.memref_squeeze %dma_wait3A_70 : memref<1x128x128xf32, #tpu.memory_space<vmem>> -> memref<128x128xf32, #tpu.memory_space<vmem>>
    %dma_wait3A_72 = arith.constant 0 : i32
    %dma_wait3A_73 = tpu.memref_slice %arg2[%add3A_24, %dma_wait3A_72] : memref<32768x128xf32, #tpu.memory_space<hbm>> -> memref<128x128xf32, #tpu.memory_space<hbm>>
    %dma_wait3A_74 = arith.constant 0 : i32
    %dma_wait3A_75 = arith.constant 0 : i32
    %dma_wait3A_76 = tpu.memref_slice %arg8[%dma_wait3A_67, %dma_wait3A_74, %dma_wait3A_75] : memref<2x128x128xf32, #tpu.memory_space<vmem>> -> memref<1x128x128xf32, #tpu.memory_space<vmem>>
    %dma_wait3A_77 = tpu.memref_squeeze %dma_wait3A_76 : memref<1x128x128xf32, #tpu.memory_space<vmem>> -> memref<128x128xf32, #tpu.memory_space<vmem>>
    %dma_wait3A_78 = arith.constant 0 : i32
    %dma_wait3A_79 = tpu.memref_slice %arg2[%add3A_24, %dma_wait3A_78] : memref<32768x128xf32, #tpu.memory_space<hbm>> -> memref<128x128xf32, #tpu.memory_space<hbm>>
    tpu.wait_dma2 semaphore(%arg11 : memref<!tpu.dma_semaphore, #tpu.memory_space<semaphore_mem>>) src(%dma_wait3A_79 : memref<128x128xf32, #tpu.memory_space<hbm>>) dst(%dma_wait3A_77 : memref<128x128xf32, #tpu.memory_space<vmem>>)
    %run_scoped3A_80 = arith.constant 1 : i32
    "tpu.region"() ({
      %run_scoped3A_256 = tpu.sem_alloc : memref<!tpu.dma_semaphore, #tpu.memory_space<semaphore_mem>>
      %dma_start3A_257 = arith.constant 0 : i32
      %dma_start3A_258 = arith.constant 0 : i32
      %dma_start3A_259 = tpu.memref_slice %arg8[%run_scoped3A_80, %dma_start3A_257, %dma_start3A_258] : memref<2x128x128xf32, #tpu.memory_space<vmem>> -> memref<1x128x128xf32, #tpu.memory_space<vmem>>
      %dma_start3A_260 = tpu.memref_squeeze %dma_start3A_259 : memref<1x128x128xf32, #tpu.memory_space<vmem>> -> memref<128x128xf32, #tpu.memory_space<vmem>>
      %dma_start3A_261 = arith.constant 0 : i32
      %dma_start3A_262 = arith.constant 0 : i32
      %dma_start3A_263 = tpu.memref_slice %arg9[%dma_start3A_261, %dma_start3A_262] : memref<4096x128xf32, #tpu.memory_space<vmem_shared>> -> memref<4096x128xf32, #tpu.memory_space<vmem_shared>>
      tpu.enqueue_indirect_dma source(%dma_start3A_260 : memref<128x128xf32, #tpu.memory_space<vmem>>) target(%dma_start3A_263 : memref<4096x128xf32, #tpu.memory_space<vmem_shared>>) offsets(%arg7 : memref<128xi32, #tpu.memory_space<vmem>>) semaphore(%run_scoped3A_256 : memref<!tpu.dma_semaphore, #tpu.memory_space<semaphore_mem>>) {add = true}
      %dma_wait3A_264 = arith.constant 0 : i32
      %dma_wait3A_265 = arith.constant 0 : i32
      %dma_wait3A_266 = tpu.memref_slice %arg8[%run_scoped3A_80, %dma_wait3A_264, %dma_wait3A_265] : memref<2x128x128xf32, #tpu.memory_space<vmem>> -> memref<1x128x128xf32, #tpu.memory_space<vmem>>
      %dma_wait3A_267 = tpu.memref_squeeze %dma_wait3A_266 : memref<1x128x128xf32, #tpu.memory_space<vmem>> -> memref<128x128xf32, #tpu.memory_space<vmem>>
      %dma_wait3A_268 = arith.constant 0 : i32
      %dma_wait3A_269 = arith.constant 0 : i32
      %dma_wait3A_270 = tpu.memref_slice %arg9[%dma_wait3A_268, %dma_wait3A_269] : memref<4096x128xf32, #tpu.memory_space<vmem_shared>> -> memref<4096x128xf32, #tpu.memory_space<vmem_shared>>
      tpu.wait_indirect_dma semaphore(%run_scoped3A_256 : memref<!tpu.dma_semaphore, #tpu.memory_space<semaphore_mem>>) src(%dma_wait3A_267 : memref<128x128xf32, #tpu.memory_space<vmem>>) dst(%dma_wait3A_270 : memref<4096x128xf32, #tpu.memory_space<vmem_shared>>)
      tpu.yield
    }) : () -> ()
    %add3A_81 = arith.constant 384 : i32
    %add3A_82 = arith.addi %mul3A_2, %add3A_81 : i32
    "tpu.region"() ({
      %run_scoped3A_256 = tpu.sem_alloc : memref<!tpu.dma_semaphore, #tpu.memory_space<semaphore_mem>>
      %dma_start3A_257 = tpu.memref_slice %arg3[%add3A_82] : memref<32768xi32, #tpu.memory_space<hbm>> -> memref<128xi32, #tpu.memory_space<hbm>>
      %dma_start3A_258 = tpu.memref_slice %arg3[%add3A_82] : memref<32768xi32, #tpu.memory_space<hbm>> -> memref<128xi32, #tpu.memory_space<hbm>>
      tpu.enqueue_dma source(%dma_start3A_258 : memref<128xi32, #tpu.memory_space<hbm>>) target(%arg7 : memref<128xi32, #tpu.memory_space<vmem>>) target_semaphore(%run_scoped3A_256 : memref<!tpu.dma_semaphore, #tpu.memory_space<semaphore_mem>>)
      %dma_wait3A_259 = tpu.memref_slice %arg3[%add3A_82] : memref<32768xi32, #tpu.memory_space<hbm>> -> memref<128xi32, #tpu.memory_space<hbm>>
      %dma_wait3A_260 = tpu.memref_slice %arg3[%add3A_82] : memref<32768xi32, #tpu.memory_space<hbm>> -> memref<128xi32, #tpu.memory_space<hbm>>
      tpu.wait_dma2 semaphore(%run_scoped3A_256 : memref<!tpu.dma_semaphore, #tpu.memory_space<semaphore_mem>>) src(%dma_wait3A_260 : memref<128xi32, #tpu.memory_space<hbm>>) dst(%arg7 : memref<128xi32, #tpu.memory_space<vmem>>)
      tpu.yield
    }) : () -> ()
    %add3A_83 = arith.constant 384 : i32
    %add3A_84 = arith.addi %mul3A_2, %add3A_83 : i32
    %dma_start3A_85 = arith.constant 1 : i32
    %dma_start3A_86 = arith.constant 0 : i32
    %dma_start3A_87 = arith.constant 0 : i32
    %dma_start3A_88 = tpu.memref_slice %arg8[%dma_start3A_85, %dma_start3A_86, %dma_start3A_87] : memref<2x128x128xf32, #tpu.memory_space<vmem>> -> memref<1x128x128xf32, #tpu.memory_space<vmem>>
    %dma_start3A_89 = tpu.memref_squeeze %dma_start3A_88 : memref<1x128x128xf32, #tpu.memory_space<vmem>> -> memref<128x128xf32, #tpu.memory_space<vmem>>
    %dma_start3A_90 = arith.constant 0 : i32
    %dma_start3A_91 = tpu.memref_slice %arg2[%add3A_84, %dma_start3A_90] : memref<32768x128xf32, #tpu.memory_space<hbm>> -> memref<128x128xf32, #tpu.memory_space<hbm>>
    %dma_start3A_92 = arith.constant 0 : i32
    %dma_start3A_93 = arith.constant 0 : i32
    %dma_start3A_94 = tpu.memref_slice %arg8[%dma_start3A_85, %dma_start3A_92, %dma_start3A_93] : memref<2x128x128xf32, #tpu.memory_space<vmem>> -> memref<1x128x128xf32, #tpu.memory_space<vmem>>
    %dma_start3A_95 = tpu.memref_squeeze %dma_start3A_94 : memref<1x128x128xf32, #tpu.memory_space<vmem>> -> memref<128x128xf32, #tpu.memory_space<vmem>>
    %dma_start3A_96 = arith.constant 0 : i32
    %dma_start3A_97 = tpu.memref_slice %arg2[%add3A_84, %dma_start3A_96] : memref<32768x128xf32, #tpu.memory_space<hbm>> -> memref<128x128xf32, #tpu.memory_space<hbm>>
    tpu.enqueue_dma source(%dma_start3A_97 : memref<128x128xf32, #tpu.memory_space<hbm>>) target(%dma_start3A_95 : memref<128x128xf32, #tpu.memory_space<vmem>>) target_semaphore(%arg11 : memref<!tpu.dma_semaphore, #tpu.memory_space<semaphore_mem>>)
    %dma_wait3A_98 = arith.constant 0 : i32
    %dma_wait3A_99 = arith.constant 0 : i32
    %dma_wait3A_100 = arith.constant 0 : i32
    %dma_wait3A_101 = tpu.memref_slice %arg8[%dma_wait3A_98, %dma_wait3A_99, %dma_wait3A_100] : memref<2x128x128xf32, #tpu.memory_space<vmem>> -> memref<1x128x128xf32, #tpu.memory_space<vmem>>
    %dma_wait3A_102 = tpu.memref_squeeze %dma_wait3A_101 : memref<1x128x128xf32, #tpu.memory_space<vmem>> -> memref<128x128xf32, #tpu.memory_space<vmem>>
    %dma_wait3A_103 = arith.constant 0 : i32
    %dma_wait3A_104 = tpu.memref_slice %arg2[%add3A_53, %dma_wait3A_103] : memref<32768x128xf32, #tpu.memory_space<hbm>> -> memref<128x128xf32, #tpu.memory_space<hbm>>
    %dma_wait3A_105 = arith.constant 0 : i32
    %dma_wait3A_106 = arith.constant 0 : i32
    %dma_wait3A_107 = tpu.memref_slice %arg8[%dma_wait3A_98, %dma_wait3A_105, %dma_wait3A_106] : memref<2x128x128xf32, #tpu.memory_space<vmem>> -> memref<1x128x128xf32, #tpu.memory_space<vmem>>
    %dma_wait3A_108 = tpu.memref_squeeze %dma_wait3A_107 : memref<1x128x128xf32, #tpu.memory_space<vmem>> -> memref<128x128xf32, #tpu.memory_space<vmem>>
    %dma_wait3A_109 = arith.constant 0 : i32
    %dma_wait3A_110 = tpu.memref_slice %arg2[%add3A_53, %dma_wait3A_109] : memref<32768x128xf32, #tpu.memory_space<hbm>> -> memref<128x128xf32, #tpu.memory_space<hbm>>
    tpu.wait_dma2 semaphore(%arg10 : memref<!tpu.dma_semaphore, #tpu.memory_space<semaphore_mem>>) src(%dma_wait3A_110 : memref<128x128xf32, #tpu.memory_space<hbm>>) dst(%dma_wait3A_108 : memref<128x128xf32, #tpu.memory_space<vmem>>)
    %run_scoped3A_111 = arith.constant 0 : i32
    "tpu.region"() ({
      %run_scoped3A_256 = tpu.sem_alloc : memref<!tpu.dma_semaphore, #tpu.memory_space<semaphore_mem>>
      %dma_start3A_257 = arith.constant 0 : i32
      %dma_start3A_258 = arith.constant 0 : i32
      %dma_start3A_259 = tpu.memref_slice %arg8[%run_scoped3A_111, %dma_start3A_257, %dma_start3A_258] : memref<2x128x128xf32, #tpu.memory_space<vmem>> -> memref<1x128x128xf32, #tpu.memory_space<vmem>>
      %dma_start3A_260 = tpu.memref_squeeze %dma_start3A_259 : memref<1x128x128xf32, #tpu.memory_space<vmem>> -> memref<128x128xf32, #tpu.memory_space<vmem>>
      %dma_start3A_261 = arith.constant 0 : i32
      %dma_start3A_262 = arith.constant 0 : i32
      %dma_start3A_263 = tpu.memref_slice %arg9[%dma_start3A_261, %dma_start3A_262] : memref<4096x128xf32, #tpu.memory_space<vmem_shared>> -> memref<4096x128xf32, #tpu.memory_space<vmem_shared>>
      tpu.enqueue_indirect_dma source(%dma_start3A_260 : memref<128x128xf32, #tpu.memory_space<vmem>>) target(%dma_start3A_263 : memref<4096x128xf32, #tpu.memory_space<vmem_shared>>) offsets(%arg6 : memref<128xi32, #tpu.memory_space<vmem>>) semaphore(%run_scoped3A_256 : memref<!tpu.dma_semaphore, #tpu.memory_space<semaphore_mem>>) {add = true}
      %dma_wait3A_264 = arith.constant 0 : i32
      %dma_wait3A_265 = arith.constant 0 : i32
      %dma_wait3A_266 = tpu.memref_slice %arg8[%run_scoped3A_111, %dma_wait3A_264, %dma_wait3A_265] : memref<2x128x128xf32, #tpu.memory_space<vmem>> -> memref<1x128x128xf32, #tpu.memory_space<vmem>>
      %dma_wait3A_267 = tpu.memref_squeeze %dma_wait3A_266 : memref<1x128x128xf32, #tpu.memory_space<vmem>> -> memref<128x128xf32, #tpu.memory_space<vmem>>
      %dma_wait3A_268 = arith.constant 0 : i32
      %dma_wait3A_269 = arith.constant 0 : i32
      %dma_wait3A_270 = tpu.memref_slice %arg9[%dma_wait3A_268, %dma_wait3A_269] : memref<4096x128xf32, #tpu.memory_space<vmem_shared>> -> memref<4096x128xf32, #tpu.memory_space<vmem_shared>>
      tpu.wait_indirect_dma semaphore(%run_scoped3A_256 : memref<!tpu.dma_semaphore, #tpu.memory_space<semaphore_mem>>) src(%dma_wait3A_267 : memref<128x128xf32, #tpu.memory_space<vmem>>) dst(%dma_wait3A_270 : memref<4096x128xf32, #tpu.memory_space<vmem_shared>>)
      tpu.yield
    }) : () -> ()
    %add3A_112 = arith.constant 512 : i32
    %add3A_113 = arith.addi %mul3A_2, %add3A_112 : i32
    "tpu.region"() ({
      %run_scoped3A_256 = tpu.sem_alloc : memref<!tpu.dma_semaphore, #tpu.memory_space<semaphore_mem>>
      %dma_start3A_257 = tpu.memref_slice %arg3[%add3A_113] : memref<32768xi32, #tpu.memory_space<hbm>> -> memref<128xi32, #tpu.memory_space<hbm>>
      %dma_start3A_258 = tpu.memref_slice %arg3[%add3A_113] : memref<32768xi32, #tpu.memory_space<hbm>> -> memref<128xi32, #tpu.memory_space<hbm>>
      tpu.enqueue_dma source(%dma_start3A_258 : memref<128xi32, #tpu.memory_space<hbm>>) target(%arg6 : memref<128xi32, #tpu.memory_space<vmem>>) target_semaphore(%run_scoped3A_256 : memref<!tpu.dma_semaphore, #tpu.memory_space<semaphore_mem>>)
      %dma_wait3A_259 = tpu.memref_slice %arg3[%add3A_113] : memref<32768xi32, #tpu.memory_space<hbm>> -> memref<128xi32, #tpu.memory_space<hbm>>
      %dma_wait3A_260 = tpu.memref_slice %arg3[%add3A_113] : memref<32768xi32, #tpu.memory_space<hbm>> -> memref<128xi32, #tpu.memory_space<hbm>>
      tpu.wait_dma2 semaphore(%run_scoped3A_256 : memref<!tpu.dma_semaphore, #tpu.memory_space<semaphore_mem>>) src(%dma_wait3A_260 : memref<128xi32, #tpu.memory_space<hbm>>) dst(%arg6 : memref<128xi32, #tpu.memory_space<vmem>>)
      tpu.yield
    }) : () -> ()
    %add3A_114 = arith.constant 512 : i32
    %add3A_115 = arith.addi %mul3A_2, %add3A_114 : i32
    %dma_start3A_116 = arith.constant 0 : i32
    %dma_start3A_117 = arith.constant 0 : i32
    %dma_start3A_118 = arith.constant 0 : i32
    %dma_start3A_119 = tpu.memref_slice %arg8[%dma_start3A_116, %dma_start3A_117, %dma_start3A_118] : memref<2x128x128xf32, #tpu.memory_space<vmem>> -> memref<1x128x128xf32, #tpu.memory_space<vmem>>
    %dma_start3A_120 = tpu.memref_squeeze %dma_start3A_119 : memref<1x128x128xf32, #tpu.memory_space<vmem>> -> memref<128x128xf32, #tpu.memory_space<vmem>>
    %dma_start3A_121 = arith.constant 0 : i32
    %dma_start3A_122 = tpu.memref_slice %arg2[%add3A_115, %dma_start3A_121] : memref<32768x128xf32, #tpu.memory_space<hbm>> -> memref<128x128xf32, #tpu.memory_space<hbm>>
    %dma_start3A_123 = arith.constant 0 : i32
    %dma_start3A_124 = arith.constant 0 : i32
    %dma_start3A_125 = tpu.memref_slice %arg8[%dma_start3A_116, %dma_start3A_123, %dma_start3A_124] : memref<2x128x128xf32, #tpu.memory_space<vmem>> -> memref<1x128x128xf32, #tpu.memory_space<vmem>>
    %dma_start3A_126 = tpu.memref_squeeze %dma_start3A_125 : memref<1x128x128xf32, #tpu.memory_space<vmem>> -> memref<128x128xf32, #tpu.memory_space<vmem>>
    %dma_start3A_127 = arith.constant 0 : i32
    %dma_start3A_128 = tpu.memref_slice %arg2[%add3A_115, %dma_start3A_127] : memref<32768x128xf32, #tpu.memory_space<hbm>> -> memref<128x128xf32, #tpu.memory_space<hbm>>
    tpu.enqueue_dma source(%dma_start3A_128 : memref<128x128xf32, #tpu.memory_space<hbm>>) target(%dma_start3A_126 : memref<128x128xf32, #tpu.memory_space<vmem>>) target_semaphore(%arg10 : memref<!tpu.dma_semaphore, #tpu.memory_space<semaphore_mem>>)
    %dma_wait3A_129 = arith.constant 1 : i32
    %dma_wait3A_130 = arith.constant 0 : i32
    %dma_wait3A_131 = arith.constant 0 : i32
    %dma_wait3A_132 = tpu.memref_slice %arg8[%dma_wait3A_129, %dma_wait3A_130, %dma_wait3A_131] : memref<2x128x128xf32, #tpu.memory_space<vmem>> -> memref<1x128x128xf32, #tpu.memory_space<vmem>>
    %dma_wait3A_133 = tpu.memref_squeeze %dma_wait3A_132 : memref<1x128x128xf32, #tpu.memory_space<vmem>> -> memref<128x128xf32, #tpu.memory_space<vmem>>
    %dma_wait3A_134 = arith.constant 0 : i32
    %dma_wait3A_135 = tpu.memref_slice %arg2[%add3A_84, %dma_wait3A_134] : memref<32768x128xf32, #tpu.memory_space<hbm>> -> memref<128x128xf32, #tpu.memory_space<hbm>>
    %dma_wait3A_136 = arith.constant 0 : i32
    %dma_wait3A_137 = arith.constant 0 : i32
    %dma_wait3A_138 = tpu.memref_slice %arg8[%dma_wait3A_129, %dma_wait3A_136, %dma_wait3A_137] : memref<2x128x128xf32, #tpu.memory_space<vmem>> -> memref<1x128x128xf32, #tpu.memory_space<vmem>>
    %dma_wait3A_139 = tpu.memref_squeeze %dma_wait3A_138 : memref<1x128x128xf32, #tpu.memory_space<vmem>> -> memref<128x128xf32, #tpu.memory_space<vmem>>
    %dma_wait3A_140 = arith.constant 0 : i32
    %dma_wait3A_141 = tpu.memref_slice %arg2[%add3A_84, %dma_wait3A_140] : memref<32768x128xf32, #tpu.memory_space<hbm>> -> memref<128x128xf32, #tpu.memory_space<hbm>>
    tpu.wait_dma2 semaphore(%arg11 : memref<!tpu.dma_semaphore, #tpu.memory_space<semaphore_mem>>) src(%dma_wait3A_141 : memref<128x128xf32, #tpu.memory_space<hbm>>) dst(%dma_wait3A_139 : memref<128x128xf32, #tpu.memory_space<vmem>>)
    %run_scoped3A_142 = arith.constant 1 : i32
    "tpu.region"() ({
      %run_scoped3A_256 = tpu.sem_alloc : memref<!tpu.dma_semaphore, #tpu.memory_space<semaphore_mem>>
      %dma_start3A_257 = arith.constant 0 : i32
      %dma_start3A_258 = arith.constant 0 : i32
      %dma_start3A_259 = tpu.memref_slice %arg8[%run_scoped3A_142, %dma_start3A_257, %dma_start3A_258] : memref<2x128x128xf32, #tpu.memory_space<vmem>> -> memref<1x128x128xf32, #tpu.memory_space<vmem>>
      %dma_start3A_260 = tpu.memref_squeeze %dma_start3A_259 : memref<1x128x128xf32, #tpu.memory_space<vmem>> -> memref<128x128xf32, #tpu.memory_space<vmem>>
      %dma_start3A_261 = arith.constant 0 : i32
      %dma_start3A_262 = arith.constant 0 : i32
      %dma_start3A_263 = tpu.memref_slice %arg9[%dma_start3A_261, %dma_start3A_262] : memref<4096x128xf32, #tpu.memory_space<vmem_shared>> -> memref<4096x128xf32, #tpu.memory_space<vmem_shared>>
      tpu.enqueue_indirect_dma source(%dma_start3A_260 : memref<128x128xf32, #tpu.memory_space<vmem>>) target(%dma_start3A_263 : memref<4096x128xf32, #tpu.memory_space<vmem_shared>>) offsets(%arg7 : memref<128xi32, #tpu.memory_space<vmem>>) semaphore(%run_scoped3A_256 : memref<!tpu.dma_semaphore, #tpu.memory_space<semaphore_mem>>) {add = true}
      %dma_wait3A_264 = arith.constant 0 : i32
      %dma_wait3A_265 = arith.constant 0 : i32
      %dma_wait3A_266 = tpu.memref_slice %arg8[%run_scoped3A_142, %dma_wait3A_264, %dma_wait3A_265] : memref<2x128x128xf32, #tpu.memory_space<vmem>> -> memref<1x128x128xf32, #tpu.memory_space<vmem>>
      %dma_wait3A_267 = tpu.memref_squeeze %dma_wait3A_266 : memref<1x128x128xf32, #tpu.memory_space<vmem>> -> memref<128x128xf32, #tpu.memory_space<vmem>>
      %dma_wait3A_268 = arith.constant 0 : i32
      %dma_wait3A_269 = arith.constant 0 : i32
      %dma_wait3A_270 = tpu.memref_slice %arg9[%dma_wait3A_268, %dma_wait3A_269] : memref<4096x128xf32, #tpu.memory_space<vmem_shared>> -> memref<4096x128xf32, #tpu.memory_space<vmem_shared>>
      tpu.wait_indirect_dma semaphore(%run_scoped3A_256 : memref<!tpu.dma_semaphore, #tpu.memory_space<semaphore_mem>>) src(%dma_wait3A_267 : memref<128x128xf32, #tpu.memory_space<vmem>>) dst(%dma_wait3A_270 : memref<4096x128xf32, #tpu.memory_space<vmem_shared>>)
      tpu.yield
    }) : () -> ()
    %add3A_143 = arith.constant 640 : i32
    %add3A_144 = arith.addi %mul3A_2, %add3A_143 : i32
    "tpu.region"() ({
      %run_scoped3A_256 = tpu.sem_alloc : memref<!tpu.dma_semaphore, #tpu.memory_space<semaphore_mem>>
      %dma_start3A_257 = tpu.memref_slice %arg3[%add3A_144] : memref<32768xi32, #tpu.memory_space<hbm>> -> memref<128xi32, #tpu.memory_space<hbm>>
      %dma_start3A_258 = tpu.memref_slice %arg3[%add3A_144] : memref<32768xi32, #tpu.memory_space<hbm>> -> memref<128xi32, #tpu.memory_space<hbm>>
      tpu.enqueue_dma source(%dma_start3A_258 : memref<128xi32, #tpu.memory_space<hbm>>) target(%arg7 : memref<128xi32, #tpu.memory_space<vmem>>) target_semaphore(%run_scoped3A_256 : memref<!tpu.dma_semaphore, #tpu.memory_space<semaphore_mem>>)
      %dma_wait3A_259 = tpu.memref_slice %arg3[%add3A_144] : memref<32768xi32, #tpu.memory_space<hbm>> -> memref<128xi32, #tpu.memory_space<hbm>>
      %dma_wait3A_260 = tpu.memref_slice %arg3[%add3A_144] : memref<32768xi32, #tpu.memory_space<hbm>> -> memref<128xi32, #tpu.memory_space<hbm>>
      tpu.wait_dma2 semaphore(%run_scoped3A_256 : memref<!tpu.dma_semaphore, #tpu.memory_space<semaphore_mem>>) src(%dma_wait3A_260 : memref<128xi32, #tpu.memory_space<hbm>>) dst(%arg7 : memref<128xi32, #tpu.memory_space<vmem>>)
      tpu.yield
    }) : () -> ()
    %add3A_145 = arith.constant 640 : i32
    %add3A_146 = arith.addi %mul3A_2, %add3A_145 : i32
    %dma_start3A_147 = arith.constant 1 : i32
    %dma_start3A_148 = arith.constant 0 : i32
    %dma_start3A_149 = arith.constant 0 : i32
    %dma_start3A_150 = tpu.memref_slice %arg8[%dma_start3A_147, %dma_start3A_148, %dma_start3A_149] : memref<2x128x128xf32, #tpu.memory_space<vmem>> -> memref<1x128x128xf32, #tpu.memory_space<vmem>>
    %dma_start3A_151 = tpu.memref_squeeze %dma_start3A_150 : memref<1x128x128xf32, #tpu.memory_space<vmem>> -> memref<128x128xf32, #tpu.memory_space<vmem>>
    %dma_start3A_152 = arith.constant 0 : i32
    %dma_start3A_153 = tpu.memref_slice %arg2[%add3A_146, %dma_start3A_152] : memref<32768x128xf32, #tpu.memory_space<hbm>> -> memref<128x128xf32, #tpu.memory_space<hbm>>
    %dma_start3A_154 = arith.constant 0 : i32
    %dma_start3A_155 = arith.constant 0 : i32
    %dma_start3A_156 = tpu.memref_slice %arg8[%dma_start3A_147, %dma_start3A_154, %dma_start3A_155] : memref<2x128x128xf32, #tpu.memory_space<vmem>> -> memref<1x128x128xf32, #tpu.memory_space<vmem>>
    %dma_start3A_157 = tpu.memref_squeeze %dma_start3A_156 : memref<1x128x128xf32, #tpu.memory_space<vmem>> -> memref<128x128xf32, #tpu.memory_space<vmem>>
    %dma_start3A_158 = arith.constant 0 : i32
    %dma_start3A_159 = tpu.memref_slice %arg2[%add3A_146, %dma_start3A_158] : memref<32768x128xf32, #tpu.memory_space<hbm>> -> memref<128x128xf32, #tpu.memory_space<hbm>>
    tpu.enqueue_dma source(%dma_start3A_159 : memref<128x128xf32, #tpu.memory_space<hbm>>) target(%dma_start3A_157 : memref<128x128xf32, #tpu.memory_space<vmem>>) target_semaphore(%arg11 : memref<!tpu.dma_semaphore, #tpu.memory_space<semaphore_mem>>)
    %dma_wait3A_160 = arith.constant 0 : i32
    %dma_wait3A_161 = arith.constant 0 : i32
    %dma_wait3A_162 = arith.constant 0 : i32
    %dma_wait3A_163 = tpu.memref_slice %arg8[%dma_wait3A_160, %dma_wait3A_161, %dma_wait3A_162] : memref<2x128x128xf32, #tpu.memory_space<vmem>> -> memref<1x128x128xf32, #tpu.memory_space<vmem>>
    %dma_wait3A_164 = tpu.memref_squeeze %dma_wait3A_163 : memref<1x128x128xf32, #tpu.memory_space<vmem>> -> memref<128x128xf32, #tpu.memory_space<vmem>>
    %dma_wait3A_165 = arith.constant 0 : i32
    %dma_wait3A_166 = tpu.memref_slice %arg2[%add3A_115, %dma_wait3A_165] : memref<32768x128xf32, #tpu.memory_space<hbm>> -> memref<128x128xf32, #tpu.memory_space<hbm>>
    %dma_wait3A_167 = arith.constant 0 : i32
    %dma_wait3A_168 = arith.constant 0 : i32
    %dma_wait3A_169 = tpu.memref_slice %arg8[%dma_wait3A_160, %dma_wait3A_167, %dma_wait3A_168] : memref<2x128x128xf32, #tpu.memory_space<vmem>> -> memref<1x128x128xf32, #tpu.memory_space<vmem>>
    %dma_wait3A_170 = tpu.memref_squeeze %dma_wait3A_169 : memref<1x128x128xf32, #tpu.memory_space<vmem>> -> memref<128x128xf32, #tpu.memory_space<vmem>>
    %dma_wait3A_171 = arith.constant 0 : i32
    %dma_wait3A_172 = tpu.memref_slice %arg2[%add3A_115, %dma_wait3A_171] : memref<32768x128xf32, #tpu.memory_space<hbm>> -> memref<128x128xf32, #tpu.memory_space<hbm>>
    tpu.wait_dma2 semaphore(%arg10 : memref<!tpu.dma_semaphore, #tpu.memory_space<semaphore_mem>>) src(%dma_wait3A_172 : memref<128x128xf32, #tpu.memory_space<hbm>>) dst(%dma_wait3A_170 : memref<128x128xf32, #tpu.memory_space<vmem>>)
    %run_scoped3A_173 = arith.constant 0 : i32
    "tpu.region"() ({
      %run_scoped3A_256 = tpu.sem_alloc : memref<!tpu.dma_semaphore, #tpu.memory_space<semaphore_mem>>
      %dma_start3A_257 = arith.constant 0 : i32
      %dma_start3A_258 = arith.constant 0 : i32
      %dma_start3A_259 = tpu.memref_slice %arg8[%run_scoped3A_173, %dma_start3A_257, %dma_start3A_258] : memref<2x128x128xf32, #tpu.memory_space<vmem>> -> memref<1x128x128xf32, #tpu.memory_space<vmem>>
      %dma_start3A_260 = tpu.memref_squeeze %dma_start3A_259 : memref<1x128x128xf32, #tpu.memory_space<vmem>> -> memref<128x128xf32, #tpu.memory_space<vmem>>
      %dma_start3A_261 = arith.constant 0 : i32
      %dma_start3A_262 = arith.constant 0 : i32
      %dma_start3A_263 = tpu.memref_slice %arg9[%dma_start3A_261, %dma_start3A_262] : memref<4096x128xf32, #tpu.memory_space<vmem_shared>> -> memref<4096x128xf32, #tpu.memory_space<vmem_shared>>
      tpu.enqueue_indirect_dma source(%dma_start3A_260 : memref<128x128xf32, #tpu.memory_space<vmem>>) target(%dma_start3A_263 : memref<4096x128xf32, #tpu.memory_space<vmem_shared>>) offsets(%arg6 : memref<128xi32, #tpu.memory_space<vmem>>) semaphore(%run_scoped3A_256 : memref<!tpu.dma_semaphore, #tpu.memory_space<semaphore_mem>>) {add = true}
      %dma_wait3A_264 = arith.constant 0 : i32
      %dma_wait3A_265 = arith.constant 0 : i32
      %dma_wait3A_266 = tpu.memref_slice %arg8[%run_scoped3A_173, %dma_wait3A_264, %dma_wait3A_265] : memref<2x128x128xf32, #tpu.memory_space<vmem>> -> memref<1x128x128xf32, #tpu.memory_space<vmem>>
      %dma_wait3A_267 = tpu.memref_squeeze %dma_wait3A_266 : memref<1x128x128xf32, #tpu.memory_space<vmem>> -> memref<128x128xf32, #tpu.memory_space<vmem>>
      %dma_wait3A_268 = arith.constant 0 : i32
      %dma_wait3A_269 = arith.constant 0 : i32
      %dma_wait3A_270 = tpu.memref_slice %arg9[%dma_wait3A_268, %dma_wait3A_269] : memref<4096x128xf32, #tpu.memory_space<vmem_shared>> -> memref<4096x128xf32, #tpu.memory_space<vmem_shared>>
      tpu.wait_indirect_dma semaphore(%run_scoped3A_256 : memref<!tpu.dma_semaphore, #tpu.memory_space<semaphore_mem>>) src(%dma_wait3A_267 : memref<128x128xf32, #tpu.memory_space<vmem>>) dst(%dma_wait3A_270 : memref<4096x128xf32, #tpu.memory_space<vmem_shared>>)
      tpu.yield
    }) : () -> ()
    %add3A_174 = arith.constant 768 : i32
    %add3A_175 = arith.addi %mul3A_2, %add3A_174 : i32
    "tpu.region"() ({
      %run_scoped3A_256 = tpu.sem_alloc : memref<!tpu.dma_semaphore, #tpu.memory_space<semaphore_mem>>
      %dma_start3A_257 = tpu.memref_slice %arg3[%add3A_175] : memref<32768xi32, #tpu.memory_space<hbm>> -> memref<128xi32, #tpu.memory_space<hbm>>
      %dma_start3A_258 = tpu.memref_slice %arg3[%add3A_175] : memref<32768xi32, #tpu.memory_space<hbm>> -> memref<128xi32, #tpu.memory_space<hbm>>
      tpu.enqueue_dma source(%dma_start3A_258 : memref<128xi32, #tpu.memory_space<hbm>>) target(%arg6 : memref<128xi32, #tpu.memory_space<vmem>>) target_semaphore(%run_scoped3A_256 : memref<!tpu.dma_semaphore, #tpu.memory_space<semaphore_mem>>)
      %dma_wait3A_259 = tpu.memref_slice %arg3[%add3A_175] : memref<32768xi32, #tpu.memory_space<hbm>> -> memref<128xi32, #tpu.memory_space<hbm>>
      %dma_wait3A_260 = tpu.memref_slice %arg3[%add3A_175] : memref<32768xi32, #tpu.memory_space<hbm>> -> memref<128xi32, #tpu.memory_space<hbm>>
      tpu.wait_dma2 semaphore(%run_scoped3A_256 : memref<!tpu.dma_semaphore, #tpu.memory_space<semaphore_mem>>) src(%dma_wait3A_260 : memref<128xi32, #tpu.memory_space<hbm>>) dst(%arg6 : memref<128xi32, #tpu.memory_space<vmem>>)
      tpu.yield
    }) : () -> ()
    %add3A_176 = arith.constant 768 : i32
    %add3A_177 = arith.addi %mul3A_2, %add3A_176 : i32
    %dma_start3A_178 = arith.constant 0 : i32
    %dma_start3A_179 = arith.constant 0 : i32
    %dma_start3A_180 = arith.constant 0 : i32
    %dma_start3A_181 = tpu.memref_slice %arg8[%dma_start3A_178, %dma_start3A_179, %dma_start3A_180] : memref<2x128x128xf32, #tpu.memory_space<vmem>> -> memref<1x128x128xf32, #tpu.memory_space<vmem>>
    %dma_start3A_182 = tpu.memref_squeeze %dma_start3A_181 : memref<1x128x128xf32, #tpu.memory_space<vmem>> -> memref<128x128xf32, #tpu.memory_space<vmem>>
    %dma_start3A_183 = arith.constant 0 : i32
    %dma_start3A_184 = tpu.memref_slice %arg2[%add3A_177, %dma_start3A_183] : memref<32768x128xf32, #tpu.memory_space<hbm>> -> memref<128x128xf32, #tpu.memory_space<hbm>>
    %dma_start3A_185 = arith.constant 0 : i32
    %dma_start3A_186 = arith.constant 0 : i32
    %dma_start3A_187 = tpu.memref_slice %arg8[%dma_start3A_178, %dma_start3A_185, %dma_start3A_186] : memref<2x128x128xf32, #tpu.memory_space<vmem>> -> memref<1x128x128xf32, #tpu.memory_space<vmem>>
    %dma_start3A_188 = tpu.memref_squeeze %dma_start3A_187 : memref<1x128x128xf32, #tpu.memory_space<vmem>> -> memref<128x128xf32, #tpu.memory_space<vmem>>
    %dma_start3A_189 = arith.constant 0 : i32
    %dma_start3A_190 = tpu.memref_slice %arg2[%add3A_177, %dma_start3A_189] : memref<32768x128xf32, #tpu.memory_space<hbm>> -> memref<128x128xf32, #tpu.memory_space<hbm>>
    tpu.enqueue_dma source(%dma_start3A_190 : memref<128x128xf32, #tpu.memory_space<hbm>>) target(%dma_start3A_188 : memref<128x128xf32, #tpu.memory_space<vmem>>) target_semaphore(%arg10 : memref<!tpu.dma_semaphore, #tpu.memory_space<semaphore_mem>>)
    %dma_wait3A_191 = arith.constant 1 : i32
    %dma_wait3A_192 = arith.constant 0 : i32
    %dma_wait3A_193 = arith.constant 0 : i32
    %dma_wait3A_194 = tpu.memref_slice %arg8[%dma_wait3A_191, %dma_wait3A_192, %dma_wait3A_193] : memref<2x128x128xf32, #tpu.memory_space<vmem>> -> memref<1x128x128xf32, #tpu.memory_space<vmem>>
    %dma_wait3A_195 = tpu.memref_squeeze %dma_wait3A_194 : memref<1x128x128xf32, #tpu.memory_space<vmem>> -> memref<128x128xf32, #tpu.memory_space<vmem>>
    %dma_wait3A_196 = arith.constant 0 : i32
    %dma_wait3A_197 = tpu.memref_slice %arg2[%add3A_146, %dma_wait3A_196] : memref<32768x128xf32, #tpu.memory_space<hbm>> -> memref<128x128xf32, #tpu.memory_space<hbm>>
    %dma_wait3A_198 = arith.constant 0 : i32
    %dma_wait3A_199 = arith.constant 0 : i32
    %dma_wait3A_200 = tpu.memref_slice %arg8[%dma_wait3A_191, %dma_wait3A_198, %dma_wait3A_199] : memref<2x128x128xf32, #tpu.memory_space<vmem>> -> memref<1x128x128xf32, #tpu.memory_space<vmem>>
    %dma_wait3A_201 = tpu.memref_squeeze %dma_wait3A_200 : memref<1x128x128xf32, #tpu.memory_space<vmem>> -> memref<128x128xf32, #tpu.memory_space<vmem>>
    %dma_wait3A_202 = arith.constant 0 : i32
    %dma_wait3A_203 = tpu.memref_slice %arg2[%add3A_146, %dma_wait3A_202] : memref<32768x128xf32, #tpu.memory_space<hbm>> -> memref<128x128xf32, #tpu.memory_space<hbm>>
    tpu.wait_dma2 semaphore(%arg11 : memref<!tpu.dma_semaphore, #tpu.memory_space<semaphore_mem>>) src(%dma_wait3A_203 : memref<128x128xf32, #tpu.memory_space<hbm>>) dst(%dma_wait3A_201 : memref<128x128xf32, #tpu.memory_space<vmem>>)
    %run_scoped3A_204 = arith.constant 1 : i32
    "tpu.region"() ({
      %run_scoped3A_256 = tpu.sem_alloc : memref<!tpu.dma_semaphore, #tpu.memory_space<semaphore_mem>>
      %dma_start3A_257 = arith.constant 0 : i32
      %dma_start3A_258 = arith.constant 0 : i32
      %dma_start3A_259 = tpu.memref_slice %arg8[%run_scoped3A_204, %dma_start3A_257, %dma_start3A_258] : memref<2x128x128xf32, #tpu.memory_space<vmem>> -> memref<1x128x128xf32, #tpu.memory_space<vmem>>
      %dma_start3A_260 = tpu.memref_squeeze %dma_start3A_259 : memref<1x128x128xf32, #tpu.memory_space<vmem>> -> memref<128x128xf32, #tpu.memory_space<vmem>>
      %dma_start3A_261 = arith.constant 0 : i32
      %dma_start3A_262 = arith.constant 0 : i32
      %dma_start3A_263 = tpu.memref_slice %arg9[%dma_start3A_261, %dma_start3A_262] : memref<4096x128xf32, #tpu.memory_space<vmem_shared>> -> memref<4096x128xf32, #tpu.memory_space<vmem_shared>>
      tpu.enqueue_indirect_dma source(%dma_start3A_260 : memref<128x128xf32, #tpu.memory_space<vmem>>) target(%dma_start3A_263 : memref<4096x128xf32, #tpu.memory_space<vmem_shared>>) offsets(%arg7 : memref<128xi32, #tpu.memory_space<vmem>>) semaphore(%run_scoped3A_256 : memref<!tpu.dma_semaphore, #tpu.memory_space<semaphore_mem>>) {add = true}
      %dma_wait3A_264 = arith.constant 0 : i32
      %dma_wait3A_265 = arith.constant 0 : i32
      %dma_wait3A_266 = tpu.memref_slice %arg8[%run_scoped3A_204, %dma_wait3A_264, %dma_wait3A_265] : memref<2x128x128xf32, #tpu.memory_space<vmem>> -> memref<1x128x128xf32, #tpu.memory_space<vmem>>
      %dma_wait3A_267 = tpu.memref_squeeze %dma_wait3A_266 : memref<1x128x128xf32, #tpu.memory_space<vmem>> -> memref<128x128xf32, #tpu.memory_space<vmem>>
      %dma_wait3A_268 = arith.constant 0 : i32
      %dma_wait3A_269 = arith.constant 0 : i32
      %dma_wait3A_270 = tpu.memref_slice %arg9[%dma_wait3A_268, %dma_wait3A_269] : memref<4096x128xf32, #tpu.memory_space<vmem_shared>> -> memref<4096x128xf32, #tpu.memory_space<vmem_shared>>
      tpu.wait_indirect_dma semaphore(%run_scoped3A_256 : memref<!tpu.dma_semaphore, #tpu.memory_space<semaphore_mem>>) src(%dma_wait3A_267 : memref<128x128xf32, #tpu.memory_space<vmem>>) dst(%dma_wait3A_270 : memref<4096x128xf32, #tpu.memory_space<vmem_shared>>)
      tpu.yield
    }) : () -> ()
    %add3A_205 = arith.constant 896 : i32
    %add3A_206 = arith.addi %mul3A_2, %add3A_205 : i32
    "tpu.region"() ({
      %run_scoped3A_256 = tpu.sem_alloc : memref<!tpu.dma_semaphore, #tpu.memory_space<semaphore_mem>>
      %dma_start3A_257 = tpu.memref_slice %arg3[%add3A_206] : memref<32768xi32, #tpu.memory_space<hbm>> -> memref<128xi32, #tpu.memory_space<hbm>>
      %dma_start3A_258 = tpu.memref_slice %arg3[%add3A_206] : memref<32768xi32, #tpu.memory_space<hbm>> -> memref<128xi32, #tpu.memory_space<hbm>>
      tpu.enqueue_dma source(%dma_start3A_258 : memref<128xi32, #tpu.memory_space<hbm>>) target(%arg7 : memref<128xi32, #tpu.memory_space<vmem>>) target_semaphore(%run_scoped3A_256 : memref<!tpu.dma_semaphore, #tpu.memory_space<semaphore_mem>>)
      %dma_wait3A_259 = tpu.memref_slice %arg3[%add3A_206] : memref<32768xi32, #tpu.memory_space<hbm>> -> memref<128xi32, #tpu.memory_space<hbm>>
      %dma_wait3A_260 = tpu.memref_slice %arg3[%add3A_206] : memref<32768xi32, #tpu.memory_space<hbm>> -> memref<128xi32, #tpu.memory_space<hbm>>
      tpu.wait_dma2 semaphore(%run_scoped3A_256 : memref<!tpu.dma_semaphore, #tpu.memory_space<semaphore_mem>>) src(%dma_wait3A_260 : memref<128xi32, #tpu.memory_space<hbm>>) dst(%arg7 : memref<128xi32, #tpu.memory_space<vmem>>)
      tpu.yield
    }) : () -> ()
    %add3A_207 = arith.constant 896 : i32
    %add3A_208 = arith.addi %mul3A_2, %add3A_207 : i32
    %dma_start3A_209 = arith.constant 1 : i32
    %dma_start3A_210 = arith.constant 0 : i32
    %dma_start3A_211 = arith.constant 0 : i32
    %dma_start3A_212 = tpu.memref_slice %arg8[%dma_start3A_209, %dma_start3A_210, %dma_start3A_211] : memref<2x128x128xf32, #tpu.memory_space<vmem>> -> memref<1x128x128xf32, #tpu.memory_space<vmem>>
    %dma_start3A_213 = tpu.memref_squeeze %dma_start3A_212 : memref<1x128x128xf32, #tpu.memory_space<vmem>> -> memref<128x128xf32, #tpu.memory_space<vmem>>
    %dma_start3A_214 = arith.constant 0 : i32
    %dma_start3A_215 = tpu.memref_slice %arg2[%add3A_208, %dma_start3A_214] : memref<32768x128xf32, #tpu.memory_space<hbm>> -> memref<128x128xf32, #tpu.memory_space<hbm>>
    %dma_start3A_216 = arith.constant 0 : i32
    %dma_start3A_217 = arith.constant 0 : i32
    %dma_start3A_218 = tpu.memref_slice %arg8[%dma_start3A_209, %dma_start3A_216, %dma_start3A_217] : memref<2x128x128xf32, #tpu.memory_space<vmem>> -> memref<1x128x128xf32, #tpu.memory_space<vmem>>
    %dma_start3A_219 = tpu.memref_squeeze %dma_start3A_218 : memref<1x128x128xf32, #tpu.memory_space<vmem>> -> memref<128x128xf32, #tpu.memory_space<vmem>>
    %dma_start3A_220 = arith.constant 0 : i32
    %dma_start3A_221 = tpu.memref_slice %arg2[%add3A_208, %dma_start3A_220] : memref<32768x128xf32, #tpu.memory_space<hbm>> -> memref<128x128xf32, #tpu.memory_space<hbm>>
    tpu.enqueue_dma source(%dma_start3A_221 : memref<128x128xf32, #tpu.memory_space<hbm>>) target(%dma_start3A_219 : memref<128x128xf32, #tpu.memory_space<vmem>>) target_semaphore(%arg11 : memref<!tpu.dma_semaphore, #tpu.memory_space<semaphore_mem>>)
    %dma_wait3A_222 = arith.constant 0 : i32
    %dma_wait3A_223 = arith.constant 0 : i32
    %dma_wait3A_224 = arith.constant 0 : i32
    %dma_wait3A_225 = tpu.memref_slice %arg8[%dma_wait3A_222, %dma_wait3A_223, %dma_wait3A_224] : memref<2x128x128xf32, #tpu.memory_space<vmem>> -> memref<1x128x128xf32, #tpu.memory_space<vmem>>
    %dma_wait3A_226 = tpu.memref_squeeze %dma_wait3A_225 : memref<1x128x128xf32, #tpu.memory_space<vmem>> -> memref<128x128xf32, #tpu.memory_space<vmem>>
    %dma_wait3A_227 = arith.constant 0 : i32
    %dma_wait3A_228 = tpu.memref_slice %arg2[%add3A_177, %dma_wait3A_227] : memref<32768x128xf32, #tpu.memory_space<hbm>> -> memref<128x128xf32, #tpu.memory_space<hbm>>
    %dma_wait3A_229 = arith.constant 0 : i32
    %dma_wait3A_230 = arith.constant 0 : i32
    %dma_wait3A_231 = tpu.memref_slice %arg8[%dma_wait3A_222, %dma_wait3A_229, %dma_wait3A_230] : memref<2x128x128xf32, #tpu.memory_space<vmem>> -> memref<1x128x128xf32, #tpu.memory_space<vmem>>
    %dma_wait3A_232 = tpu.memref_squeeze %dma_wait3A_231 : memref<1x128x128xf32, #tpu.memory_space<vmem>> -> memref<128x128xf32, #tpu.memory_space<vmem>>
    %dma_wait3A_233 = arith.constant 0 : i32
    %dma_wait3A_234 = tpu.memref_slice %arg2[%add3A_177, %dma_wait3A_233] : memref<32768x128xf32, #tpu.memory_space<hbm>> -> memref<128x128xf32, #tpu.memory_space<hbm>>
    tpu.wait_dma2 semaphore(%arg10 : memref<!tpu.dma_semaphore, #tpu.memory_space<semaphore_mem>>) src(%dma_wait3A_234 : memref<128x128xf32, #tpu.memory_space<hbm>>) dst(%dma_wait3A_232 : memref<128x128xf32, #tpu.memory_space<vmem>>)
    %run_scoped3A_235 = arith.constant 0 : i32
    "tpu.region"() ({
      %run_scoped3A_256 = tpu.sem_alloc : memref<!tpu.dma_semaphore, #tpu.memory_space<semaphore_mem>>
      %dma_start3A_257 = arith.constant 0 : i32
      %dma_start3A_258 = arith.constant 0 : i32
      %dma_start3A_259 = tpu.memref_slice %arg8[%run_scoped3A_235, %dma_start3A_257, %dma_start3A_258] : memref<2x128x128xf32, #tpu.memory_space<vmem>> -> memref<1x128x128xf32, #tpu.memory_space<vmem>>
      %dma_start3A_260 = tpu.memref_squeeze %dma_start3A_259 : memref<1x128x128xf32, #tpu.memory_space<vmem>> -> memref<128x128xf32, #tpu.memory_space<vmem>>
      %dma_start3A_261 = arith.constant 0 : i32
      %dma_start3A_262 = arith.constant 0 : i32
      %dma_start3A_263 = tpu.memref_slice %arg9[%dma_start3A_261, %dma_start3A_262] : memref<4096x128xf32, #tpu.memory_space<vmem_shared>> -> memref<4096x128xf32, #tpu.memory_space<vmem_shared>>
      tpu.enqueue_indirect_dma source(%dma_start3A_260 : memref<128x128xf32, #tpu.memory_space<vmem>>) target(%dma_start3A_263 : memref<4096x128xf32, #tpu.memory_space<vmem_shared>>) offsets(%arg6 : memref<128xi32, #tpu.memory_space<vmem>>) semaphore(%run_scoped3A_256 : memref<!tpu.dma_semaphore, #tpu.memory_space<semaphore_mem>>) {add = true}
      %dma_wait3A_264 = arith.constant 0 : i32
      %dma_wait3A_265 = arith.constant 0 : i32
      %dma_wait3A_266 = tpu.memref_slice %arg8[%run_scoped3A_235, %dma_wait3A_264, %dma_wait3A_265] : memref<2x128x128xf32, #tpu.memory_space<vmem>> -> memref<1x128x128xf32, #tpu.memory_space<vmem>>
      %dma_wait3A_267 = tpu.memref_squeeze %dma_wait3A_266 : memref<1x128x128xf32, #tpu.memory_space<vmem>> -> memref<128x128xf32, #tpu.memory_space<vmem>>
      %dma_wait3A_268 = arith.constant 0 : i32
      %dma_wait3A_269 = arith.constant 0 : i32
      %dma_wait3A_270 = tpu.memref_slice %arg9[%dma_wait3A_268, %dma_wait3A_269] : memref<4096x128xf32, #tpu.memory_space<vmem_shared>> -> memref<4096x128xf32, #tpu.memory_space<vmem_shared>>
      tpu.wait_indirect_dma semaphore(%run_scoped3A_256 : memref<!tpu.dma_semaphore, #tpu.memory_space<semaphore_mem>>) src(%dma_wait3A_267 : memref<128x128xf32, #tpu.memory_space<vmem>>) dst(%dma_wait3A_270 : memref<4096x128xf32, #tpu.memory_space<vmem_shared>>)
      tpu.yield
    }) : () -> ()
    %dma_wait3A_236 = arith.constant 1 : i32
    %dma_wait3A_237 = arith.constant 0 : i32
    %dma_wait3A_238 = arith.constant 0 : i32
    %dma_wait3A_239 = tpu.memref_slice %arg8[%dma_wait3A_236, %dma_wait3A_237, %dma_wait3A_238] : memref<2x128x128xf32, #tpu.memory_space<vmem>> -> memref<1x128x128xf32, #tpu.memory_space<vmem>>
    %dma_wait3A_240 = tpu.memref_squeeze %dma_wait3A_239 : memref<1x128x128xf32, #tpu.memory_space<vmem>> -> memref<128x128xf32, #tpu.memory_space<vmem>>
    %dma_wait3A_241 = arith.constant 0 : i32
    %dma_wait3A_242 = tpu.memref_slice %arg2[%add3A_208, %dma_wait3A_241] : memref<32768x128xf32, #tpu.memory_space<hbm>> -> memref<128x128xf32, #tpu.memory_space<hbm>>
    %dma_wait3A_243 = arith.constant 0 : i32
    %dma_wait3A_244 = arith.constant 0 : i32
    %dma_wait3A_245 = tpu.memref_slice %arg8[%dma_wait3A_236, %dma_wait3A_243, %dma_wait3A_244] : memref<2x128x128xf32, #tpu.memory_space<vmem>> -> memref<1x128x128xf32, #tpu.memory_space<vmem>>
    %dma_wait3A_246 = tpu.memref_squeeze %dma_wait3A_245 : memref<1x128x128xf32, #tpu.memory_space<vmem>> -> memref<128x128xf32, #tpu.memory_space<vmem>>
    %dma_wait3A_247 = arith.constant 0 : i32
    %dma_wait3A_248 = tpu.memref_slice %arg2[%add3A_208, %dma_wait3A_247] : memref<32768x128xf32, #tpu.memory_space<hbm>> -> memref<128x128xf32, #tpu.memory_space<hbm>>
    tpu.wait_dma2 semaphore(%arg11 : memref<!tpu.dma_semaphore, #tpu.memory_space<semaphore_mem>>) src(%dma_wait3A_248 : memref<128x128xf32, #tpu.memory_space<hbm>>) dst(%dma_wait3A_246 : memref<128x128xf32, #tpu.memory_space<vmem>>)
    %run_scoped3A_249 = arith.constant 1 : i32
    "tpu.region"() ({
      %run_scoped3A_256 = tpu.sem_alloc : memref<!tpu.dma_semaphore, #tpu.memory_space<semaphore_mem>>
      %dma_start3A_257 = arith.constant 0 : i32
      %dma_start3A_258 = arith.constant 0 : i32
      %dma_start3A_259 = tpu.memref_slice %arg8[%run_scoped3A_249, %dma_start3A_257, %dma_start3A_258] : memref<2x128x128xf32, #tpu.memory_space<vmem>> -> memref<1x128x128xf32, #tpu.memory_space<vmem>>
      %dma_start3A_260 = tpu.memref_squeeze %dma_start3A_259 : memref<1x128x128xf32, #tpu.memory_space<vmem>> -> memref<128x128xf32, #tpu.memory_space<vmem>>
      %dma_start3A_261 = arith.constant 0 : i32
      %dma_start3A_262 = arith.constant 0 : i32
      %dma_start3A_263 = tpu.memref_slice %arg9[%dma_start3A_261, %dma_start3A_262] : memref<4096x128xf32, #tpu.memory_space<vmem_shared>> -> memref<4096x128xf32, #tpu.memory_space<vmem_shared>>
      tpu.enqueue_indirect_dma source(%dma_start3A_260 : memref<128x128xf32, #tpu.memory_space<vmem>>) target(%dma_start3A_263 : memref<4096x128xf32, #tpu.memory_space<vmem_shared>>) offsets(%arg7 : memref<128xi32, #tpu.memory_space<vmem>>) semaphore(%run_scoped3A_256 : memref<!tpu.dma_semaphore, #tpu.memory_space<semaphore_mem>>) {add = true}
      %dma_wait3A_264 = arith.constant 0 : i32
      %dma_wait3A_265 = arith.constant 0 : i32
      %dma_wait3A_266 = tpu.memref_slice %arg8[%run_scoped3A_249, %dma_wait3A_264, %dma_wait3A_265] : memref<2x128x128xf32, #tpu.memory_space<vmem>> -> memref<1x128x128xf32, #tpu.memory_space<vmem>>
      %dma_wait3A_267 = tpu.memref_squeeze %dma_wait3A_266 : memref<1x128x128xf32, #tpu.memory_space<vmem>> -> memref<128x128xf32, #tpu.memory_space<vmem>>
      %dma_wait3A_268 = arith.constant 0 : i32
      %dma_wait3A_269 = arith.constant 0 : i32
      %dma_wait3A_270 = tpu.memref_slice %arg9[%dma_wait3A_268, %dma_wait3A_269] : memref<4096x128xf32, #tpu.memory_space<vmem_shared>> -> memref<4096x128xf32, #tpu.memory_space<vmem_shared>>
      tpu.wait_indirect_dma semaphore(%run_scoped3A_256 : memref<!tpu.dma_semaphore, #tpu.memory_space<semaphore_mem>>) src(%dma_wait3A_267 : memref<128x128xf32, #tpu.memory_space<vmem>>) dst(%dma_wait3A_270 : memref<4096x128xf32, #tpu.memory_space<vmem_shared>>)
      tpu.yield
    }) : () -> ()
    %barrier3A_250 = arith.constant 0 : index
    tpu.barrier barrier_id(%barrier3A_250)
    %eq3A_251 = arith.constant 0 : i32
    %eq3A_252 = arith.cmpi eq, %arg1, %eq3A_251 : i32
    %convert_element_type3A_253 = arith.extui %eq3A_252 : i1 to i32
    %cond3A_254 = arith.constant 0 : i32
    %cond3A_255 = arith.cmpi ne, %convert_element_type3A_253, %cond3A_254 : i32
    scf.if %cond3A_255 {
      "tpu.region"() ({
        %run_scoped3A_256 = tpu.sem_alloc : memref<!tpu.dma_semaphore, #tpu.memory_space<semaphore_mem>>
        %dma_start3A_257 = arith.constant 0 : i32
        %dma_start3A_258 = arith.constant 0 : i32
        %dma_start3A_259 = tpu.memref_slice %arg5[%arg0, %dma_start3A_257, %dma_start3A_258] : memref<2x4096x128xf32, #tpu.memory_space<hbm>> -> memref<1x4096x128xf32, #tpu.memory_space<hbm>>
        %dma_start3A_260 = tpu.memref_squeeze %dma_start3A_259 : memref<1x4096x128xf32, #tpu.memory_space<hbm>> -> memref<4096x128xf32, #tpu.memory_space<hbm>>
        tpu.enqueue_dma source(%arg9 : memref<4096x128xf32, #tpu.memory_space<vmem_shared>>) target(%dma_start3A_260 : memref<4096x128xf32, #tpu.memory_space<hbm>>) target_semaphore(%run_scoped3A_256 : memref<!tpu.dma_semaphore, #tpu.memory_space<semaphore_mem>>)
        %dma_wait3A_261 = arith.constant 0 : i32
        %dma_wait3A_262 = arith.constant 0 : i32
        %dma_wait3A_263 = tpu.memref_slice %arg5[%arg0, %dma_wait3A_261, %dma_wait3A_262] : memref<2x4096x128xf32, #tpu.memory_space<hbm>> -> memref<1x4096x128xf32, #tpu.memory_space<hbm>>
        %dma_wait3A_264 = tpu.memref_squeeze %dma_wait3A_263 : memref<1x4096x128xf32, #tpu.memory_space<hbm>> -> memref<4096x128xf32, #tpu.memory_space<hbm>>
        tpu.wait_dma2 semaphore(%run_scoped3A_256 : memref<!tpu.dma_semaphore, #tpu.memory_space<semaphore_mem>>) src(%arg9 : memref<4096x128xf32, #tpu.memory_space<vmem_shared>>) dst(%dma_wait3A_264 : memref<4096x128xf32, #tpu.memory_space<hbm>>)
        tpu.yield
      }) : () -> ()
    } else {
    }
    return
  }
}

module attributes {stable_mosaic.version = 14 : i64} {
  func.func @_k6_body(%arg0: memref<4096x128xf32, #tpu.memory_space<vmem>>, %arg1: memref<4096x128xf32, #tpu.memory_space<vmem>>, %arg2: memref<4096x128xf32, #tpu.memory_space<vmem>>, %arg3: memref<1x4096xf32, #tpu.memory_space<vmem>>, %arg4: memref<1x1xf32, #tpu.memory_space<vmem>>, %arg5: memref<128x16xf32, #tpu.memory_space<vmem>>, %arg6: memref<1x16xf32, #tpu.memory_space<vmem>>, %arg7: memref<128x3xf32, #tpu.memory_space<vmem>>, %arg8: memref<16x3xf32, #tpu.memory_space<vmem>>, %arg9: memref<1x3xf32, #tpu.memory_space<vmem>>, %arg10: memref<4096x3xf32, #tpu.memory_space<vmem>>) attributes {dimension_semantics = [], scalar_prefetch = 0 : i64, scratch_operands = 0 : i64, tpu.core_type = #tpu.core_type<tc>} {
    %get3A = arith.constant 0 : index
    %get3A_0 = arith.constant 0 : index
    %get3A_1 = vector.load %arg0[%get3A, %get3A_0] : memref<4096x128xf32, #tpu.memory_space<vmem>>, vector<4096x128xf32>
    %get3A_2 = arith.constant 0 : index
    %get3A_3 = arith.constant 0 : index
    %get3A_4 = vector.load %arg5[%get3A_2, %get3A_3] : memref<128x16xf32, #tpu.memory_space<vmem>>, vector<128x16xf32>
    %dot_general3A = arith.constant dense<0.000000e+00> : vector<4096x16xf32>
    %dot_general3A_5 = tpu.matmul %get3A_1, %get3A_4, %dot_general3A {dimension_numbers = #tpu.dot_dimension_numbers<[1], [0], [0], [1], [0, 0, 1, 1], [], []>, transpose_lhs_hint = false} : vector<4096x128xf32>, vector<128x16xf32>, vector<4096x16xf32> -> vector<4096x16xf32>
    %get3A_6 = arith.constant 0 : index
    %get3A_7 = arith.constant 0 : index
    %get3A_8 = vector.load %arg6[%get3A_6, %get3A_7] : memref<1x16xf32, #tpu.memory_space<vmem>>, vector<1x16xf32>
    %add3A = vector.broadcast %get3A_8 : vector<1x16xf32> to vector<4096x16xf32>
    %add3A_9 = arith.addf %dot_general3A_5, %add3A : vector<4096x16xf32>
    %tanh3A = math.tanh %add3A_9 : vector<4096x16xf32>
    %get3A_10 = arith.constant 0 : index
    %get3A_11 = arith.constant 0 : index
    %get3A_12 = vector.load %arg3[%get3A_10, %get3A_11] : memref<1x4096xf32, #tpu.memory_space<vmem>>, vector<1x4096xf32>
    %get3A_13 = arith.constant 0 : index
    %get3A_14 = arith.constant 0 : index
    %get3A_15 = vector.load %arg4[%get3A_13, %get3A_14] : memref<1x1xf32, #tpu.memory_space<vmem>>, vector<1x1xf32>
    %dot_general3A_16 = arith.constant dense<0.000000e+00> : vector<4096x1xf32>
    %dot_general3A_17 = tpu.matmul %get3A_12, %get3A_15, %dot_general3A_16 {dimension_numbers = #tpu.dot_dimension_numbers<[0], [0], [1], [1], [0, 1, 1, 1], [], []>, transpose_lhs_hint = false} : vector<1x4096xf32>, vector<1x1xf32>, vector<4096x1xf32> -> vector<4096x1xf32>
    %get3A_18 = arith.constant 0 : index
    %get3A_19 = arith.constant 0 : index
    %get3A_20 = vector.load %arg1[%get3A_18, %get3A_19] : memref<4096x128xf32, #tpu.memory_space<vmem>>, vector<4096x128xf32>
    %slice3A = vector.extract_strided_slice %get3A_20 {offsets = [0, 0], sizes = [4096, 16], strides = [1, 1]} : vector<4096x128xf32> to vector<4096x16xf32>
    %get3A_21 = arith.constant 0 : index
    %get3A_22 = arith.constant 0 : index
    %get3A_23 = vector.load %arg2[%get3A_21, %get3A_22] : memref<4096x128xf32, #tpu.memory_space<vmem>>, vector<4096x128xf32>
    %slice3A_24 = vector.extract_strided_slice %get3A_23 {offsets = [0, 0], sizes = [4096, 16], strides = [1, 1]} : vector<4096x128xf32> to vector<4096x16xf32>
    %add3A_25 = arith.addf %slice3A, %slice3A_24 : vector<4096x16xf32>
    %mul3A = vector.broadcast %dot_general3A_17 : vector<4096x1xf32> to vector<4096x16xf32>
    %mul3A_26 = arith.mulf %tanh3A, %mul3A : vector<4096x16xf32>
    %add3A_27 = arith.addf %add3A_25, %mul3A_26 : vector<4096x16xf32>
    %get3A_28 = arith.constant 0 : index
    %get3A_29 = arith.constant 0 : index
    %get3A_30 = vector.load %arg7[%get3A_28, %get3A_29] : memref<128x3xf32, #tpu.memory_space<vmem>>, vector<128x3xf32>
    %dot_general3A_31 = arith.constant dense<0.000000e+00> : vector<4096x3xf32>
    %dot_general3A_32 = tpu.matmul %get3A_1, %get3A_30, %dot_general3A_31 {dimension_numbers = #tpu.dot_dimension_numbers<[1], [0], [0], [1], [0, 0, 1, 1], [], []>, transpose_lhs_hint = false} : vector<4096x128xf32>, vector<128x3xf32>, vector<4096x3xf32> -> vector<4096x3xf32>
    %get3A_33 = arith.constant 0 : index
    %get3A_34 = arith.constant 0 : index
    %get3A_35 = vector.load %arg8[%get3A_33, %get3A_34] : memref<16x3xf32, #tpu.memory_space<vmem>>, vector<16x3xf32>
    %dot_general3A_36 = arith.constant dense<0.000000e+00> : vector<4096x3xf32>
    %dot_general3A_37 = tpu.matmul %add3A_27, %get3A_35, %dot_general3A_36 {dimension_numbers = #tpu.dot_dimension_numbers<[1], [0], [0], [1], [0, 0, 1, 1], [], []>, transpose_lhs_hint = false} : vector<4096x16xf32>, vector<16x3xf32>, vector<4096x3xf32> -> vector<4096x3xf32>
    %add3A_38 = arith.addf %dot_general3A_32, %dot_general3A_37 : vector<4096x3xf32>
    %get3A_39 = arith.constant 0 : index
    %get3A_40 = arith.constant 0 : index
    %get3A_41 = vector.load %arg9[%get3A_39, %get3A_40] : memref<1x3xf32, #tpu.memory_space<vmem>>, vector<1x3xf32>
    %add3A_42 = vector.broadcast %get3A_41 : vector<1x3xf32> to vector<4096x3xf32>
    %add3A_43 = arith.addf %add3A_38, %add3A_42 : vector<4096x3xf32>
    %reduce_max3A = arith.constant dense<0xFF800000> : vector<4096xf32>
    %reduce_max3A_44 = vector.multi_reduction <maximumf>, %add3A_43, %reduce_max3A [1] : vector<4096x3xf32> to vector<4096xf32>
    %broadcast_in_dim3A = vector.shape_cast %reduce_max3A_44 : vector<4096xf32> to vector<4096x1xf32>
    %sub3A = vector.broadcast %broadcast_in_dim3A : vector<4096x1xf32> to vector<4096x3xf32>
    %sub3A_45 = arith.subf %add3A_43, %sub3A : vector<4096x3xf32>
    %exp3A = math.exp %sub3A_45 : vector<4096x3xf32>
    %reduce_sum3A = arith.constant dense<0.000000e+00> : vector<4096xf32>
    %reduce_sum3A_46 = vector.multi_reduction <add>, %exp3A, %reduce_sum3A [1] : vector<4096x3xf32> to vector<4096xf32>
    %broadcast_in_dim3A_47 = vector.shape_cast %reduce_sum3A_46 : vector<4096xf32> to vector<4096x1xf32>
    %div3A = vector.broadcast %broadcast_in_dim3A_47 : vector<4096x1xf32> to vector<4096x3xf32>
    %div3A_48 = arith.divf %exp3A, %div3A : vector<4096x3xf32>
    %swap3A = arith.constant 0 : index
    %swap3A_49 = arith.constant 0 : index
    %swap3A_50 = vector.load %arg10[%swap3A, %swap3A_49] : memref<4096x3xf32, #tpu.memory_space<vmem>>, vector<4096x3xf32>
    tpu.vector_store %arg10[%swap3A, %swap3A_49], %div3A_48 {strides = array<i32>} : memref<4096x3xf32, #tpu.memory_space<vmem>>, vector<4096x3xf32>,
    return
  }
}

module attributes {stable_mosaic.version = 14 : i64} {
  func.func @_k4_body(%arg0: i32, %arg1: memref<2048x128xf32, #tpu.memory_space<vmem>>, %arg2: memref<2048x128xf32, #tpu.memory_space<vmem>>, %arg3: memref<1x2048xf32, #tpu.memory_space<vmem>>, %arg4: memref<1x2048xf32, #tpu.memory_space<vmem>>, %arg5: memref<128x256xf32, #tpu.memory_space<vmem>>, %arg6: memref<128x256xf32, #tpu.memory_space<vmem>>, %arg7: memref<1x256xf32, #tpu.memory_space<vmem>>, %arg8: memref<128x16xf32, #tpu.memory_space<vmem>>, %arg9: memref<1x16xf32, #tpu.memory_space<vmem>>, %arg10: memref<16x256xf32, #tpu.memory_space<vmem>>, %arg11: memref<256x128xf32, #tpu.memory_space<vmem>>, %arg12: memref<1x1xf32, #tpu.memory_space<vmem>>, %arg13: memref<2048x128xf32, #tpu.memory_space<vmem>>) attributes {dimension_semantics = [#tpu.dimension_semantics<arbitrary>], iteration_bounds = array<i64: 16>, scalar_prefetch = 0 : i64, scratch_operands = 0 : i64, tpu.core_type = #tpu.core_type<tc>, window_params = [{transform_indices = @transform_0, window_bounds = array<i64: 2048, 128>}, {transform_indices = @transform_1, window_bounds = array<i64: 2048, 128>}, {transform_indices = @transform_2, window_bounds = array<i64: 1, 2048>}, {transform_indices = @transform_3, window_bounds = array<i64: 1, 2048>}, {pipeline_mode = #tpu.pipeline_mode<synchronous>, transform_indices = @transform_4, window_bounds = array<i64: 128, 256>}, {pipeline_mode = #tpu.pipeline_mode<synchronous>, transform_indices = @transform_5, window_bounds = array<i64: 128, 256>}, {pipeline_mode = #tpu.pipeline_mode<synchronous>, transform_indices = @transform_6, window_bounds = array<i64: 1, 256>}, {pipeline_mode = #tpu.pipeline_mode<synchronous>, transform_indices = @transform_7, window_bounds = array<i64: 128, 16>}, {pipeline_mode = #tpu.pipeline_mode<synchronous>, transform_indices = @transform_8, window_bounds = array<i64: 1, 16>}, {pipeline_mode = #tpu.pipeline_mode<synchronous>, transform_indices = @transform_9, window_bounds = array<i64: 16, 256>}, {pipeline_mode = #tpu.pipeline_mode<synchronous>, transform_indices = @transform_10, window_bounds = array<i64: 256, 128>}, {pipeline_mode = #tpu.pipeline_mode<synchronous>, transform_indices = @transform_11, window_bounds = array<i64: 1, 1>}, {transform_indices = @transform_12, window_bounds = array<i64: 2048, 128>}]} {
    %get3A = arith.constant 0 : index
    %get3A_0 = arith.constant 0 : index
    %get3A_1 = vector.load %arg2[%get3A, %get3A_0] : memref<2048x128xf32, #tpu.memory_space<vmem>>, vector<2048x128xf32>
    %get3A_2 = arith.constant 0 : index
    %get3A_3 = arith.constant 0 : index
    %get3A_4 = vector.load %arg1[%get3A_2, %get3A_3] : memref<2048x128xf32, #tpu.memory_space<vmem>>, vector<2048x128xf32>
    %get3A_5 = arith.constant 0 : index
    %get3A_6 = arith.constant 0 : index
    %get3A_7 = vector.load %arg5[%get3A_5, %get3A_6] : memref<128x256xf32, #tpu.memory_space<vmem>>, vector<128x256xf32>
    %dot_general3A = arith.constant dense<0.000000e+00> : vector<2048x256xf32>
    %dot_general3A_8 = tpu.matmul %get3A_4, %get3A_7, %dot_general3A {dimension_numbers = #tpu.dot_dimension_numbers<[1], [0], [0], [1], [0, 0, 1, 1], [], []>, transpose_lhs_hint = false} : vector<2048x128xf32>, vector<128x256xf32>, vector<2048x256xf32> -> vector<2048x256xf32>
    %get3A_9 = arith.constant 0 : index
    %get3A_10 = arith.constant 0 : index
    %get3A_11 = vector.load %arg6[%get3A_9, %get3A_10] : memref<128x256xf32, #tpu.memory_space<vmem>>, vector<128x256xf32>
    %dot_general3A_12 = arith.constant dense<0.000000e+00> : vector<2048x256xf32>
    %dot_general3A_13 = tpu.matmul %get3A_1, %get3A_11, %dot_general3A_12 {dimension_numbers = #tpu.dot_dimension_numbers<[1], [0], [0], [1], [0, 0, 1, 1], [], []>, transpose_lhs_hint = false} : vector<2048x128xf32>, vector<128x256xf32>, vector<2048x256xf32> -> vector<2048x256xf32>
    %add3A = arith.addf %dot_general3A_8, %dot_general3A_13 : vector<2048x256xf32>
    %get3A_14 = arith.constant 0 : index
    %get3A_15 = arith.constant 0 : index
    %get3A_16 = vector.load %arg7[%get3A_14, %get3A_15] : memref<1x256xf32, #tpu.memory_space<vmem>>, vector<1x256xf32>
    %add3A_17 = vector.broadcast %get3A_16 : vector<1x256xf32> to vector<2048x256xf32>
    %add3A_18 = arith.addf %add3A, %add3A_17 : vector<2048x256xf32>
    %tanh3A = math.tanh %add3A_18 : vector<2048x256xf32>
    %get3A_19 = arith.constant 0 : index
    %get3A_20 = arith.constant 0 : index
    %get3A_21 = vector.load %arg8[%get3A_19, %get3A_20] : memref<128x16xf32, #tpu.memory_space<vmem>>, vector<128x16xf32>
    %dot_general3A_22 = arith.constant dense<0.000000e+00> : vector<2048x16xf32>
    %dot_general3A_23 = tpu.matmul %get3A_1, %get3A_21, %dot_general3A_22 {dimension_numbers = #tpu.dot_dimension_numbers<[1], [0], [0], [1], [0, 0, 1, 1], [], []>, transpose_lhs_hint = false} : vector<2048x128xf32>, vector<128x16xf32>, vector<2048x16xf32> -> vector<2048x16xf32>
    %get3A_24 = arith.constant 0 : index
    %get3A_25 = arith.constant 0 : index
    %get3A_26 = vector.load %arg9[%get3A_24, %get3A_25] : memref<1x16xf32, #tpu.memory_space<vmem>>, vector<1x16xf32>
    %add3A_27 = vector.broadcast %get3A_26 : vector<1x16xf32> to vector<2048x16xf32>
    %add3A_28 = arith.addf %dot_general3A_23, %add3A_27 : vector<2048x16xf32>
    %tanh3A_29 = math.tanh %add3A_28 : vector<2048x16xf32>
    %get3A_30 = arith.constant 0 : index
    %get3A_31 = arith.constant 0 : index
    %get3A_32 = vector.load %arg3[%get3A_30, %get3A_31] : memref<1x2048xf32, #tpu.memory_space<vmem>>, vector<1x2048xf32>
    %mul3A = arith.constant 5.625000e-02 : f32
    %mul3A_33 = vector.broadcast %mul3A : f32 to vector<1x2048xf32>
    %mul3A_34 = arith.mulf %get3A_32, %mul3A_33 : vector<1x2048xf32>
    %get3A_35 = arith.constant 0 : index
    %get3A_36 = arith.constant 0 : index
    %get3A_37 = vector.load %arg4[%get3A_35, %get3A_36] : memref<1x2048xf32, #tpu.memory_space<vmem>>, vector<1x2048xf32>
    %div3A = arith.divf %mul3A_34, %get3A_37 : vector<1x2048xf32>
    %get3A_38 = arith.constant 0 : index
    %get3A_39 = arith.constant 0 : index
    %get3A_40 = vector.load %arg12[%get3A_38, %get3A_39] : memref<1x1xf32, #tpu.memory_space<vmem>>, vector<1x1xf32>
    %dot_general3A_41 = arith.constant dense<0.000000e+00> : vector<2048x1xf32>
    %dot_general3A_42 = tpu.matmul %div3A, %get3A_40, %dot_general3A_41 {dimension_numbers = #tpu.dot_dimension_numbers<[0], [0], [1], [1], [0, 1, 1, 1], [], []>, transpose_lhs_hint = false} : vector<1x2048xf32>, vector<1x1xf32>, vector<2048x1xf32> -> vector<2048x1xf32>
    %get3A_43 = arith.constant 0 : index
    %get3A_44 = arith.constant 0 : index
    %get3A_45 = vector.load %arg10[%get3A_43, %get3A_44] : memref<16x256xf32, #tpu.memory_space<vmem>>, vector<16x256xf32>
    %dot_general3A_46 = arith.constant dense<0.000000e+00> : vector<2048x256xf32>
    %dot_general3A_47 = tpu.matmul %tanh3A_29, %get3A_45, %dot_general3A_46 {dimension_numbers = #tpu.dot_dimension_numbers<[1], [0], [0], [1], [0, 0, 1, 1], [], []>, transpose_lhs_hint = false} : vector<2048x16xf32>, vector<16x256xf32>, vector<2048x256xf32> -> vector<2048x256xf32>
    %mul3A_48 = arith.mulf %tanh3A, %dot_general3A_47 : vector<2048x256xf32>
    %get3A_49 = arith.constant 0 : index
    %get3A_50 = arith.constant 0 : index
    %get3A_51 = vector.load %arg11[%get3A_49, %get3A_50] : memref<256x128xf32, #tpu.memory_space<vmem>>, vector<256x128xf32>
    %dot_general3A_52 = arith.constant dense<0.000000e+00> : vector<2048x128xf32>
    %dot_general3A_53 = tpu.matmul %mul3A_48, %get3A_51, %dot_general3A_52 {dimension_numbers = #tpu.dot_dimension_numbers<[1], [0], [0], [1], [0, 0, 1, 1], [], []>, transpose_lhs_hint = false} : vector<2048x256xf32>, vector<256x128xf32>, vector<2048x128xf32> -> vector<2048x128xf32>
    %mul3A_54 = vector.broadcast %dot_general3A_42 : vector<2048x1xf32> to vector<2048x128xf32>
    %mul3A_55 = arith.mulf %dot_general3A_53, %mul3A_54 : vector<2048x128xf32>
    %swap3A = arith.constant 0 : index
    %swap3A_56 = arith.constant 0 : index
    %swap3A_57 = vector.load %arg13[%swap3A, %swap3A_56] : memref<2048x128xf32, #tpu.memory_space<vmem>>, vector<2048x128xf32>
    tpu.vector_store %arg13[%swap3A, %swap3A_56], %mul3A_55 {strides = array<i32>} : memref<2048x128xf32, #tpu.memory_space<vmem>>, vector<2048x128xf32>,
    return
  }
  func.func @transform_0(%arg0: i32) -> (i32, i32) {
    %c0_i32 = arith.constant 0 : i32
    %c0_i32_0 = arith.constant 0 : i32
    return %arg0, %c0_i32 : i32, i32
  }
  func.func @transform_1(%arg0: i32) -> (i32, i32) {
    %c0_i32 = arith.constant 0 : i32
    %c0_i32_0 = arith.constant 0 : i32
    return %arg0, %c0_i32 : i32, i32
  }
  func.func @transform_2(%arg0: i32) -> (i32, i32) {
    %c0_i32 = arith.constant 0 : i32
    %c0_i32_0 = arith.constant 0 : i32
    return %c0_i32, %arg0 : i32, i32
  }
  func.func @transform_3(%arg0: i32) -> (i32, i32) {
    %c0_i32 = arith.constant 0 : i32
    %c0_i32_0 = arith.constant 0 : i32
    return %c0_i32, %arg0 : i32, i32
  }
  func.func @transform_4(%arg0: i32) -> (i32, i32) {
    %c0_i32 = arith.constant 0 : i32
    %c0_i32_0 = arith.constant 0 : i32
    %c0_i32_1 = arith.constant 0 : i32
    return %c0_i32, %c0_i32_0 : i32, i32
  }
  func.func @transform_5(%arg0: i32) -> (i32, i32) {
    %c0_i32 = arith.constant 0 : i32
    %c0_i32_0 = arith.constant 0 : i32
    %c0_i32_1 = arith.constant 0 : i32
    return %c0_i32, %c0_i32_0 : i32, i32
  }
  func.func @transform_6(%arg0: i32) -> (i32, i32) {
    %c0_i32 = arith.constant 0 : i32
    %c0_i32_0 = arith.constant 0 : i32
    %c0_i32_1 = arith.constant 0 : i32
    return %c0_i32, %c0_i32_0 : i32, i32
  }
  func.func @transform_7(%arg0: i32) -> (i32, i32) {
    %c0_i32 = arith.constant 0 : i32
    %c0_i32_0 = arith.constant 0 : i32
    %c0_i32_1 = arith.constant 0 : i32
    return %c0_i32, %c0_i32_0 : i32, i32
  }
  func.func @transform_8(%arg0: i32) -> (i32, i32) {
    %c0_i32 = arith.constant 0 : i32
    %c0_i32_0 = arith.constant 0 : i32
    %c0_i32_1 = arith.constant 0 : i32
    return %c0_i32, %c0_i32_0 : i32, i32
  }
  func.func @transform_9(%arg0: i32) -> (i32, i32) {
    %c0_i32 = arith.constant 0 : i32
    %c0_i32_0 = arith.constant 0 : i32
    %c0_i32_1 = arith.constant 0 : i32
    return %c0_i32, %c0_i32_0 : i32, i32
  }
  func.func @transform_10(%arg0: i32) -> (i32, i32) {
    %c0_i32 = arith.constant 0 : i32
    %c0_i32_0 = arith.constant 0 : i32
    %c0_i32_1 = arith.constant 0 : i32
    return %c0_i32, %c0_i32_0 : i32, i32
  }
  func.func @transform_11(%arg0: i32) -> (i32, i32) {
    %c0_i32 = arith.constant 0 : i32
    %c0_i32_0 = arith.constant 0 : i32
    %c0_i32_1 = arith.constant 0 : i32
    return %c0_i32, %c0_i32_0 : i32, i32
  }
  func.func @transform_12(%arg0: i32) -> (i32, i32) {
    %c0_i32 = arith.constant 0 : i32
    %c0_i32_0 = arith.constant 0 : i32
    return %arg0, %c0_i32 : i32, i32
  }
}

</mosaic_0001>

<sc_bundles>
// kernel: kernel.6.cloned.1.call-start
scs
__scs_entry_jumppad:
0x0: {  	(pc) =	sbr.rel $0x88, $3  }
0x1: {  	(tag) =	ssettag $0x0;
	lr =	simm.s32 $0x1  }
0x2: {  	[smem:$0x3F97] =	sst lr;
	_ =	strace $0xD0000000  }
0x3: {  	_ = 	snop  }
0x4: {  	_ = 	snop  }
0x5: {  	_ = 	snop  }
0x6: {  	_ = 	snop  }
0x7: {  	_ = 	snop  }
__scs_overlays_trampoline_lowered:
0x8: {  	[smem:$0x3FA6] =	sst s0  }
0x9: {  	[smem:$0x3FA7] =	sst s1  }
0xa: {  	[smem:$0x3FA8] =	sst s2  }
0xb: {  	[smem:$0x3FA9] =	sst s3  }
0xc: {  	[smem:$0x3FAA] =	sst s4  }
0xd: {  	[smem:$0x3FAB] =	sst s5  }
0xe: {  	[smem:$0x3FAC] =	sst s6  }
0xf: {  	[smem:$0x3FAD] =	sst s7  }
0x10: {  	[smem:$0x3FAE] =	sst s8  }
0x11: {  	[smem:$0x3FAF] =	sst s9;
	s0 =	simm.s32 @!p0 $0x0  }
0x12: {  	s1 =	sld [smem:$0x3F95];
	s0 =	simm.s32 @p0 $0x1  }
0x13: {  	[smem:$0x3FB0] =	sst s0;
	s0 =	simm.s32 @!p1 $0x0  }
0x14: {  	s2 =	sld [smem:$0x3F94];
	s0 =	simm.s32 @p1 $0x1  }
0x15: {  	[smem:$0x3FB1] =	sst s0;
	s0 =	simm.s32 @!p2 $0x0  }
0x16: {  	s3 =	sld [smem:$0x3FDB];
	s0 =	simm.s32 @p2 $0x1  }
0x17: {  	s4 =	simm.s32 $0x1BF5;
	[smem:$0x3FB3] =	sst s0  }
0x18: {  	s0 =	sld [smem:$0x3F96];
	_ =	swait.ge [sflag:s4], $0x0  }
0x19: {  	s7 =	sld [smem:$0x3F97]  }
0x1a: {  	s8 =	sadd.s32 $0xFFFFE003, lr  }
0x1b: {  	s9 =	sadd.s32 $0xFFFFFEF7, lr;
	s5 =	simm.s32 $0xFFFFFFFF;
	p2 =	slt.u32 s8, $0xFFFFF086  }
0x1c: {  	p1 =	slt.u32 s9, $0xF7A;
	s5 =	simm.s32 @!p2 $0x0  }
0x1d: {  	s5 =	simm.s32 @p1 $0x1;
	p0 =	seq.s32 s7, s2  }
0x1e: {  	s7 =	smul.u32 @!p0 $0xF7A, s2;
	p2 =	seq.s32 @!p0 s5, $0x0  }
0x1f: {  	s9 =	smul.u32 $0xF7A, s1;
	s8 =	simm.s32 @!p0 $0x1BF5;
	p2 =	por !p2, p0  }
0x20: {  	[sflag:s8] =	ssyncset.s32 @!p0 $0xFFFFF086;
	s6 =	sadd.s32 @!p0 s3, s7;
	s7 =	simm.s32 @!p0 $0x108  }
0x21: {  	s3 =	sadd.s32 s3, s9;
	s6 =	sadd.s32 @!p0 $0x88, s6;
	s7 =	simm.s32 @p2 $0x1082  }
0x22: {  	[simem:s7], [sflag:s8] =	dma.local @!p0 [hbm:s6], $0xF7A  }
0x23: {  	s9 =	sor.u32 $0xD0000000, s2;
	s6 =	simm.s32 $0x108;
	_ =	swait.ge @!p0 [sflag:s8], $0x0  }
0x24: {  	s3 =	sadd.s32 $0x88, s3;
	s6 =	simm.s32 @!p1 $0x1082;
	[sflag:s4] =	ssyncset.s32 $0xFFFFF086  }
0x25: {  	[simem:s6], [sflag:s4] =	dma.local [hbm:s3], $0xF7A  }
0x26: {  	[smem:$0x3F97] =	sst s1;
	(tag) =	ssettag s2;
	_ =	strace s9  }
0x27: {  	s1 =	sld [smem:$0x3FA7]  }
0x28: {  	s2 =	sld [smem:$0x3FA8]  }
0x29: {  	s4 =	sld [smem:$0x3FAA]  }
0x2a: {  	p0 =	seq.s32 s5, $0x0;
	s5 =	sld [smem:$0x3FAB]  }
0x2b: {  	s6 =	sld [smem:$0x3FAC]  }
0x2c: {  	s7 =	sld [smem:$0x3FAD]  }
0x2d: {  	s3 =	simm.s32 $0x108;
	s8 =	sld [smem:$0x3FAE]  }
0x2e: {  	s3 =	simm.s32 @!p0 $0x1082;
	s9 =	sld [smem:$0x3FAF]  }
0x2f: {  	lr =	sadd.s32 s0, s3;
	s0 =	sld [smem:$0x3FA6]  }
0x30: {  	s3 =	sld [smem:$0x3FA9]  }
0x31: {  	[smem:$0x3FB2] =	sst s10  }
0x32: {  	s10 =	sld [smem:$0x3FB0];
	_ =	sdelay $0x3  }
0x33: {  	p0 =	seq.s32 s10, $0x1;
	s10 =	sld [smem:$0x3FB2];
	_ =	sdelay $0x3  }
0x34: {  	[smem:$0x3FB2] =	sst s10  }
0x35: {  	s10 =	sld [smem:$0x3FB1];
	_ =	sdelay $0x3  }
0x36: {  	p1 =	seq.s32 s10, $0x1;
	s10 =	sld [smem:$0x3FB2];
	_ =	sdelay $0x3  }
0x37: {  	[smem:$0x3FB2] =	sst s10  }
0x38: {  	s10 =	sld [smem:$0x3FB3]  }
0x39: {  	_ = 	snop;
	(pc) =	sbr.ind lr, $3  }
0x3a: {  	_ = 	snop  }
0x3b: {  	_ = 	snop  }
0x3c: {  	p2 =	seq.s32 s10, $0x1;
	s10 =	sld [smem:$0x3FB2]  }
0x3d: {  	_ =	shalt  }
0x3e: {  	_ =	shalt  }
0x3f: {  	_ =	shalt  }
0x40: {  	_ =	shalt  }
0x41: {  	_ =	shalt  }
0x42: {  	_ =	shalt  }
0x43: {  	_ =	shalt  }
0x44: {  	_ =	shalt  }
0x45: {  	_ =	shalt  }
0x46: {  	_ =	shalt  }
0x47: {  	_ =	shalt  }
0x48: {  	_ =	shalt  }
0x49: {  	_ =	shalt  }
0x4a: {  	_ =	shalt  }
0x4b: {  	_ =	shalt  }
0x4c: {  	_ =	shalt  }
0x4d: {  	_ =	shalt  }
0x4e: {  	_ =	shalt  }
0x4f: {  	_ =	shalt  }
0x50: {  	_ =	shalt  }
0x51: {  	_ =	shalt  }
0x52: {  	_ =	shalt  }
0x53: {  	_ =	shalt  }
0x54: {  	_ =	shalt  }
0x55: {  	_ =	shalt  }
0x56: {  	_ =	shalt  }
0x57: {  	_ =	shalt  }
0x58: {  	_ =	shalt  }
0x59: {  	_ =	shalt  }
0x5a: {  	_ =	shalt  }
0x5b: {  	_ =	shalt  }
0x5c: {  	_ =	shalt  }
0x5d: {  	_ =	shalt  }
0x5e: {  	_ =	shalt  }
0x5f: {  	_ =	shalt  }
0x60: {  	_ =	shalt  }
0x61: {  	_ =	shalt  }
0x62: {  	_ =	shalt  }
0x63: {  	_ =	shalt  }
0x64: {  	_ =	shalt  }
0x65: {  	_ =	shalt  }
0x66: {  	_ =	shalt  }
0x67: {  	_ =	shalt  }
0x68: {  	_ =	shalt  }
0x69: {  	_ =	shalt  }
0x6a: {  	_ =	shalt  }
0x6b: {  	_ =	shalt  }
0x6c: {  	_ =	shalt  }
0x6d: {  	_ =	shalt  }
0x6e: {  	_ =	shalt  }
0x6f: {  	_ =	shalt  }
0x70: {  	_ =	shalt  }
0x71: {  	_ =	shalt  }
0x72: {  	_ =	shalt  }
0x73: {  	_ =	shalt  }
0x74: {  	_ =	shalt  }
0x75: {  	_ =	shalt  }
0x76: {  	_ =	shalt  }
0x77: {  	_ =	shalt  }
0x78: {  	_ =	shalt  }
0x79: {  	_ =	shalt  }
0x7a: {  	_ =	shalt  }
0x7b: {  	_ =	shalt  }
0x7c: {  	_ =	shalt  }
0x7d: {  	_ =	shalt  }
0x7e: {  	_ =	shalt  }
0x7f: {  	_ =	shalt  }
0x80: {  	_ =	shalt  }
0x81: {  	_ =	shalt  }
0x82: {  	_ =	shalt  }
0x83: {  	_ =	shalt  }
0x84: {  	_ =	shalt  }
0x85: {  	_ =	shalt  }
0x86: {  	_ =	shalt  }
0x87: {  	_ =	shalt  }
.Lfunc_end0:
.L_simem_size_0:
called_computation_lowered:
.L_overlay_start_0:
0x88: {  	s2 =	sld [smem:$0x3FD9]  }
0x89: {  	s3 =	sld [smem:$0x3FFE];
	_ =	sdelay $0x1  }
0x8a: {  	s1 =	srdreg.scid  }
0x8b: {  	s0 =	sand.u32 $0x1, s1  }
0x8c: {  	s17 =	sshll.u32 s0, $0xA;
	s2 =	sadd.s32 s3, s2  }
0x8d: {  	s2 =	sadd.s32 s2, s17  }
0x8e: {  	[smem:$0x3FBE] =	sst s2  }
0x8f: {  	_ = 	snop  }
0x90: {  	s2 =	sld [smem:$0x3FC9]  }
0x91: {  	s18 =	sld [smem:$0x3FC8]  }
0x92: {  	s4 =	sld [smem:$0x3FC6]  }
0x93: {  	s5 =	sld [smem:$0x3FD0];
	(tm) =	ssettm $0x1  }
0x94: {  	s6 =	sld [smem:$0x3FFB];
	_ =	sdelay $0x3  }
0x95: {  	_ =	strace s6  }
0x96: {  	s6 =	sld [smem:$0x3FFC];
	_ =	sdelay $0x3  }
0x97: {  	_ =	strace s6  }
0x98: {  	s6 =	sld [smem:$0x3FFD];
	_ =	sdelay $0x3  }
0x99: {  	_ =	strace s6  }
0x9a: {  	_ =	strace $0x8FFFFFFF  }
0x9b: {  	s19 =	sld [smem:$0x3FDB];
	_ =	sdelay $0x1  }
0x9c: {  	s7 =	simm.s32 $_scs_section_size  }
0x9d: {  	s8 =	simm.s32 $_size__tile_overlayer_lowered;
	s9 =	simm.s32 $_tile_overlayer_lowered  }
0x9e: {  	s22 =	simm.s32 $0x1BFF;
	s21 =	sshll.u32 s9, $0x1;
	s6 =	sadd.s32 s7, s19  }
0x9f: {  	s10 =	simm.s32 $0x0;
	s20 =	sshll.u32 s8, $0x1;
	s8 =	sadd.s32 s21, s6  }
0xa0: {  	[timem:s10], [sflag:s22] =	dma.local [hbm:s8], s20  }
0xa1: {  	_ =	swait.ge [sflag:s22], s20  }
0xa2: {  	s7 =	ssub.s32 $0x0, s20;
	[sflag:s22] =	ssyncset.done $0x0  }
0xa3: {  	[sflag:s22] =	ssyncadd.s32 s7;
	_ =	sdelay $0x1  }
0xa4: {  	s23 =	simm.s32 $0x1B8B  }
0xa5: {  	_ =	swait.ge [sflag:s23], $0x1  }
0xa6: {  	[sflag:s23] =	ssyncset.done $0x0  }
0xa7: {  	s25 =	simm.s32 $0x1B8E;
	s24 =	sld [smem:$0x3FFE];
	[sflag:s23] =	ssyncadd.s32 $0xFFFFFFFF  }
0xa8: {  	s26 =	simm.s32 $execute0_lowered;
	[smem:$0x3FD2] =	sst s25  }
0xa9: {  	s8 =	sshll.u32 s26, $0x1;
	_ =	strace $0x80000046;
	[dreg:$0x1] =	wrdreg $0xFFFFFFFF  }
0xaa: {  	s28 =	simm.s32 $_size_execute0_lowered;
	s6 =	sadd.s32 s6, s8;
	[dreg:$0x0] =	wrdreg $0x0  }
0xab: {  	s8 =	sshll.u32 s28, $0x1;
	[dreg:$0x2] =	wrdreg s6  }
0xac: {  	[dreg:$0x3] =	wrdreg s8  }
0xad: {  	[dreg:$0x4] =	wrdreg $0xC0  }
0xae: {  	_ =	task [dreg:s10], $0x5FFFF  }
0xaf: {  	[dreg:$0x1] =	wrdreg $0xFFFFFFFF  }
0xb0: {  	[dreg:$0x0] =	wrdreg $0x60  }
0xb1: {  	[dreg:$0x2] =	wrdreg s4  }
0xb2: {  	[dreg:$0x3] =	wrdreg s2  }
0xb3: {  	[dreg:$0x4] =	wrdreg s18  }
0xb4: {  	[dreg:$0x5] =	wrdreg s5  }
0xb5: {  	[dreg:$0x6] =	wrdreg s24  }
0xb6: {  	[dreg:$0x7] =	wrdreg $0x111800  }
0xb7: {  	[dreg:$0x8] =	wrdreg $0x9  }
0xb8: {  	_ =	task.clear_ibuf [dreg:s10], $0x9FFFF;
	_ =	strace $0x90000046  }
0xb9: {  	s29 =	simm.s32 $0x9;
	_ =	strace $0x80000048  }
0xba: {  	_ =	swait.ge [sflag:s29], $0x1  }
0xbb: {  	[sflag:s29] =	ssyncadd.s32 $0xFFFFFFFF  }
0xbc: {  	_ =	strace $0x90000048  }
0xbd: {  	_ =	sfence  }
0xbe: {  	s30 =	sld [smem:$0x0];
	_ =	sdelay $0x2  }
0xbf: {  	s31 =	sshll.u32 s1, $0xD;
	s1 =	sshrl.u32 s1, $0x2  }
0xc0: {  	s3 =	sand.u32 $0x4000, s31;
	s1 =	sadd.s32 s1, s30  }
0xc1: {  	s0 =	sor.u32 s3, s0;
	s1 =	sshll.u32 s1, $0x11  }
0xc2: {  	s0 =	sor.u32 s1, s0  }
0xc3: {  	s0 =	sadd.s32 $0x8F2B, s0  }
0xc4: {  	[sflag:s0] =	ssyncadd.remote.s32 $0x1  }
0xc5: {  	_ =	sfence.sel $0xFFFF  }
0xc6: {  	[dreg:$0x0] =	wrdreg $0xFFFFFFFF;
	(pc) =	sbr.abs _section_cstart, $3  }
0xc7: {  	[dreg:$0x1] =	wrdreg $0xFFFFFFFF  }
0xc8: {  	_ =	task.clear_ibuf [dreg:s10], $0x2FFFF;
	_ =	strace $0x9FFFFFFF  }
0xc9: {  	(tm) =	ssettm $0x7FFFFFFF  }
tec
execute0_lowered:
.L_overlay_start_1:
0x0: {  	(tag) =	ssettag $0x1  }
0x1: {  	s29 =	rddreg [dreg:$0x0]  }
0x2: {  	s0 =	rddreg [dreg:$0x1]  }
0x3: {  	s7 =	rddreg [dreg:$0x2]  }
0x4: {  	s2 =	rddreg [dreg:$0x3]  }
0x5: {  	s6 =	rddreg [dreg:$0x4]  }
0x6: {  	s4 =	srdreg.scid;
	[dreg:$0x7] =	wrdreg s2  }
0x7: {  	s3 =	simm.s32 $0x0;
	s1 =	stileid.u32;
	s2 =	rddreg [dreg:$0x5]  }
0x8: {  	[smem:$0x7FF] =	sst s3;
	s31 =	sand.u32 $0x1, s4;
	s21 =	sshll.u32 s1, $0x1  }
0x9: {  	s8 =	sadd.s32 $0x104000, s6;
	_ =	strace $0x80000047;
	s20 =	sor.u32 s31, s21  }
0xa: {  	[dreg:$0x8] =	wrdreg s8;
	s4 =	ssub.s32 s21, s31;
	s13 =	sshll.u32 s20, $0xA  }
0xb: {  	s23 =	sshll.u32 s4, $0xA;
	s4 =	sshll.u32 s20, $0x7;
	s20 =	sshll.u32 s20, $0xE  }
0xc: {  	s21 =	sor.u32 $0x80, s13;
	s24 =	sadd.s32 $0x400, s23;
	s22 =	sadd.s32 s7, s4  }
0xd: {  	s19 =	sor.u32 $0x180, s13;
	s17 =	sor.u32 $0x200, s13;
	s18 =	sor.u32 $0x280, s13  }
0xe: {  	s15 =	sor.u32 $0x300, s13;
	s14 =	sor.u32 $0x380, s13;
	s16 =	sadd.s32 $0x480, s23  }
0xf: {  	s7 =	sshrl.u32 s21, $0x3;
	[dreg:$0x9] =	wrdreg s22;
	s22 =	sor.u32 $0x100, s13  }
0x10: {  	s9 =	sshrl.u32 s19, $0x3;
	s12 =	sshrl.u32 s15, $0x3;
	s25 =	sadd.s32 s0, s7  }
0x11: {  	s13 =	sshrl.u32 s14, $0x3;
	s11 =	sadd.s32 s0, s9;
	[dreg:$0xa] =	wrdreg s25  }
0x12: {  	s24 =	sshrl.u32 s24, $0x3;
	s28 =	sadd.s32 s0, s12;
	[dreg:$0xc] =	wrdreg s11  }
0x13: {  	s21 =	sshll.u32 s21, $0x4;
	s5 =	sadd.s32 s0, s13;
	[dreg:$0xf] =	wrdreg s28  }
0x14: {  	s8 =	sshrl.u32 s22, $0x3;
	s24 =	sadd.s32 s0, s24;
	[dreg:$0x10] =	wrdreg s5  }
0x15: {  	s10 =	sadd.s32 s0, s8;
	s11 =	sshrl.u32 s18, $0x3;
	[dreg:$0x11] =	wrdreg s24  }
0x16: {  	[dreg:$0xb] =	wrdreg s10;
	s10 =	sshrl.u32 s17, $0x3;
	s25 =	sadd.s32 s0, s11  }
0x17: {  	s28 =	sadd.s32 $0x500, s23;
	s26 =	sadd.s32 s0, s10;
	[dreg:$0xe] =	wrdreg s25  }
0x18: {  	s25 =	sshrl.u32 s28, $0x3;
	[dreg:$0xd] =	wrdreg s26;
	s26 =	sshrl.u32 s16, $0x3  }
0x19: {  	s5 =	sadd.s32 s0, s25;
	s24 =	sadd.s32 s0, s26;
	s26 =	sadd.s32 $0x580, s23  }
0x1a: {  	[dreg:$0x13] =	wrdreg s5;
	s5 =	sadd.s32 $0x680, s23;
	s16 =	sshrl.u32 s26, $0x3  }
0x1b: {  	[dreg:$0x12] =	wrdreg s24;
	s26 =	sadd.s32 $0x600, s23;
	s25 =	sadd.s32 s0, s16  }
0x1c: {  	s28 =	sshrl.u32 s26, $0x3;
	s16 =	sadd.s32 $0x700, s23;
	s23 =	sadd.s32 $0x780, s23  }
0x1d: {  	[dreg:$0x14] =	wrdreg s25;
	s24 =	sadd.s32 s0, s28;
	s25 =	sshrl.u32 s5, $0x3  }
0x1e: {  	s26 =	sshrl.u32 s16, $0x3;
	[dreg:$0x15] =	wrdreg s24;
	s25 =	sadd.s32 s0, s25  }
0x1f: {  	s23 =	sshrl.u32 s23, $0x3;
	s28 =	sadd.s32 s0, s26;
	[dreg:$0x16] =	wrdreg s25  }
0x20: {  	s24 =	sadd.s32 $0x4000, s6;
	s23 =	sadd.s32 s0, s23;
	[dreg:$0x17] =	wrdreg s28  }
0x21: {  	s14 =	sshll.u32 s14, $0x4;
	[dreg:$0x18] =	wrdreg s23;
	s5 =	sadd.s32 s24, s20  }
0x22: {  	s23 =	sadd.s32 $0x84000, s6;
	s16 =	sadd.s32 s24, s21;
	[dreg:$0x19] =	wrdreg s5  }
0x23: {  	s25 =	sshll.u32 s22, $0x4;
	s22 =	sadd.s32 s24, s14;
	[dreg:$0x1b] =	wrdreg s16  }
0x24: {  	s20 =	sadd.s32 s23, s20;
	[smem:$0x7F2] =	sst s22  }
0x25: {  	s21 =	sadd.s32 s23, s21;
	[dreg:$0x1a] =	wrdreg s20  }
0x26: {  	s26 =	sadd.s32 s24, s25;
	[dreg:$0x1c] =	wrdreg s21  }
0x27: {  	s19 =	sshll.u32 s19, $0x4;
	s28 =	sadd.s32 s23, s25;
	[dreg:$0x1d] =	wrdreg s26  }
0x28: {  	s5 =	sadd.s32 s24, s19;
	[dreg:$0x1e] =	wrdreg s28  }
0x29: {  	s17 =	sshll.u32 s17, $0x4;
	s19 =	sadd.s32 s23, s19;
	[dreg:$0x1f] =	wrdreg s5  }
0x2a: {  	s16 =	sadd.s32 s24, s17;
	[smem:$0x7E8] =	sst s19  }
0x2b: {  	s17 =	sadd.s32 s23, s17;
	[smem:$0x7EA] =	sst s16  }
0x2c: {  	s6 =	sadd.s32 $0x3000, s6;
	s14 =	sadd.s32 s23, s14;
	[smem:$0x7EB] =	sst s17  }
0x2d: {  	s7 =	sadd.s32 s6, s7;
	[smem:$0x7F3] =	sst s14  }
0x2e: {  	s25 =	sadd.s32 s6, s9;
	[smem:$0x7F5] =	sst s7  }
0x2f: {  	s18 =	sshll.u32 s18, $0x4;
	s9 =	simm.s32 $0x200;
	[smem:$0x7F7] =	sst s25  }
0x30: {  	s19 =	sadd.s32 s24, s18;
	[smem:$0x7E7] =	sst s9  }
0x31: {  	s15 =	sshll.u32 s15, $0x4;
	s20 =	sadd.s32 s23, s18;
	[smem:$0x7ED] =	sst s19  }
0x32: {  	s21 =	sadd.s32 s24, s15;
	[smem:$0x7EE] =	sst s20  }
0x33: {  	s15 =	sadd.s32 s23, s15;
	[smem:$0x7F0] =	sst s21  }
0x34: {  	s23 =	sadd.s32 s6, s4;
	[smem:$0x7F1] =	sst s15  }
0x35: {  	s24 =	sadd.s32 s6, s8;
	[smem:$0x7F4] =	sst s23  }
0x36: {  	s26 =	sadd.s32 s6, s10;
	[smem:$0x7F6] =	sst s24  }
0x37: {  	s28 =	sadd.s32 s6, s11;
	[smem:$0x7F8] =	sst s26  }
0x38: {  	s5 =	sadd.s32 s6, s12;
	[smem:$0x7F9] =	sst s28  }
0x39: {  	s6 =	sadd.s32 s6, s13;
	[smem:$0x7FA] =	sst s5  }
0x3a: {  	s7 =	simm.s32 $0x100;
	[smem:$0x7FB] =	sst s6  }
0x3b: {  	s8 =	simm.s32 $0x180;
	[smem:$0x7E5] =	sst s7  }
0x3c: {  	s10 =	simm.s32 $0x280;
	[smem:$0x7E6] =	sst s8  }
0x3d: {  	s11 =	simm.s32 $0x300;
	[smem:$0x7E9] =	sst s10  }
0x3e: {  	s1 =	stileid.u32;
	[smem:$0x7EC] =	sst s11  }
0x3f: {  	p0 =	sne.s32 s1, $0x0;
	s12 =	simm.s32 $0x380;
	s7 =	rddreg [dreg:$0x7]  }
0x40: {  	[smem:$0x7EF] =	sst s12;
	s5 =	sshrl.u32 @!p0 s2, $0x3  }
0x41: {  	s8 =	simm.s32 @!p0 $0x1C09;
	s6 =	simm.s32 @!p0 $0x9;
	[smem:$0x7E3] =	sst s5  }
0x42: {  	[spmem:s5], [sflag:s8] =	dma.local @!p0 [hbm:s7], $0x200  }
0x43: {  	_ =	swait.ge @!p0 [sflag:s6], $0x200  }
0x44: {  	[sflag:s6] =	ssyncset.done @!p0 $0x0  }
0x45: {  	v0 =	vimm.f32 $1.000000000e+00;
	[sflag:s6] =	ssyncadd.s32 @!p0 $0xFFFFFE00  }
0x46: {  	[tilespmem:$0x11070] =	vst v0  }
0x47: {  	[tilespmem:$0x11060] =	vst v0  }
0x48: {  	[tilespmem:$0x11050] =	vst v0  }
0x49: {  	[tilespmem:$0x11040] =	vst v0  }
0x4a: {  	[tilespmem:$0x11030] =	vst v0  }
0x4b: {  	[tilespmem:$0x11020] =	vst v0  }
0x4c: {  	[tilespmem:$0x11000] =	vst v0  }
0x4d: {  	s4 =	sadd.s32 s0, s4;
	s7 =	simm.s32 $0x9;
	[tilespmem:$0x11010] =	vst v0  }
0x4e: {  	[tilespmem:s3], [sflag:$0x9] =	stream.linear.gather [hbm4b:s4+s3], $0x400, $0x38;
	[tilespmem:$0x11280] =	vst v63  }
0x4f: {  	_ =	swait.ge [sflag:s7], $0x400  }
0x50: {  	[sflag:s7] =	ssyncset.done $0x0  }
0x51: {  	s11 =	simm.s32 $0x400;
	s13 =	rddreg [dreg:$0x9];
	[sflag:s7] =	ssyncadd.s32 $0xFFFFFC00  }
0x52: {  	[tilespmem:s11], [sflag:$0x9] =	stream.linear.gather [hbm4b:s13+s3], $0x400, $0x38;
	[tilespmem:$0x11280] =	vst v63  }
0x53: {  	_ =	swait.ge [sflag:s7], $0x400  }
0x54: {  	[sflag:s7] =	ssyncset.done $0x0  }
0x55: {  	s10 =	simm.s32 $0x80;
	s12 =	simm.s32 $0x1000;
	[sflag:s7] =	ssyncadd.s32 $0xFFFFFC00  }
0x56: {  	[tilespmem:s12], [sflag:$0x1] =	stream.indirect.gather [hbm4b:s29+s10], $0x80, s3, s10, $0xb8;
	[tilespmem:$0x11280] =	vst v63  }
0x57: {  	s28 =	simm.s32 $0x9000  }
0x58: {  	[tilespmem:s28], [sflag:$0x3] =	stream.indirect.gather [hbm4b:s29+s10], $0x80, s11, s10, $0xb8;
	[tilespmem:$0x11280] =	vst v63  }
0x59: {  	s5 =	simm.s32 $0x800;
	s14 =	rddreg [dreg:$0xa]  }
0x5a: {  	[tilespmem:s5], [sflag:$0x7] =	stream.linear.gather [hbm4b:s4+s3], $0x80, $0x38;
	[tilespmem:$0x11280] =	vst v63  }
0x5b: {  	s13 =	simm.s32 $0x880;
	[smem:$0x7E4] =	sst s4  }
0x5c: {  	[tilespmem:s13], [sflag:$0x7] =	stream.linear.gather [hbm4b:s14+s3], $0x80, $0x38;
	[tilespmem:$0x11280] =	vst v63  }
0x5d: {  	s6 =	simm.s32 $0x900;
	s15 =	rddreg [dreg:$0xb]  }
0x5e: {  	[tilespmem:s6], [sflag:$0x7] =	stream.linear.gather [hbm4b:s15+s3], $0x80, $0x38;
	[tilespmem:$0x11280] =	vst v63  }
0x5f: {  	s16 =	rddreg [dreg:$0xc];
	s14 =	simm.s32 $0x980  }
0x60: {  	[tilespmem:s14], [sflag:$0x7] =	stream.linear.gather [hbm4b:s16+s3], $0x80, $0x38;
	[tilespmem:$0x11280] =	vst v63  }
0x61: {  	s17 =	rddreg [dreg:$0xd];
	s15 =	simm.s32 $0xA00  }
0x62: {  	[tilespmem:s15], [sflag:$0x7] =	stream.linear.gather [hbm4b:s17+s3], $0x80, $0x38;
	[tilespmem:$0x11280] =	vst v63  }
0x63: {  	s9 =	simm.s32 $0xA80;
	s18 =	rddreg [dreg:$0xe]  }
0x64: {  	[tilespmem:s9], [sflag:$0x7] =	stream.linear.gather [hbm4b:s18+s3], $0x80, $0x38;
	[tilespmem:$0x11280] =	vst v63  }
0x65: {  	s19 =	rddreg [dreg:$0xf];
	s16 =	simm.s32 $0xB00  }
0x66: {  	[tilespmem:s16], [sflag:$0x7] =	stream.linear.gather [hbm4b:s19+s3], $0x80, $0x38;
	[tilespmem:$0x11280] =	vst v63  }
0x67: {  	s8 =	simm.s32 $0xB80;
	s20 =	rddreg [dreg:$0x10]  }
0x68: {  	[tilespmem:s8], [sflag:$0x7] =	stream.linear.gather [hbm4b:s20+s3], $0x80, $0x38;
	[tilespmem:$0x11280] =	vst v63  }
0x69: {  	s21 =	rddreg [dreg:$0x11];
	s17 =	simm.s32 $0xC00  }
0x6a: {  	[tilespmem:s17], [sflag:$0x7] =	stream.linear.gather [hbm4b:s21+s3], $0x80, $0x38;
	[tilespmem:$0x11280] =	vst v63  }
0x6b: {  	s22 =	rddreg [dreg:$0x12];
	s18 =	simm.s32 $0xC80  }
0x6c: {  	[tilespmem:s18], [sflag:$0x7] =	stream.linear.gather [hbm4b:s22+s3], $0x80, $0x38;
	[tilespmem:$0x11280] =	vst v63  }
0x6d: {  	s23 =	rddreg [dreg:$0x13];
	s19 =	simm.s32 $0xD00  }
0x6e: {  	[tilespmem:s19], [sflag:$0x7] =	stream.linear.gather [hbm4b:s23+s3], $0x80, $0x38;
	[tilespmem:$0x11280] =	vst v63  }
0x6f: {  	s24 =	rddreg [dreg:$0x14];
	s20 =	simm.s32 $0xD80  }
0x70: {  	[tilespmem:s20], [sflag:$0x7] =	stream.linear.gather [hbm4b:s24+s3], $0x80, $0x38;
	[tilespmem:$0x11280] =	vst v63  }
0x71: {  	s25 =	rddreg [dreg:$0x15];
	s21 =	simm.s32 $0xE00  }
0x72: {  	[tilespmem:s21], [sflag:$0x7] =	stream.linear.gather [hbm4b:s25+s3], $0x80, $0x38;
	[tilespmem:$0x11280] =	vst v63  }
0x73: {  	s1 =	simm.s32 $0xE80;
	s26 =	rddreg [dreg:$0x16]  }
0x74: {  	[tilespmem:s1], [sflag:$0x7] =	stream.linear.gather [hbm4b:s26+s3], $0x80, $0x38;
	[tilespmem:$0x11280] =	vst v63  }
0x75: {  	s22 =	rddreg [dreg:$0x17];
	s23 =	simm.s32 $0xF00  }
0x76: {  	[tilespmem:s23], [sflag:$0x7] =	stream.linear.gather [hbm4b:s22+s3], $0x80, $0x38;
	[tilespmem:$0x11280] =	vst v63  }
0x77: {  	s30 =	simm.s32 $0x7;
	s24 =	rddreg [dreg:$0x18];
	s25 =	simm.s32 $0xF80  }
0x78: {  	[tilespmem:s25], [sflag:$0x7] =	stream.linear.gather [hbm4b:s24+s3], $0x80, $0x38;
	[tilespmem:$0x11280] =	vst v63  }
0x79: {  	_ =	swait.ge [sflag:s30], $0x80  }
0x7a: {  	[sflag:s30] =	ssyncset.done $0x0  }
0x7b: {  	[sflag:s30] =	ssyncadd.s32 $0xFFFFFF80  }
0x7c: {  	_ =	swait.ge [sflag:s30], $0x80  }
0x7d: {  	[sflag:s30] =	ssyncset.done $0x0  }
0x7e: {  	[sflag:s30] =	ssyncadd.s32 $0xFFFFFF80  }
0x7f: {  	_ =	swait.ge [sflag:s30], $0x80  }
0x80: {  	[sflag:s30] =	ssyncset.done $0x0  }
0x81: {  	[sflag:s30] =	ssyncadd.s32 $0xFFFFFF80  }
0x82: {  	_ =	swait.ge [sflag:s30], $0x80  }
0x83: {  	[sflag:s30] =	ssyncset.done $0x0  }
0x84: {  	[sflag:s30] =	ssyncadd.s32 $0xFFFFFF80  }
0x85: {  	_ =	swait.ge [sflag:s30], $0x80  }
0x86: {  	[sflag:s30] =	ssyncset.done $0x0  }
0x87: {  	[sflag:s30] =	ssyncadd.s32 $0xFFFFFF80  }
0x88: {  	_ =	swait.ge [sflag:s30], $0x80  }
0x89: {  	[sflag:s30] =	ssyncset.done $0x0  }
0x8a: {  	[sflag:s30] =	ssyncadd.s32 $0xFFFFFF80  }
0x8b: {  	_ =	swait.ge [sflag:s30], $0x80  }
0x8c: {  	[sflag:s30] =	ssyncset.done $0x0  }
0x8d: {  	[sflag:s30] =	ssyncadd.s32 $0xFFFFFF80  }
0x8e: {  	_ =	swait.ge [sflag:s30], $0x80  }
0x8f: {  	[sflag:s30] =	ssyncset.done $0x0  }
0x90: {  	[sflag:s30] =	ssyncadd.s32 $0xFFFFFF80  }
0x91: {  	_ =	swait.ge [sflag:s30], $0x80  }
0x92: {  	[sflag:s30] =	ssyncset.done $0x0  }
0x93: {  	[sflag:s30] =	ssyncadd.s32 $0xFFFFFF80  }
0x94: {  	_ =	swait.ge [sflag:s30], $0x80  }
0x95: {  	[sflag:s30] =	ssyncset.done $0x0  }
0x96: {  	[sflag:s30] =	ssyncadd.s32 $0xFFFFFF80  }
0x97: {  	_ =	swait.ge [sflag:s30], $0x80  }
0x98: {  	[sflag:s30] =	ssyncset.done $0x0  }
0x99: {  	[sflag:s30] =	ssyncadd.s32 $0xFFFFFF80  }
0x9a: {  	_ =	swait.ge [sflag:s30], $0x80  }
0x9b: {  	[sflag:s30] =	ssyncset.done $0x0  }
0x9c: {  	[sflag:s30] =	ssyncadd.s32 $0xFFFFFF80  }
0x9d: {  	_ =	swait.ge [sflag:s30], $0x80  }
0x9e: {  	[sflag:s30] =	ssyncset.done $0x0  }
0x9f: {  	[sflag:s30] =	ssyncadd.s32 $0xFFFFFF80  }
0xa0: {  	_ =	swait.ge [sflag:s30], $0x80  }
0xa1: {  	[sflag:s30] =	ssyncset.done $0x0  }
0xa2: {  	[sflag:s30] =	ssyncadd.s32 $0xFFFFFF80  }
0xa3: {  	_ =	swait.ge [sflag:s30], $0x80  }
0xa4: {  	[sflag:s30] =	ssyncset.done $0x0  }
0xa5: {  	[sflag:s30] =	ssyncadd.s32 $0xFFFFFF80  }
0xa6: {  	_ =	swait.ge [sflag:s30], $0x80  }
0xa7: {  	[sflag:s30] =	ssyncset.done $0x0  }
0xa8: {  	[sflag:s30] =	ssyncadd.s32 $0xFFFFFF80  }
0xa9: {  	s26 =	simm.s32 $0x11000;
	[bflag:$0x0] =	sbarrier.arrive $0xFFFF  }
0xaa: {  	[spmem:s2] =	stream.indirect.scatter.add.f32 [tilespmem:s26], [sflag:$0x8], $0x1, s5, s10, $0xb8;
	[tilespmem:$0x11280] =	vst v63  }
0xab: {  	_ = 	snop  }
0xac: {  	[spmem:s2] =	stream.indirect.scatter.add.f32 [tilespmem:s26], [sflag:$0x8], $0x1, s13, s10, $0xb8;
	[tilespmem:$0x11280] =	vst v63  }
0xad: {  	_ = 	snop  }
0xae: {  	[spmem:s2] =	stream.indirect.scatter.add.f32 [tilespmem:s26], [sflag:$0x8], $0x1, s6, s10, $0xb8;
	[tilespmem:$0x11280] =	vst v63  }
0xaf: {  	_ = 	snop  }
0xb0: {  	[spmem:s2] =	stream.indirect.scatter.add.f32 [tilespmem:s26], [sflag:$0x8], $0x1, s14, s10, $0xb8;
	[tilespmem:$0x11280] =	vst v63  }
0xb1: {  	_ = 	snop  }
0xb2: {  	[spmem:s2] =	stream.indirect.scatter.add.f32 [tilespmem:s26], [sflag:$0x8], $0x1, s15, s10, $0xb8;
	[tilespmem:$0x11280] =	vst v63  }
0xb3: {  	_ = 	snop  }
0xb4: {  	[spmem:s2] =	stream.indirect.scatter.add.f32 [tilespmem:s26], [sflag:$0x8], $0x1, s9, s10, $0xb8;
	[tilespmem:$0x11280] =	vst v63  }
0xb5: {  	_ = 	snop  }
0xb6: {  	[spmem:s2] =	stream.indirect.scatter.add.f32 [tilespmem:s26], [sflag:$0x8], $0x1, s16, s10, $0xb8;
	[tilespmem:$0x11280] =	vst v63  }
0xb7: {  	_ = 	snop  }
0xb8: {  	[spmem:s2] =	stream.indirect.scatter.add.f32 [tilespmem:s26], [sflag:$0x8], $0x1, s8, s10, $0xb8;
	[tilespmem:$0x11280] =	vst v63  }
0xb9: {  	_ = 	snop  }
0xba: {  	[spmem:s2] =	stream.indirect.scatter.add.f32 [tilespmem:s26], [sflag:$0x8], $0x1, s17, s10, $0xb8;
	[tilespmem:$0x11280] =	vst v63  }
0xbb: {  	_ = 	snop  }
0xbc: {  	[spmem:s2] =	stream.indirect.scatter.add.f32 [tilespmem:s26], [sflag:$0x8], $0x1, s18, s10, $0xb8;
	[tilespmem:$0x11280] =	vst v63  }
0xbd: {  	_ = 	snop  }
0xbe: {  	[spmem:s2] =	stream.indirect.scatter.add.f32 [tilespmem:s26], [sflag:$0x8], $0x1, s19, s10, $0xb8;
	[tilespmem:$0x11280] =	vst v63  }
0xbf: {  	_ = 	snop  }
0xc0: {  	[spmem:s2] =	stream.indirect.scatter.add.f32 [tilespmem:s26], [sflag:$0x8], $0x1, s20, s10, $0xb8;
	[tilespmem:$0x11280] =	vst v63  }
0xc1: {  	_ = 	snop  }
0xc2: {  	[spmem:s2] =	stream.indirect.scatter.add.f32 [tilespmem:s26], [sflag:$0x8], $0x1, s21, s10, $0xb8;
	[tilespmem:$0x11280] =	vst v63  }
0xc3: {  	_ = 	snop  }
0xc4: {  	[spmem:s2] =	stream.indirect.scatter.add.f32 [tilespmem:s26], [sflag:$0x8], $0x1, s1, s10, $0xb8;
	[tilespmem:$0x11280] =	vst v63  }
0xc5: {  	_ = 	snop  }
0xc6: {  	[spmem:s2] =	stream.indirect.scatter.add.f32 [tilespmem:s26], [sflag:$0x8], $0x1, s23, s10, $0xb8;
	[tilespmem:$0x11280] =	vst v63  }
0xc7: {  	_ = 	snop  }
0xc8: {  	[spmem:s2] =	stream.indirect.scatter.add.f32 [tilespmem:s26], [sflag:$0x8], $0x1, s25, s10, $0xb8;
	[tilespmem:$0x11280] =	vst v63  }
0xc9: {  	s0 =	simm.s32 $0x5000  }
0xca: {  	[tilespmem:s0], [sflag:$0x2] =	stream.indirect.gather [hbm4b:s29+s10], $0x80, s10, s10, $0xb8;
	[tilespmem:$0x11280] =	vst v63  }
0xcb: {  	s4 =	simm.s32 $0xD000;
	s13 =	simm.s32 $0x1;
	s1 =	simm.s32 $0x480  }
0xcc: {  	[tilespmem:s4], [sflag:$0x4] =	stream.indirect.gather [hbm4b:s29+s10], $0x80, s1, s10, $0xb8;
	[tilespmem:$0x11280] =	vst v63  }
0xcd: {  	_ =	swait.ge [sflag:s13], $0x4000  }
0xce: {  	[sflag:s13] =	ssyncset.done $0x0  }
0xcf: {  	s5 =	simm.s32 $0x3;
	[sflag:s13] =	ssyncadd.s32 $0xFFFFC000  }
0xd0: {  	_ =	swait.ge [sflag:s5], $0x4000  }
0xd1: {  	[sflag:s5] =	ssyncset.done $0x0  }
0xd2: {  	s19 =	rddreg [dreg:$0x19];
	[sflag:s5] =	ssyncadd.s32 $0xFFFFC000  }
0xd3: {  	[hbm4b:s19+s3] =	stream.linear.scatter [tilespmem:s12], [sflag:$0x5], $0x4000, $0x38;
	[tilespmem:$0x11280] =	vst v63  }
0xd4: {  	s15 =	simm.s32 $0x5;
	s20 =	rddreg [dreg:$0x1a]  }
0xd5: {  	[hbm4b:s20+s3] =	stream.linear.scatter [tilespmem:s28], [sflag:$0x5], $0x4000, $0x38;
	[tilespmem:$0x11280] =	vst v63  }
0xd6: {  	_ =	swait.ge [sflag:s15], $0x4000  }
0xd7: {  	[sflag:s15] =	ssyncset.done $0x0  }
0xd8: {  	[sflag:s15] =	ssyncadd.s32 $0xFFFFC000  }
0xd9: {  	_ =	swait.ge [sflag:s15], $0x4000  }
0xda: {  	s21 =	sld [smem:$0x7E5]  }
0xdb: {  	[sflag:s15] =	ssyncset.done $0x0  }
0xdc: {  	[sflag:s15] =	ssyncadd.s32 $0xFFFFC000  }
0xdd: {  	[tilespmem:s12], [sflag:$0x1] =	stream.indirect.gather [hbm4b:s29+s10], $0x80, s21, s10, $0xb8;
	[tilespmem:$0x11280] =	vst v63  }
0xde: {  	s6 =	simm.s32 $0x500;
	s17 =	simm.s32 $0x2  }
0xdf: {  	[tilespmem:s28], [sflag:$0x3] =	stream.indirect.gather [hbm4b:s29+s10], $0x80, s6, s10, $0xb8;
	[tilespmem:$0x11280] =	vst v63  }
0xe0: {  	_ =	swait.ge [sflag:s17], $0x4000  }
0xe1: {  	[sflag:s17] =	ssyncset.done $0x0  }
0xe2: {  	s8 =	simm.s32 $0x4;
	[sflag:s17] =	ssyncadd.s32 $0xFFFFC000  }
0xe3: {  	_ =	swait.ge [sflag:s8], $0x4000  }
0xe4: {  	[sflag:s8] =	ssyncset.done $0x0  }
0xe5: {  	s22 =	rddreg [dreg:$0x1b];
	[sflag:s8] =	ssyncadd.s32 $0xFFFFC000  }
0xe6: {  	[hbm4b:s22+s3] =	stream.linear.scatter [tilespmem:s0], [sflag:$0x6], $0x4000, $0x38;
	[tilespmem:$0x11280] =	vst v63  }
0xe7: {  	s19 =	simm.s32 $0x6;
	s23 =	rddreg [dreg:$0x1c]  }
0xe8: {  	[hbm4b:s23+s3] =	stream.linear.scatter [tilespmem:s4], [sflag:$0x6], $0x4000, $0x38;
	[tilespmem:$0x11280] =	vst v63  }
0xe9: {  	_ =	swait.ge [sflag:s19], $0x4000  }
0xea: {  	[sflag:s19] =	ssyncset.done $0x0  }
0xeb: {  	[sflag:s19] =	ssyncadd.s32 $0xFFFFC000  }
0xec: {  	_ =	swait.ge [sflag:s19], $0x4000  }
0xed: {  	s24 =	sld [smem:$0x7E6]  }
0xee: {  	[sflag:s19] =	ssyncset.done $0x0  }
0xef: {  	[sflag:s19] =	ssyncadd.s32 $0xFFFFC000  }
0xf0: {  	[tilespmem:s0], [sflag:$0x2] =	stream.indirect.gather [hbm4b:s29+s10], $0x80, s24, s10, $0xb8;
	[tilespmem:$0x11280] =	vst v63  }
0xf1: {  	s9 =	simm.s32 $0x580  }
0xf2: {  	[tilespmem:s4], [sflag:$0x4] =	stream.indirect.gather [hbm4b:s29+s10], $0x80, s9, s10, $0xb8;
	[tilespmem:$0x11280] =	vst v63  }
0xf3: {  	_ =	swait.ge [sflag:s13], $0x4000  }
0xf4: {  	[sflag:s13] =	ssyncset.done $0x0  }
0xf5: {  	[sflag:s13] =	ssyncadd.s32 $0xFFFFC000  }
0xf6: {  	_ =	swait.ge [sflag:s5], $0x4000  }
0xf7: {  	[sflag:s5] =	ssyncset.done $0x0  }
0xf8: {  	s25 =	rddreg [dreg:$0x1d];
	[sflag:s5] =	ssyncadd.s32 $0xFFFFC000  }
0xf9: {  	[hbm4b:s25+s3] =	stream.linear.scatter [tilespmem:s12], [sflag:$0x5], $0x4000, $0x38;
	[tilespmem:$0x11280] =	vst v63  }
0xfa: {  	s26 =	rddreg [dreg:$0x1e]  }
0xfb: {  	[hbm4b:s26+s3] =	stream.linear.scatter [tilespmem:s28], [sflag:$0x5], $0x4000, $0x38;
	[tilespmem:$0x11280] =	vst v63  }
0xfc: {  	_ =	swait.ge [sflag:s15], $0x4000  }
0xfd: {  	[sflag:s15] =	ssyncset.done $0x0  }
0xfe: {  	[sflag:s15] =	ssyncadd.s32 $0xFFFFC000  }
0xff: {  	_ =	swait.ge [sflag:s15], $0x4000  }
0x100: {  	s14 =	sld [smem:$0x7E7]  }
0x101: {  	[sflag:s15] =	ssyncset.done $0x0  }
0x102: {  	[sflag:s15] =	ssyncadd.s32 $0xFFFFC000  }
0x103: {  	[tilespmem:s12], [sflag:$0x1] =	stream.indirect.gather [hbm4b:s29+s10], $0x80, s14, s10, $0xb8;
	[tilespmem:$0x11280] =	vst v63  }
0x104: {  	s14 =	simm.s32 $0x600  }
0x105: {  	[tilespmem:s28], [sflag:$0x3] =	stream.indirect.gather [hbm4b:s29+s10], $0x80, s14, s10, $0xb8;
	[tilespmem:$0x11280] =	vst v63  }
0x106: {  	_ =	swait.ge [sflag:s17], $0x4000  }
0x107: {  	[sflag:s17] =	ssyncset.done $0x0  }
0x108: {  	[sflag:s17] =	ssyncadd.s32 $0xFFFFC000  }
0x109: {  	_ =	swait.ge [sflag:s8], $0x4000  }
0x10a: {  	s16 =	rddreg [dreg:$0x1f];
	[sflag:s8] =	ssyncset.done $0x0  }
0x10b: {  	s18 =	sld [smem:$0x7E8];
	[sflag:s8] =	ssyncadd.s32 $0xFFFFC000  }
0x10c: {  	[hbm4b:s16+s3] =	stream.linear.scatter [tilespmem:s0], [sflag:$0x6], $0x4000, $0x38;
	[tilespmem:$0x11280] =	vst v63  }
0x10d: {  	_ = 	snop  }
0x10e: {  	[hbm4b:s18+s3] =	stream.linear.scatter [tilespmem:s4], [sflag:$0x6], $0x4000, $0x38;
	[tilespmem:$0x11280] =	vst v63  }
0x10f: {  	_ =	swait.ge [sflag:s19], $0x4000  }
0x110: {  	[sflag:s19] =	ssyncset.done $0x0  }
0x111: {  	[sflag:s19] =	ssyncadd.s32 $0xFFFFC000  }
0x112: {  	_ =	swait.ge [sflag:s19], $0x4000  }
0x113: {  	s20 =	sld [smem:$0x7E9]  }
0x114: {  	[sflag:s19] =	ssyncset.done $0x0  }
0x115: {  	[sflag:s19] =	ssyncadd.s32 $0xFFFFC000  }
0x116: {  	[tilespmem:s0], [sflag:$0x2] =	stream.indirect.gather [hbm4b:s29+s10], $0x80, s20, s10, $0xb8;
	[tilespmem:$0x11280] =	vst v63  }
0x117: {  	s16 =	simm.s32 $0x680  }
0x118: {  	[tilespmem:s4], [sflag:$0x4] =	stream.indirect.gather [hbm4b:s29+s10], $0x80, s16, s10, $0xb8;
	[tilespmem:$0x11280] =	vst v63  }
0x119: {  	_ =	swait.ge [sflag:s13], $0x4000  }
0x11a: {  	[sflag:s13] =	ssyncset.done $0x0  }
0x11b: {  	[sflag:s13] =	ssyncadd.s32 $0xFFFFC000  }
0x11c: {  	_ =	swait.ge [sflag:s5], $0x4000  }
0x11d: {  	s21 =	sld [smem:$0x7EA]  }
0x11e: {  	[sflag:s5] =	ssyncset.done $0x0  }
0x11f: {  	s22 =	sld [smem:$0x7EB];
	[sflag:s5] =	ssyncadd.s32 $0xFFFFC000  }
0x120: {  	[hbm4b:s21+s3] =	stream.linear.scatter [tilespmem:s12], [sflag:$0x5], $0x4000, $0x38;
	[tilespmem:$0x11280] =	vst v63  }
0x121: {  	_ = 	snop  }
0x122: {  	[hbm4b:s22+s3] =	stream.linear.scatter [tilespmem:s28], [sflag:$0x5], $0x4000, $0x38;
	[tilespmem:$0x11280] =	vst v63  }
0x123: {  	_ =	swait.ge [sflag:s15], $0x4000  }
0x124: {  	[sflag:s15] =	ssyncset.done $0x0  }
0x125: {  	[sflag:s15] =	ssyncadd.s32 $0xFFFFC000  }
0x126: {  	_ =	swait.ge [sflag:s15], $0x4000  }
0x127: {  	s25 =	sld [smem:$0x7EC]  }
0x128: {  	[sflag:s15] =	ssyncset.done $0x0  }
0x129: {  	[sflag:s15] =	ssyncadd.s32 $0xFFFFC000  }
0x12a: {  	[tilespmem:s12], [sflag:$0x1] =	stream.indirect.gather [hbm4b:s29+s10], $0x80, s25, s10, $0xb8;
	[tilespmem:$0x11280] =	vst v63  }
0x12b: {  	s18 =	simm.s32 $0x700  }
0x12c: {  	[tilespmem:s28], [sflag:$0x3] =	stream.indirect.gather [hbm4b:s29+s10], $0x80, s18, s10, $0xb8;
	[tilespmem:$0x11280] =	vst v63  }
0x12d: {  	_ =	swait.ge [sflag:s17], $0x4000  }
0x12e: {  	[sflag:s17] =	ssyncset.done $0x0  }
0x12f: {  	[sflag:s17] =	ssyncadd.s32 $0xFFFFC000  }
0x130: {  	_ =	swait.ge [sflag:s8], $0x4000  }
0x131: {  	s26 =	sld [smem:$0x7ED]  }
0x132: {  	[sflag:s8] =	ssyncset.done $0x0  }
0x133: {  	s20 =	sld [smem:$0x7EE];
	[sflag:s8] =	ssyncadd.s32 $0xFFFFC000  }
0x134: {  	[hbm4b:s26+s3] =	stream.linear.scatter [tilespmem:s0], [sflag:$0x6], $0x4000, $0x38;
	[tilespmem:$0x11280] =	vst v63  }
0x135: {  	_ = 	snop  }
0x136: {  	[hbm4b:s20+s3] =	stream.linear.scatter [tilespmem:s4], [sflag:$0x6], $0x4000, $0x38;
	[tilespmem:$0x11280] =	vst v63  }
0x137: {  	_ =	swait.ge [sflag:s19], $0x4000  }
0x138: {  	[sflag:s19] =	ssyncset.done $0x0  }
0x139: {  	[sflag:s19] =	ssyncadd.s32 $0xFFFFC000  }
0x13a: {  	_ =	swait.ge [sflag:s19], $0x4000  }
0x13b: {  	s21 =	sld [smem:$0x7EF]  }
0x13c: {  	[sflag:s19] =	ssyncset.done $0x0  }
0x13d: {  	[sflag:s19] =	ssyncadd.s32 $0xFFFFC000  }
0x13e: {  	[tilespmem:s0], [sflag:$0x2] =	stream.indirect.gather [hbm4b:s29+s10], $0x80, s21, s10, $0xb8;
	[tilespmem:$0x11280] =	vst v63  }
0x13f: {  	s22 =	simm.s32 $0x780  }
0x140: {  	[tilespmem:s4], [sflag:$0x4] =	stream.indirect.gather [hbm4b:s29+s10], $0x80, s22, s10, $0xb8;
	[tilespmem:$0x11280] =	vst v63  }
0x141: {  	_ =	swait.ge [sflag:s13], $0x4000  }
0x142: {  	[sflag:s13] =	ssyncset.done $0x0  }
0x143: {  	[sflag:s13] =	ssyncadd.s32 $0xFFFFC000  }
0x144: {  	_ =	swait.ge [sflag:s5], $0x4000  }
0x145: {  	s23 =	sld [smem:$0x7F0]  }
0x146: {  	[sflag:s5] =	ssyncset.done $0x0  }
0x147: {  	s24 =	sld [smem:$0x7F1];
	[sflag:s5] =	ssyncadd.s32 $0xFFFFC000  }
0x148: {  	[hbm4b:s23+s3] =	stream.linear.scatter [tilespmem:s12], [sflag:$0x5], $0x4000, $0x38;
	[tilespmem:$0x11280] =	vst v63  }
0x149: {  	_ = 	snop  }
0x14a: {  	[hbm4b:s24+s3] =	stream.linear.scatter [tilespmem:s28], [sflag:$0x5], $0x4000, $0x38;
	[tilespmem:$0x11280] =	vst v63  }
0x14b: {  	_ =	swait.ge [sflag:s17], $0x4000  }
0x14c: {  	[sflag:s17] =	ssyncset.done $0x0  }
0x14d: {  	[sflag:s17] =	ssyncadd.s32 $0xFFFFC000  }
0x14e: {  	_ =	swait.ge [sflag:s8], $0x4000  }
0x14f: {  	s28 =	sld [smem:$0x7F2]  }
0x150: {  	[sflag:s8] =	ssyncset.done $0x0  }
0x151: {  	s29 =	sld [smem:$0x7F3];
	[sflag:s8] =	ssyncadd.s32 $0xFFFFC000  }
0x152: {  	[hbm4b:s28+s3] =	stream.linear.scatter [tilespmem:s0], [sflag:$0x6], $0x4000, $0x38;
	[tilespmem:$0x11280] =	vst v63  }
0x153: {  	_ = 	snop  }
0x154: {  	[hbm4b:s29+s3] =	stream.linear.scatter [tilespmem:s4], [sflag:$0x6], $0x4000, $0x38;
	[tilespmem:$0x11280] =	vst v63  }
0x155: {  	_ =	swait.ge [sflag:s15], $0x4000  }
0x156: {  	[sflag:s15] =	ssyncset.done $0x0  }
0x157: {  	[sflag:s15] =	ssyncadd.s32 $0xFFFFC000  }
0x158: {  	_ =	swait.ge [sflag:s15], $0x4000  }
0x159: {  	[sflag:s15] =	ssyncset.done $0x0  }
0x15a: {  	[sflag:s15] =	ssyncadd.s32 $0xFFFFC000  }
0x15b: {  	_ =	swait.ge [sflag:s19], $0x4000  }
0x15c: {  	[sflag:s19] =	ssyncset.done $0x0  }
0x15d: {  	[sflag:s19] =	ssyncadd.s32 $0xFFFFC000  }
0x15e: {  	_ =	swait.ge [sflag:s19], $0x4000  }
0x15f: {  	[sflag:s19] =	ssyncset.done $0x0  }
0x160: {  	s25 =	simm.s32 $0x8;
	[sflag:s19] =	ssyncadd.s32 $0xFFFFC000  }
0x161: {  	_ =	swait.ge [sflag:s25], $0x80  }
0x162: {  	[sflag:s25] =	ssyncset.done $0x0  }
0x163: {  	[sflag:s25] =	ssyncadd.s32 $0xFFFFFF80  }
0x164: {  	_ =	swait.ge [sflag:s25], $0x80  }
0x165: {  	[sflag:s25] =	ssyncset.done $0x0  }
0x166: {  	[sflag:s25] =	ssyncadd.s32 $0xFFFFFF80  }
0x167: {  	_ =	swait.ge [sflag:s25], $0x80  }
0x168: {  	[sflag:s25] =	ssyncset.done $0x0  }
0x169: {  	[sflag:s25] =	ssyncadd.s32 $0xFFFFFF80  }
0x16a: {  	_ =	swait.ge [sflag:s25], $0x80  }
0x16b: {  	[sflag:s25] =	ssyncset.done $0x0  }
0x16c: {  	[sflag:s25] =	ssyncadd.s32 $0xFFFFFF80  }
0x16d: {  	_ =	swait.ge [sflag:s25], $0x80  }
0x16e: {  	[sflag:s25] =	ssyncset.done $0x0  }
0x16f: {  	[sflag:s25] =	ssyncadd.s32 $0xFFFFFF80  }
0x170: {  	_ =	swait.ge [sflag:s25], $0x80  }
0x171: {  	[sflag:s25] =	ssyncset.done $0x0  }
0x172: {  	[sflag:s25] =	ssyncadd.s32 $0xFFFFFF80  }
0x173: {  	_ =	swait.ge [sflag:s25], $0x80  }
0x174: {  	[sflag:s25] =	ssyncset.done $0x0  }
0x175: {  	[sflag:s25] =	ssyncadd.s32 $0xFFFFFF80  }
0x176: {  	_ =	swait.ge [sflag:s25], $0x80  }
0x177: {  	[sflag:s25] =	ssyncset.done $0x0  }
0x178: {  	[sflag:s25] =	ssyncadd.s32 $0xFFFFFF80  }
0x179: {  	_ =	swait.ge [sflag:s25], $0x80  }
0x17a: {  	[sflag:s25] =	ssyncset.done $0x0  }
0x17b: {  	[sflag:s25] =	ssyncadd.s32 $0xFFFFFF80  }
0x17c: {  	_ =	swait.ge [sflag:s25], $0x80  }
0x17d: {  	[sflag:s25] =	ssyncset.done $0x0  }
0x17e: {  	[sflag:s25] =	ssyncadd.s32 $0xFFFFFF80  }
0x17f: {  	_ =	swait.ge [sflag:s25], $0x80  }
0x180: {  	[sflag:s25] =	ssyncset.done $0x0  }
0x181: {  	[sflag:s25] =	ssyncadd.s32 $0xFFFFFF80  }
0x182: {  	_ =	swait.ge [sflag:s25], $0x80  }
0x183: {  	[sflag:s25] =	ssyncset.done $0x0  }
0x184: {  	[sflag:s25] =	ssyncadd.s32 $0xFFFFFF80  }
0x185: {  	_ =	swait.ge [sflag:s25], $0x80  }
0x186: {  	[sflag:s25] =	ssyncset.done $0x0  }
0x187: {  	[sflag:s25] =	ssyncadd.s32 $0xFFFFFF80  }
0x188: {  	_ =	swait.ge [sflag:s25], $0x80  }
0x189: {  	[sflag:s25] =	ssyncset.done $0x0  }
0x18a: {  	[sflag:s25] =	ssyncadd.s32 $0xFFFFFF80  }
0x18b: {  	_ =	swait.ge [sflag:s25], $0x80  }
0x18c: {  	[sflag:s25] =	ssyncset.done $0x0  }
0x18d: {  	[sflag:s25] =	ssyncadd.s32 $0xFFFFFF80  }
0x18e: {  	_ =	swait.ge [sflag:s25], $0x80  }
0x18f: {  	[sflag:s25] =	ssyncset.done $0x0  }
0x190: {  	[sflag:s25] =	ssyncadd.s32 $0xFFFFFF80  }
0x191: {  	s4 =	simm.s32 $0x11080;
	[bflag:$0x0] =	sbarrier.arrive $0xFFFF  }
0x192: {  	[tilespmem:s4], [sflag:$0x1] =	stream.indirect.gather [spmem:s2], $0x1, s11, s10, $0xb8;
	[tilespmem:$0x11280] =	vst v63  }
0x193: {  	s5 =	simm.s32 $0x11100  }
0x194: {  	[tilespmem:s5], [sflag:$0x2] =	stream.indirect.gather [spmem:s2], $0x1, s1, s10, $0xb8;
	[tilespmem:$0x11280] =	vst v63  }
0x195: {  	_ =	swait.ge [sflag:s13], $0x80  }
0x196: {  	s8 =	sld [smem:$0x7F4]  }
0x197: {  	[sflag:s13] =	ssyncset.done $0x0  }
0x198: {  	[sflag:s13] =	ssyncadd.s32 $0xFFFFFF80  }
0x199: {  	[hbm4b:s8+s3] =	stream.linear.scatter [tilespmem:s4], [sflag:$0x9], $0x80, $0x38;
	[tilespmem:$0x11280] =	vst v63  }
0x19a: {  	_ =	swait.ge [sflag:s7], $0x80  }
0x19b: {  	[sflag:s7] =	ssyncset.done $0x0  }
0x19c: {  	[sflag:s7] =	ssyncadd.s32 $0xFFFFFF80  }
0x19d: {  	[tilespmem:s4], [sflag:$0x1] =	stream.indirect.gather [spmem:s2], $0x1, s6, s10, $0xb8;
	[tilespmem:$0x11280] =	vst v63  }
0x19e: {  	_ =	swait.ge [sflag:s17], $0x80  }
0x19f: {  	s11 =	sld [smem:$0x7F5]  }
0x1a0: {  	[sflag:s17] =	ssyncset.done $0x0  }
0x1a1: {  	[sflag:s17] =	ssyncadd.s32 $0xFFFFFF80  }
0x1a2: {  	[hbm4b:s11+s3] =	stream.linear.scatter [tilespmem:s5], [sflag:$0x9], $0x80, $0x38;
	[tilespmem:$0x11280] =	vst v63  }
0x1a3: {  	_ =	swait.ge [sflag:s7], $0x80  }
0x1a4: {  	[sflag:s7] =	ssyncset.done $0x0  }
0x1a5: {  	[sflag:s7] =	ssyncadd.s32 $0xFFFFFF80  }
0x1a6: {  	[tilespmem:s5], [sflag:$0x2] =	stream.indirect.gather [spmem:s2], $0x1, s9, s10, $0xb8;
	[tilespmem:$0x11280] =	vst v63  }
0x1a7: {  	_ =	swait.ge [sflag:s13], $0x80  }
0x1a8: {  	s12 =	sld [smem:$0x7F6]  }
0x1a9: {  	[sflag:s13] =	ssyncset.done $0x0  }
0x1aa: {  	[sflag:s13] =	ssyncadd.s32 $0xFFFFFF80  }
0x1ab: {  	[hbm4b:s12+s3] =	stream.linear.scatter [tilespmem:s4], [sflag:$0x9], $0x80, $0x38;
	[tilespmem:$0x11280] =	vst v63  }
0x1ac: {  	_ =	swait.ge [sflag:s7], $0x80  }
0x1ad: {  	[sflag:s7] =	ssyncset.done $0x0  }
0x1ae: {  	[sflag:s7] =	ssyncadd.s32 $0xFFFFFF80  }
0x1af: {  	[tilespmem:s4], [sflag:$0x1] =	stream.indirect.gather [spmem:s2], $0x1, s14, s10, $0xb8;
	[tilespmem:$0x11280] =	vst v63  }
0x1b0: {  	_ =	swait.ge [sflag:s17], $0x80  }
0x1b1: {  	s14 =	sld [smem:$0x7F7]  }
0x1b2: {  	[sflag:s17] =	ssyncset.done $0x0  }
0x1b3: {  	[sflag:s17] =	ssyncadd.s32 $0xFFFFFF80  }
0x1b4: {  	[hbm4b:s14+s3] =	stream.linear.scatter [tilespmem:s5], [sflag:$0x9], $0x80, $0x38;
	[tilespmem:$0x11280] =	vst v63  }
0x1b5: {  	_ =	swait.ge [sflag:s7], $0x80  }
0x1b6: {  	[sflag:s7] =	ssyncset.done $0x0  }
0x1b7: {  	[sflag:s7] =	ssyncadd.s32 $0xFFFFFF80  }
0x1b8: {  	[tilespmem:s5], [sflag:$0x2] =	stream.indirect.gather [spmem:s2], $0x1, s16, s10, $0xb8;
	[tilespmem:$0x11280] =	vst v63  }
0x1b9: {  	_ =	swait.ge [sflag:s13], $0x80  }
0x1ba: {  	s16 =	sld [smem:$0x7F8]  }
0x1bb: {  	[sflag:s13] =	ssyncset.done $0x0  }
0x1bc: {  	[sflag:s13] =	ssyncadd.s32 $0xFFFFFF80  }
0x1bd: {  	[hbm4b:s16+s3] =	stream.linear.scatter [tilespmem:s4], [sflag:$0x9], $0x80, $0x38;
	[tilespmem:$0x11280] =	vst v63  }
0x1be: {  	_ =	swait.ge [sflag:s7], $0x80  }
0x1bf: {  	[sflag:s7] =	ssyncset.done $0x0  }
0x1c0: {  	[sflag:s7] =	ssyncadd.s32 $0xFFFFFF80  }
0x1c1: {  	[tilespmem:s4], [sflag:$0x1] =	stream.indirect.gather [spmem:s2], $0x1, s18, s10, $0xb8;
	[tilespmem:$0x11280] =	vst v63  }
0x1c2: {  	_ =	swait.ge [sflag:s17], $0x80  }
0x1c3: {  	s21 =	sld [smem:$0x7F9]  }
0x1c4: {  	[sflag:s17] =	ssyncset.done $0x0  }
0x1c5: {  	[sflag:s17] =	ssyncadd.s32 $0xFFFFFF80  }
0x1c6: {  	[hbm4b:s21+s3] =	stream.linear.scatter [tilespmem:s5], [sflag:$0x9], $0x80, $0x38;
	[tilespmem:$0x11280] =	vst v63  }
0x1c7: {  	_ =	swait.ge [sflag:s7], $0x80  }
0x1c8: {  	[sflag:s7] =	ssyncset.done $0x0  }
0x1c9: {  	[sflag:s7] =	ssyncadd.s32 $0xFFFFFF80  }
0x1ca: {  	[tilespmem:s5], [sflag:$0x2] =	stream.indirect.gather [spmem:s2], $0x1, s22, s10, $0xb8;
	[tilespmem:$0x11280] =	vst v63  }
0x1cb: {  	_ =	swait.ge [sflag:s13], $0x80  }
0x1cc: {  	s23 =	ssub.s32 $0x2, s31;
	s22 =	sld [smem:$0x7FA]  }
0x1cd: {  	s26 =	sshrl.u32 s23, $0x1;
	[sflag:s13] =	ssyncset.done $0x0  }
0x1ce: {  	s16 =	ssub.s32 s23, s26;
	[sflag:s13] =	ssyncadd.s32 $0xFFFFFF80  }
0x1cf: {  	[hbm4b:s22+s3] =	stream.linear.scatter [tilespmem:s4], [sflag:$0x9], $0x80, $0x38;
	[tilespmem:$0x11280] =	vst v63  }
0x1d0: {  	s28 =	smax.u32 s16, $0x1;
	_ =	swait.ge [sflag:s7], $0x80  }
0x1d1: {  	s0 =	stileid.u32;
	s16 =	sadd.s32 $0xFFFFFFFF, s28;
	[sflag:s7] =	ssyncset.done $0x0  }
0x1d2: {  	s31 =	sor.u32 s31, s0;
	p2 =	sne.s32 s16, $0x0;
	[sflag:s7] =	ssyncadd.s32 $0xFFFFFF80  }
.Ltmp0:
0x1d3: {  	p1 =	sne.s32 s31, $0x0;
	_ =	swait.ge [sflag:s17], $0x80;
	(pc) =	sbr.rel @!p2 .LBB2_3-.Ltmp0, $4  }
0x1d4: {  	s0 =	sshll.u32 @!p1 s0, $0x6;
	s24 =	sld [smem:$0x7FB]  }
0x1d5: {  	[sflag:s17] =	ssyncset.done $0x0;
	[smem:$0x7FC] =	sst s0;
	s0 =	sshrl.u32 @!p1 s2, $0x3  }
0x1d6: {  	[sflag:s17] =	ssyncadd.s32 $0xFFFFFF80;
	[smem:$0x7FD] =	sst s0  }
0x1d7: {  	[hbm4b:s24+s3] =	stream.linear.scatter [tilespmem:s5], [sflag:$0x9], $0x80, $0x38;
	[tilespmem:$0x11280] =	vst v63  }
0x1d8: {  	s12 =	simm.s32 $0x1000;
	s24 =	simm.s32 $0x880  }
0x1d9: {  	s29 =	simm.s32 $0x980;
	s26 =	simm.s32 $0xC80;
	s28 =	simm.s32 $0xD00  }
.LBB2_2:
0x1da: {  	_ =	swait.ge [sflag:s7], $0x80  }
0x1db: {  	s0 =	sld [smem:$0x7FC];
	_ =	sdelay $0x2  }
0x1dc: {  	s21 =	sor.u32 @!p1 $0x1C09, s0;
	s0 =	sld [smem:$0x7FD]  }
0x1dd: {  	[sflag:s7] =	ssyncset.done $0x0  }
0x1de: {  	s22 =	simm.s32 @!p1 $0x9;
	s20 =	rddreg [dreg:$0x8];
	[sflag:s7] =	ssyncadd.s32 $0xFFFFFF80  }
0x1df: {  	[hbm:s20], [sflag:s21] =	dma.local @!p1 [spmem:s0], $0x200  }
0x1e0: {  	_ =	swait.ge @!p1 [sflag:s22], $0x200  }
0x1e1: {  	s21 =	sld [smem:$0x7E3]  }
0x1e2: {  	s6 =	simm.s32 @!p0 $0x9;
	[sflag:s22] =	ssyncset.done @!p1 $0x0  }
0x1e3: {  	s20 =	rddreg [dreg:$0x7];
	[sflag:s22] =	ssyncadd.s32 @!p1 $0xFFFFFE00;
	s22 =	simm.s32 @!p0 $0x1C09  }
0x1e4: {  	[spmem:s21], [sflag:s22] =	dma.local @!p0 [hbm:s20], $0x200  }
0x1e5: {  	_ =	swait.ge @!p0 [sflag:s6], $0x200  }
0x1e6: {  	[sflag:s6] =	ssyncset.done @!p0 $0x0  }
0x1e7: {  	[sflag:s6] =	ssyncadd.s32 @!p0 $0xFFFFFE00  }
0x1e8: {  	[tilespmem:$0x11070] =	vst v0  }
0x1e9: {  	[tilespmem:$0x11060] =	vst v0  }
0x1ea: {  	[tilespmem:$0x11050] =	vst v0  }
0x1eb: {  	[tilespmem:$0x11040] =	vst v0  }
0x1ec: {  	[tilespmem:$0x11030] =	vst v0  }
0x1ed: {  	s5 =	sld [smem:$0x7E4];
	[tilespmem:$0x11020] =	vst v0  }
0x1ee: {  	[tilespmem:$0x11000] =	vst v0  }
0x1ef: {  	[tilespmem:$0x11010] =	vst v0  }
0x1f0: {  	[tilespmem:s3], [sflag:$0x9] =	stream.linear.gather [hbm4b:s5+s3], $0x400, $0x38;
	[tilespmem:$0x11280] =	vst v63  }
0x1f1: {  	_ =	swait.ge [sflag:s7], $0x400  }
0x1f2: {  	[sflag:s7] =	ssyncset.done $0x0  }
0x1f3: {  	s9 =	simm.s32 $0x400;
	s8 =	rddreg [dreg:$0x9];
	[sflag:s7] =	ssyncadd.s32 $0xFFFFFC00  }
0x1f4: {  	[tilespmem:s9], [sflag:$0x9] =	stream.linear.gather [hbm4b:s8+s3], $0x400, $0x38;
	[tilespmem:$0x11280] =	vst v63  }
0x1f5: {  	_ =	swait.ge [sflag:s7], $0x400  }
0x1f6: {  	[sflag:s7] =	ssyncset.done $0x0  }
0x1f7: {  	[sflag:s7] =	ssyncadd.s32 $0xFFFFFC00  }
0x1f8: {  	s31 =	rddreg [dreg:$0x0]  }
0x1f9: {  	[tilespmem:s12], [sflag:$0x1] =	stream.indirect.gather [hbm4b:s31+s10], $0x80, s3, s10, $0xb8;
	[tilespmem:$0x11280] =	vst v63  }
0x1fa: {  	s1 =	simm.s32 $0x400;
	s0 =	simm.s32 $0x9000  }
0x1fb: {  	[tilespmem:s0], [sflag:$0x3] =	stream.indirect.gather [hbm4b:s31+s10], $0x80, s1, s10, $0xb8;
	[tilespmem:$0x11280] =	vst v63  }
0x1fc: {  	s23 =	simm.s32 $0x800  }
0x1fd: {  	[tilespmem:s23], [sflag:$0x7] =	stream.linear.gather [hbm4b:s5+s3], $0x80, $0x38;
	[tilespmem:$0x11280] =	vst v63  }
0x1fe: {  	s11 =	rddreg [dreg:$0xa]  }
0x1ff: {  	[tilespmem:s24], [sflag:$0x7] =	stream.linear.gather [hbm4b:s11+s3], $0x80, $0x38;
	[tilespmem:$0x11280] =	vst v63  }
0x200: {  	s6 =	simm.s32 $0x900;
	s14 =	rddreg [dreg:$0xb]  }
0x201: {  	[tilespmem:s6], [sflag:$0x7] =	stream.linear.gather [hbm4b:s14+s3], $0x80, $0x38;
	[tilespmem:$0x11280] =	vst v63  }
0x202: {  	s18 =	rddreg [dreg:$0xc]  }
0x203: {  	[tilespmem:s29], [sflag:$0x7] =	stream.linear.gather [hbm4b:s18+s3], $0x80, $0x38;
	[tilespmem:$0x11280] =	vst v63  }
0x204: {  	s1 =	rddreg [dreg:$0xd];
	s5 =	simm.s32 $0xA00  }
0x205: {  	[tilespmem:s5], [sflag:$0x7] =	stream.linear.gather [hbm4b:s1+s3], $0x80, $0x38;
	[tilespmem:$0x11280] =	vst v63  }
0x206: {  	s9 =	simm.s32 $0xA80;
	s4 =	rddreg [dreg:$0xe]  }
0x207: {  	[tilespmem:s9], [sflag:$0x7] =	stream.linear.gather [hbm4b:s4+s3], $0x80, $0x38;
	[tilespmem:$0x11280] =	vst v63  }
0x208: {  	s8 =	rddreg [dreg:$0xf];
	s11 =	simm.s32 $0xB00  }
0x209: {  	[tilespmem:s11], [sflag:$0x7] =	stream.linear.gather [hbm4b:s8+s3], $0x80, $0x38;
	[tilespmem:$0x11280] =	vst v63  }
0x20a: {  	s14 =	rddreg [dreg:$0x10];
	s8 =	simm.s32 $0xB80  }
0x20b: {  	[tilespmem:s8], [sflag:$0x7] =	stream.linear.gather [hbm4b:s14+s3], $0x80, $0x38;
	[tilespmem:$0x11280] =	vst v63  }
0x20c: {  	s18 =	rddreg [dreg:$0x11];
	s4 =	simm.s32 $0xC00  }
0x20d: {  	[tilespmem:s4], [sflag:$0x7] =	stream.linear.gather [hbm4b:s18+s3], $0x80, $0x38;
	[tilespmem:$0x11280] =	vst v63  }
0x20e: {  	s1 =	rddreg [dreg:$0x12]  }
0x20f: {  	[tilespmem:s26], [sflag:$0x7] =	stream.linear.gather [hbm4b:s1+s3], $0x80, $0x38;
	[tilespmem:$0x11280] =	vst v63  }
0x210: {  	s14 =	rddreg [dreg:$0x13]  }
0x211: {  	[tilespmem:s28], [sflag:$0x7] =	stream.linear.gather [hbm4b:s14+s3], $0x80, $0x38;
	[tilespmem:$0x11280] =	vst v63  }
0x212: {  	s18 =	rddreg [dreg:$0x14];
	s14 =	simm.s32 $0xD80  }
0x213: {  	[tilespmem:s14], [sflag:$0x7] =	stream.linear.gather [hbm4b:s18+s3], $0x80, $0x38;
	[tilespmem:$0x11280] =	vst v63  }
0x214: {  	s1 =	rddreg [dreg:$0x15];
	s18 =	simm.s32 $0xE00  }
0x215: {  	[tilespmem:s18], [sflag:$0x7] =	stream.linear.gather [hbm4b:s1+s3], $0x80, $0x38;
	[tilespmem:$0x11280] =	vst v63  }
0x216: {  	s20 =	rddreg [dreg:$0x16];
	s1 =	simm.s32 $0xE80  }
0x217: {  	[tilespmem:s1], [sflag:$0x7] =	stream.linear.gather [hbm4b:s20+s3], $0x80, $0x38;
	[tilespmem:$0x11280] =	vst v63  }
0x218: {  	s21 =	rddreg [dreg:$0x17];
	s20 =	simm.s32 $0xF00  }
0x219: {  	[tilespmem:s20], [sflag:$0x7] =	stream.linear.gather [hbm4b:s21+s3], $0x80, $0x38;
	[tilespmem:$0x11280] =	vst v63  }
0x21a: {  	s22 =	rddreg [dreg:$0x18];
	s21 =	simm.s32 $0xF80  }
0x21b: {  	[tilespmem:s21], [sflag:$0x7] =	stream.linear.gather [hbm4b:s22+s3], $0x80, $0x38;
	[tilespmem:$0x11280] =	vst v63  }
0x21c: {  	_ =	swait.ge [sflag:s30], $0x80  }
0x21d: {  	[sflag:s30] =	ssyncset.done $0x0  }
0x21e: {  	[sflag:s30] =	ssyncadd.s32 $0xFFFFFF80  }
0x21f: {  	_ =	swait.ge [sflag:s30], $0x80  }
0x220: {  	[sflag:s30] =	ssyncset.done $0x0  }
0x221: {  	[sflag:s30] =	ssyncadd.s32 $0xFFFFFF80  }
0x222: {  	_ =	swait.ge [sflag:s30], $0x80  }
0x223: {  	[sflag:s30] =	ssyncset.done $0x0  }
0x224: {  	[sflag:s30] =	ssyncadd.s32 $0xFFFFFF80  }
0x225: {  	_ =	swait.ge [sflag:s30], $0x80  }
0x226: {  	[sflag:s30] =	ssyncset.done $0x0  }
0x227: {  	[sflag:s30] =	ssyncadd.s32 $0xFFFFFF80  }
0x228: {  	_ =	swait.ge [sflag:s30], $0x80  }
0x229: {  	[sflag:s30] =	ssyncset.done $0x0  }
0x22a: {  	[sflag:s30] =	ssyncadd.s32 $0xFFFFFF80  }
0x22b: {  	_ =	swait.ge [sflag:s30], $0x80  }
0x22c: {  	[sflag:s30] =	ssyncset.done $0x0  }
0x22d: {  	[sflag:s30] =	ssyncadd.s32 $0xFFFFFF80  }
0x22e: {  	_ =	swait.ge [sflag:s30], $0x80  }
0x22f: {  	[sflag:s30] =	ssyncset.done $0x0  }
0x230: {  	[sflag:s30] =	ssyncadd.s32 $0xFFFFFF80  }
0x231: {  	_ =	swait.ge [sflag:s30], $0x80  }
0x232: {  	[sflag:s30] =	ssyncset.done $0x0  }
0x233: {  	[sflag:s30] =	ssyncadd.s32 $0xFFFFFF80  }
0x234: {  	_ =	swait.ge [sflag:s30], $0x80  }
0x235: {  	[sflag:s30] =	ssyncset.done $0x0  }
0x236: {  	[sflag:s30] =	ssyncadd.s32 $0xFFFFFF80  }
0x237: {  	_ =	swait.ge [sflag:s30], $0x80  }
0x238: {  	[sflag:s30] =	ssyncset.done $0x0  }
0x239: {  	[sflag:s30] =	ssyncadd.s32 $0xFFFFFF80  }
0x23a: {  	_ =	swait.ge [sflag:s30], $0x80  }
0x23b: {  	[sflag:s30] =	ssyncset.done $0x0  }
0x23c: {  	[sflag:s30] =	ssyncadd.s32 $0xFFFFFF80  }
0x23d: {  	_ =	swait.ge [sflag:s30], $0x80  }
0x23e: {  	[sflag:s30] =	ssyncset.done $0x0  }
0x23f: {  	[sflag:s30] =	ssyncadd.s32 $0xFFFFFF80  }
0x240: {  	_ =	swait.ge [sflag:s30], $0x80  }
0x241: {  	[sflag:s30] =	ssyncset.done $0x0  }
0x242: {  	[sflag:s30] =	ssyncadd.s32 $0xFFFFFF80  }
0x243: {  	_ =	swait.ge [sflag:s30], $0x80  }
0x244: {  	[sflag:s30] =	ssyncset.done $0x0  }
0x245: {  	[sflag:s30] =	ssyncadd.s32 $0xFFFFFF80  }
0x246: {  	_ =	swait.ge [sflag:s30], $0x80  }
0x247: {  	[sflag:s30] =	ssyncset.done $0x0  }
0x248: {  	[sflag:s30] =	ssyncadd.s32 $0xFFFFFF80  }
0x249: {  	_ =	swait.ge [sflag:s30], $0x80  }
0x24a: {  	[sflag:s30] =	ssyncset.done $0x0  }
0x24b: {  	[sflag:s30] =	ssyncadd.s32 $0xFFFFFF80  }
0x24c: {  	s22 =	simm.s32 $0x11000;
	[bflag:$0x0] =	sbarrier.arrive $0xFFFF  }
0x24d: {  	[spmem:s2] =	stream.indirect.scatter.add.f32 [tilespmem:s22], [sflag:$0x8], $0x1, s23, s10, $0xb8;
	[tilespmem:$0x11280] =	vst v63  }
0x24e: {  	_ = 	snop  }
0x24f: {  	[spmem:s2] =	stream.indirect.scatter.add.f32 [tilespmem:s22], [sflag:$0x8], $0x1, s24, s10, $0xb8;
	[tilespmem:$0x11280] =	vst v63  }
0x250: {  	_ = 	snop  }
0x251: {  	[spmem:s2] =	stream.indirect.scatter.add.f32 [tilespmem:s22], [sflag:$0x8], $0x1, s6, s10, $0xb8;
	[tilespmem:$0x11280] =	vst v63  }
0x252: {  	_ = 	snop  }
0x253: {  	[spmem:s2] =	stream.indirect.scatter.add.f32 [tilespmem:s22], [sflag:$0x8], $0x1, s29, s10, $0xb8;
	[tilespmem:$0x11280] =	vst v63  }
0x254: {  	_ = 	snop  }
0x255: {  	[spmem:s2] =	stream.indirect.scatter.add.f32 [tilespmem:s22], [sflag:$0x8], $0x1, s5, s10, $0xb8;
	[tilespmem:$0x11280] =	vst v63  }
0x256: {  	_ = 	snop  }
0x257: {  	[spmem:s2] =	stream.indirect.scatter.add.f32 [tilespmem:s22], [sflag:$0x8], $0x1, s9, s10, $0xb8;
	[tilespmem:$0x11280] =	vst v63  }
0x258: {  	_ = 	snop  }
0x259: {  	[spmem:s2] =	stream.indirect.scatter.add.f32 [tilespmem:s22], [sflag:$0x8], $0x1, s11, s10, $0xb8;
	[tilespmem:$0x11280] =	vst v63  }
0x25a: {  	_ = 	snop  }
0x25b: {  	[spmem:s2] =	stream.indirect.scatter.add.f32 [tilespmem:s22], [sflag:$0x8], $0x1, s8, s10, $0xb8;
	[tilespmem:$0x11280] =	vst v63  }
0x25c: {  	_ = 	snop  }
0x25d: {  	[spmem:s2] =	stream.indirect.scatter.add.f32 [tilespmem:s22], [sflag:$0x8], $0x1, s4, s10, $0xb8;
	[tilespmem:$0x11280] =	vst v63  }
0x25e: {  	_ = 	snop  }
0x25f: {  	[spmem:s2] =	stream.indirect.scatter.add.f32 [tilespmem:s22], [sflag:$0x8], $0x1, s26, s10, $0xb8;
	[tilespmem:$0x11280] =	vst v63  }
0x260: {  	_ = 	snop  }
0x261: {  	[spmem:s2] =	stream.indirect.scatter.add.f32 [tilespmem:s22], [sflag:$0x8], $0x1, s28, s10, $0xb8;
	[tilespmem:$0x11280] =	vst v63  }
0x262: {  	_ = 	snop  }
0x263: {  	[spmem:s2] =	stream.indirect.scatter.add.f32 [tilespmem:s22], [sflag:$0x8], $0x1, s14, s10, $0xb8;
	[tilespmem:$0x11280] =	vst v63  }
0x264: {  	_ = 	snop  }
0x265: {  	[spmem:s2] =	stream.indirect.scatter.add.f32 [tilespmem:s22], [sflag:$0x8], $0x1, s18, s10, $0xb8;
	[tilespmem:$0x11280] =	vst v63  }
0x266: {  	_ = 	snop  }
0x267: {  	[spmem:s2] =	stream.indirect.scatter.add.f32 [tilespmem:s22], [sflag:$0x8], $0x1, s1, s10, $0xb8;
	[tilespmem:$0x11280] =	vst v63  }
0x268: {  	_ = 	snop  }
0x269: {  	[spmem:s2] =	stream.indirect.scatter.add.f32 [tilespmem:s22], [sflag:$0x8], $0x1, s20, s10, $0xb8;
	[tilespmem:$0x11280] =	vst v63  }
0x26a: {  	_ = 	snop  }
0x26b: {  	[spmem:s2] =	stream.indirect.scatter.add.f32 [tilespmem:s22], [sflag:$0x8], $0x1, s21, s10, $0xb8;
	[tilespmem:$0x11280] =	vst v63  }
0x26c: {  	s1 =	simm.s32 $0x5000  }
0x26d: {  	[tilespmem:s1], [sflag:$0x2] =	stream.indirect.gather [hbm4b:s31+s10], $0x80, s10, s10, $0xb8;
	[tilespmem:$0x11280] =	vst v63  }
0x26e: {  	s5 =	simm.s32 $0xD000;
	s4 =	simm.s32 $0x480  }
0x26f: {  	[tilespmem:s5], [sflag:$0x4] =	stream.indirect.gather [hbm4b:s31+s10], $0x80, s4, s10, $0xb8;
	[tilespmem:$0x11280] =	vst v63  }
0x270: {  	_ =	swait.ge [sflag:s13], $0x4000  }
0x271: {  	[sflag:s13] =	ssyncset.done $0x0  }
0x272: {  	s6 =	simm.s32 $0x3;
	[sflag:s13] =	ssyncadd.s32 $0xFFFFC000  }
0x273: {  	_ =	swait.ge [sflag:s6], $0x4000  }
0x274: {  	[sflag:s6] =	ssyncset.done $0x0  }
0x275: {  	s14 =	rddreg [dreg:$0x19];
	[sflag:s6] =	ssyncadd.s32 $0xFFFFC000  }
0x276: {  	[hbm4b:s14+s3] =	stream.linear.scatter [tilespmem:s12], [sflag:$0x5], $0x4000, $0x38;
	[tilespmem:$0x11280] =	vst v63  }
0x277: {  	s18 =	rddreg [dreg:$0x1a]  }
0x278: {  	[hbm4b:s18+s3] =	stream.linear.scatter [tilespmem:s0], [sflag:$0x5], $0x4000, $0x38;
	[tilespmem:$0x11280] =	vst v63  }
0x279: {  	_ =	swait.ge [sflag:s15], $0x4000  }
0x27a: {  	[sflag:s15] =	ssyncset.done $0x0  }
0x27b: {  	[sflag:s15] =	ssyncadd.s32 $0xFFFFC000  }
0x27c: {  	_ =	swait.ge [sflag:s15], $0x4000  }
0x27d: {  	s21 =	sld [smem:$0x7E5]  }
0x27e: {  	[sflag:s15] =	ssyncset.done $0x0  }
0x27f: {  	[sflag:s15] =	ssyncadd.s32 $0xFFFFC000  }
0x280: {  	[tilespmem:s12], [sflag:$0x1] =	stream.indirect.gather [hbm4b:s31+s10], $0x80, s21, s10, $0xb8;
	[tilespmem:$0x11280] =	vst v63  }
0x281: {  	s8 =	simm.s32 $0x500  }
0x282: {  	[tilespmem:s0], [sflag:$0x3] =	stream.indirect.gather [hbm4b:s31+s10], $0x80, s8, s10, $0xb8;
	[tilespmem:$0x11280] =	vst v63  }
0x283: {  	_ =	swait.ge [sflag:s17], $0x4000  }
0x284: {  	[sflag:s17] =	ssyncset.done $0x0  }
0x285: {  	s9 =	simm.s32 $0x4;
	[sflag:s17] =	ssyncadd.s32 $0xFFFFC000  }
0x286: {  	_ =	swait.ge [sflag:s9], $0x4000  }
0x287: {  	[sflag:s9] =	ssyncset.done $0x0  }
0x288: {  	s22 =	rddreg [dreg:$0x1b];
	[sflag:s9] =	ssyncadd.s32 $0xFFFFC000  }
0x289: {  	[hbm4b:s22+s3] =	stream.linear.scatter [tilespmem:s1], [sflag:$0x6], $0x4000, $0x38;
	[tilespmem:$0x11280] =	vst v63  }
0x28a: {  	s23 =	rddreg [dreg:$0x1c]  }
0x28b: {  	[hbm4b:s23+s3] =	stream.linear.scatter [tilespmem:s5], [sflag:$0x6], $0x4000, $0x38;
	[tilespmem:$0x11280] =	vst v63  }
0x28c: {  	_ =	swait.ge [sflag:s19], $0x4000  }
0x28d: {  	[sflag:s19] =	ssyncset.done $0x0  }
0x28e: {  	[sflag:s19] =	ssyncadd.s32 $0xFFFFC000  }
0x28f: {  	_ =	swait.ge [sflag:s19], $0x4000  }
0x290: {  	s11 =	sld [smem:$0x7E6]  }
0x291: {  	[sflag:s19] =	ssyncset.done $0x0  }
0x292: {  	[sflag:s19] =	ssyncadd.s32 $0xFFFFC000  }
0x293: {  	[tilespmem:s1], [sflag:$0x2] =	stream.indirect.gather [hbm4b:s31+s10], $0x80, s11, s10, $0xb8;
	[tilespmem:$0x11280] =	vst v63  }
0x294: {  	s11 =	simm.s32 $0x580  }
0x295: {  	[tilespmem:s5], [sflag:$0x4] =	stream.indirect.gather [hbm4b:s31+s10], $0x80, s11, s10, $0xb8;
	[tilespmem:$0x11280] =	vst v63  }
0x296: {  	_ =	swait.ge [sflag:s13], $0x4000  }
0x297: {  	[sflag:s13] =	ssyncset.done $0x0  }
0x298: {  	[sflag:s13] =	ssyncadd.s32 $0xFFFFC000  }
0x299: {  	_ =	swait.ge [sflag:s6], $0x4000  }
0x29a: {  	[sflag:s6] =	ssyncset.done $0x0  }
0x29b: {  	s14 =	rddreg [dreg:$0x1d];
	[sflag:s6] =	ssyncadd.s32 $0xFFFFC000  }
0x29c: {  	[hbm4b:s14+s3] =	stream.linear.scatter [tilespmem:s12], [sflag:$0x5], $0x4000, $0x38;
	[tilespmem:$0x11280] =	vst v63  }
0x29d: {  	s18 =	rddreg [dreg:$0x1e]  }
0x29e: {  	[hbm4b:s18+s3] =	stream.linear.scatter [tilespmem:s0], [sflag:$0x5], $0x4000, $0x38;
	[tilespmem:$0x11280] =	vst v63  }
0x29f: {  	_ =	swait.ge [sflag:s15], $0x4000  }
0x2a0: {  	[sflag:s15] =	ssyncset.done $0x0  }
0x2a1: {  	[sflag:s15] =	ssyncadd.s32 $0xFFFFC000  }
0x2a2: {  	_ =	swait.ge [sflag:s15], $0x4000  }
0x2a3: {  	s21 =	sld [smem:$0x7E7]  }
0x2a4: {  	[sflag:s15] =	ssyncset.done $0x0  }
0x2a5: {  	[sflag:s15] =	ssyncadd.s32 $0xFFFFC000  }
0x2a6: {  	[tilespmem:s12], [sflag:$0x1] =	stream.indirect.gather [hbm4b:s31+s10], $0x80, s21, s10, $0xb8;
	[tilespmem:$0x11280] =	vst v63  }
0x2a7: {  	s14 =	simm.s32 $0x600  }
0x2a8: {  	[tilespmem:s0], [sflag:$0x3] =	stream.indirect.gather [hbm4b:s31+s10], $0x80, s14, s10, $0xb8;
	[tilespmem:$0x11280] =	vst v63  }
0x2a9: {  	_ =	swait.ge [sflag:s17], $0x4000  }
0x2aa: {  	[sflag:s17] =	ssyncset.done $0x0  }
0x2ab: {  	[sflag:s17] =	ssyncadd.s32 $0xFFFFC000  }
0x2ac: {  	_ =	swait.ge [sflag:s9], $0x4000  }
0x2ad: {  	[sflag:s9] =	ssyncset.done $0x0;
	s22 =	rddreg [dreg:$0x1f]  }
0x2ae: {  	s23 =	sld [smem:$0x7E8];
	[sflag:s9] =	ssyncadd.s32 $0xFFFFC000  }
0x2af: {  	[hbm4b:s22+s3] =	stream.linear.scatter [tilespmem:s1], [sflag:$0x6], $0x4000, $0x38;
	[tilespmem:$0x11280] =	vst v63  }
0x2b0: {  	_ = 	snop  }
0x2b1: {  	[hbm4b:s23+s3] =	stream.linear.scatter [tilespmem:s5], [sflag:$0x6], $0x4000, $0x38;
	[tilespmem:$0x11280] =	vst v63  }
0x2b2: {  	_ =	swait.ge [sflag:s19], $0x4000  }
0x2b3: {  	[sflag:s19] =	ssyncset.done $0x0  }
0x2b4: {  	[sflag:s19] =	ssyncadd.s32 $0xFFFFC000  }
0x2b5: {  	_ =	swait.ge [sflag:s19], $0x4000  }
0x2b6: {  	s18 =	sld [smem:$0x7E9]  }
0x2b7: {  	[sflag:s19] =	ssyncset.done $0x0  }
0x2b8: {  	[sflag:s19] =	ssyncadd.s32 $0xFFFFC000  }
0x2b9: {  	[tilespmem:s1], [sflag:$0x2] =	stream.indirect.gather [hbm4b:s31+s10], $0x80, s18, s10, $0xb8;
	[tilespmem:$0x11280] =	vst v63  }
0x2ba: {  	s18 =	simm.s32 $0x680  }
0x2bb: {  	[tilespmem:s5], [sflag:$0x4] =	stream.indirect.gather [hbm4b:s31+s10], $0x80, s18, s10, $0xb8;
	[tilespmem:$0x11280] =	vst v63  }
0x2bc: {  	_ =	swait.ge [sflag:s13], $0x4000  }
0x2bd: {  	[sflag:s13] =	ssyncset.done $0x0  }
0x2be: {  	[sflag:s13] =	ssyncadd.s32 $0xFFFFC000  }
0x2bf: {  	_ =	swait.ge [sflag:s6], $0x4000  }
0x2c0: {  	s21 =	sld [smem:$0x7EA]  }
0x2c1: {  	[sflag:s6] =	ssyncset.done $0x0  }
0x2c2: {  	s22 =	sld [smem:$0x7EB];
	[sflag:s6] =	ssyncadd.s32 $0xFFFFC000  }
0x2c3: {  	[hbm4b:s21+s3] =	stream.linear.scatter [tilespmem:s12], [sflag:$0x5], $0x4000, $0x38;
	[tilespmem:$0x11280] =	vst v63  }
0x2c4: {  	_ = 	snop  }
0x2c5: {  	[hbm4b:s22+s3] =	stream.linear.scatter [tilespmem:s0], [sflag:$0x5], $0x4000, $0x38;
	[tilespmem:$0x11280] =	vst v63  }
0x2c6: {  	_ =	swait.ge [sflag:s15], $0x4000  }
0x2c7: {  	[sflag:s15] =	ssyncset.done $0x0  }
0x2c8: {  	[sflag:s15] =	ssyncadd.s32 $0xFFFFC000  }
0x2c9: {  	_ =	swait.ge [sflag:s15], $0x4000  }
0x2ca: {  	s23 =	sld [smem:$0x7EC]  }
0x2cb: {  	[sflag:s15] =	ssyncset.done $0x0  }
0x2cc: {  	[sflag:s15] =	ssyncadd.s32 $0xFFFFC000  }
0x2cd: {  	[tilespmem:s12], [sflag:$0x1] =	stream.indirect.gather [hbm4b:s31+s10], $0x80, s23, s10, $0xb8;
	[tilespmem:$0x11280] =	vst v63  }
0x2ce: {  	s22 =	simm.s32 $0x700  }
0x2cf: {  	[tilespmem:s0], [sflag:$0x3] =	stream.indirect.gather [hbm4b:s31+s10], $0x80, s22, s10, $0xb8;
	[tilespmem:$0x11280] =	vst v63  }
0x2d0: {  	_ =	swait.ge [sflag:s17], $0x4000  }
0x2d1: {  	[sflag:s17] =	ssyncset.done $0x0  }
0x2d2: {  	[sflag:s17] =	ssyncadd.s32 $0xFFFFC000  }
0x2d3: {  	_ =	swait.ge [sflag:s9], $0x4000  }
0x2d4: {  	s21 =	sld [smem:$0x7ED]  }
0x2d5: {  	[sflag:s9] =	ssyncset.done $0x0  }
0x2d6: {  	s23 =	sld [smem:$0x7EE];
	[sflag:s9] =	ssyncadd.s32 $0xFFFFC000  }
0x2d7: {  	[hbm4b:s21+s3] =	stream.linear.scatter [tilespmem:s1], [sflag:$0x6], $0x4000, $0x38;
	[tilespmem:$0x11280] =	vst v63  }
0x2d8: {  	_ = 	snop  }
0x2d9: {  	[hbm4b:s23+s3] =	stream.linear.scatter [tilespmem:s5], [sflag:$0x6], $0x4000, $0x38;
	[tilespmem:$0x11280] =	vst v63  }
0x2da: {  	_ =	swait.ge [sflag:s19], $0x4000  }
0x2db: {  	[sflag:s19] =	ssyncset.done $0x0  }
0x2dc: {  	[sflag:s19] =	ssyncadd.s32 $0xFFFFC000  }
0x2dd: {  	_ =	swait.ge [sflag:s19], $0x4000  }
0x2de: {  	s23 =	sld [smem:$0x7EF]  }
0x2df: {  	[sflag:s19] =	ssyncset.done $0x0  }
0x2e0: {  	[sflag:s19] =	ssyncadd.s32 $0xFFFFC000  }
0x2e1: {  	[tilespmem:s1], [sflag:$0x2] =	stream.indirect.gather [hbm4b:s31+s10], $0x80, s23, s10, $0xb8;
	[tilespmem:$0x11280] =	vst v63  }
0x2e2: {  	s23 =	simm.s32 $0x780  }
0x2e3: {  	[tilespmem:s5], [sflag:$0x4] =	stream.indirect.gather [hbm4b:s31+s10], $0x80, s23, s10, $0xb8;
	[tilespmem:$0x11280] =	vst v63  }
0x2e4: {  	_ =	swait.ge [sflag:s13], $0x4000  }
0x2e5: {  	[sflag:s13] =	ssyncset.done $0x0  }
0x2e6: {  	[sflag:s13] =	ssyncadd.s32 $0xFFFFC000  }
0x2e7: {  	_ =	swait.ge [sflag:s6], $0x4000  }
0x2e8: {  	s21 =	sld [smem:$0x7F0]  }
0x2e9: {  	[sflag:s6] =	ssyncset.done $0x0  }
0x2ea: {  	s31 =	sld [smem:$0x7F1];
	[sflag:s6] =	ssyncadd.s32 $0xFFFFC000  }
0x2eb: {  	[hbm4b:s21+s3] =	stream.linear.scatter [tilespmem:s12], [sflag:$0x5], $0x4000, $0x38;
	[tilespmem:$0x11280] =	vst v63  }
0x2ec: {  	_ = 	snop  }
0x2ed: {  	[hbm4b:s31+s3] =	stream.linear.scatter [tilespmem:s0], [sflag:$0x5], $0x4000, $0x38;
	[tilespmem:$0x11280] =	vst v63  }
0x2ee: {  	_ =	swait.ge [sflag:s17], $0x4000  }
0x2ef: {  	[sflag:s17] =	ssyncset.done $0x0  }
0x2f0: {  	[sflag:s17] =	ssyncadd.s32 $0xFFFFC000  }
0x2f1: {  	_ =	swait.ge [sflag:s9], $0x4000  }
0x2f2: {  	s6 =	sld [smem:$0x7F2]  }
0x2f3: {  	[sflag:s9] =	ssyncset.done $0x0  }
0x2f4: {  	[sflag:s9] =	ssyncadd.s32 $0xFFFFC000;
	s9 =	sld [smem:$0x7F3]  }
0x2f5: {  	[hbm4b:s6+s3] =	stream.linear.scatter [tilespmem:s1], [sflag:$0x6], $0x4000, $0x38;
	[tilespmem:$0x11280] =	vst v63  }
0x2f6: {  	_ = 	snop  }
0x2f7: {  	[hbm4b:s9+s3] =	stream.linear.scatter [tilespmem:s5], [sflag:$0x6], $0x4000, $0x38;
	[tilespmem:$0x11280] =	vst v63  }
0x2f8: {  	_ =	swait.ge [sflag:s15], $0x4000  }
0x2f9: {  	[sflag:s15] =	ssyncset.done $0x0  }
0x2fa: {  	[sflag:s15] =	ssyncadd.s32 $0xFFFFC000  }
0x2fb: {  	_ =	swait.ge [sflag:s15], $0x4000  }
0x2fc: {  	[sflag:s15] =	ssyncset.done $0x0  }
0x2fd: {  	[sflag:s15] =	ssyncadd.s32 $0xFFFFC000  }
0x2fe: {  	_ =	swait.ge [sflag:s19], $0x4000  }
0x2ff: {  	[sflag:s19] =	ssyncset.done $0x0  }
0x300: {  	[sflag:s19] =	ssyncadd.s32 $0xFFFFC000  }
0x301: {  	_ =	swait.ge [sflag:s19], $0x4000  }
0x302: {  	[sflag:s19] =	ssyncset.done $0x0  }
0x303: {  	[sflag:s19] =	ssyncadd.s32 $0xFFFFC000  }
0x304: {  	_ =	swait.ge [sflag:s25], $0x80  }
0x305: {  	[sflag:s25] =	ssyncset.done $0x0  }
0x306: {  	[sflag:s25] =	ssyncadd.s32 $0xFFFFFF80  }
0x307: {  	_ =	swait.ge [sflag:s25], $0x80  }
0x308: {  	[sflag:s25] =	ssyncset.done $0x0  }
0x309: {  	[sflag:s25] =	ssyncadd.s32 $0xFFFFFF80  }
0x30a: {  	_ =	swait.ge [sflag:s25], $0x80  }
0x30b: {  	[sflag:s25] =	ssyncset.done $0x0  }
0x30c: {  	[sflag:s25] =	ssyncadd.s32 $0xFFFFFF80  }
0x30d: {  	_ =	swait.ge [sflag:s25], $0x80  }
0x30e: {  	[sflag:s25] =	ssyncset.done $0x0  }
0x30f: {  	[sflag:s25] =	ssyncadd.s32 $0xFFFFFF80  }
0x310: {  	_ =	swait.ge [sflag:s25], $0x80  }
0x311: {  	[sflag:s25] =	ssyncset.done $0x0  }
0x312: {  	[sflag:s25] =	ssyncadd.s32 $0xFFFFFF80  }
0x313: {  	_ =	swait.ge [sflag:s25], $0x80  }
0x314: {  	[sflag:s25] =	ssyncset.done $0x0  }
0x315: {  	[sflag:s25] =	ssyncadd.s32 $0xFFFFFF80  }
0x316: {  	_ =	swait.ge [sflag:s25], $0x80  }
0x317: {  	[sflag:s25] =	ssyncset.done $0x0  }
0x318: {  	[sflag:s25] =	ssyncadd.s32 $0xFFFFFF80  }
0x319: {  	_ =	swait.ge [sflag:s25], $0x80  }
0x31a: {  	[sflag:s25] =	ssyncset.done $0x0  }
0x31b: {  	[sflag:s25] =	ssyncadd.s32 $0xFFFFFF80  }
0x31c: {  	_ =	swait.ge [sflag:s25], $0x80  }
0x31d: {  	[sflag:s25] =	ssyncset.done $0x0  }
0x31e: {  	[sflag:s25] =	ssyncadd.s32 $0xFFFFFF80  }
0x31f: {  	_ =	swait.ge [sflag:s25], $0x80  }
0x320: {  	[sflag:s25] =	ssyncset.done $0x0  }
0x321: {  	[sflag:s25] =	ssyncadd.s32 $0xFFFFFF80  }
0x322: {  	_ =	swait.ge [sflag:s25], $0x80  }
0x323: {  	[sflag:s25] =	ssyncset.done $0x0  }
0x324: {  	[sflag:s25] =	ssyncadd.s32 $0xFFFFFF80  }
0x325: {  	_ =	swait.ge [sflag:s25], $0x80  }
0x326: {  	[sflag:s25] =	ssyncset.done $0x0  }
0x327: {  	[sflag:s25] =	ssyncadd.s32 $0xFFFFFF80  }
0x328: {  	_ =	swait.ge [sflag:s25], $0x80  }
0x329: {  	[sflag:s25] =	ssyncset.done $0x0  }
0x32a: {  	[sflag:s25] =	ssyncadd.s32 $0xFFFFFF80  }
0x32b: {  	_ =	swait.ge [sflag:s25], $0x80  }
0x32c: {  	[sflag:s25] =	ssyncset.done $0x0  }
0x32d: {  	[sflag:s25] =	ssyncadd.s32 $0xFFFFFF80  }
0x32e: {  	_ =	swait.ge [sflag:s25], $0x80  }
0x32f: {  	[sflag:s25] =	ssyncset.done $0x0  }
0x330: {  	[sflag:s25] =	ssyncadd.s32 $0xFFFFFF80  }
0x331: {  	_ =	swait.ge [sflag:s25], $0x80  }
0x332: {  	[sflag:s25] =	ssyncset.done $0x0  }
0x333: {  	[sflag:s25] =	ssyncadd.s32 $0xFFFFFF80  }
0x334: {  	s0 =	simm.s32 $0x11080;
	s31 =	simm.s32 $0x400;
	[bflag:$0x0] =	sbarrier.arrive $0xFFFF  }
0x335: {  	[tilespmem:s0], [sflag:$0x1] =	stream.indirect.gather [spmem:s2], $0x1, s31, s10, $0xb8;
	[tilespmem:$0x11280] =	vst v63  }
0x336: {  	s5 =	simm.s32 $0x11100  }
0x337: {  	[tilespmem:s5], [sflag:$0x2] =	stream.indirect.gather [spmem:s2], $0x1, s4, s10, $0xb8;
	[tilespmem:$0x11280] =	vst v63  }
0x338: {  	_ =	swait.ge [sflag:s13], $0x80  }
0x339: {  	s6 =	sld [smem:$0x7F4]  }
0x33a: {  	[sflag:s13] =	ssyncset.done $0x0  }
0x33b: {  	[sflag:s13] =	ssyncadd.s32 $0xFFFFFF80  }
0x33c: {  	[hbm4b:s6+s3] =	stream.linear.scatter [tilespmem:s0], [sflag:$0x9], $0x80, $0x38;
	[tilespmem:$0x11280] =	vst v63  }
0x33d: {  	_ =	swait.ge [sflag:s7], $0x80  }
0x33e: {  	[sflag:s7] =	ssyncset.done $0x0  }
0x33f: {  	[sflag:s7] =	ssyncadd.s32 $0xFFFFFF80  }
0x340: {  	[tilespmem:s0], [sflag:$0x1] =	stream.indirect.gather [spmem:s2], $0x1, s8, s10, $0xb8;
	[tilespmem:$0x11280] =	vst v63  }
0x341: {  	_ =	swait.ge [sflag:s17], $0x80  }
0x342: {  	s9 =	sld [smem:$0x7F5]  }
0x343: {  	[sflag:s17] =	ssyncset.done $0x0  }
0x344: {  	[sflag:s17] =	ssyncadd.s32 $0xFFFFFF80  }
0x345: {  	[hbm4b:s9+s3] =	stream.linear.scatter [tilespmem:s5], [sflag:$0x9], $0x80, $0x38;
	[tilespmem:$0x11280] =	vst v63  }
0x346: {  	_ =	swait.ge [sflag:s7], $0x80  }
0x347: {  	[sflag:s7] =	ssyncset.done $0x0  }
0x348: {  	[sflag:s7] =	ssyncadd.s32 $0xFFFFFF80  }
0x349: {  	[tilespmem:s5], [sflag:$0x2] =	stream.indirect.gather [spmem:s2], $0x1, s11, s10, $0xb8;
	[tilespmem:$0x11280] =	vst v63  }
0x34a: {  	_ =	swait.ge [sflag:s13], $0x80  }
0x34b: {  	s11 =	sld [smem:$0x7F6]  }
0x34c: {  	[sflag:s13] =	ssyncset.done $0x0  }
0x34d: {  	[sflag:s13] =	ssyncadd.s32 $0xFFFFFF80  }
0x34e: {  	[hbm4b:s11+s3] =	stream.linear.scatter [tilespmem:s0], [sflag:$0x9], $0x80, $0x38;
	[tilespmem:$0x11280] =	vst v63  }
0x34f: {  	_ =	swait.ge [sflag:s7], $0x80  }
0x350: {  	[sflag:s7] =	ssyncset.done $0x0  }
0x351: {  	[sflag:s7] =	ssyncadd.s32 $0xFFFFFF80  }
0x352: {  	[tilespmem:s0], [sflag:$0x1] =	stream.indirect.gather [spmem:s2], $0x1, s14, s10, $0xb8;
	[tilespmem:$0x11280] =	vst v63  }
0x353: {  	_ =	swait.ge [sflag:s17], $0x80  }
0x354: {  	s14 =	sld [smem:$0x7F7]  }
0x355: {  	[sflag:s17] =	ssyncset.done $0x0  }
0x356: {  	[sflag:s17] =	ssyncadd.s32 $0xFFFFFF80  }
0x357: {  	[hbm4b:s14+s3] =	stream.linear.scatter [tilespmem:s5], [sflag:$0x9], $0x80, $0x38;
	[tilespmem:$0x11280] =	vst v63  }
0x358: {  	_ =	swait.ge [sflag:s7], $0x80  }
0x359: {  	[sflag:s7] =	ssyncset.done $0x0  }
0x35a: {  	[sflag:s7] =	ssyncadd.s32 $0xFFFFFF80  }
0x35b: {  	[tilespmem:s5], [sflag:$0x2] =	stream.indirect.gather [spmem:s2], $0x1, s18, s10, $0xb8;
	[tilespmem:$0x11280] =	vst v63  }
0x35c: {  	_ =	swait.ge [sflag:s13], $0x80  }
0x35d: {  	s21 =	sld [smem:$0x7F8]  }
0x35e: {  	[sflag:s13] =	ssyncset.done $0x0  }
0x35f: {  	[sflag:s13] =	ssyncadd.s32 $0xFFFFFF80  }
0x360: {  	[hbm4b:s21+s3] =	stream.linear.scatter [tilespmem:s0], [sflag:$0x9], $0x80, $0x38;
	[tilespmem:$0x11280] =	vst v63  }
0x361: {  	_ =	swait.ge [sflag:s7], $0x80  }
0x362: {  	[sflag:s7] =	ssyncset.done $0x0  }
0x363: {  	[sflag:s7] =	ssyncadd.s32 $0xFFFFFF80  }
0x364: {  	[tilespmem:s0], [sflag:$0x1] =	stream.indirect.gather [spmem:s2], $0x1, s22, s10, $0xb8;
	[tilespmem:$0x11280] =	vst v63  }
0x365: {  	_ =	swait.ge [sflag:s17], $0x80  }
0x366: {  	s22 =	sld [smem:$0x7F9]  }
0x367: {  	[sflag:s17] =	ssyncset.done $0x0  }
0x368: {  	[sflag:s17] =	ssyncadd.s32 $0xFFFFFF80  }
0x369: {  	[hbm4b:s22+s3] =	stream.linear.scatter [tilespmem:s5], [sflag:$0x9], $0x80, $0x38;
	[tilespmem:$0x11280] =	vst v63  }
0x36a: {  	_ =	swait.ge [sflag:s7], $0x80  }
0x36b: {  	[sflag:s7] =	ssyncset.done $0x0  }
0x36c: {  	[sflag:s7] =	ssyncadd.s32 $0xFFFFFF80  }
0x36d: {  	[tilespmem:s5], [sflag:$0x2] =	stream.indirect.gather [spmem:s2], $0x1, s23, s10, $0xb8;
	[tilespmem:$0x11280] =	vst v63  }
0x36e: {  	_ =	swait.ge [sflag:s13], $0x80  }
0x36f: {  	s23 =	sld [smem:$0x7FA]  }
0x370: {  	[sflag:s13] =	ssyncset.done $0x0  }
0x371: {  	[sflag:s13] =	ssyncadd.s32 $0xFFFFFF80  }
0x372: {  	[hbm4b:s23+s3] =	stream.linear.scatter [tilespmem:s0], [sflag:$0x9], $0x80, $0x38;
	[tilespmem:$0x11280] =	vst v63  }
0x373: {  	_ =	swait.ge [sflag:s7], $0x80  }
0x374: {  	s16 =	sadd.s32 $0xFFFFFFFF, s16;
	[sflag:s7] =	ssyncset.done $0x0  }
0x375: {  	p2 =	sne.s32 s16, $0x0;
	[sflag:s7] =	ssyncadd.s32 $0xFFFFFF80  }
.Ltmp1:
0x376: {  	_ =	swait.ge [sflag:s17], $0x80;
	(pc) =	sbr.rel @p2 .LBB2_2-.Ltmp1, $4  }
0x377: {  	s31 =	sld [smem:$0x7FB]  }
0x378: {  	[sflag:s17] =	ssyncset.done $0x0  }
0x379: {  	[sflag:s17] =	ssyncadd.s32 $0xFFFFFF80  }
0x37a: {  	[hbm4b:s31+s3] =	stream.linear.scatter [tilespmem:s5], [sflag:$0x9], $0x80, $0x38;
	[tilespmem:$0x11280] =	vst v63  }
.LBB2_3:
0x37b: {  	_ =	swait.ge [sflag:s7], $0x80  }
0x37c: {  	s1 =	sld [smem:$0x7FC]  }
0x37d: {  	s3 =	sld [smem:$0x7FD]  }
0x37e: {  	s2 =	simm.s32 @!p1 $0x9;
	[sflag:s7] =	ssyncset.done $0x0  }
0x37f: {  	s0 =	rddreg [dreg:$0x8];
	[sflag:s7] =	ssyncadd.s32 $0xFFFFFF80;
	s1 =	sor.u32 @!p1 $0x1C09, s1  }
0x380: {  	[hbm:s0], [sflag:s1] =	dma.local @!p1 [spmem:s3], $0x200  }
0x381: {  	_ =	swait.ge @!p1 [sflag:s2], $0x200  }
0x382: {  	[sflag:s2] =	ssyncset.done @!p1 $0x0  }
0x383: {  	[sflag:s2] =	ssyncadd.s32 @!p1 $0xFFFFFE00  }
0x384: {  	_ =	sfence.sel $0x180000  }
0x385: {  	[bflag:$0x0] =	sbarrier.arrive $0xFFFF  }
0x386: {  	_ =	strace $0x90000047  }
0x387: {  	[bflag:$0x2] =	sbarrier.arrive $0xFFFF  }
0x388: {  	s0 =	rddreg [dreg:$0x6]  }
0x389: {  	s0 =	sadd.s32 @!p0 $0x100000, s0  }
0x38a: {  	[sflag:s0] =	ssyncadd.tile.s32 @!p0 $0x1;
	_ =	shalt  }
.Lfunc_end2:
_tile_overlayer_lowered:
.L_overlay_start_2:
0x38b: {  	(tag) =	ssettag $0x2  }
0x38c: {  	s0 =	rddreg [dreg:$0x0];
	s2 =	stileid.u32  }
0x38d: {  	s1 =	rddreg [dreg:$0x1];
	p0 =	sne.s32 s2, $0x0  }
0x38e: {  	s3 =	rddreg [dreg:$0x2];
	[bflag:$0x3] =	sbarrier.arrive $0xFFFF;
	s2 =	simm.s32 @!p0 $0x1C09  }
0x38f: {  	[timem:s3], [sflag:s2] =	dma.local @!p0 [hbm:s0], s1  }
0x390: {  	s0 =	simm.s32 @!p0 $0x9  }
0x391: {  	_ =	swait.ge @!p0 [sflag:s0], s1  }
0x392: {  	s1 =	ssub.s32 @!p0 $0x0, s1;
	[sflag:s0] =	ssyncset.done @!p0 $0x0  }
0x393: {  	[sflag:s0] =	ssyncadd.s32 @!p0 s1  }
0x394: {  	[bflag:$0x3] =	sbarrier.arrive $0xFFFF  }
0x395: {  	_ =	shalt  }

// kernel: kernel.9.cloned.1.call-start
scs
__scs_entry_jumppad:
0x0: {  	(pc) =	sbr.rel $0x88, $3  }
0x1: {  	(tag) =	ssettag $0x0;
	lr =	simm.s32 $0x1  }
0x2: {  	[smem:$0x3F97] =	sst lr;
	_ =	strace $0xD0000000  }
0x3: {  	_ = 	snop  }
0x4: {  	_ = 	snop  }
0x5: {  	_ = 	snop  }
0x6: {  	_ = 	snop  }
0x7: {  	_ = 	snop  }
__scs_overlays_trampoline_lowered:
0x8: {  	[smem:$0x3FA6] =	sst s0  }
0x9: {  	[smem:$0x3FA7] =	sst s1  }
0xa: {  	[smem:$0x3FA8] =	sst s2  }
0xb: {  	[smem:$0x3FA9] =	sst s3  }
0xc: {  	[smem:$0x3FAA] =	sst s4  }
0xd: {  	[smem:$0x3FAB] =	sst s5  }
0xe: {  	[smem:$0x3FAC] =	sst s6  }
0xf: {  	[smem:$0x3FAD] =	sst s7  }
0x10: {  	[smem:$0x3FAE] =	sst s8  }
0x11: {  	[smem:$0x3FAF] =	sst s9;
	s0 =	simm.s32 @!p0 $0x0  }
0x12: {  	s1 =	sld [smem:$0x3F95];
	s0 =	simm.s32 @p0 $0x1  }
0x13: {  	[smem:$0x3FB0] =	sst s0;
	s0 =	simm.s32 @!p1 $0x0  }
0x14: {  	s2 =	sld [smem:$0x3F94];
	s0 =	simm.s32 @p1 $0x1  }
0x15: {  	[smem:$0x3FB1] =	sst s0;
	s0 =	simm.s32 @!p2 $0x0  }
0x16: {  	s3 =	sld [smem:$0x3FDB];
	s0 =	simm.s32 @p2 $0x1  }
0x17: {  	s4 =	simm.s32 $0x1BF5;
	[smem:$0x3FB3] =	sst s0  }
0x18: {  	s0 =	sld [smem:$0x3F96];
	_ =	swait.ge [sflag:s4], $0x0  }
0x19: {  	s7 =	sld [smem:$0x3F97]  }
0x1a: {  	s8 =	sadd.s32 $0xFFFFE003, lr  }
0x1b: {  	s9 =	sadd.s32 $0xFFFFFEF7, lr;
	s5 =	simm.s32 $0xFFFFFFFF;
	p2 =	slt.u32 s8, $0xFFFFF086  }
0x1c: {  	p1 =	slt.u32 s9, $0xF7A;
	s5 =	simm.s32 @!p2 $0x0  }
0x1d: {  	s5 =	simm.s32 @p1 $0x1;
	p0 =	seq.s32 s7, s2  }
0x1e: {  	s7 =	smul.u32 @!p0 $0xF7A, s2;
	p2 =	seq.s32 @!p0 s5, $0x0  }
0x1f: {  	s9 =	smul.u32 $0xF7A, s1;
	s8 =	simm.s32 @!p0 $0x1BF5;
	p2 =	por !p2, p0  }
0x20: {  	[sflag:s8] =	ssyncset.s32 @!p0 $0xFFFFF086;
	s6 =	sadd.s32 @!p0 s3, s7;
	s7 =	simm.s32 @!p0 $0x108  }
0x21: {  	s3 =	sadd.s32 s3, s9;
	s6 =	sadd.s32 @!p0 $0x88, s6;
	s7 =	simm.s32 @p2 $0x1082  }
0x22: {  	[simem:s7], [sflag:s8] =	dma.local @!p0 [hbm:s6], $0xF7A  }
0x23: {  	s9 =	sor.u32 $0xD0000000, s2;
	s6 =	simm.s32 $0x108;
	_ =	swait.ge @!p0 [sflag:s8], $0x0  }
0x24: {  	s3 =	sadd.s32 $0x88, s3;
	s6 =	simm.s32 @!p1 $0x1082;
	[sflag:s4] =	ssyncset.s32 $0xFFFFF086  }
0x25: {  	[simem:s6], [sflag:s4] =	dma.local [hbm:s3], $0xF7A  }
0x26: {  	[smem:$0x3F97] =	sst s1;
	(tag) =	ssettag s2;
	_ =	strace s9  }
0x27: {  	s1 =	sld [smem:$0x3FA7]  }
0x28: {  	s2 =	sld [smem:$0x3FA8]  }
0x29: {  	s4 =	sld [smem:$0x3FAA]  }
0x2a: {  	p0 =	seq.s32 s5, $0x0;
	s5 =	sld [smem:$0x3FAB]  }
0x2b: {  	s6 =	sld [smem:$0x3FAC]  }
0x2c: {  	s7 =	sld [smem:$0x3FAD]  }
0x2d: {  	s3 =	simm.s32 $0x108;
	s8 =	sld [smem:$0x3FAE]  }
0x2e: {  	s3 =	simm.s32 @!p0 $0x1082;
	s9 =	sld [smem:$0x3FAF]  }
0x2f: {  	lr =	sadd.s32 s0, s3;
	s0 =	sld [smem:$0x3FA6]  }
0x30: {  	s3 =	sld [smem:$0x3FA9]  }
0x31: {  	[smem:$0x3FB2] =	sst s10  }
0x32: {  	s10 =	sld [smem:$0x3FB0];
	_ =	sdelay $0x3  }
0x33: {  	p0 =	seq.s32 s10, $0x1;
	s10 =	sld [smem:$0x3FB2];
	_ =	sdelay $0x3  }
0x34: {  	[smem:$0x3FB2] =	sst s10  }
0x35: {  	s10 =	sld [smem:$0x3FB1];
	_ =	sdelay $0x3  }
0x36: {  	p1 =	seq.s32 s10, $0x1;
	s10 =	sld [smem:$0x3FB2];
	_ =	sdelay $0x3  }
0x37: {  	[smem:$0x3FB2] =	sst s10  }
0x38: {  	s10 =	sld [smem:$0x3FB3]  }
0x39: {  	_ = 	snop;
	(pc) =	sbr.ind lr, $3  }
0x3a: {  	_ = 	snop  }
0x3b: {  	_ = 	snop  }
0x3c: {  	p2 =	seq.s32 s10, $0x1;
	s10 =	sld [smem:$0x3FB2]  }
0x3d: {  	_ =	shalt  }
0x3e: {  	_ =	shalt  }
0x3f: {  	_ =	shalt  }
0x40: {  	_ =	shalt  }
0x41: {  	_ =	shalt  }
0x42: {  	_ =	shalt  }
0x43: {  	_ =	shalt  }
0x44: {  	_ =	shalt  }
0x45: {  	_ =	shalt  }
0x46: {  	_ =	shalt  }
0x47: {  	_ =	shalt  }
0x48: {  	_ =	shalt  }
0x49: {  	_ =	shalt  }
0x4a: {  	_ =	shalt  }
0x4b: {  	_ =	shalt  }
0x4c: {  	_ =	shalt  }
0x4d: {  	_ =	shalt  }
0x4e: {  	_ =	shalt  }
0x4f: {  	_ =	shalt  }
0x50: {  	_ =	shalt  }
0x51: {  	_ =	shalt  }
0x52: {  	_ =	shalt  }
0x53: {  	_ =	shalt  }
0x54: {  	_ =	shalt  }
0x55: {  	_ =	shalt  }
0x56: {  	_ =	shalt  }
0x57: {  	_ =	shalt  }
0x58: {  	_ =	shalt  }
0x59: {  	_ =	shalt  }
0x5a: {  	_ =	shalt  }
0x5b: {  	_ =	shalt  }
0x5c: {  	_ =	shalt  }
0x5d: {  	_ =	shalt  }
0x5e: {  	_ =	shalt  }
0x5f: {  	_ =	shalt  }
0x60: {  	_ =	shalt  }
0x61: {  	_ =	shalt  }
0x62: {  	_ =	shalt  }
0x63: {  	_ =	shalt  }
0x64: {  	_ =	shalt  }
0x65: {  	_ =	shalt  }
0x66: {  	_ =	shalt  }
0x67: {  	_ =	shalt  }
0x68: {  	_ =	shalt  }
0x69: {  	_ =	shalt  }
0x6a: {  	_ =	shalt  }
0x6b: {  	_ =	shalt  }
0x6c: {  	_ =	shalt  }
0x6d: {  	_ =	shalt  }
0x6e: {  	_ =	shalt  }
0x6f: {  	_ =	shalt  }
0x70: {  	_ =	shalt  }
0x71: {  	_ =	shalt  }
0x72: {  	_ =	shalt  }
0x73: {  	_ =	shalt  }
0x74: {  	_ =	shalt  }
0x75: {  	_ =	shalt  }
0x76: {  	_ =	shalt  }
0x77: {  	_ =	shalt  }
0x78: {  	_ =	shalt  }
0x79: {  	_ =	shalt  }
0x7a: {  	_ =	shalt  }
0x7b: {  	_ =	shalt  }
0x7c: {  	_ =	shalt  }
0x7d: {  	_ =	shalt  }
0x7e: {  	_ =	shalt  }
0x7f: {  	_ =	shalt  }
0x80: {  	_ =	shalt  }
0x81: {  	_ =	shalt  }
0x82: {  	_ =	shalt  }
0x83: {  	_ =	shalt  }
0x84: {  	_ =	shalt  }
0x85: {  	_ =	shalt  }
0x86: {  	_ =	shalt  }
0x87: {  	_ =	shalt  }
.Lfunc_end0:
.L_simem_size_0:
called_computation.1_lowered:
.L_overlay_start_0:
0x88: {  	s2 =	sld [smem:$0x3FD9]  }
0x89: {  	s3 =	sld [smem:$0x3FFE];
	_ =	sdelay $0x1  }
0x8a: {  	s1 =	srdreg.scid  }
0x8b: {  	s0 =	sand.u32 $0x1, s1  }
0x8c: {  	s17 =	sshll.u32 s0, $0xA;
	s2 =	sadd.s32 s3, s2  }
0x8d: {  	s2 =	sadd.s32 s2, s17  }
0x8e: {  	[smem:$0x3FBE] =	sst s2  }
0x8f: {  	_ = 	snop  }
0x90: {  	s2 =	sld [smem:$0x3FC9];
	(tm) =	ssettm $0x1  }
0x91: {  	s18 =	sld [smem:$0x3FFB];
	_ =	sdelay $0x3  }
0x92: {  	_ =	strace s18  }
0x93: {  	s3 =	sld [smem:$0x3FFC];
	_ =	sdelay $0x3  }
0x94: {  	_ =	strace s3  }
0x95: {  	s3 =	sld [smem:$0x3FFD];
	_ =	sdelay $0x3  }
0x96: {  	_ =	strace s3  }
0x97: {  	_ =	strace $0x8FFFFFFF  }
0x98: {  	s19 =	sld [smem:$0x3FDB];
	_ =	sdelay $0x1  }
0x99: {  	s4 =	simm.s32 $_scs_section_size  }
0x9a: {  	s5 =	simm.s32 $_size__tile_overlayer_lowered;
	s6 =	simm.s32 $_tile_overlayer_lowered  }
0x9b: {  	s22 =	simm.s32 $0x1BFF;
	s21 =	sshll.u32 s6, $0x1;
	s3 =	sadd.s32 s4, s19  }
0x9c: {  	s7 =	simm.s32 $0x0;
	s20 =	sshll.u32 s5, $0x1;
	s5 =	sadd.s32 s21, s3  }
0x9d: {  	[timem:s7], [sflag:s22] =	dma.local [hbm:s5], s20  }
0x9e: {  	_ =	swait.ge [sflag:s22], s20  }
0x9f: {  	s4 =	ssub.s32 $0x0, s20;
	[sflag:s22] =	ssyncset.done $0x0  }
0xa0: {  	[sflag:s22] =	ssyncadd.s32 s4;
	_ =	sdelay $0x1  }
0xa1: {  	s23 =	simm.s32 $0x1B8B  }
0xa2: {  	_ =	swait.ge [sflag:s23], $0x1  }
0xa3: {  	[sflag:s23] =	ssyncset.done $0x0  }
0xa4: {  	s25 =	simm.s32 $0x1B8E;
	s24 =	sld [smem:$0x3FFE];
	[sflag:s23] =	ssyncadd.s32 $0xFFFFFFFF  }
0xa5: {  	s26 =	simm.s32 $execute0_lowered;
	[smem:$0x3FD2] =	sst s25  }
0xa6: {  	s5 =	sshll.u32 s26, $0x1;
	_ =	strace $0x80000049;
	[dreg:$0x1] =	wrdreg $0xFFFFFFFF  }
0xa7: {  	s28 =	simm.s32 $_size_execute0_lowered;
	s3 =	sadd.s32 s3, s5;
	[dreg:$0x0] =	wrdreg $0x0  }
0xa8: {  	s5 =	sshll.u32 s28, $0x1;
	[dreg:$0x2] =	wrdreg s3  }
0xa9: {  	[dreg:$0x3] =	wrdreg s5  }
0xaa: {  	[dreg:$0x4] =	wrdreg $0xC0  }
0xab: {  	_ =	task [dreg:s7], $0x5FFFF  }
0xac: {  	[dreg:$0x1] =	wrdreg $0xFFFFFFFF  }
0xad: {  	[dreg:$0x0] =	wrdreg $0x60  }
0xae: {  	[dreg:$0x2] =	wrdreg s24  }
0xaf: {  	[dreg:$0x3] =	wrdreg s2  }
0xb0: {  	[dreg:$0x4] =	wrdreg $0x81000  }
0xb1: {  	[dreg:$0x5] =	wrdreg $0x9  }
0xb2: {  	_ =	task.clear_ibuf [dreg:s7], $0x6FFFF;
	_ =	strace $0x90000049  }
0xb3: {  	s29 =	simm.s32 $0x9;
	_ =	strace $0x8000004B  }
0xb4: {  	_ =	swait.ge [sflag:s29], $0x1  }
0xb5: {  	[sflag:s29] =	ssyncadd.s32 $0xFFFFFFFF  }
0xb6: {  	_ =	strace $0x9000004B  }
0xb7: {  	_ =	sfence  }
0xb8: {  	s30 =	sld [smem:$0x0];
	_ =	sdelay $0x2  }
0xb9: {  	s31 =	sshll.u32 s1, $0xD;
	s1 =	sshrl.u32 s1, $0x2  }
0xba: {  	s3 =	sand.u32 $0x4000, s31;
	s1 =	sadd.s32 s1, s30  }
0xbb: {  	s0 =	sor.u32 s3, s0;
	s1 =	sshll.u32 s1, $0x11  }
0xbc: {  	s0 =	sor.u32 s1, s0  }
0xbd: {  	s0 =	sadd.s32 $0x8F2B, s0  }
0xbe: {  	[sflag:s0] =	ssyncadd.remote.s32 $0x1  }
0xbf: {  	_ =	sfence.sel $0xFFFF  }
0xc0: {  	[dreg:$0x0] =	wrdreg $0xFFFFFFFF;
	(pc) =	sbr.abs _section_cstart, $3  }
0xc1: {  	[dreg:$0x1] =	wrdreg $0xFFFFFFFF  }
0xc2: {  	_ =	task.clear_ibuf [dreg:s7], $0x2FFFF;
	_ =	strace $0x9FFFFFFF  }
0xc3: {  	(tm) =	ssettm $0x7FFFFFFF  }
tec
execute0_lowered:
.L_overlay_start_1:
0x0: {  	(tag) =	ssettag $0x1  }
0x1: {  	s29 =	rddreg [dreg:$0x0]  }
0x2: {  	s26 =	rddreg [dreg:$0x1]  }
0x3: {  	s1 =	rddreg [dreg:$0x2];
	s2 =	simm.s32 $0x0;
	s24 =	srdreg.scid  }
0x4: {  	s6 =	stileid.u32;
	[smem:$0x7FF] =	sst s2  }
0x5: {  	s3 =	sadd.s32 $0x83000, s29;
	s30 =	sand.u32 $0x1, s24;
	p0 =	sne.s32 s6, $0x0  }
0x6: {  	_ =	strace $0x8000004A;
	[dreg:$0x4] =	wrdreg s3;
	s3 =	simm.s32 @!p0 $0x3  }
0x7: {  	s4 =	sshrl.u32 @!p0 s1, $0x3;
	s5 =	simm.s32 @!p0 $0x1C03;
	s7 =	rddreg [dreg:$0x4]  }
0x8: {  	[spmem:s4], [sflag:s5] =	dma.local @!p0 [hbm:s7], $0x10000  }
0x9: {  	s6 =	sshll.u32 s6, $0xB;
	s25 =	sshll.u32 s30, $0xA;
	_ =	swait.ge @!p0 [sflag:s3], $0x10000  }
0xa: {  	s31 =	sor.u32 s25, s6;
	[sflag:s3] =	ssyncset.done @!p0 $0x0  }
0xb: {  	s6 =	sshrl.u32 s31, $0x3;
	[sflag:s3] =	ssyncadd.s32 @!p0 $0xFFFF0000  }
0xc: {  	s7 =	simm.s32 $0x3;
	s6 =	sadd.s32 s26, s6;
	[bflag:$0x0] =	sbarrier.arrive $0xFFFF  }
0xd: {  	[tilespmem:s2], [sflag:$0x3] =	stream.linear.gather [hbm4b:s6+s2], $0x80, $0x38;
	[tilespmem:$0x10100] =	vst v63  }
0xe: {  	s9 =	simm.s32 $0x100;
	s28 =	sadd.s32 $0x3000, s29;
	_ =	swait.ge [sflag:s7], $0x80  }
0xf: {  	s8 =	sshll.u32 s31, $0x4;
	s12 =	sor.u32 $0x80, s31;
	[sflag:s7] =	ssyncset.done $0x0  }
0x10: {  	s8 =	sadd.s32 s28, s8;
	s10 =	sshrl.u32 s12, $0x3;
	[sflag:s7] =	ssyncadd.s32 $0xFFFFFF80  }
0x11: {  	[tilespmem:s9], [sflag:$0x1] =	stream.linear.gather [hbm4b:s8+s2], $0x4000, $0x38;
	[tilespmem:$0x10100] =	vst v63  }
0x12: {  	s11 =	simm.s32 $0x80;
	s10 =	sadd.s32 s26, s10  }
0x13: {  	[tilespmem:s11], [sflag:$0x3] =	stream.linear.gather [hbm4b:s10+s2], $0x80, $0x38;
	[tilespmem:$0x10100] =	vst v63  }
0x14: {  	_ =	swait.ge [sflag:s7], $0x80  }
0x15: {  	s13 =	simm.s32 $0x4100;
	s12 =	sshll.u32 s12, $0x4;
	[sflag:s7] =	ssyncset.done $0x0  }
0x16: {  	s14 =	simm.s32 $0x1;
	s12 =	sadd.s32 s28, s12;
	[sflag:s7] =	ssyncadd.s32 $0xFFFFFF80  }
0x17: {  	[tilespmem:s13], [sflag:$0x2] =	stream.linear.gather [hbm4b:s12+s2], $0x4000, $0x38;
	[tilespmem:$0x10100] =	vst v63  }
0x18: {  	_ =	swait.ge [sflag:s14], $0x4000  }
0x19: {  	[sflag:s14] =	ssyncset.done $0x0  }
0x1a: {  	[sflag:s14] =	ssyncadd.s32 $0xFFFFC000  }
0x1b: {  	[spmem:s1] =	stream.indirect.scatter.add.f32 [tilespmem:s9], [sflag:$0x3], $0x80, s2, s11, $0xb8;
	[tilespmem:$0x10100] =	vst v63  }
0x1c: {  	s16 =	sor.u32 $0x100, s31;
	_ =	swait.ge [sflag:s7], $0x4000  }
0x1d: {  	s15 =	sshrl.u32 s16, $0x3;
	[sflag:s7] =	ssyncset.done $0x0  }
0x1e: {  	s15 =	sadd.s32 s26, s15;
	[sflag:s7] =	ssyncadd.s32 $0xFFFFC000  }
0x1f: {  	[tilespmem:s2], [sflag:$0x3] =	stream.linear.gather [hbm4b:s15+s2], $0x80, $0x38;
	[tilespmem:$0x10100] =	vst v63  }
0x20: {  	_ =	swait.ge [sflag:s7], $0x80  }
0x21: {  	s16 =	sshll.u32 s16, $0x4;
	[sflag:s7] =	ssyncset.done $0x0  }
0x22: {  	s17 =	simm.s32 $0x2;
	s16 =	sadd.s32 s28, s16;
	[sflag:s7] =	ssyncadd.s32 $0xFFFFFF80  }
0x23: {  	[tilespmem:s9], [sflag:$0x1] =	stream.linear.gather [hbm4b:s16+s2], $0x4000, $0x38;
	[tilespmem:$0x10100] =	vst v63  }
0x24: {  	_ =	swait.ge [sflag:s17], $0x4000  }
0x25: {  	[sflag:s17] =	ssyncset.done $0x0  }
0x26: {  	[sflag:s17] =	ssyncadd.s32 $0xFFFFC000  }
0x27: {  	[spmem:s1] =	stream.indirect.scatter.add.f32 [tilespmem:s13], [sflag:$0x3], $0x80, s11, s11, $0xb8;
	[tilespmem:$0x10100] =	vst v63  }
0x28: {  	s19 =	sor.u32 $0x180, s31;
	_ =	swait.ge [sflag:s7], $0x4000  }
0x29: {  	s18 =	sshrl.u32 s19, $0x3;
	[sflag:s7] =	ssyncset.done $0x0  }
0x2a: {  	s18 =	sadd.s32 s26, s18;
	[sflag:s7] =	ssyncadd.s32 $0xFFFFC000  }
0x2b: {  	[tilespmem:s11], [sflag:$0x3] =	stream.linear.gather [hbm4b:s18+s2], $0x80, $0x38;
	[tilespmem:$0x10100] =	vst v63  }
0x2c: {  	_ =	swait.ge [sflag:s7], $0x80  }
0x2d: {  	s19 =	sshll.u32 s19, $0x4;
	[sflag:s7] =	ssyncset.done $0x0  }
0x2e: {  	s19 =	sadd.s32 s28, s19;
	[sflag:s7] =	ssyncadd.s32 $0xFFFFFF80  }
0x2f: {  	[tilespmem:s13], [sflag:$0x2] =	stream.linear.gather [hbm4b:s19+s2], $0x4000, $0x38;
	[tilespmem:$0x10100] =	vst v63  }
0x30: {  	_ =	swait.ge [sflag:s14], $0x4000  }
0x31: {  	[sflag:s14] =	ssyncset.done $0x0  }
0x32: {  	[sflag:s14] =	ssyncadd.s32 $0xFFFFC000  }
0x33: {  	[spmem:s1] =	stream.indirect.scatter.add.f32 [tilespmem:s9], [sflag:$0x3], $0x80, s2, s11, $0xb8;
	[tilespmem:$0x10100] =	vst v63  }
0x34: {  	s21 =	sor.u32 $0x200, s31;
	_ =	swait.ge [sflag:s7], $0x4000  }
0x35: {  	s20 =	sshrl.u32 s21, $0x3;
	[sflag:s7] =	ssyncset.done $0x0  }
0x36: {  	s20 =	sadd.s32 s26, s20;
	[sflag:s7] =	ssyncadd.s32 $0xFFFFC000  }
0x37: {  	[tilespmem:s2], [sflag:$0x3] =	stream.linear.gather [hbm4b:s20+s2], $0x80, $0x38;
	[tilespmem:$0x10100] =	vst v63  }
0x38: {  	_ =	swait.ge [sflag:s7], $0x80  }
0x39: {  	s21 =	sshll.u32 s21, $0x4;
	[sflag:s7] =	ssyncset.done $0x0  }
0x3a: {  	s21 =	sadd.s32 s28, s21;
	[sflag:s7] =	ssyncadd.s32 $0xFFFFFF80  }
0x3b: {  	[tilespmem:s9], [sflag:$0x1] =	stream.linear.gather [hbm4b:s21+s2], $0x4000, $0x38;
	[tilespmem:$0x10100] =	vst v63  }
0x3c: {  	_ =	swait.ge [sflag:s17], $0x4000  }
0x3d: {  	[sflag:s17] =	ssyncset.done $0x0  }
0x3e: {  	[sflag:s17] =	ssyncadd.s32 $0xFFFFC000  }
0x3f: {  	[spmem:s1] =	stream.indirect.scatter.add.f32 [tilespmem:s13], [sflag:$0x3], $0x80, s11, s11, $0xb8;
	[tilespmem:$0x10100] =	vst v63  }
0x40: {  	s23 =	sor.u32 $0x280, s31;
	_ =	swait.ge [sflag:s7], $0x4000  }
0x41: {  	s22 =	sshrl.u32 s23, $0x3;
	[sflag:s7] =	ssyncset.done $0x0  }
0x42: {  	s22 =	sadd.s32 s26, s22;
	[sflag:s7] =	ssyncadd.s32 $0xFFFFC000  }
0x43: {  	[tilespmem:s11], [sflag:$0x3] =	stream.linear.gather [hbm4b:s22+s2], $0x80, $0x38;
	[tilespmem:$0x10100] =	vst v63  }
0x44: {  	_ =	swait.ge [sflag:s7], $0x80  }
0x45: {  	s23 =	sshll.u32 s23, $0x4;
	[sflag:s7] =	ssyncset.done $0x0  }
0x46: {  	s23 =	sadd.s32 s28, s23;
	[sflag:s7] =	ssyncadd.s32 $0xFFFFFF80  }
0x47: {  	[tilespmem:s13], [sflag:$0x2] =	stream.linear.gather [hbm4b:s23+s2], $0x4000, $0x38;
	[tilespmem:$0x10100] =	vst v63  }
0x48: {  	_ =	swait.ge [sflag:s14], $0x4000  }
0x49: {  	[sflag:s14] =	ssyncset.done $0x0  }
0x4a: {  	[sflag:s14] =	ssyncadd.s32 $0xFFFFC000  }
0x4b: {  	[spmem:s1] =	stream.indirect.scatter.add.f32 [tilespmem:s9], [sflag:$0x3], $0x80, s2, s11, $0xb8;
	[tilespmem:$0x10100] =	vst v63  }
0x4c: {  	s25 =	sor.u32 $0x300, s31;
	_ =	swait.ge [sflag:s7], $0x4000  }
0x4d: {  	s24 =	sshrl.u32 s25, $0x3;
	[sflag:s7] =	ssyncset.done $0x0  }
0x4e: {  	s24 =	sadd.s32 s26, s24;
	[sflag:s7] =	ssyncadd.s32 $0xFFFFC000  }
0x4f: {  	[tilespmem:s2], [sflag:$0x3] =	stream.linear.gather [hbm4b:s24+s2], $0x80, $0x38;
	[tilespmem:$0x10100] =	vst v63  }
0x50: {  	_ =	swait.ge [sflag:s7], $0x80  }
0x51: {  	s25 =	sshll.u32 s25, $0x4;
	[sflag:s7] =	ssyncset.done $0x0  }
0x52: {  	s25 =	sadd.s32 s28, s25;
	[sflag:s7] =	ssyncadd.s32 $0xFFFFFF80  }
0x53: {  	[tilespmem:s9], [sflag:$0x1] =	stream.linear.gather [hbm4b:s25+s2], $0x4000, $0x38;
	[tilespmem:$0x10100] =	vst v63  }
0x54: {  	_ =	swait.ge [sflag:s17], $0x4000  }
0x55: {  	[sflag:s17] =	ssyncset.done $0x0  }
0x56: {  	[sflag:s17] =	ssyncadd.s32 $0xFFFFC000  }
0x57: {  	[spmem:s1] =	stream.indirect.scatter.add.f32 [tilespmem:s13], [sflag:$0x3], $0x80, s11, s11, $0xb8;
	[tilespmem:$0x10100] =	vst v63  }
0x58: {  	s31 =	sor.u32 $0x380, s31;
	_ =	swait.ge [sflag:s7], $0x4000  }
0x59: {  	s0 =	sshrl.u32 s31, $0x3;
	[sflag:s7] =	ssyncset.done $0x0  }
0x5a: {  	s26 =	sadd.s32 s26, s0;
	[sflag:s7] =	ssyncadd.s32 $0xFFFFC000  }
0x5b: {  	[tilespmem:s11], [sflag:$0x3] =	stream.linear.gather [hbm4b:s26+s2], $0x80, $0x38;
	[tilespmem:$0x10100] =	vst v63  }
0x5c: {  	_ =	swait.ge [sflag:s7], $0x80  }
0x5d: {  	s0 =	sshll.u32 s31, $0x4;
	[sflag:s7] =	ssyncset.done $0x0  }
0x5e: {  	s28 =	sadd.s32 s28, s0;
	[sflag:s7] =	ssyncadd.s32 $0xFFFFFF80  }
0x5f: {  	[tilespmem:s13], [sflag:$0x2] =	stream.linear.gather [hbm4b:s28+s2], $0x4000, $0x38;
	[tilespmem:$0x10100] =	vst v63  }
0x60: {  	_ =	swait.ge [sflag:s14], $0x4000  }
0x61: {  	[sflag:s14] =	ssyncset.done $0x0  }
0x62: {  	[sflag:s14] =	ssyncadd.s32 $0xFFFFC000  }
0x63: {  	[spmem:s1] =	stream.indirect.scatter.add.f32 [tilespmem:s9], [sflag:$0x3], $0x80, s2, s11, $0xb8;
	[tilespmem:$0x10100] =	vst v63  }
0x64: {  	_ =	swait.ge [sflag:s7], $0x4000  }
0x65: {  	s0 =	ssub.s32 $0x2, s30;
	[sflag:s7] =	ssyncset.done $0x0  }
0x66: {  	s31 =	sshrl.u32 s0, $0x1;
	[sflag:s7] =	ssyncadd.s32 $0xFFFFC000  }
0x67: {  	s0 =	ssub.s32 s0, s31;
	_ =	swait.ge [sflag:s17], $0x4000  }
0x68: {  	s30 =	sshll.u32 s30, $0x10;
	s0 =	smax.u32 s0, $0x1;
	[sflag:s17] =	ssyncset.done $0x0  }
0x69: {  	s29 =	sadd.s32 s30, s29;
	s30 =	sadd.s32 $0xFFFFFFFF, s0;
	[sflag:s17] =	ssyncadd.s32 $0xFFFFC000  }
0x6a: {  	[spmem:s1] =	stream.indirect.scatter.add.f32 [tilespmem:s13], [sflag:$0x3], $0x80, s11, s11, $0xb8;
	[tilespmem:$0x10100] =	vst v63  }
0x6b: {  	p1 =	sne.s32 s30, $0x0;
	_ =	swait.ge [sflag:s7], $0x4000  }
.Ltmp0:
0x6c: {  	[sflag:s7] =	ssyncset.done $0x0;
	(pc) =	sbr.rel @!p1 .LBB2_1-.Ltmp0, $4  }
0x6d: {  	[sflag:s7] =	ssyncadd.s32 $0xFFFFC000  }
0x6e: {  	s29 =	sadd.s32 $0x93000, s29;
	[bflag:$0x0] =	sbarrier.arrive $0xFFFF  }
0x6f: {  	[hbm:s29], [sflag:s5] =	dma.local @!p0 [spmem:s4], $0x10000  }
0x70: {  	s31 =	simm.s32 @!p0 $0x3;
	_ =	swait.ge @!p0 [sflag:s3], $0x10000  }
.LBB2_2:
0x71: {  	[sflag:s31] =	ssyncset.done @!p0 $0x0  }
0x72: {  	s0 =	rddreg [dreg:$0x4];
	[sflag:s31] =	ssyncadd.s32 @!p0 $0xFFFF0000  }
0x73: {  	[spmem:s4], [sflag:s5] =	dma.local @!p0 [hbm:s0], $0x10000  }
0x74: {  	s31 =	smov.u32 s3;
	_ =	swait.ge @!p0 [sflag:s3], $0x10000  }
0x75: {  	[sflag:s31] =	ssyncset.done @!p0 $0x0  }
0x76: {  	[sflag:s31] =	ssyncadd.s32 @!p0 $0xFFFF0000  }
0x77: {  	[bflag:$0x0] =	sbarrier.arrive $0xFFFF  }
0x78: {  	[tilespmem:s2], [sflag:$0x3] =	stream.linear.gather [hbm4b:s6+s2], $0x80, $0x38;
	[tilespmem:$0x10100] =	vst v63  }
0x79: {  	_ =	swait.ge [sflag:s7], $0x80  }
0x7a: {  	[sflag:s7] =	ssyncset.done $0x0  }
0x7b: {  	[sflag:s7] =	ssyncadd.s32 $0xFFFFFF80  }
0x7c: {  	[tilespmem:s9], [sflag:$0x1] =	stream.linear.gather [hbm4b:s8+s2], $0x4000, $0x38;
	[tilespmem:$0x10100] =	vst v63  }
0x7d: {  	_ = 	snop  }
0x7e: {  	[tilespmem:s11], [sflag:$0x3] =	stream.linear.gather [hbm4b:s10+s2], $0x80, $0x38;
	[tilespmem:$0x10100] =	vst v63  }
0x7f: {  	_ =	swait.ge [sflag:s7], $0x80  }
0x80: {  	[sflag:s7] =	ssyncset.done $0x0  }
0x81: {  	[sflag:s7] =	ssyncadd.s32 $0xFFFFFF80  }
0x82: {  	[tilespmem:s13], [sflag:$0x2] =	stream.linear.gather [hbm4b:s12+s2], $0x4000, $0x38;
	[tilespmem:$0x10100] =	vst v63  }
0x83: {  	_ =	swait.ge [sflag:s14], $0x4000  }
0x84: {  	[sflag:s14] =	ssyncset.done $0x0  }
0x85: {  	[sflag:s14] =	ssyncadd.s32 $0xFFFFC000  }
0x86: {  	[spmem:s1] =	stream.indirect.scatter.add.f32 [tilespmem:s9], [sflag:$0x3], $0x80, s2, s11, $0xb8;
	[tilespmem:$0x10100] =	vst v63  }
0x87: {  	_ =	swait.ge [sflag:s7], $0x4000  }
0x88: {  	[sflag:s7] =	ssyncset.done $0x0  }
0x89: {  	[sflag:s7] =	ssyncadd.s32 $0xFFFFC000  }
0x8a: {  	[tilespmem:s2], [sflag:$0x3] =	stream.linear.gather [hbm4b:s15+s2], $0x80, $0x38;
	[tilespmem:$0x10100] =	vst v63  }
0x8b: {  	_ =	swait.ge [sflag:s7], $0x80  }
0x8c: {  	[sflag:s7] =	ssyncset.done $0x0  }
0x8d: {  	[sflag:s7] =	ssyncadd.s32 $0xFFFFFF80  }
0x8e: {  	[tilespmem:s9], [sflag:$0x1] =	stream.linear.gather [hbm4b:s16+s2], $0x4000, $0x38;
	[tilespmem:$0x10100] =	vst v63  }
0x8f: {  	_ =	swait.ge [sflag:s17], $0x4000  }
0x90: {  	[sflag:s17] =	ssyncset.done $0x0  }
0x91: {  	[sflag:s17] =	ssyncadd.s32 $0xFFFFC000  }
0x92: {  	[spmem:s1] =	stream.indirect.scatter.add.f32 [tilespmem:s13], [sflag:$0x3], $0x80, s11, s11, $0xb8;
	[tilespmem:$0x10100] =	vst v63  }
0x93: {  	_ =	swait.ge [sflag:s7], $0x4000  }
0x94: {  	[sflag:s7] =	ssyncset.done $0x0  }
0x95: {  	[sflag:s7] =	ssyncadd.s32 $0xFFFFC000  }
0x96: {  	[tilespmem:s11], [sflag:$0x3] =	stream.linear.gather [hbm4b:s18+s2], $0x80, $0x38;
	[tilespmem:$0x10100] =	vst v63  }
0x97: {  	_ =	swait.ge [sflag:s7], $0x80  }
0x98: {  	[sflag:s7] =	ssyncset.done $0x0  }
0x99: {  	[sflag:s7] =	ssyncadd.s32 $0xFFFFFF80  }
0x9a: {  	[tilespmem:s13], [sflag:$0x2] =	stream.linear.gather [hbm4b:s19+s2], $0x4000, $0x38;
	[tilespmem:$0x10100] =	vst v63  }
0x9b: {  	_ =	swait.ge [sflag:s14], $0x4000  }
0x9c: {  	[sflag:s14] =	ssyncset.done $0x0  }
0x9d: {  	[sflag:s14] =	ssyncadd.s32 $0xFFFFC000  }
0x9e: {  	[spmem:s1] =	stream.indirect.scatter.add.f32 [tilespmem:s9], [sflag:$0x3], $0x80, s2, s11, $0xb8;
	[tilespmem:$0x10100] =	vst v63  }
0x9f: {  	_ =	swait.ge [sflag:s7], $0x4000  }
0xa0: {  	[sflag:s7] =	ssyncset.done $0x0  }
0xa1: {  	[sflag:s7] =	ssyncadd.s32 $0xFFFFC000  }
0xa2: {  	[tilespmem:s2], [sflag:$0x3] =	stream.linear.gather [hbm4b:s20+s2], $0x80, $0x38;
	[tilespmem:$0x10100] =	vst v63  }
0xa3: {  	_ =	swait.ge [sflag:s7], $0x80  }
0xa4: {  	[sflag:s7] =	ssyncset.done $0x0  }
0xa5: {  	[sflag:s7] =	ssyncadd.s32 $0xFFFFFF80  }
0xa6: {  	[tilespmem:s9], [sflag:$0x1] =	stream.linear.gather [hbm4b:s21+s2], $0x4000, $0x38;
	[tilespmem:$0x10100] =	vst v63  }
0xa7: {  	_ =	swait.ge [sflag:s17], $0x4000  }
0xa8: {  	[sflag:s17] =	ssyncset.done $0x0  }
0xa9: {  	[sflag:s17] =	ssyncadd.s32 $0xFFFFC000  }
0xaa: {  	[spmem:s1] =	stream.indirect.scatter.add.f32 [tilespmem:s13], [sflag:$0x3], $0x80, s11, s11, $0xb8;
	[tilespmem:$0x10100] =	vst v63  }
0xab: {  	_ =	swait.ge [sflag:s7], $0x4000  }
0xac: {  	[sflag:s7] =	ssyncset.done $0x0  }
0xad: {  	[sflag:s7] =	ssyncadd.s32 $0xFFFFC000  }
0xae: {  	[tilespmem:s11], [sflag:$0x3] =	stream.linear.gather [hbm4b:s22+s2], $0x80, $0x38;
	[tilespmem:$0x10100] =	vst v63  }
0xaf: {  	_ =	swait.ge [sflag:s7], $0x80  }
0xb0: {  	[sflag:s7] =	ssyncset.done $0x0  }
0xb1: {  	[sflag:s7] =	ssyncadd.s32 $0xFFFFFF80  }
0xb2: {  	[tilespmem:s13], [sflag:$0x2] =	stream.linear.gather [hbm4b:s23+s2], $0x4000, $0x38;
	[tilespmem:$0x10100] =	vst v63  }
0xb3: {  	_ =	swait.ge [sflag:s14], $0x4000  }
0xb4: {  	[sflag:s14] =	ssyncset.done $0x0  }
0xb5: {  	[sflag:s14] =	ssyncadd.s32 $0xFFFFC000  }
0xb6: {  	[spmem:s1] =	stream.indirect.scatter.add.f32 [tilespmem:s9], [sflag:$0x3], $0x80, s2, s11, $0xb8;
	[tilespmem:$0x10100] =	vst v63  }
0xb7: {  	_ =	swait.ge [sflag:s7], $0x4000  }
0xb8: {  	[sflag:s7] =	ssyncset.done $0x0  }
0xb9: {  	[sflag:s7] =	ssyncadd.s32 $0xFFFFC000  }
0xba: {  	[tilespmem:s2], [sflag:$0x3] =	stream.linear.gather [hbm4b:s24+s2], $0x80, $0x38;
	[tilespmem:$0x10100] =	vst v63  }
0xbb: {  	_ =	swait.ge [sflag:s7], $0x80  }
0xbc: {  	[sflag:s7] =	ssyncset.done $0x0  }
0xbd: {  	[sflag:s7] =	ssyncadd.s32 $0xFFFFFF80  }
0xbe: {  	[tilespmem:s9], [sflag:$0x1] =	stream.linear.gather [hbm4b:s25+s2], $0x4000, $0x38;
	[tilespmem:$0x10100] =	vst v63  }
0xbf: {  	_ =	swait.ge [sflag:s17], $0x4000  }
0xc0: {  	[sflag:s17] =	ssyncset.done $0x0  }
0xc1: {  	[sflag:s17] =	ssyncadd.s32 $0xFFFFC000  }
0xc2: {  	[spmem:s1] =	stream.indirect.scatter.add.f32 [tilespmem:s13], [sflag:$0x3], $0x80, s11, s11, $0xb8;
	[tilespmem:$0x10100] =	vst v63  }
0xc3: {  	_ =	swait.ge [sflag:s7], $0x4000  }
0xc4: {  	[sflag:s7] =	ssyncset.done $0x0  }
0xc5: {  	[sflag:s7] =	ssyncadd.s32 $0xFFFFC000  }
0xc6: {  	[tilespmem:s11], [sflag:$0x3] =	stream.linear.gather [hbm4b:s26+s2], $0x80, $0x38;
	[tilespmem:$0x10100] =	vst v63  }
0xc7: {  	_ =	swait.ge [sflag:s7], $0x80  }
0xc8: {  	[sflag:s7] =	ssyncset.done $0x0  }
0xc9: {  	[sflag:s7] =	ssyncadd.s32 $0xFFFFFF80  }
0xca: {  	[tilespmem:s13], [sflag:$0x2] =	stream.linear.gather [hbm4b:s28+s2], $0x4000, $0x38;
	[tilespmem:$0x10100] =	vst v63  }
0xcb: {  	_ =	swait.ge [sflag:s14], $0x4000  }
0xcc: {  	[sflag:s14] =	ssyncset.done $0x0  }
0xcd: {  	[sflag:s14] =	ssyncadd.s32 $0xFFFFC000  }
0xce: {  	[spmem:s1] =	stream.indirect.scatter.add.f32 [tilespmem:s9], [sflag:$0x3], $0x80, s2, s11, $0xb8;
	[tilespmem:$0x10100] =	vst v63  }
0xcf: {  	_ =	swait.ge [sflag:s7], $0x4000  }
0xd0: {  	[sflag:s7] =	ssyncset.done $0x0  }
0xd1: {  	[sflag:s7] =	ssyncadd.s32 $0xFFFFC000  }
0xd2: {  	_ =	swait.ge [sflag:s17], $0x4000  }
0xd3: {  	[sflag:s17] =	ssyncset.done $0x0  }
0xd4: {  	s30 =	sadd.s32 $0xFFFFFFFF, s30;
	[sflag:s17] =	ssyncadd.s32 $0xFFFFC000  }
0xd5: {  	[spmem:s1] =	stream.indirect.scatter.add.f32 [tilespmem:s13], [sflag:$0x3], $0x80, s11, s11, $0xb8;
	[tilespmem:$0x10100] =	vst v63  }
0xd6: {  	p1 =	sne.s32 s30, $0x0;
	_ =	swait.ge [sflag:s7], $0x4000  }
.Ltmp1:
0xd7: {  	[sflag:s7] =	ssyncset.done $0x0;
	(pc) =	sbr.rel @p1 .LBB2_2-.Ltmp1, $4  }
0xd8: {  	[sflag:s7] =	ssyncadd.s32 $0xFFFFC000  }
0xd9: {  	[bflag:$0x0] =	sbarrier.arrive $0xFFFF  }
0xda: {  	[hbm:s29], [sflag:s5] =	dma.local @!p0 [spmem:s4], $0x10000  }
0xdb: {  	_ =	swait.ge @!p0 [sflag:s31], $0x10000  }
.LBB2_3:
0xdc: {  	[sflag:s31] =	ssyncset.done @!p0 $0x0  }
0xdd: {  	[sflag:s31] =	ssyncadd.s32 @!p0 $0xFFFF0000  }
0xde: {  	_ =	sfence.sel $0x180000  }
0xdf: {  	[bflag:$0x0] =	sbarrier.arrive $0xFFFF  }
0xe0: {  	_ =	strace $0x9000004A  }
0xe1: {  	[bflag:$0x2] =	sbarrier.arrive $0xFFFF  }
0xe2: {  	s0 =	rddreg [dreg:$0x3]  }
0xe3: {  	s0 =	sadd.s32 @!p0 $0x100000, s0  }
0xe4: {  	[sflag:s0] =	ssyncadd.tile.s32 @!p0 $0x1;
	_ =	shalt  }
.LBB2_1:
.Ltmp2:
0xe5: {  	(pc) =	sbr.rel .LBB2_3-.Ltmp2, $2  }
0xe6: {  	_ =	sdelay $0x2  }
0xe7: {  	s31 =	simm.s32 @!p0 $0x3  }
.Lfunc_end2:
_tile_overlayer_lowered:
.L_overlay_start_2:
0xe8: {  	(tag) =	ssettag $0x2  }
0xe9: {  	s0 =	rddreg [dreg:$0x0];
	s2 =	stileid.u32  }
0xea: {  	s1 =	rddreg [dreg:$0x1];
	p0 =	sne.s32 s2, $0x0  }
0xeb: {  	s3 =	rddreg [dreg:$0x2];
	[bflag:$0x3] =	sbarrier.arrive $0xFFFF;
	s2 =	simm.s32 @!p0 $0x1C03  }
0xec: {  	[timem:s3], [sflag:s2] =	dma.local @!p0 [hbm:s0], s1  }
0xed: {  	s0 =	simm.s32 @!p0 $0x3  }
0xee: {  	_ =	swait.ge @!p0 [sflag:s0], s1  }
0xef: {  	s1 =	ssub.s32 @!p0 $0x0, s1;
	[sflag:s0] =	ssyncset.done @!p0 $0x0  }
0xf0: {  	[sflag:s0] =	ssyncadd.s32 @!p0 s1  }
0xf1: {  	[bflag:$0x3] =	sbarrier.arrive $0xFFFF  }
0xf2: {  	_ =	shalt  }

</sc_bundles>
